<compile_context>
chip_gen: v7x
topology: tpu7x:2x2x1
jax: 0.10.2.dev20260603
libtpu: 0.0.44.dev20260713+nightly
codegen_flags: <defaults>
</compile_context>

<pallas_src>
import functools

import jax
import jax.numpy as jnp
from jax import lax
from jax.experimental import pallas as pl
from jax.experimental.pallas import tpu as pltpu
from jax.experimental.pallas import tpu_sc as plsc

N, E, D, H, B, C = 10000, 320000, 128, 128, 16, 10
NP = 10240
NPAD = NP - N
EROWS = 2560
NWORK = 32
RPW = EROWS // NWORK
SPW = NP // 16
RB = 1024
GRID = NP // RB

_HI = jax.lax.Precision.HIGHEST



def _sc_degrees(src2, dst2, zcol, ones):
    mesh = plsc.VectorSubcoreMesh(core_axis_name="c", subcore_axis_name="s")

    @functools.partial(
        pl.kernel,
        out_type=[jax.ShapeDtypeStruct((2, NP), jnp.float32),
                  jax.ShapeDtypeStruct((2, NP), jnp.float32)],
        mesh=mesh,
        scratch_types=[
            pltpu.VMEM((RPW, 128), jnp.int32),
            pltpu.VMEM((RPW, 128), jnp.int32),
            pltpu.VMEM((1, 128), jnp.float32),
            pltpu.VMEM_SHARED((NP,), jnp.float32),
            pltpu.VMEM_SHARED((NP,), jnp.float32),
            pltpu.SemaphoreType.DMA,
        ],
    )
    def deg_kernel(src_h, dst_h, z_h, ones_h, os_h, od_h,
                   sidx, didx, onev, hs, hd, sem):
        cid = lax.axis_index("c")
        sid = lax.axis_index("s")
        wid = sid * 2 + cid
        pltpu.sync_copy(z_h, hs.at[pl.ds(sid * SPW, SPW)])
        pltpu.sync_copy(z_h, hd.at[pl.ds(sid * SPW, SPW)])
        pltpu.sync_copy(ones_h, onev)
        pltpu.sync_copy(src_h.at[pl.ds(wid * RPW, RPW)], sidx)
        pltpu.sync_copy(dst_h.at[pl.ds(wid * RPW, RPW)], didx)
        plsc.subcore_barrier()

        @pl.loop(0, RPW)
        def _(j):
            pltpu.async_copy(onev.at[0], hs.at[sidx.at[j]], sem, add=True)
            pltpu.async_copy(onev.at[0], hd.at[didx.at[j]], sem, add=True)

            @pl.when(j >= 8)
            def _():
                pltpu.make_async_copy(onev.at[0], hs.at[sidx.at[0]],
                                      sem).wait()
                pltpu.make_async_copy(onev.at[0], hd.at[didx.at[0]],
                                      sem).wait()

        @pl.loop(0, 8)
        def _(j):
            pltpu.make_async_copy(onev.at[0], hs.at[sidx.at[0]], sem).wait()
            pltpu.make_async_copy(onev.at[0], hd.at[didx.at[0]], sem).wait()

        plsc.subcore_barrier()
        pltpu.sync_copy(hs.at[pl.ds(sid * SPW, SPW)],
                        os_h.at[cid, pl.ds(sid * SPW, SPW)])
        pltpu.sync_copy(hd.at[pl.ds(sid * SPW, SPW)],
                        od_h.at[cid, pl.ds(sid * SPW, SPW)])

    return deg_kernel(src2, dst2, zcol, ones)


def _sc_aggregate(hh, src2, dst2, zrows):
    mesh = plsc.VectorSubcoreMesh(core_axis_name="c", subcore_axis_name="s")

    @functools.partial(
        pl.kernel,
        out_type=jax.ShapeDtypeStruct((2, NP, 128), jnp.float32),
        mesh=mesh,
        scratch_types=[
            pltpu.VMEM((RPW // 2, 128), jnp.int32),
            pltpu.VMEM((RPW // 2, 128), jnp.int32),
            pltpu.VMEM((2, 128, 128), jnp.float32),
            pltpu.VMEM_SHARED((NP, 128), jnp.float32),
            pltpu.SemaphoreType.DMA,
            pltpu.SemaphoreType.DMA,
        ],
    )
    def agg_kernel(hh_h, src_h, dst_h, z_h, out_h, sidx, didx, rows, acc,
                   gsem0, gsem1):
        cid = lax.axis_index("c")
        sid = lax.axis_index("s")
        wid = sid * 2 + cid
        hrpw = RPW // 2
        pltpu.sync_copy(z_h, rows.at[0])
        for zi in range(SPW // 128):
            pltpu.sync_copy(rows.at[0],
                            acc.at[pl.ds(sid * SPW + zi * 128, 128)])
        plsc.subcore_barrier()

        def gat(jrow, buf, sem):
            pltpu.async_copy(hh_h.at[sidx.at[jrow, pl.ds(0, 64)]],
                             rows.at[buf, pl.ds(0, 64)], sem)
            pltpu.async_copy(hh_h.at[sidx.at[jrow, pl.ds(64, 64)]],
                             rows.at[buf, pl.ds(64, 64)], sem)

        def wgat(jrow, buf, sem):
            pltpu.make_async_copy(hh_h.at[sidx.at[jrow, pl.ds(0, 64)]],
                                  rows.at[buf, pl.ds(0, 64)], sem).wait()
            pltpu.make_async_copy(hh_h.at[sidx.at[jrow, pl.ds(64, 64)]],
                                  rows.at[buf, pl.ds(64, 64)], sem).wait()

        for phase in range(2):
            base = wid * RPW + phase * hrpw
            pltpu.sync_copy(src_h.at[pl.ds(base, hrpw)], sidx)
            pltpu.sync_copy(dst_h.at[pl.ds(base, hrpw)], didx)
            gat(0, 0, gsem0)

            @pl.loop(0, hrpw, step=2)
            def _(j):
                wgat(j, 0, gsem0)
                gat(j + 1, 1, gsem1)
                pltpu.sync_copy(rows.at[0], acc.at[didx.at[j]], add=True)
                wgat(j + 1, 1, gsem1)

                @pl.when(j + 2 < hrpw)
                def _():
                    gat(j + 2, 0, gsem0)

                pltpu.sync_copy(rows.at[1], acc.at[didx.at[j + 1]], add=True)

        plsc.subcore_barrier()
        pltpu.sync_copy(acc.at[pl.ds(sid * SPW, SPW)],
                        out_h.at[cid, pl.ds(sid * SPW, SPW)])

    return agg_kernel(hh, src2, dst2, zrows)



def _colify(t):
    rows = lax.broadcasted_iota(jnp.int32, (RB, 128), 0)
    lanes = lax.broadcasted_iota(jnp.int32, (RB, 128), 1)
    a = jnp.zeros((RB, 128), jnp.float32)
    for s in range(8):
        a = jnp.where(rows // 128 == s,
                      jnp.broadcast_to(t[s:s + 1, :], (RB, 128)), a)
    return jnp.sum(jnp.where(rows % 128 == lanes, a, 0.0),
                   axis=1, keepdims=True)


def _inv_sqrt_deg(t):
    return jnp.where(t > 0, lax.rsqrt(jnp.maximum(t, 1.0)), 0.0)


def _ln(t, g, b):
    mu = jnp.mean(t, axis=-1, keepdims=True)
    var = jnp.mean((t - mu) ** 2, axis=-1, keepdims=True)
    return (t - mu) * lax.rsqrt(var + 1e-5) * g + b


def _mm(a, b):
    return lax.dot_general(a, b, (((1,), (0,)), ((), ())),
                           preferred_element_type=jnp.float32, precision=_HI)


def _l2n(t):
    n = jnp.sqrt(jnp.sum(t * t, axis=1, keepdims=True))
    return t / jnp.maximum(n, 1e-12)



def _scale_body(ds_ref, x_ref, o_ref):
    ns = _colify(_inv_sqrt_deg(ds_ref[0] + ds_ref[1]))
    o_ref[...] = x_ref[...] * ns


def _tc_scale(ds3, xp):
    return pl.pallas_call(
        _scale_body,
        grid=(GRID,),
        in_specs=[
            pl.BlockSpec((2, 8, 128), lambda i: (0, i, 0)),
            pl.BlockSpec((RB, 128), lambda i: (i, 0)),
        ],
        out_specs=pl.BlockSpec((RB, 128), lambda i: (i, 0)),
        out_shape=jax.ShapeDtypeStruct((NP, 128), jnp.float32),
    )(ds3, xp)


def _layer1_body(ds_ref, dd_ref, p_ref, w_ref, b_ref, g_ref, be_ref, hh_ref):
    ns = _colify(_inv_sqrt_deg(ds_ref[0] + ds_ref[1]))
    nd = _colify(_inv_sqrt_deg(dd_ref[0] + dd_ref[1]))
    agg = (p_ref[0] + p_ref[1]) * nd
    t = _mm(agg, w_ref[...]) + b_ref[...]
    h = jnp.maximum(_ln(t, g_ref[...], be_ref[...]), 0.0)
    hh_ref[...] = h * ns


def _tc_layer1(ds3, dd3, p, w, b, g, be):
    return pl.pallas_call(
        _layer1_body,
        grid=(GRID,),
        in_specs=[
            pl.BlockSpec((2, 8, 128), lambda i: (0, i, 0)),
            pl.BlockSpec((2, 8, 128), lambda i: (0, i, 0)),
            pl.BlockSpec((2, RB, 128), lambda i: (0, i, 0)),
            pl.BlockSpec((H, H), lambda i: (0, 0)),
            pl.BlockSpec((1, H), lambda i: (0, 0)),
            pl.BlockSpec((1, H), lambda i: (0, 0)),
            pl.BlockSpec((1, H), lambda i: (0, 0)),
        ],
        out_specs=pl.BlockSpec((RB, 128), lambda i: (i, 0)),
        out_shape=jax.ShapeDtypeStruct((NP, 128), jnp.float32),
    )(ds3, dd3, p, w, b, g, be)


def _l2ph_body(dd_ref, p_ref, w_ref, b_ref, g_ref, be_ref, gid_ref,
               phys_ref, wp_ref, wc1_ref, bc1_ref, g3_ref, be3_ref,
               wc2_ref, bc2_ref, g4_ref, be4_ref, wc3_ref, bc3_ref,
               o_ref, sum_ref, max_ref, cnt_ref):
    i = pl.program_id(0)

    @pl.when(i == 0)
    def _():
        sum_ref[...] = jnp.zeros_like(sum_ref)
        cnt_ref[...] = jnp.zeros_like(cnt_ref)
        max_ref[...] = jnp.full_like(max_ref, -jnp.inf)

    nd = _colify(_inv_sqrt_deg(dd_ref[0] + dd_ref[1]))
    agg = (p_ref[0] + p_ref[1]) * nd
    t = _mm(agg, w_ref[...]) + b_ref[...]
    h = jnp.maximum(_ln(t, g_ref[...], be_ref[...]), 0.0)

    gcol = _colify(gid_ref[...])
    lane16 = lax.broadcasted_iota(jnp.int32, (RB, B), 1).astype(jnp.float32)
    oh = (gcol == lane16).astype(jnp.float32)
    sum_ref[...] += lax.dot_general(oh, h, (((0,), (0,)), ((), ())),
                                    preferred_element_type=jnp.float32,
                                    precision=_HI)
    cnt_ref[...] += lax.dot_general(oh, jnp.ones_like(h),
                                    (((0,), (0,)), ((), ())),
                                    preferred_element_type=jnp.float32,
                                    precision=_HI)
    for gb in range(B):
        m = oh[:, gb:gb + 1] > 0.5
        row = jnp.max(jnp.where(m, h, -jnp.inf), axis=0, keepdims=True)
        max_ref[gb:gb + 1, :] = jnp.maximum(max_ref[gb:gb + 1, :], row)

    @pl.when(i == GRID - 1)
    def _():
        mean = sum_ref[...] / jnp.maximum(cnt_ref[...], 1.0)
        a = _l2n(mean)
        m2 = _l2n(max_ref[...])
        ph = jnp.maximum(_mm(phys_ref[...], wp_ref[...]), 0.0)
        u = (_mm(a, wc1_ref[0:H]) + _mm(m2, wc1_ref[H:2 * H])
             + _mm(ph, wc1_ref[2 * H:3 * H]) + bc1_ref[...])
        u = jnp.maximum(_ln(u, g3_ref[...], be3_ref[...]), 0.0)
        u = jnp.maximum(_ln(_mm(u, wc2_ref[...]) + bc2_ref[...],
                            g4_ref[...], be4_ref[...]), 0.0)
        o_ref[...] = _mm(u, wc3_ref[...]) + bc3_ref[...]


def _tc_l2ph(dd3, p, w, b, g, be, gid2, phys, wp, wc1, bc1, g3, be3,
             wc2, bc2, g4, be4, wc3, bc3):
    const = lambda shape: pl.BlockSpec(shape, lambda i: tuple(0 for _ in shape))
    return pl.pallas_call(
        _l2ph_body,
        grid=(GRID,),
        in_specs=[
            pl.BlockSpec((2, 8, 128), lambda i: (0, i, 0)),
            pl.BlockSpec((2, RB, 128), lambda i: (0, i, 0)),
            const((H, H)),
            const((1, H)),
            const((1, H)),
            const((1, H)),
            pl.BlockSpec((8, 128), lambda i: (i, 0)),
            const((B, 8)),
            const((8, H)),
            const((3 * H, H)),
            const((1, H)),
            const((1, H)),
            const((1, H)),
            const((H, H)),
            const((1, H)),
            const((1, H)),
            const((1, H)),
            const((H, C)),
            const((1, C)),
        ],
        out_specs=pl.BlockSpec((B, C), lambda i: (0, 0)),
        out_shape=jax.ShapeDtypeStruct((B, C), jnp.float32),
        scratch_shapes=[
            pltpu.VMEM((B, 128), jnp.float32),
            pltpu.VMEM((B, 128), jnp.float32),
            pltpu.VMEM((B, 128), jnp.float32),
        ],
    )(dd3, p, w, b, g, be, gid2, phys, wp, wc1, bc1, g3, be3,
      wc2, bc2, g4, be4, wc3, bc3)



def kernel(x, edge_index, graph_ids, phys, W1, b1, W2, b2, g1, be1, g2, be2,
           g3, be3, g4, be4, Wp, Wc1, bc1, Wc2, bc2, Wc3, bc3):
    f32 = jnp.float32
    src = edge_index[0]
    dst = edge_index[1]
    pad = (jnp.arange(EROWS * 128 - E, dtype=jnp.int32) % NPAD) + N
    src2 = jnp.concatenate([src, pad]).reshape(EROWS, 128)
    dst2 = jnp.concatenate([dst, pad]).reshape(EROWS, 128)
    xp = jnp.pad(x, ((0, NP - N), (0, 0)))
    gid2 = jnp.pad(graph_ids, (0, NP - N),
                   constant_values=B).astype(f32).reshape(NP // 128, 128)
    zcol = jnp.zeros((SPW,), f32)
    zrows = jnp.zeros((128, 128), f32)
    ones = jnp.ones((1, 128), f32)

    deg_s, deg_d = _sc_degrees(src2, dst2, zcol, ones)
    ds3 = deg_s.reshape(2, NP // 128, 128)
    dd3 = deg_d.reshape(2, NP // 128, 128)

    hh1 = _tc_scale(ds3, xp)
    p1 = _sc_aggregate(hh1, src2, dst2, zrows)
    hh2 = _tc_layer1(ds3, dd3, p1, W1, b1.reshape(1, H),
                     g1.reshape(1, H), be1.reshape(1, H))
    p2 = _sc_aggregate(hh2, src2, dst2, zrows)
    return _tc_l2ph(dd3, p2, W2, b2.reshape(1, H), g2.reshape(1, H),
                    be2.reshape(1, H), gid2, phys, Wp, Wc1,
                    bc1.reshape(1, H), g3.reshape(1, H), be3.reshape(1, H),
                    Wc2, bc2.reshape(1, H), g4.reshape(1, H),
                    be4.reshape(1, H), Wc3, bc3.reshape(1, C))

# --- scband reference (transcript-rebuilt; emitter-appended) ---
"""Pipeline reference for scband-cmcmodel-67989332295845 (READ-ONLY COPY).

The authoritative reference and input builder live on the scoring server;
editing this copy changes nothing except your own understanding.
"""

import jax, jax.numpy as jnp
import numpy as np

N, E, D, H, B, C = 10000, 320000, 128, 128, 16, 10


def setup_inputs(seed: int = 0):
    key = jax.random.key(seed)
    ks = jax.random.split(key, 12)
    s = lambda k, shape, fan: jax.random.normal(k, shape, dtype=jnp.float32) * (1.0 / np.sqrt(fan))
    inp = {}
    inp['x'] = jax.random.normal(ks[0], (N, D), dtype=jnp.float32)
    inp['edge_index'] = jax.random.randint(ks[1], (2, E), 0, N, dtype=jnp.int32)
    inp['graph_ids'] = jnp.sort(jax.random.randint(ks[2], (N,), 0, B, dtype=jnp.int32))
    inp['phys'] = jax.random.normal(ks[3], (B, 8), dtype=jnp.float32)
    inp['W1'] = s(ks[4], (D, H), D); inp['b1'] = jnp.zeros((H,), jnp.float32)
    inp['W2'] = s(ks[5], (H, H), H); inp['b2'] = jnp.zeros((H,), jnp.float32)
    inp['g1'] = jnp.ones((H,), jnp.float32); inp['be1'] = jnp.zeros((H,), jnp.float32)
    inp['g2'] = jnp.ones((H,), jnp.float32); inp['be2'] = jnp.zeros((H,), jnp.float32)
    inp['g3'] = jnp.ones((H,), jnp.float32); inp['be3'] = jnp.zeros((H,), jnp.float32)
    inp['g4'] = jnp.ones((H,), jnp.float32); inp['be4'] = jnp.zeros((H,), jnp.float32)
    inp['Wp'] = s(ks[6], (8, H), 8)
    inp['Wc1'] = s(ks[7], (3 * H, H), 3 * H); inp['bc1'] = jnp.zeros((H,), jnp.float32)
    inp['Wc2'] = s(ks[8], (H, H), H); inp['bc2'] = jnp.zeros((H,), jnp.float32)
    inp['Wc3'] = s(ks[9], (H, C), H); inp['bc3'] = jnp.zeros((C,), jnp.float32)
    return inp


def _ln(x, g, b):
    mu = jnp.mean(x, axis=-1, keepdims=True)
    var = jnp.mean((x - mu) ** 2, axis=-1, keepdims=True)
    return (x - mu) / jnp.sqrt(var + 1e-5) * g + b


def _gconv(h, src, dst, W, b):
    ones = jnp.ones((src.shape[0],), jnp.float32)
    out_deg = jax.ops.segment_sum(ones, src, num_segments=N)
    in_deg = jax.ops.segment_sum(ones, dst, num_segments=N)
    ns = jnp.where(out_deg > 0, 1.0 / jnp.sqrt(jnp.maximum(out_deg, 1.0)), 0.0)
    nd = jnp.where(in_deg > 0, 1.0 / jnp.sqrt(jnp.maximum(in_deg, 1.0)), 0.0)
    hh = h * ns[:, None]
    agg = jax.ops.segment_sum(hh[src], dst, num_segments=N)
    agg = agg * nd[:, None]
    return agg @ W + b


def _l2(x):
    n = jnp.sqrt(jnp.sum(x * x, axis=1, keepdims=True))
    return x / jnp.maximum(n, 1e-12)


def reference(x, edge_index, graph_ids, phys, W1, b1, W2, b2, g1, be1, g2, be2, g3, be3, g4, be4, Wp, Wc1, bc1, Wc2, bc2, Wc3, bc3):
    src = edge_index[0]
    dst = edge_index[1]
    ph = jax.nn.relu(phys @ Wp)
    h1 = jax.nn.relu(_ln(_gconv(x, src, dst, W1, b1), g1, be1))
    h1 = jax.nn.relu(_ln(_gconv(h1, src, dst, W2, b2), g2, be2))
    cnt = jax.ops.segment_sum(jnp.ones((N,), jnp.float32), graph_ids, num_segments=B)
    hg_mean = jax.ops.segment_sum(h1, graph_ids, num_segments=B) / jnp.maximum(cnt, 1.0)[:, None]
    hg_max = jax.ops.segment_max(h1, graph_ids, num_segments=B)
    hg = jnp.concatenate([_l2(hg_mean), _l2(hg_max), ph], axis=1)
    out = jax.nn.relu(_ln(hg @ Wc1 + bc1, g3, be3))
    out = jax.nn.relu(_ln(out @ Wc2 + bc2, g4, be4))
    return out @ Wc3 + bc3

if __name__ == "__main__":
    import jax
    _d = setup_inputs()
    print(jax.jit(kernel)(*tuple(_d.values())))

</pallas_src>

<mosaic_0001>
#map = affine_map<(d0, d1) -> (0, 0)>
#map1 = affine_map<(d0, d1) -> (0)>
module attributes {stable_mosaic.version = 14 : i64} {
  func.func @deg_kernel(%arg0: i32, %arg1: i32, %arg2: memref<2560x128xi32, #tpu.memory_space<hbm>>, %arg3: memref<2560x128xi32, #tpu.memory_space<hbm>>, %arg4: memref<640xf32, #tpu.memory_space<hbm>>, %arg5: memref<1x128xf32, #tpu.memory_space<hbm>>, %arg6: memref<2x10240xf32, #tpu.memory_space<hbm>>, %arg7: memref<2x10240xf32, #tpu.memory_space<hbm>>, %arg8: memref<80x128xi32, #tpu.memory_space<vmem>>, %arg9: memref<80x128xi32, #tpu.memory_space<vmem>>, %arg10: memref<1x128xf32, #tpu.memory_space<vmem>>, %arg11: memref<10240xf32, #tpu.memory_space<vmem_shared>>, %arg12: memref<10240xf32, #tpu.memory_space<vmem_shared>>, %arg13: memref<!tpu.dma_semaphore, #tpu.memory_space<semaphore_mem>>) attributes {dimension_semantics = [#tpu.dimension_semantics<core_parallel>, #tpu.dimension_semantics<subcore_parallel>], iteration_bounds = array<i64: 2, 16>, scalar_prefetch = 0 : i64, scratch_operands = 6 : i64, tpu.core_type = #tpu.core_type<sc_vector_subcore>, window_params = [{transform_indices = #map}, {transform_indices = #map}, {transform_indices = #map1}, {transform_indices = #map}, {transform_indices = #map}, {transform_indices = #map}]} {
    %mul3A = arith.constant 2 : i32
    %mul3A_0 = arith.muli %arg1, %mul3A : i32
    %add3A = arith.addi %mul3A_0, %arg0 : i32
    %mul3A_1 = arith.constant 640 : i32
    %mul3A_2 = arith.muli %arg1, %mul3A_1 : i32
    "tpu.region"() ({
      %run_scoped3A = tpu.sem_alloc : memref<!tpu.dma_semaphore, #tpu.memory_space<semaphore_mem>>
      %dma_start3A = tpu.memref_slice %arg11[%mul3A_2] : memref<10240xf32, #tpu.memory_space<vmem_shared>> -> memref<640xf32, #tpu.memory_space<vmem_shared>>
      tpu.enqueue_dma source(%arg4 : memref<640xf32, #tpu.memory_space<hbm>>) target(%dma_start3A : memref<640xf32, #tpu.memory_space<vmem_shared>>) target_semaphore(%run_scoped3A : memref<!tpu.dma_semaphore, #tpu.memory_space<semaphore_mem>>)
      %dma_wait3A = tpu.memref_slice %arg11[%mul3A_2] : memref<10240xf32, #tpu.memory_space<vmem_shared>> -> memref<640xf32, #tpu.memory_space<vmem_shared>>
      tpu.wait_dma2 semaphore(%run_scoped3A : memref<!tpu.dma_semaphore, #tpu.memory_space<semaphore_mem>>) src(%arg4 : memref<640xf32, #tpu.memory_space<hbm>>) dst(%dma_wait3A : memref<640xf32, #tpu.memory_space<vmem_shared>>)
      tpu.yield
    }) : () -> ()
    %mul3A_3 = arith.constant 640 : i32
    %mul3A_4 = arith.muli %arg1, %mul3A_3 : i32
    "tpu.region"() ({
      %run_scoped3A = tpu.sem_alloc : memref<!tpu.dma_semaphore, #tpu.memory_space<semaphore_mem>>
      %dma_start3A = tpu.memref_slice %arg12[%mul3A_4] : memref<10240xf32, #tpu.memory_space<vmem_shared>> -> memref<640xf32, #tpu.memory_space<vmem_shared>>
      tpu.enqueue_dma source(%arg4 : memref<640xf32, #tpu.memory_space<hbm>>) target(%dma_start3A : memref<640xf32, #tpu.memory_space<vmem_shared>>) target_semaphore(%run_scoped3A : memref<!tpu.dma_semaphore, #tpu.memory_space<semaphore_mem>>)
      %dma_wait3A = tpu.memref_slice %arg12[%mul3A_4] : memref<10240xf32, #tpu.memory_space<vmem_shared>> -> memref<640xf32, #tpu.memory_space<vmem_shared>>
      tpu.wait_dma2 semaphore(%run_scoped3A : memref<!tpu.dma_semaphore, #tpu.memory_space<semaphore_mem>>) src(%arg4 : memref<640xf32, #tpu.memory_space<hbm>>) dst(%dma_wait3A : memref<640xf32, #tpu.memory_space<vmem_shared>>)
      tpu.yield
    }) : () -> ()
    "tpu.region"() ({
      %run_scoped3A = tpu.sem_alloc : memref<!tpu.dma_semaphore, #tpu.memory_space<semaphore_mem>>
      tpu.enqueue_dma source(%arg5 : memref<1x128xf32, #tpu.memory_space<hbm>>) target(%arg10 : memref<1x128xf32, #tpu.memory_space<vmem>>) target_semaphore(%run_scoped3A : memref<!tpu.dma_semaphore, #tpu.memory_space<semaphore_mem>>)
      tpu.wait_dma2 semaphore(%run_scoped3A : memref<!tpu.dma_semaphore, #tpu.memory_space<semaphore_mem>>) src(%arg5 : memref<1x128xf32, #tpu.memory_space<hbm>>) dst(%arg10 : memref<1x128xf32, #tpu.memory_space<vmem>>)
      tpu.yield
    }) : () -> ()
    %mul3A_5 = arith.constant 80 : i32
    %mul3A_6 = arith.muli %add3A, %mul3A_5 : i32
    "tpu.region"() ({
      %run_scoped3A = tpu.sem_alloc : memref<!tpu.dma_semaphore, #tpu.memory_space<semaphore_mem>>
      %dma_start3A = arith.constant 0 : i32
      %dma_start3A_27 = tpu.memref_slice %arg2[%mul3A_6, %dma_start3A] : memref<2560x128xi32, #tpu.memory_space<hbm>> -> memref<80x128xi32, #tpu.memory_space<hbm>>
      %dma_start3A_28 = arith.constant 0 : i32
      %dma_start3A_29 = tpu.memref_slice %arg2[%mul3A_6, %dma_start3A_28] : memref<2560x128xi32, #tpu.memory_space<hbm>> -> memref<80x128xi32, #tpu.memory_space<hbm>>
      tpu.enqueue_dma source(%dma_start3A_29 : memref<80x128xi32, #tpu.memory_space<hbm>>) target(%arg8 : memref<80x128xi32, #tpu.memory_space<vmem>>) target_semaphore(%run_scoped3A : memref<!tpu.dma_semaphore, #tpu.memory_space<semaphore_mem>>)
      %dma_wait3A = arith.constant 0 : i32
      %dma_wait3A_30 = tpu.memref_slice %arg2[%mul3A_6, %dma_wait3A] : memref<2560x128xi32, #tpu.memory_space<hbm>> -> memref<80x128xi32, #tpu.memory_space<hbm>>
      %dma_wait3A_31 = arith.constant 0 : i32
      %dma_wait3A_32 = tpu.memref_slice %arg2[%mul3A_6, %dma_wait3A_31] : memref<2560x128xi32, #tpu.memory_space<hbm>> -> memref<80x128xi32, #tpu.memory_space<hbm>>
      tpu.wait_dma2 semaphore(%run_scoped3A : memref<!tpu.dma_semaphore, #tpu.memory_space<semaphore_mem>>) src(%dma_wait3A_32 : memref<80x128xi32, #tpu.memory_space<hbm>>) dst(%arg8 : memref<80x128xi32, #tpu.memory_space<vmem>>)
      tpu.yield
    }) : () -> ()
    %mul3A_7 = arith.constant 80 : i32
    %mul3A_8 = arith.muli %add3A, %mul3A_7 : i32
    "tpu.region"() ({
      %run_scoped3A = tpu.sem_alloc : memref<!tpu.dma_semaphore, #tpu.memory_space<semaphore_mem>>
      %dma_start3A = arith.constant 0 : i32
      %dma_start3A_27 = tpu.memref_slice %arg3[%mul3A_8, %dma_start3A] : memref<2560x128xi32, #tpu.memory_space<hbm>> -> memref<80x128xi32, #tpu.memory_space<hbm>>
      %dma_start3A_28 = arith.constant 0 : i32
      %dma_start3A_29 = tpu.memref_slice %arg3[%mul3A_8, %dma_start3A_28] : memref<2560x128xi32, #tpu.memory_space<hbm>> -> memref<80x128xi32, #tpu.memory_space<hbm>>
      tpu.enqueue_dma source(%dma_start3A_29 : memref<80x128xi32, #tpu.memory_space<hbm>>) target(%arg9 : memref<80x128xi32, #tpu.memory_space<vmem>>) target_semaphore(%run_scoped3A : memref<!tpu.dma_semaphore, #tpu.memory_space<semaphore_mem>>)
      %dma_wait3A = arith.constant 0 : i32
      %dma_wait3A_30 = tpu.memref_slice %arg3[%mul3A_8, %dma_wait3A] : memref<2560x128xi32, #tpu.memory_space<hbm>> -> memref<80x128xi32, #tpu.memory_space<hbm>>
      %dma_wait3A_31 = arith.constant 0 : i32
      %dma_wait3A_32 = tpu.memref_slice %arg3[%mul3A_8, %dma_wait3A_31] : memref<2560x128xi32, #tpu.memory_space<hbm>> -> memref<80x128xi32, #tpu.memory_space<hbm>>
      tpu.wait_dma2 semaphore(%run_scoped3A : memref<!tpu.dma_semaphore, #tpu.memory_space<semaphore_mem>>) src(%dma_wait3A_32 : memref<80x128xi32, #tpu.memory_space<hbm>>) dst(%arg9 : memref<80x128xi32, #tpu.memory_space<vmem>>)
      tpu.yield
    }) : () -> ()
    %barrier3A = arith.constant 0 : index
    tpu.barrier barrier_id(%barrier3A)
    %scan3A = arith.constant 0 : i32
    %scan3A_9 = arith.constant 80 : i32
    %scan3A_10 = arith.addi %scan3A, %scan3A_9 : i32
    %scan3A_11 = arith.constant 1 : i32
    scf.for %scan3A_27 = %scan3A to %scan3A_10 step %scan3A_11  : i32 {
      %mul3A_28 = arith.constant 1 : i32
      %mul3A_29 = arith.muli %scan3A_27, %mul3A_28 : i32
      %add3A_30 = arith.constant 0 : i32
      %add3A_31 = arith.addi %add3A_30, %mul3A_29 : i32
      %dma_start3A = arith.constant 0 : i32
      %dma_start3A_32 = arith.constant 0 : i32
      %dma_start3A_33 = tpu.memref_slice %arg10[%dma_start3A, %dma_start3A_32] : memref<1x128xf32, #tpu.memory_space<vmem>> -> memref<1x128xf32, #tpu.memory_space<vmem>>
      %dma_start3A_34 = tpu.memref_squeeze %dma_start3A_33 : memref<1x128xf32, #tpu.memory_space<vmem>> -> memref<128xf32, #tpu.memory_space<vmem>>
      %dma_start3A_35 = arith.constant 0 : i32
      %dma_start3A_36 = tpu.memref_slice %arg8[%add3A_31, %dma_start3A_35] : memref<80x128xi32, #tpu.memory_space<vmem>> -> memref<1x128xi32, #tpu.memory_space<vmem>>
      %dma_start3A_37 = tpu.memref_squeeze %dma_start3A_36 : memref<1x128xi32, #tpu.memory_space<vmem>> -> memref<128xi32, #tpu.memory_space<vmem>>
      %dma_start3A_38 = arith.constant 0 : i32
      %dma_start3A_39 = tpu.memref_slice %arg11[%dma_start3A_38] : memref<10240xf32, #tpu.memory_space<vmem_shared>> -> memref<10240xf32, #tpu.memory_space<vmem_shared>>
      tpu.enqueue_indirect_dma source(%dma_start3A_34 : memref<128xf32, #tpu.memory_space<vmem>>) target(%dma_start3A_39 : memref<10240xf32, #tpu.memory_space<vmem_shared>>) offsets(%dma_start3A_37 : memref<128xi32, #tpu.memory_space<vmem>>) semaphore(%arg13 : memref<!tpu.dma_semaphore, #tpu.memory_space<semaphore_mem>>) {add = true}
      %dma_start3A_40 = arith.constant 0 : i32
      %dma_start3A_41 = arith.constant 0 : i32
      %dma_start3A_42 = tpu.memref_slice %arg10[%dma_start3A_40, %dma_start3A_41] : memref<1x128xf32, #tpu.memory_space<vmem>> -> memref<1x128xf32, #tpu.memory_space<vmem>>
      %dma_start3A_43 = tpu.memref_squeeze %dma_start3A_42 : memref<1x128xf32, #tpu.memory_space<vmem>> -> memref<128xf32, #tpu.memory_space<vmem>>
      %dma_start3A_44 = arith.constant 0 : i32
      %dma_start3A_45 = tpu.memref_slice %arg9[%add3A_31, %dma_start3A_44] : memref<80x128xi32, #tpu.memory_space<vmem>> -> memref<1x128xi32, #tpu.memory_space<vmem>>
      %dma_start3A_46 = tpu.memref_squeeze %dma_start3A_45 : memref<1x128xi32, #tpu.memory_space<vmem>> -> memref<128xi32, #tpu.memory_space<vmem>>
      %dma_start3A_47 = arith.constant 0 : i32
      %dma_start3A_48 = tpu.memref_slice %arg12[%dma_start3A_47] : memref<10240xf32, #tpu.memory_space<vmem_shared>> -> memref<10240xf32, #tpu.memory_space<vmem_shared>>
      tpu.enqueue_indirect_dma source(%dma_start3A_43 : memref<128xf32, #tpu.memory_space<vmem>>) target(%dma_start3A_48 : memref<10240xf32, #tpu.memory_space<vmem_shared>>) offsets(%dma_start3A_46 : memref<128xi32, #tpu.memory_space<vmem>>) semaphore(%arg13 : memref<!tpu.dma_semaphore, #tpu.memory_space<semaphore_mem>>) {add = true}
      %ge3A = arith.constant 8 : i32
      %ge3A_49 = arith.cmpi sge, %add3A_31, %ge3A : i32
      %convert_element_type3A = arith.extui %ge3A_49 : i1 to i32
      %cond3A = arith.constant 0 : i32
      %cond3A_50 = arith.cmpi ne, %convert_element_type3A, %cond3A : i32
      scf.if %cond3A_50 {
        %dma_wait3A = arith.constant 0 : i32
        %dma_wait3A_51 = arith.constant 0 : i32
        %dma_wait3A_52 = arith.constant 0 : i32
        %dma_wait3A_53 = tpu.memref_slice %arg10[%dma_wait3A, %dma_wait3A_52] : memref<1x128xf32, #tpu.memory_space<vmem>> -> memref<1x128xf32, #tpu.memory_space<vmem>>
        %dma_wait3A_54 = tpu.memref_squeeze %dma_wait3A_53 : memref<1x128xf32, #tpu.memory_space<vmem>> -> memref<128xf32, #tpu.memory_space<vmem>>
        %dma_wait3A_55 = arith.constant 0 : i32
        %dma_wait3A_56 = tpu.memref_slice %arg8[%dma_wait3A_51, %dma_wait3A_55] : memref<80x128xi32, #tpu.memory_space<vmem>> -> memref<1x128xi32, #tpu.memory_space<vmem>>
        %dma_wait3A_57 = tpu.memref_squeeze %dma_wait3A_56 : memref<1x128xi32, #tpu.memory_space<vmem>> -> memref<128xi32, #tpu.memory_space<vmem>>
        %dma_wait3A_58 = arith.constant 0 : i32
        %dma_wait3A_59 = tpu.memref_slice %arg11[%dma_wait3A_58] : memref<10240xf32, #tpu.memory_space<vmem_shared>> -> memref<10240xf32, #tpu.memory_space<vmem_shared>>
        tpu.wait_indirect_dma semaphore(%arg13 : memref<!tpu.dma_semaphore, #tpu.memory_space<semaphore_mem>>) src(%dma_wait3A_54 : memref<128xf32, #tpu.memory_space<vmem>>) dst(%dma_wait3A_59 : memref<10240xf32, #tpu.memory_space<vmem_shared>>)
        %dma_wait3A_60 = arith.constant 0 : i32
        %dma_wait3A_61 = arith.constant 0 : i32
        %dma_wait3A_62 = arith.constant 0 : i32
        %dma_wait3A_63 = tpu.memref_slice %arg10[%dma_wait3A_60, %dma_wait3A_62] : memref<1x128xf32, #tpu.memory_space<vmem>> -> memref<1x128xf32, #tpu.memory_space<vmem>>
        %dma_wait3A_64 = tpu.memref_squeeze %dma_wait3A_63 : memref<1x128xf32, #tpu.memory_space<vmem>> -> memref<128xf32, #tpu.memory_space<vmem>>
        %dma_wait3A_65 = arith.constant 0 : i32
        %dma_wait3A_66 = tpu.memref_slice %arg9[%dma_wait3A_61, %dma_wait3A_65] : memref<80x128xi32, #tpu.memory_space<vmem>> -> memref<1x128xi32, #tpu.memory_space<vmem>>
        %dma_wait3A_67 = tpu.memref_squeeze %dma_wait3A_66 : memref<1x128xi32, #tpu.memory_space<vmem>> -> memref<128xi32, #tpu.memory_space<vmem>>
        %dma_wait3A_68 = arith.constant 0 : i32
        %dma_wait3A_69 = tpu.memref_slice %arg12[%dma_wait3A_68] : memref<10240xf32, #tpu.memory_space<vmem_shared>> -> memref<10240xf32, #tpu.memory_space<vmem_shared>>
        tpu.wait_indirect_dma semaphore(%arg13 : memref<!tpu.dma_semaphore, #tpu.memory_space<semaphore_mem>>) src(%dma_wait3A_64 : memref<128xf32, #tpu.memory_space<vmem>>) dst(%dma_wait3A_69 : memref<10240xf32, #tpu.memory_space<vmem_shared>>)
      } else {
      }
    }
    %scan3A_12 = arith.constant 80 : i32
    %scan3A_13 = arith.constant 0 : i32
    %scan3A_14 = arith.constant 8 : i32
    %scan3A_15 = arith.addi %scan3A_13, %scan3A_14 : i32
    %scan3A_16 = arith.constant 1 : i32
    scf.for %scan3A_27 = %scan3A_13 to %scan3A_15 step %scan3A_16  : i32 {
      %mul3A_28 = arith.constant 1 : i32
      %mul3A_29 = arith.muli %scan3A_27, %mul3A_28 : i32
      %add3A_30 = arith.constant 0 : i32
      %add3A_31 = arith.addi %add3A_30, %mul3A_29 : i32
      %dma_wait3A = arith.constant 0 : i32
      %dma_wait3A_32 = arith.constant 0 : i32
      %dma_wait3A_33 = arith.constant 0 : i32
      %dma_wait3A_34 = tpu.memref_slice %arg10[%dma_wait3A, %dma_wait3A_33] : memref<1x128xf32, #tpu.memory_space<vmem>> -> memref<1x128xf32, #tpu.memory_space<vmem>>
      %dma_wait3A_35 = tpu.memref_squeeze %dma_wait3A_34 : memref<1x128xf32, #tpu.memory_space<vmem>> -> memref<128xf32, #tpu.memory_space<vmem>>
      %dma_wait3A_36 = arith.constant 0 : i32
      %dma_wait3A_37 = tpu.memref_slice %arg8[%dma_wait3A_32, %dma_wait3A_36] : memref<80x128xi32, #tpu.memory_space<vmem>> -> memref<1x128xi32, #tpu.memory_space<vmem>>
      %dma_wait3A_38 = tpu.memref_squeeze %dma_wait3A_37 : memref<1x128xi32, #tpu.memory_space<vmem>> -> memref<128xi32, #tpu.memory_space<vmem>>
      %dma_wait3A_39 = arith.constant 0 : i32
      %dma_wait3A_40 = tpu.memref_slice %arg11[%dma_wait3A_39] : memref<10240xf32, #tpu.memory_space<vmem_shared>> -> memref<10240xf32, #tpu.memory_space<vmem_shared>>
      tpu.wait_indirect_dma semaphore(%arg13 : memref<!tpu.dma_semaphore, #tpu.memory_space<semaphore_mem>>) src(%dma_wait3A_35 : memref<128xf32, #tpu.memory_space<vmem>>) dst(%dma_wait3A_40 : memref<10240xf32, #tpu.memory_space<vmem_shared>>)
      %dma_wait3A_41 = arith.constant 0 : i32
      %dma_wait3A_42 = arith.constant 0 : i32
      %dma_wait3A_43 = arith.constant 0 : i32
      %dma_wait3A_44 = tpu.memref_slice %arg10[%dma_wait3A_41, %dma_wait3A_43] : memref<1x128xf32, #tpu.memory_space<vmem>> -> memref<1x128xf32, #tpu.memory_space<vmem>>
      %dma_wait3A_45 = tpu.memref_squeeze %dma_wait3A_44 : memref<1x128xf32, #tpu.memory_space<vmem>> -> memref<128xf32, #tpu.memory_space<vmem>>
      %dma_wait3A_46 = arith.constant 0 : i32
      %dma_wait3A_47 = tpu.memref_slice %arg9[%dma_wait3A_42, %dma_wait3A_46] : memref<80x128xi32, #tpu.memory_space<vmem>> -> memref<1x128xi32, #tpu.memory_space<vmem>>
      %dma_wait3A_48 = tpu.memref_squeeze %dma_wait3A_47 : memref<1x128xi32, #tpu.memory_space<vmem>> -> memref<128xi32, #tpu.memory_space<vmem>>
      %dma_wait3A_49 = arith.constant 0 : i32
      %dma_wait3A_50 = tpu.memref_slice %arg12[%dma_wait3A_49] : memref<10240xf32, #tpu.memory_space<vmem_shared>> -> memref<10240xf32, #tpu.memory_space<vmem_shared>>
      tpu.wait_indirect_dma semaphore(%arg13 : memref<!tpu.dma_semaphore, #tpu.memory_space<semaphore_mem>>) src(%dma_wait3A_45 : memref<128xf32, #tpu.memory_space<vmem>>) dst(%dma_wait3A_50 : memref<10240xf32, #tpu.memory_space<vmem_shared>>)
    }
    %scan3A_17 = arith.constant 8 : i32
    %barrier3A_18 = arith.constant 0 : index
    tpu.barrier barrier_id(%barrier3A_18)
    %mul3A_19 = arith.constant 640 : i32
    %mul3A_20 = arith.muli %arg1, %mul3A_19 : i32
    %mul3A_21 = arith.constant 640 : i32
    %mul3A_22 = arith.muli %arg1, %mul3A_21 : i32
    "tpu.region"() ({
      %run_scoped3A = tpu.sem_alloc : memref<!tpu.dma_semaphore, #tpu.memory_space<semaphore_mem>>
      %dma_start3A = tpu.memref_slice %arg6[%arg0, %mul3A_22] : memref<2x10240xf32, #tpu.memory_space<hbm>> -> memref<1x640xf32, #tpu.memory_space<hbm>>
      %dma_start3A_27 = tpu.memref_squeeze %dma_start3A : memref<1x640xf32, #tpu.memory_space<hbm>> -> memref<640xf32, #tpu.memory_space<hbm>>
      %dma_start3A_28 = tpu.memref_slice %arg11[%mul3A_20] : memref<10240xf32, #tpu.memory_space<vmem_shared>> -> memref<640xf32, #tpu.memory_space<vmem_shared>>
      tpu.enqueue_dma source(%dma_start3A_28 : memref<640xf32, #tpu.memory_space<vmem_shared>>) target(%dma_start3A_27 : memref<640xf32, #tpu.memory_space<hbm>>) target_semaphore(%run_scoped3A : memref<!tpu.dma_semaphore, #tpu.memory_space<semaphore_mem>>)
      %dma_wait3A = tpu.memref_slice %arg6[%arg0, %mul3A_22] : memref<2x10240xf32, #tpu.memory_space<hbm>> -> memref<1x640xf32, #tpu.memory_space<hbm>>
      %dma_wait3A_29 = tpu.memref_squeeze %dma_wait3A : memref<1x640xf32, #tpu.memory_space<hbm>> -> memref<640xf32, #tpu.memory_space<hbm>>
      %dma_wait3A_30 = tpu.memref_slice %arg11[%mul3A_20] : memref<10240xf32, #tpu.memory_space<vmem_shared>> -> memref<640xf32, #tpu.memory_space<vmem_shared>>
      tpu.wait_dma2 semaphore(%run_scoped3A : memref<!tpu.dma_semaphore, #tpu.memory_space<semaphore_mem>>) src(%dma_wait3A_30 : memref<640xf32, #tpu.memory_space<vmem_shared>>) dst(%dma_wait3A_29 : memref<640xf32, #tpu.memory_space<hbm>>)
      tpu.yield
    }) : () -> ()
    %mul3A_23 = arith.constant 640 : i32
    %mul3A_24 = arith.muli %arg1, %mul3A_23 : i32
    %mul3A_25 = arith.constant 640 : i32
    %mul3A_26 = arith.muli %arg1, %mul3A_25 : i32
    "tpu.region"() ({
      %run_scoped3A = tpu.sem_alloc : memref<!tpu.dma_semaphore, #tpu.memory_space<semaphore_mem>>
      %dma_start3A = tpu.memref_slice %arg7[%arg0, %mul3A_26] : memref<2x10240xf32, #tpu.memory_space<hbm>> -> memref<1x640xf32, #tpu.memory_space<hbm>>
      %dma_start3A_27 = tpu.memref_squeeze %dma_start3A : memref<1x640xf32, #tpu.memory_space<hbm>> -> memref<640xf32, #tpu.memory_space<hbm>>
      %dma_start3A_28 = tpu.memref_slice %arg12[%mul3A_24] : memref<10240xf32, #tpu.memory_space<vmem_shared>> -> memref<640xf32, #tpu.memory_space<vmem_shared>>
      tpu.enqueue_dma source(%dma_start3A_28 : memref<640xf32, #tpu.memory_space<vmem_shared>>) target(%dma_start3A_27 : memref<640xf32, #tpu.memory_space<hbm>>) target_semaphore(%run_scoped3A : memref<!tpu.dma_semaphore, #tpu.memory_space<semaphore_mem>>)
      %dma_wait3A = tpu.memref_slice %arg7[%arg0, %mul3A_26] : memref<2x10240xf32, #tpu.memory_space<hbm>> -> memref<1x640xf32, #tpu.memory_space<hbm>>
      %dma_wait3A_29 = tpu.memref_squeeze %dma_wait3A : memref<1x640xf32, #tpu.memory_space<hbm>> -> memref<640xf32, #tpu.memory_space<hbm>>
      %dma_wait3A_30 = tpu.memref_slice %arg12[%mul3A_24] : memref<10240xf32, #tpu.memory_space<vmem_shared>> -> memref<640xf32, #tpu.memory_space<vmem_shared>>
      tpu.wait_dma2 semaphore(%run_scoped3A : memref<!tpu.dma_semaphore, #tpu.memory_space<semaphore_mem>>) src(%dma_wait3A_30 : memref<640xf32, #tpu.memory_space<vmem_shared>>) dst(%dma_wait3A_29 : memref<640xf32, #tpu.memory_space<hbm>>)
      tpu.yield
    }) : () -> ()
    return
  }
}

#map = affine_map<(d0, d1) -> (0, 0)>
#map1 = affine_map<(d0, d1) -> (0, 0, 0)>
module attributes {stable_mosaic.version = 14 : i64} {
  func.func @agg_kernel(%arg0: i32, %arg1: i32, %arg2: memref<10240x128xf32, #tpu.memory_space<hbm>>, %arg3: memref<2560x128xi32, #tpu.memory_space<hbm>>, %arg4: memref<2560x128xi32, #tpu.memory_space<hbm>>, %arg5: memref<128x128xf32, #tpu.memory_space<hbm>>, %arg6: memref<2x10240x128xf32, #tpu.memory_space<hbm>>, %arg7: memref<40x128xi32, #tpu.memory_space<vmem>>, %arg8: memref<40x128xi32, #tpu.memory_space<vmem>>, %arg9: memref<2x128x128xf32, #tpu.memory_space<vmem>>, %arg10: memref<10240x128xf32, #tpu.memory_space<vmem_shared>>, %arg11: memref<!tpu.dma_semaphore, #tpu.memory_space<semaphore_mem>>, %arg12: memref<!tpu.dma_semaphore, #tpu.memory_space<semaphore_mem>>) attributes {dimension_semantics = [#tpu.dimension_semantics<core_parallel>, #tpu.dimension_semantics<subcore_parallel>], iteration_bounds = array<i64: 2, 16>, scalar_prefetch = 0 : i64, scratch_operands = 6 : i64, tpu.core_type = #tpu.core_type<sc_vector_subcore>, window_params = [{transform_indices = #map}, {transform_indices = #map}, {transform_indices = #map}, {transform_indices = #map}, {transform_indices = #map1}]} {
    %mul3A = arith.constant 2 : i32
    %mul3A_0 = arith.muli %arg1, %mul3A : i32
    %add3A = arith.addi %mul3A_0, %arg0 : i32
    %run_scoped3A = arith.constant 0 : i32
    "tpu.region"() ({
      %run_scoped3A_95 = tpu.sem_alloc : memref<!tpu.dma_semaphore, #tpu.memory_space<semaphore_mem>>
      %dma_start3A_96 = arith.constant 0 : i32
      %dma_start3A_97 = arith.constant 0 : i32
      %dma_start3A_98 = tpu.memref_slice %arg9[%run_scoped3A, %dma_start3A_96, %dma_start3A_97] : memref<2x128x128xf32, #tpu.memory_space<vmem>> -> memref<1x128x128xf32, #tpu.memory_space<vmem>>
      %dma_start3A_99 = tpu.memref_squeeze %dma_start3A_98 : memref<1x128x128xf32, #tpu.memory_space<vmem>> -> memref<128x128xf32, #tpu.memory_space<vmem>>
      %dma_start3A_100 = arith.constant 0 : i32
      %dma_start3A_101 = arith.constant 0 : i32
      %dma_start3A_102 = tpu.memref_slice %arg9[%run_scoped3A, %dma_start3A_100, %dma_start3A_101] : memref<2x128x128xf32, #tpu.memory_space<vmem>> -> memref<1x128x128xf32, #tpu.memory_space<vmem>>
      %dma_start3A_103 = tpu.memref_squeeze %dma_start3A_102 : memref<1x128x128xf32, #tpu.memory_space<vmem>> -> memref<128x128xf32, #tpu.memory_space<vmem>>
      tpu.enqueue_dma source(%arg5 : memref<128x128xf32, #tpu.memory_space<hbm>>) target(%dma_start3A_103 : memref<128x128xf32, #tpu.memory_space<vmem>>) target_semaphore(%run_scoped3A_95 : memref<!tpu.dma_semaphore, #tpu.memory_space<semaphore_mem>>)
      %dma_wait3A = arith.constant 0 : i32
      %dma_wait3A_104 = arith.constant 0 : i32
      %dma_wait3A_105 = tpu.memref_slice %arg9[%run_scoped3A, %dma_wait3A, %dma_wait3A_104] : memref<2x128x128xf32, #tpu.memory_space<vmem>> -> memref<1x128x128xf32, #tpu.memory_space<vmem>>
      %dma_wait3A_106 = tpu.memref_squeeze %dma_wait3A_105 : memref<1x128x128xf32, #tpu.memory_space<vmem>> -> memref<128x128xf32, #tpu.memory_space<vmem>>
      %dma_wait3A_107 = arith.constant 0 : i32
      %dma_wait3A_108 = arith.constant 0 : i32
      %dma_wait3A_109 = tpu.memref_slice %arg9[%run_scoped3A, %dma_wait3A_107, %dma_wait3A_108] : memref<2x128x128xf32, #tpu.memory_space<vmem>> -> memref<1x128x128xf32, #tpu.memory_space<vmem>>
      %dma_wait3A_110 = tpu.memref_squeeze %dma_wait3A_109 : memref<1x128x128xf32, #tpu.memory_space<vmem>> -> memref<128x128xf32, #tpu.memory_space<vmem>>
      tpu.wait_dma2 semaphore(%run_scoped3A_95 : memref<!tpu.dma_semaphore, #tpu.memory_space<semaphore_mem>>) src(%arg5 : memref<128x128xf32, #tpu.memory_space<hbm>>) dst(%dma_wait3A_110 : memref<128x128xf32, #tpu.memory_space<vmem>>)
      tpu.yield
    }) : () -> ()
    %mul3A_1 = arith.constant 640 : i32
    %mul3A_2 = arith.muli %arg1, %mul3A_1 : i32
    %add3A_3 = arith.constant 0 : i32
    %add3A_4 = arith.addi %mul3A_2, %add3A_3 : i32
    %run_scoped3A_5 = arith.constant 0 : i32
    "tpu.region"() ({
      %run_scoped3A_95 = tpu.sem_alloc : memref<!tpu.dma_semaphore, #tpu.memory_space<semaphore_mem>>
      %dma_start3A_96 = arith.constant 0 : i32
      %dma_start3A_97 = arith.constant 0 : i32
      %dma_start3A_98 = tpu.memref_slice %arg9[%run_scoped3A_5, %dma_start3A_96, %dma_start3A_97] : memref<2x128x128xf32, #tpu.memory_space<vmem>> -> memref<1x128x128xf32, #tpu.memory_space<vmem>>
      %dma_start3A_99 = tpu.memref_squeeze %dma_start3A_98 : memref<1x128x128xf32, #tpu.memory_space<vmem>> -> memref<128x128xf32, #tpu.memory_space<vmem>>
      %dma_start3A_100 = arith.constant 0 : i32
      %dma_start3A_101 = tpu.memref_slice %arg10[%add3A_4, %dma_start3A_100] : memref<10240x128xf32, #tpu.memory_space<vmem_shared>> -> memref<128x128xf32, #tpu.memory_space<vmem_shared>>
      %dma_start3A_102 = arith.constant 0 : i32
      %dma_start3A_103 = tpu.memref_slice %arg10[%add3A_4, %dma_start3A_102] : memref<10240x128xf32, #tpu.memory_space<vmem_shared>> -> memref<128x128xf32, #tpu.memory_space<vmem_shared>>
      %dma_start3A_104 = arith.constant 0 : i32
      %dma_start3A_105 = arith.constant 0 : i32
      %dma_start3A_106 = tpu.memref_slice %arg9[%run_scoped3A_5, %dma_start3A_104, %dma_start3A_105] : memref<2x128x128xf32, #tpu.memory_space<vmem>> -> memref<1x128x128xf32, #tpu.memory_space<vmem>>
      %dma_start3A_107 = tpu.memref_squeeze %dma_start3A_106 : memref<1x128x128xf32, #tpu.memory_space<vmem>> -> memref<128x128xf32, #tpu.memory_space<vmem>>
      tpu.enqueue_dma source(%dma_start3A_107 : memref<128x128xf32, #tpu.memory_space<vmem>>) target(%dma_start3A_103 : memref<128x128xf32, #tpu.memory_space<vmem_shared>>) target_semaphore(%run_scoped3A_95 : memref<!tpu.dma_semaphore, #tpu.memory_space<semaphore_mem>>)
      %dma_wait3A = arith.constant 0 : i32
      %dma_wait3A_108 = arith.constant 0 : i32
      %dma_wait3A_109 = tpu.memref_slice %arg9[%run_scoped3A_5, %dma_wait3A, %dma_wait3A_108] : memref<2x128x128xf32, #tpu.memory_space<vmem>> -> memref<1x128x128xf32, #tpu.memory_space<vmem>>
      %dma_wait3A_110 = tpu.memref_squeeze %dma_wait3A_109 : memref<1x128x128xf32, #tpu.memory_space<vmem>> -> memref<128x128xf32, #tpu.memory_space<vmem>>
      %dma_wait3A_111 = arith.constant 0 : i32
      %dma_wait3A_112 = tpu.memref_slice %arg10[%add3A_4, %dma_wait3A_111] : memref<10240x128xf32, #tpu.memory_space<vmem_shared>> -> memref<128x128xf32, #tpu.memory_space<vmem_shared>>
      %dma_wait3A_113 = arith.constant 0 : i32
      %dma_wait3A_114 = tpu.memref_slice %arg10[%add3A_4, %dma_wait3A_113] : memref<10240x128xf32, #tpu.memory_space<vmem_shared>> -> memref<128x128xf32, #tpu.memory_space<vmem_shared>>
      %dma_wait3A_115 = arith.constant 0 : i32
      %dma_wait3A_116 = arith.constant 0 : i32
      %dma_wait3A_117 = tpu.memref_slice %arg9[%run_scoped3A_5, %dma_wait3A_115, %dma_wait3A_116] : memref<2x128x128xf32, #tpu.memory_space<vmem>> -> memref<1x128x128xf32, #tpu.memory_space<vmem>>
      %dma_wait3A_118 = tpu.memref_squeeze %dma_wait3A_117 : memref<1x128x128xf32, #tpu.memory_space<vmem>> -> memref<128x128xf32, #tpu.memory_space<vmem>>
      tpu.wait_dma2 semaphore(%run_scoped3A_95 : memref<!tpu.dma_semaphore, #tpu.memory_space<semaphore_mem>>) src(%dma_wait3A_118 : memref<128x128xf32, #tpu.memory_space<vmem>>) dst(%dma_wait3A_114 : memref<128x128xf32, #tpu.memory_space<vmem_shared>>)
      tpu.yield
    }) : () -> ()
    %mul3A_6 = arith.constant 640 : i32
    %mul3A_7 = arith.muli %arg1, %mul3A_6 : i32
    %add3A_8 = arith.constant 128 : i32
    %add3A_9 = arith.addi %mul3A_7, %add3A_8 : i32
    %run_scoped3A_10 = arith.constant 0 : i32
    "tpu.region"() ({
      %run_scoped3A_95 = tpu.sem_alloc : memref<!tpu.dma_semaphore, #tpu.memory_space<semaphore_mem>>
      %dma_start3A_96 = arith.constant 0 : i32
      %dma_start3A_97 = arith.constant 0 : i32
      %dma_start3A_98 = tpu.memref_slice %arg9[%run_scoped3A_10, %dma_start3A_96, %dma_start3A_97] : memref<2x128x128xf32, #tpu.memory_space<vmem>> -> memref<1x128x128xf32, #tpu.memory_space<vmem>>
      %dma_start3A_99 = tpu.memref_squeeze %dma_start3A_98 : memref<1x128x128xf32, #tpu.memory_space<vmem>> -> memref<128x128xf32, #tpu.memory_space<vmem>>
      %dma_start3A_100 = arith.constant 0 : i32
      %dma_start3A_101 = tpu.memref_slice %arg10[%add3A_9, %dma_start3A_100] : memref<10240x128xf32, #tpu.memory_space<vmem_shared>> -> memref<128x128xf32, #tpu.memory_space<vmem_shared>>
      %dma_start3A_102 = arith.constant 0 : i32
      %dma_start3A_103 = tpu.memref_slice %arg10[%add3A_9, %dma_start3A_102] : memref<10240x128xf32, #tpu.memory_space<vmem_shared>> -> memref<128x128xf32, #tpu.memory_space<vmem_shared>>
      %dma_start3A_104 = arith.constant 0 : i32
      %dma_start3A_105 = arith.constant 0 : i32
      %dma_start3A_106 = tpu.memref_slice %arg9[%run_scoped3A_10, %dma_start3A_104, %dma_start3A_105] : memref<2x128x128xf32, #tpu.memory_space<vmem>> -> memref<1x128x128xf32, #tpu.memory_space<vmem>>
      %dma_start3A_107 = tpu.memref_squeeze %dma_start3A_106 : memref<1x128x128xf32, #tpu.memory_space<vmem>> -> memref<128x128xf32, #tpu.memory_space<vmem>>
      tpu.enqueue_dma source(%dma_start3A_107 : memref<128x128xf32, #tpu.memory_space<vmem>>) target(%dma_start3A_103 : memref<128x128xf32, #tpu.memory_space<vmem_shared>>) target_semaphore(%run_scoped3A_95 : memref<!tpu.dma_semaphore, #tpu.memory_space<semaphore_mem>>)
      %dma_wait3A = arith.constant 0 : i32
      %dma_wait3A_108 = arith.constant 0 : i32
      %dma_wait3A_109 = tpu.memref_slice %arg9[%run_scoped3A_10, %dma_wait3A, %dma_wait3A_108] : memref<2x128x128xf32, #tpu.memory_space<vmem>> -> memref<1x128x128xf32, #tpu.memory_space<vmem>>
      %dma_wait3A_110 = tpu.memref_squeeze %dma_wait3A_109 : memref<1x128x128xf32, #tpu.memory_space<vmem>> -> memref<128x128xf32, #tpu.memory_space<vmem>>
      %dma_wait3A_111 = arith.constant 0 : i32
      %dma_wait3A_112 = tpu.memref_slice %arg10[%add3A_9, %dma_wait3A_111] : memref<10240x128xf32, #tpu.memory_space<vmem_shared>> -> memref<128x128xf32, #tpu.memory_space<vmem_shared>>
      %dma_wait3A_113 = arith.constant 0 : i32
      %dma_wait3A_114 = tpu.memref_slice %arg10[%add3A_9, %dma_wait3A_113] : memref<10240x128xf32, #tpu.memory_space<vmem_shared>> -> memref<128x128xf32, #tpu.memory_space<vmem_shared>>
      %dma_wait3A_115 = arith.constant 0 : i32
      %dma_wait3A_116 = arith.constant 0 : i32
      %dma_wait3A_117 = tpu.memref_slice %arg9[%run_scoped3A_10, %dma_wait3A_115, %dma_wait3A_116] : memref<2x128x128xf32, #tpu.memory_space<vmem>> -> memref<1x128x128xf32, #tpu.memory_space<vmem>>
      %dma_wait3A_118 = tpu.memref_squeeze %dma_wait3A_117 : memref<1x128x128xf32, #tpu.memory_space<vmem>> -> memref<128x128xf32, #tpu.memory_space<vmem>>
      tpu.wait_dma2 semaphore(%run_scoped3A_95 : memref<!tpu.dma_semaphore, #tpu.memory_space<semaphore_mem>>) src(%dma_wait3A_118 : memref<128x128xf32, #tpu.memory_space<vmem>>) dst(%dma_wait3A_114 : memref<128x128xf32, #tpu.memory_space<vmem_shared>>)
      tpu.yield
    }) : () -> ()
    %mul3A_11 = arith.constant 640 : i32
    %mul3A_12 = arith.muli %arg1, %mul3A_11 : i32
    %add3A_13 = arith.constant 256 : i32
    %add3A_14 = arith.addi %mul3A_12, %add3A_13 : i32
    %run_scoped3A_15 = arith.constant 0 : i32
    "tpu.region"() ({
      %run_scoped3A_95 = tpu.sem_alloc : memref<!tpu.dma_semaphore, #tpu.memory_space<semaphore_mem>>
      %dma_start3A_96 = arith.constant 0 : i32
      %dma_start3A_97 = arith.constant 0 : i32
      %dma_start3A_98 = tpu.memref_slice %arg9[%run_scoped3A_15, %dma_start3A_96, %dma_start3A_97] : memref<2x128x128xf32, #tpu.memory_space<vmem>> -> memref<1x128x128xf32, #tpu.memory_space<vmem>>
      %dma_start3A_99 = tpu.memref_squeeze %dma_start3A_98 : memref<1x128x128xf32, #tpu.memory_space<vmem>> -> memref<128x128xf32, #tpu.memory_space<vmem>>
      %dma_start3A_100 = arith.constant 0 : i32
      %dma_start3A_101 = tpu.memref_slice %arg10[%add3A_14, %dma_start3A_100] : memref<10240x128xf32, #tpu.memory_space<vmem_shared>> -> memref<128x128xf32, #tpu.memory_space<vmem_shared>>
      %dma_start3A_102 = arith.constant 0 : i32
      %dma_start3A_103 = tpu.memref_slice %arg10[%add3A_14, %dma_start3A_102] : memref<10240x128xf32, #tpu.memory_space<vmem_shared>> -> memref<128x128xf32, #tpu.memory_space<vmem_shared>>
      %dma_start3A_104 = arith.constant 0 : i32
      %dma_start3A_105 = arith.constant 0 : i32
      %dma_start3A_106 = tpu.memref_slice %arg9[%run_scoped3A_15, %dma_start3A_104, %dma_start3A_105] : memref<2x128x128xf32, #tpu.memory_space<vmem>> -> memref<1x128x128xf32, #tpu.memory_space<vmem>>
      %dma_start3A_107 = tpu.memref_squeeze %dma_start3A_106 : memref<1x128x128xf32, #tpu.memory_space<vmem>> -> memref<128x128xf32, #tpu.memory_space<vmem>>
      tpu.enqueue_dma source(%dma_start3A_107 : memref<128x128xf32, #tpu.memory_space<vmem>>) target(%dma_start3A_103 : memref<128x128xf32, #tpu.memory_space<vmem_shared>>) target_semaphore(%run_scoped3A_95 : memref<!tpu.dma_semaphore, #tpu.memory_space<semaphore_mem>>)
      %dma_wait3A = arith.constant 0 : i32
      %dma_wait3A_108 = arith.constant 0 : i32
      %dma_wait3A_109 = tpu.memref_slice %arg9[%run_scoped3A_15, %dma_wait3A, %dma_wait3A_108] : memref<2x128x128xf32, #tpu.memory_space<vmem>> -> memref<1x128x128xf32, #tpu.memory_space<vmem>>
      %dma_wait3A_110 = tpu.memref_squeeze %dma_wait3A_109 : memref<1x128x128xf32, #tpu.memory_space<vmem>> -> memref<128x128xf32, #tpu.memory_space<vmem>>
      %dma_wait3A_111 = arith.constant 0 : i32
      %dma_wait3A_112 = tpu.memref_slice %arg10[%add3A_14, %dma_wait3A_111] : memref<10240x128xf32, #tpu.memory_space<vmem_shared>> -> memref<128x128xf32, #tpu.memory_space<vmem_shared>>
      %dma_wait3A_113 = arith.constant 0 : i32
      %dma_wait3A_114 = tpu.memref_slice %arg10[%add3A_14, %dma_wait3A_113] : memref<10240x128xf32, #tpu.memory_space<vmem_shared>> -> memref<128x128xf32, #tpu.memory_space<vmem_shared>>
      %dma_wait3A_115 = arith.constant 0 : i32
      %dma_wait3A_116 = arith.constant 0 : i32
      %dma_wait3A_117 = tpu.memref_slice %arg9[%run_scoped3A_15, %dma_wait3A_115, %dma_wait3A_116] : memref<2x128x128xf32, #tpu.memory_space<vmem>> -> memref<1x128x128xf32, #tpu.memory_space<vmem>>
      %dma_wait3A_118 = tpu.memref_squeeze %dma_wait3A_117 : memref<1x128x128xf32, #tpu.memory_space<vmem>> -> memref<128x128xf32, #tpu.memory_space<vmem>>
      tpu.wait_dma2 semaphore(%run_scoped3A_95 : memref<!tpu.dma_semaphore, #tpu.memory_space<semaphore_mem>>) src(%dma_wait3A_118 : memref<128x128xf32, #tpu.memory_space<vmem>>) dst(%dma_wait3A_114 : memref<128x128xf32, #tpu.memory_space<vmem_shared>>)
      tpu.yield
    }) : () -> ()
    %mul3A_16 = arith.constant 640 : i32
    %mul3A_17 = arith.muli %arg1, %mul3A_16 : i32
    %add3A_18 = arith.constant 384 : i32
    %add3A_19 = arith.addi %mul3A_17, %add3A_18 : i32
    %run_scoped3A_20 = arith.constant 0 : i32
    "tpu.region"() ({
      %run_scoped3A_95 = tpu.sem_alloc : memref<!tpu.dma_semaphore, #tpu.memory_space<semaphore_mem>>
      %dma_start3A_96 = arith.constant 0 : i32
      %dma_start3A_97 = arith.constant 0 : i32
      %dma_start3A_98 = tpu.memref_slice %arg9[%run_scoped3A_20, %dma_start3A_96, %dma_start3A_97] : memref<2x128x128xf32, #tpu.memory_space<vmem>> -> memref<1x128x128xf32, #tpu.memory_space<vmem>>
      %dma_start3A_99 = tpu.memref_squeeze %dma_start3A_98 : memref<1x128x128xf32, #tpu.memory_space<vmem>> -> memref<128x128xf32, #tpu.memory_space<vmem>>
      %dma_start3A_100 = arith.constant 0 : i32
      %dma_start3A_101 = tpu.memref_slice %arg10[%add3A_19, %dma_start3A_100] : memref<10240x128xf32, #tpu.memory_space<vmem_shared>> -> memref<128x128xf32, #tpu.memory_space<vmem_shared>>
      %dma_start3A_102 = arith.constant 0 : i32
      %dma_start3A_103 = tpu.memref_slice %arg10[%add3A_19, %dma_start3A_102] : memref<10240x128xf32, #tpu.memory_space<vmem_shared>> -> memref<128x128xf32, #tpu.memory_space<vmem_shared>>
      %dma_start3A_104 = arith.constant 0 : i32
      %dma_start3A_105 = arith.constant 0 : i32
      %dma_start3A_106 = tpu.memref_slice %arg9[%run_scoped3A_20, %dma_start3A_104, %dma_start3A_105] : memref<2x128x128xf32, #tpu.memory_space<vmem>> -> memref<1x128x128xf32, #tpu.memory_space<vmem>>
      %dma_start3A_107 = tpu.memref_squeeze %dma_start3A_106 : memref<1x128x128xf32, #tpu.memory_space<vmem>> -> memref<128x128xf32, #tpu.memory_space<vmem>>
      tpu.enqueue_dma source(%dma_start3A_107 : memref<128x128xf32, #tpu.memory_space<vmem>>) target(%dma_start3A_103 : memref<128x128xf32, #tpu.memory_space<vmem_shared>>) target_semaphore(%run_scoped3A_95 : memref<!tpu.dma_semaphore, #tpu.memory_space<semaphore_mem>>)
      %dma_wait3A = arith.constant 0 : i32
      %dma_wait3A_108 = arith.constant 0 : i32
      %dma_wait3A_109 = tpu.memref_slice %arg9[%run_scoped3A_20, %dma_wait3A, %dma_wait3A_108] : memref<2x128x128xf32, #tpu.memory_space<vmem>> -> memref<1x128x128xf32, #tpu.memory_space<vmem>>
      %dma_wait3A_110 = tpu.memref_squeeze %dma_wait3A_109 : memref<1x128x128xf32, #tpu.memory_space<vmem>> -> memref<128x128xf32, #tpu.memory_space<vmem>>
      %dma_wait3A_111 = arith.constant 0 : i32
      %dma_wait3A_112 = tpu.memref_slice %arg10[%add3A_19, %dma_wait3A_111] : memref<10240x128xf32, #tpu.memory_space<vmem_shared>> -> memref<128x128xf32, #tpu.memory_space<vmem_shared>>
      %dma_wait3A_113 = arith.constant 0 : i32
      %dma_wait3A_114 = tpu.memref_slice %arg10[%add3A_19, %dma_wait3A_113] : memref<10240x128xf32, #tpu.memory_space<vmem_shared>> -> memref<128x128xf32, #tpu.memory_space<vmem_shared>>
      %dma_wait3A_115 = arith.constant 0 : i32
      %dma_wait3A_116 = arith.constant 0 : i32
      %dma_wait3A_117 = tpu.memref_slice %arg9[%run_scoped3A_20, %dma_wait3A_115, %dma_wait3A_116] : memref<2x128x128xf32, #tpu.memory_space<vmem>> -> memref<1x128x128xf32, #tpu.memory_space<vmem>>
      %dma_wait3A_118 = tpu.memref_squeeze %dma_wait3A_117 : memref<1x128x128xf32, #tpu.memory_space<vmem>> -> memref<128x128xf32, #tpu.memory_space<vmem>>
      tpu.wait_dma2 semaphore(%run_scoped3A_95 : memref<!tpu.dma_semaphore, #tpu.memory_space<semaphore_mem>>) src(%dma_wait3A_118 : memref<128x128xf32, #tpu.memory_space<vmem>>) dst(%dma_wait3A_114 : memref<128x128xf32, #tpu.memory_space<vmem_shared>>)
      tpu.yield
    }) : () -> ()
    %mul3A_21 = arith.constant 640 : i32
    %mul3A_22 = arith.muli %arg1, %mul3A_21 : i32
    %add3A_23 = arith.constant 512 : i32
    %add3A_24 = arith.addi %mul3A_22, %add3A_23 : i32
    %run_scoped3A_25 = arith.constant 0 : i32
    "tpu.region"() ({
      %run_scoped3A_95 = tpu.sem_alloc : memref<!tpu.dma_semaphore, #tpu.memory_space<semaphore_mem>>
      %dma_start3A_96 = arith.constant 0 : i32
      %dma_start3A_97 = arith.constant 0 : i32
      %dma_start3A_98 = tpu.memref_slice %arg9[%run_scoped3A_25, %dma_start3A_96, %dma_start3A_97] : memref<2x128x128xf32, #tpu.memory_space<vmem>> -> memref<1x128x128xf32, #tpu.memory_space<vmem>>
      %dma_start3A_99 = tpu.memref_squeeze %dma_start3A_98 : memref<1x128x128xf32, #tpu.memory_space<vmem>> -> memref<128x128xf32, #tpu.memory_space<vmem>>
      %dma_start3A_100 = arith.constant 0 : i32
      %dma_start3A_101 = tpu.memref_slice %arg10[%add3A_24, %dma_start3A_100] : memref<10240x128xf32, #tpu.memory_space<vmem_shared>> -> memref<128x128xf32, #tpu.memory_space<vmem_shared>>
      %dma_start3A_102 = arith.constant 0 : i32
      %dma_start3A_103 = tpu.memref_slice %arg10[%add3A_24, %dma_start3A_102] : memref<10240x128xf32, #tpu.memory_space<vmem_shared>> -> memref<128x128xf32, #tpu.memory_space<vmem_shared>>
      %dma_start3A_104 = arith.constant 0 : i32
      %dma_start3A_105 = arith.constant 0 : i32
      %dma_start3A_106 = tpu.memref_slice %arg9[%run_scoped3A_25, %dma_start3A_104, %dma_start3A_105] : memref<2x128x128xf32, #tpu.memory_space<vmem>> -> memref<1x128x128xf32, #tpu.memory_space<vmem>>
      %dma_start3A_107 = tpu.memref_squeeze %dma_start3A_106 : memref<1x128x128xf32, #tpu.memory_space<vmem>> -> memref<128x128xf32, #tpu.memory_space<vmem>>
      tpu.enqueue_dma source(%dma_start3A_107 : memref<128x128xf32, #tpu.memory_space<vmem>>) target(%dma_start3A_103 : memref<128x128xf32, #tpu.memory_space<vmem_shared>>) target_semaphore(%run_scoped3A_95 : memref<!tpu.dma_semaphore, #tpu.memory_space<semaphore_mem>>)
      %dma_wait3A = arith.constant 0 : i32
      %dma_wait3A_108 = arith.constant 0 : i32
      %dma_wait3A_109 = tpu.memref_slice %arg9[%run_scoped3A_25, %dma_wait3A, %dma_wait3A_108] : memref<2x128x128xf32, #tpu.memory_space<vmem>> -> memref<1x128x128xf32, #tpu.memory_space<vmem>>
      %dma_wait3A_110 = tpu.memref_squeeze %dma_wait3A_109 : memref<1x128x128xf32, #tpu.memory_space<vmem>> -> memref<128x128xf32, #tpu.memory_space<vmem>>
      %dma_wait3A_111 = arith.constant 0 : i32
      %dma_wait3A_112 = tpu.memref_slice %arg10[%add3A_24, %dma_wait3A_111] : memref<10240x128xf32, #tpu.memory_space<vmem_shared>> -> memref<128x128xf32, #tpu.memory_space<vmem_shared>>
      %dma_wait3A_113 = arith.constant 0 : i32
      %dma_wait3A_114 = tpu.memref_slice %arg10[%add3A_24, %dma_wait3A_113] : memref<10240x128xf32, #tpu.memory_space<vmem_shared>> -> memref<128x128xf32, #tpu.memory_space<vmem_shared>>
      %dma_wait3A_115 = arith.constant 0 : i32
      %dma_wait3A_116 = arith.constant 0 : i32
      %dma_wait3A_117 = tpu.memref_slice %arg9[%run_scoped3A_25, %dma_wait3A_115, %dma_wait3A_116] : memref<2x128x128xf32, #tpu.memory_space<vmem>> -> memref<1x128x128xf32, #tpu.memory_space<vmem>>
      %dma_wait3A_118 = tpu.memref_squeeze %dma_wait3A_117 : memref<1x128x128xf32, #tpu.memory_space<vmem>> -> memref<128x128xf32, #tpu.memory_space<vmem>>
      tpu.wait_dma2 semaphore(%run_scoped3A_95 : memref<!tpu.dma_semaphore, #tpu.memory_space<semaphore_mem>>) src(%dma_wait3A_118 : memref<128x128xf32, #tpu.memory_space<vmem>>) dst(%dma_wait3A_114 : memref<128x128xf32, #tpu.memory_space<vmem_shared>>)
      tpu.yield
    }) : () -> ()
    %barrier3A = arith.constant 0 : index
    tpu.barrier barrier_id(%barrier3A)
    %mul3A_26 = arith.constant 80 : i32
    %mul3A_27 = arith.muli %add3A, %mul3A_26 : i32
    %add3A_28 = arith.constant 0 : i32
    %add3A_29 = arith.addi %mul3A_27, %add3A_28 : i32
    "tpu.region"() ({
      %run_scoped3A_95 = tpu.sem_alloc : memref<!tpu.dma_semaphore, #tpu.memory_space<semaphore_mem>>
      %dma_start3A_96 = arith.constant 0 : i32
      %dma_start3A_97 = tpu.memref_slice %arg3[%add3A_29, %dma_start3A_96] : memref<2560x128xi32, #tpu.memory_space<hbm>> -> memref<40x128xi32, #tpu.memory_space<hbm>>
      %dma_start3A_98 = arith.constant 0 : i32
      %dma_start3A_99 = tpu.memref_slice %arg3[%add3A_29, %dma_start3A_98] : memref<2560x128xi32, #tpu.memory_space<hbm>> -> memref<40x128xi32, #tpu.memory_space<hbm>>
      tpu.enqueue_dma source(%dma_start3A_99 : memref<40x128xi32, #tpu.memory_space<hbm>>) target(%arg7 : memref<40x128xi32, #tpu.memory_space<vmem>>) target_semaphore(%run_scoped3A_95 : memref<!tpu.dma_semaphore, #tpu.memory_space<semaphore_mem>>)
      %dma_wait3A = arith.constant 0 : i32
      %dma_wait3A_100 = tpu.memref_slice %arg3[%add3A_29, %dma_wait3A] : memref<2560x128xi32, #tpu.memory_space<hbm>> -> memref<40x128xi32, #tpu.memory_space<hbm>>
      %dma_wait3A_101 = arith.constant 0 : i32
      %dma_wait3A_102 = tpu.memref_slice %arg3[%add3A_29, %dma_wait3A_101] : memref<2560x128xi32, #tpu.memory_space<hbm>> -> memref<40x128xi32, #tpu.memory_space<hbm>>
      tpu.wait_dma2 semaphore(%run_scoped3A_95 : memref<!tpu.dma_semaphore, #tpu.memory_space<semaphore_mem>>) src(%dma_wait3A_102 : memref<40x128xi32, #tpu.memory_space<hbm>>) dst(%arg7 : memref<40x128xi32, #tpu.memory_space<vmem>>)
      tpu.yield
    }) : () -> ()
    "tpu.region"() ({
      %run_scoped3A_95 = tpu.sem_alloc : memref<!tpu.dma_semaphore, #tpu.memory_space<semaphore_mem>>
      %dma_start3A_96 = arith.constant 0 : i32
      %dma_start3A_97 = tpu.memref_slice %arg4[%add3A_29, %dma_start3A_96] : memref<2560x128xi32, #tpu.memory_space<hbm>> -> memref<40x128xi32, #tpu.memory_space<hbm>>
      %dma_start3A_98 = arith.constant 0 : i32
      %dma_start3A_99 = tpu.memref_slice %arg4[%add3A_29, %dma_start3A_98] : memref<2560x128xi32, #tpu.memory_space<hbm>> -> memref<40x128xi32, #tpu.memory_space<hbm>>
      tpu.enqueue_dma source(%dma_start3A_99 : memref<40x128xi32, #tpu.memory_space<hbm>>) target(%arg8 : memref<40x128xi32, #tpu.memory_space<vmem>>) target_semaphore(%run_scoped3A_95 : memref<!tpu.dma_semaphore, #tpu.memory_space<semaphore_mem>>)
      %dma_wait3A = arith.constant 0 : i32
      %dma_wait3A_100 = tpu.memref_slice %arg4[%add3A_29, %dma_wait3A] : memref<2560x128xi32, #tpu.memory_space<hbm>> -> memref<40x128xi32, #tpu.memory_space<hbm>>
      %dma_wait3A_101 = arith.constant 0 : i32
      %dma_wait3A_102 = tpu.memref_slice %arg4[%add3A_29, %dma_wait3A_101] : memref<2560x128xi32, #tpu.memory_space<hbm>> -> memref<40x128xi32, #tpu.memory_space<hbm>>
      tpu.wait_dma2 semaphore(%run_scoped3A_95 : memref<!tpu.dma_semaphore, #tpu.memory_space<semaphore_mem>>) src(%dma_wait3A_102 : memref<40x128xi32, #tpu.memory_space<hbm>>) dst(%arg8 : memref<40x128xi32, #tpu.memory_space<vmem>>)
      tpu.yield
    }) : () -> ()
    %dma_start3A = arith.constant 0 : i32
    %dma_start3A_30 = arith.constant 0 : i32
    %dma_start3A_31 = arith.constant 0 : i32
    %dma_start3A_32 = arith.constant 0 : i32
    %dma_start3A_33 = tpu.memref_slice %arg9[%dma_start3A_30, %dma_start3A_31, %dma_start3A_32] : memref<2x128x128xf32, #tpu.memory_space<vmem>> -> memref<1x64x128xf32, #tpu.memory_space<vmem>>
    %dma_start3A_34 = tpu.memref_squeeze %dma_start3A_33 : memref<1x64x128xf32, #tpu.memory_space<vmem>> -> memref<64x128xf32, #tpu.memory_space<vmem>>
    %dma_start3A_35 = arith.constant 0 : i32
    %dma_start3A_36 = tpu.memref_slice %arg7[%dma_start3A, %dma_start3A_35] : memref<40x128xi32, #tpu.memory_space<vmem>> -> memref<1x64xi32, #tpu.memory_space<vmem>>
    %dma_start3A_37 = tpu.memref_squeeze %dma_start3A_36 : memref<1x64xi32, #tpu.memory_space<vmem>> -> memref<64xi32, #tpu.memory_space<vmem>>
    %dma_start3A_38 = arith.constant 0 : i32
    %dma_start3A_39 = arith.constant 0 : i32
    %dma_start3A_40 = tpu.memref_slice %arg2[%dma_start3A_38, %dma_start3A_39] : memref<10240x128xf32, #tpu.memory_space<hbm>> -> memref<10240x128xf32, #tpu.memory_space<hbm>>
    tpu.enqueue_indirect_dma source(%dma_start3A_40 : memref<10240x128xf32, #tpu.memory_space<hbm>>) target(%dma_start3A_34 : memref<64x128xf32, #tpu.memory_space<vmem>>) offsets(%dma_start3A_37 : memref<64xi32, #tpu.memory_space<vmem>>) semaphore(%arg11 : memref<!tpu.dma_semaphore, #tpu.memory_space<semaphore_mem>>)
    %dma_start3A_41 = arith.constant 0 : i32
    %dma_start3A_42 = arith.constant 0 : i32
    %dma_start3A_43 = arith.constant 64 : i32
    %dma_start3A_44 = arith.constant 0 : i32
    %dma_start3A_45 = tpu.memref_slice %arg9[%dma_start3A_42, %dma_start3A_43, %dma_start3A_44] : memref<2x128x128xf32, #tpu.memory_space<vmem>> -> memref<1x64x128xf32, #tpu.memory_space<vmem>>
    %dma_start3A_46 = tpu.memref_squeeze %dma_start3A_45 : memref<1x64x128xf32, #tpu.memory_space<vmem>> -> memref<64x128xf32, #tpu.memory_space<vmem>>
    %dma_start3A_47 = arith.constant 64 : i32
    %dma_start3A_48 = tpu.memref_slice %arg7[%dma_start3A_41, %dma_start3A_47] : memref<40x128xi32, #tpu.memory_space<vmem>> -> memref<1x64xi32, #tpu.memory_space<vmem>>
    %dma_start3A_49 = tpu.memref_squeeze %dma_start3A_48 : memref<1x64xi32, #tpu.memory_space<vmem>> -> memref<64xi32, #tpu.memory_space<vmem>>
    %dma_start3A_50 = arith.constant 0 : i32
    %dma_start3A_51 = arith.constant 0 : i32
    %dma_start3A_52 = tpu.memref_slice %arg2[%dma_start3A_50, %dma_start3A_51] : memref<10240x128xf32, #tpu.memory_space<hbm>> -> memref<10240x128xf32, #tpu.memory_space<hbm>>
    tpu.enqueue_indirect_dma source(%dma_start3A_52 : memref<10240x128xf32, #tpu.memory_space<hbm>>) target(%dma_start3A_46 : memref<64x128xf32, #tpu.memory_space<vmem>>) offsets(%dma_start3A_49 : memref<64xi32, #tpu.memory_space<vmem>>) semaphore(%arg11 : memref<!tpu.dma_semaphore, #tpu.memory_space<semaphore_mem>>)
    %scan3A = arith.constant 0 : i32
    %scan3A_53 = arith.constant 20 : i32
    %scan3A_54 = arith.addi %scan3A, %scan3A_53 : i32
    %scan3A_55 = arith.constant 1 : i32
    scf.for %scan3A_95 = %scan3A to %scan3A_54 step %scan3A_55  : i32 {
      %mul3A_96 = arith.constant 2 : i32
      %mul3A_97 = arith.muli %scan3A_95, %mul3A_96 : i32
      %add3A_98 = arith.constant 0 : i32
      %add3A_99 = arith.addi %add3A_98, %mul3A_97 : i32
      %dma_wait3A = arith.constant 0 : i32
      %dma_wait3A_100 = arith.constant 0 : i32
      %dma_wait3A_101 = arith.constant 0 : i32
      %dma_wait3A_102 = tpu.memref_slice %arg9[%dma_wait3A, %dma_wait3A_100, %dma_wait3A_101] : memref<2x128x128xf32, #tpu.memory_space<vmem>> -> memref<1x64x128xf32, #tpu.memory_space<vmem>>
      %dma_wait3A_103 = tpu.memref_squeeze %dma_wait3A_102 : memref<1x64x128xf32, #tpu.memory_space<vmem>> -> memref<64x128xf32, #tpu.memory_space<vmem>>
      %dma_wait3A_104 = arith.constant 0 : i32
      %dma_wait3A_105 = tpu.memref_slice %arg7[%add3A_99, %dma_wait3A_104] : memref<40x128xi32, #tpu.memory_space<vmem>> -> memref<1x64xi32, #tpu.memory_space<vmem>>
      %dma_wait3A_106 = tpu.memref_squeeze %dma_wait3A_105 : memref<1x64xi32, #tpu.memory_space<vmem>> -> memref<64xi32, #tpu.memory_space<vmem>>
      %dma_wait3A_107 = arith.constant 0 : i32
      %dma_wait3A_108 = arith.constant 0 : i32
      %dma_wait3A_109 = tpu.memref_slice %arg2[%dma_wait3A_107, %dma_wait3A_108] : memref<10240x128xf32, #tpu.memory_space<hbm>> -> memref<10240x128xf32, #tpu.memory_space<hbm>>
      tpu.wait_indirect_dma semaphore(%arg11 : memref<!tpu.dma_semaphore, #tpu.memory_space<semaphore_mem>>) src(%dma_wait3A_109 : memref<10240x128xf32, #tpu.memory_space<hbm>>) dst(%dma_wait3A_103 : memref<64x128xf32, #tpu.memory_space<vmem>>)
      %dma_wait3A_110 = arith.constant 0 : i32
      %dma_wait3A_111 = arith.constant 64 : i32
      %dma_wait3A_112 = arith.constant 0 : i32
      %dma_wait3A_113 = tpu.memref_slice %arg9[%dma_wait3A_110, %dma_wait3A_111, %dma_wait3A_112] : memref<2x128x128xf32, #tpu.memory_space<vmem>> -> memref<1x64x128xf32, #tpu.memory_space<vmem>>
      %dma_wait3A_114 = tpu.memref_squeeze %dma_wait3A_113 : memref<1x64x128xf32, #tpu.memory_space<vmem>> -> memref<64x128xf32, #tpu.memory_space<vmem>>
      %dma_wait3A_115 = arith.constant 64 : i32
      %dma_wait3A_116 = tpu.memref_slice %arg7[%add3A_99, %dma_wait3A_115] : memref<40x128xi32, #tpu.memory_space<vmem>> -> memref<1x64xi32, #tpu.memory_space<vmem>>
      %dma_wait3A_117 = tpu.memref_squeeze %dma_wait3A_116 : memref<1x64xi32, #tpu.memory_space<vmem>> -> memref<64xi32, #tpu.memory_space<vmem>>
      %dma_wait3A_118 = arith.constant 0 : i32
      %dma_wait3A_119 = arith.constant 0 : i32
      %dma_wait3A_120 = tpu.memref_slice %arg2[%dma_wait3A_118, %dma_wait3A_119] : memref<10240x128xf32, #tpu.memory_space<hbm>> -> memref<10240x128xf32, #tpu.memory_space<hbm>>
      tpu.wait_indirect_dma semaphore(%arg11 : memref<!tpu.dma_semaphore, #tpu.memory_space<semaphore_mem>>) src(%dma_wait3A_120 : memref<10240x128xf32, #tpu.memory_space<hbm>>) dst(%dma_wait3A_114 : memref<64x128xf32, #tpu.memory_space<vmem>>)
      %add3A_121 = arith.constant 1 : i32
      %add3A_122 = arith.addi %add3A_99, %add3A_121 : i32
      %dma_start3A_123 = arith.constant 1 : i32
      %dma_start3A_124 = arith.constant 0 : i32
      %dma_start3A_125 = arith.constant 0 : i32
      %dma_start3A_126 = tpu.memref_slice %arg9[%dma_start3A_123, %dma_start3A_124, %dma_start3A_125] : memref<2x128x128xf32, #tpu.memory_space<vmem>> -> memref<1x64x128xf32, #tpu.memory_space<vmem>>
      %dma_start3A_127 = tpu.memref_squeeze %dma_start3A_126 : memref<1x64x128xf32, #tpu.memory_space<vmem>> -> memref<64x128xf32, #tpu.memory_space<vmem>>
      %dma_start3A_128 = arith.constant 0 : i32
      %dma_start3A_129 = tpu.memref_slice %arg7[%add3A_122, %dma_start3A_128] : memref<40x128xi32, #tpu.memory_space<vmem>> -> memref<1x64xi32, #tpu.memory_space<vmem>>
      %dma_start3A_130 = tpu.memref_squeeze %dma_start3A_129 : memref<1x64xi32, #tpu.memory_space<vmem>> -> memref<64xi32, #tpu.memory_space<vmem>>
      %dma_start3A_131 = arith.constant 0 : i32
      %dma_start3A_132 = arith.constant 0 : i32
      %dma_start3A_133 = tpu.memref_slice %arg2[%dma_start3A_131, %dma_start3A_132] : memref<10240x128xf32, #tpu.memory_space<hbm>> -> memref<10240x128xf32, #tpu.memory_space<hbm>>
      tpu.enqueue_indirect_dma source(%dma_start3A_133 : memref<10240x128xf32, #tpu.memory_space<hbm>>) target(%dma_start3A_127 : memref<64x128xf32, #tpu.memory_space<vmem>>) offsets(%dma_start3A_130 : memref<64xi32, #tpu.memory_space<vmem>>) semaphore(%arg12 : memref<!tpu.dma_semaphore, #tpu.memory_space<semaphore_mem>>)
      %dma_start3A_134 = arith.constant 1 : i32
      %dma_start3A_135 = arith.constant 64 : i32
      %dma_start3A_136 = arith.constant 0 : i32
      %dma_start3A_137 = tpu.memref_slice %arg9[%dma_start3A_134, %dma_start3A_135, %dma_start3A_136] : memref<2x128x128xf32, #tpu.memory_space<vmem>> -> memref<1x64x128xf32, #tpu.memory_space<vmem>>
      %dma_start3A_138 = tpu.memref_squeeze %dma_start3A_137 : memref<1x64x128xf32, #tpu.memory_space<vmem>> -> memref<64x128xf32, #tpu.memory_space<vmem>>
      %dma_start3A_139 = arith.constant 64 : i32
      %dma_start3A_140 = tpu.memref_slice %arg7[%add3A_122, %dma_start3A_139] : memref<40x128xi32, #tpu.memory_space<vmem>> -> memref<1x64xi32, #tpu.memory_space<vmem>>
      %dma_start3A_141 = tpu.memref_squeeze %dma_start3A_140 : memref<1x64xi32, #tpu.memory_space<vmem>> -> memref<64xi32, #tpu.memory_space<vmem>>
      %dma_start3A_142 = arith.constant 0 : i32
      %dma_start3A_143 = arith.constant 0 : i32
      %dma_start3A_144 = tpu.memref_slice %arg2[%dma_start3A_142, %dma_start3A_143] : memref<10240x128xf32, #tpu.memory_space<hbm>> -> memref<10240x128xf32, #tpu.memory_space<hbm>>
      tpu.enqueue_indirect_dma source(%dma_start3A_144 : memref<10240x128xf32, #tpu.memory_space<hbm>>) target(%dma_start3A_138 : memref<64x128xf32, #tpu.memory_space<vmem>>) offsets(%dma_start3A_141 : memref<64xi32, #tpu.memory_space<vmem>>) semaphore(%arg12 : memref<!tpu.dma_semaphore, #tpu.memory_space<semaphore_mem>>)
      %run_scoped3A_145 = arith.constant 0 : i32
      "tpu.region"() ({
        %run_scoped3A_177 = tpu.sem_alloc : memref<!tpu.dma_semaphore, #tpu.memory_space<semaphore_mem>>
        %dma_start3A_178 = arith.constant 0 : i32
        %dma_start3A_179 = arith.constant 0 : i32
        %dma_start3A_180 = tpu.memref_slice %arg9[%run_scoped3A_145, %dma_start3A_178, %dma_start3A_179] : memref<2x128x128xf32, #tpu.memory_space<vmem>> -> memref<1x128x128xf32, #tpu.memory_space<vmem>>
        %dma_start3A_181 = tpu.memref_squeeze %dma_start3A_180 : memref<1x128x128xf32, #tpu.memory_space<vmem>> -> memref<128x128xf32, #tpu.memory_space<vmem>>
        %dma_start3A_182 = arith.constant 0 : i32
        %dma_start3A_183 = tpu.memref_slice %arg8[%add3A_99, %dma_start3A_182] : memref<40x128xi32, #tpu.memory_space<vmem>> -> memref<1x128xi32, #tpu.memory_space<vmem>>
        %dma_start3A_184 = tpu.memref_squeeze %dma_start3A_183 : memref<1x128xi32, #tpu.memory_space<vmem>> -> memref<128xi32, #tpu.memory_space<vmem>>
        %dma_start3A_185 = arith.constant 0 : i32
        %dma_start3A_186 = arith.constant 0 : i32
        %dma_start3A_187 = tpu.memref_slice %arg10[%dma_start3A_185, %dma_start3A_186] : memref<10240x128xf32, #tpu.memory_space<vmem_shared>> -> memref<10240x128xf32, #tpu.memory_space<vmem_shared>>
        tpu.enqueue_indirect_dma source(%dma_start3A_181 : memref<128x128xf32, #tpu.memory_space<vmem>>) target(%dma_start3A_187 : memref<10240x128xf32, #tpu.memory_space<vmem_shared>>) offsets(%dma_start3A_184 : memref<128xi32, #tpu.memory_space<vmem>>) semaphore(%run_scoped3A_177 : memref<!tpu.dma_semaphore, #tpu.memory_space<semaphore_mem>>) {add = true}
        %dma_wait3A_188 = arith.constant 0 : i32
        %dma_wait3A_189 = arith.constant 0 : i32
        %dma_wait3A_190 = tpu.memref_slice %arg9[%run_scoped3A_145, %dma_wait3A_188, %dma_wait3A_189] : memref<2x128x128xf32, #tpu.memory_space<vmem>> -> memref<1x128x128xf32, #tpu.memory_space<vmem>>
        %dma_wait3A_191 = tpu.memref_squeeze %dma_wait3A_190 : memref<1x128x128xf32, #tpu.memory_space<vmem>> -> memref<128x128xf32, #tpu.memory_space<vmem>>
        %dma_wait3A_192 = arith.constant 0 : i32
        %dma_wait3A_193 = tpu.memref_slice %arg8[%add3A_99, %dma_wait3A_192] : memref<40x128xi32, #tpu.memory_space<vmem>> -> memref<1x128xi32, #tpu.memory_space<vmem>>
        %dma_wait3A_194 = tpu.memref_squeeze %dma_wait3A_193 : memref<1x128xi32, #tpu.memory_space<vmem>> -> memref<128xi32, #tpu.memory_space<vmem>>
        %dma_wait3A_195 = arith.constant 0 : i32
        %dma_wait3A_196 = arith.constant 0 : i32
        %dma_wait3A_197 = tpu.memref_slice %arg10[%dma_wait3A_195, %dma_wait3A_196] : memref<10240x128xf32, #tpu.memory_space<vmem_shared>> -> memref<10240x128xf32, #tpu.memory_space<vmem_shared>>
        tpu.wait_indirect_dma semaphore(%run_scoped3A_177 : memref<!tpu.dma_semaphore, #tpu.memory_space<semaphore_mem>>) src(%dma_wait3A_191 : memref<128x128xf32, #tpu.memory_space<vmem>>) dst(%dma_wait3A_197 : memref<10240x128xf32, #tpu.memory_space<vmem_shared>>)
        tpu.yield
      }) : () -> ()
      %add3A_146 = arith.constant 1 : i32
      %add3A_147 = arith.addi %add3A_99, %add3A_146 : i32
      %dma_wait3A_148 = arith.constant 1 : i32
      %dma_wait3A_149 = arith.constant 0 : i32
      %dma_wait3A_150 = arith.constant 0 : i32
      %dma_wait3A_151 = tpu.memref_slice %arg9[%dma_wait3A_148, %dma_wait3A_149, %dma_wait3A_150] : memref<2x128x128xf32, #tpu.memory_space<vmem>> -> memref<1x64x128xf32, #tpu.memory_space<vmem>>
      %dma_wait3A_152 = tpu.memref_squeeze %dma_wait3A_151 : memref<1x64x128xf32, #tpu.memory_space<vmem>> -> memref<64x128xf32, #tpu.memory_space<vmem>>
      %dma_wait3A_153 = arith.constant 0 : i32
      %dma_wait3A_154 = tpu.memref_slice %arg7[%add3A_147, %dma_wait3A_153] : memref<40x128xi32, #tpu.memory_space<vmem>> -> memref<1x64xi32, #tpu.memory_space<vmem>>
      %dma_wait3A_155 = tpu.memref_squeeze %dma_wait3A_154 : memref<1x64xi32, #tpu.memory_space<vmem>> -> memref<64xi32, #tpu.memory_space<vmem>>
      %dma_wait3A_156 = arith.constant 0 : i32
      %dma_wait3A_157 = arith.constant 0 : i32
      %dma_wait3A_158 = tpu.memref_slice %arg2[%dma_wait3A_156, %dma_wait3A_157] : memref<10240x128xf32, #tpu.memory_space<hbm>> -> memref<10240x128xf32, #tpu.memory_space<hbm>>
      tpu.wait_indirect_dma semaphore(%arg12 : memref<!tpu.dma_semaphore, #tpu.memory_space<semaphore_mem>>) src(%dma_wait3A_158 : memref<10240x128xf32, #tpu.memory_space<hbm>>) dst(%dma_wait3A_152 : memref<64x128xf32, #tpu.memory_space<vmem>>)
      %dma_wait3A_159 = arith.constant 1 : i32
      %dma_wait3A_160 = arith.constant 64 : i32
      %dma_wait3A_161 = arith.constant 0 : i32
      %dma_wait3A_162 = tpu.memref_slice %arg9[%dma_wait3A_159, %dma_wait3A_160, %dma_wait3A_161] : memref<2x128x128xf32, #tpu.memory_space<vmem>> -> memref<1x64x128xf32, #tpu.memory_space<vmem>>
      %dma_wait3A_163 = tpu.memref_squeeze %dma_wait3A_162 : memref<1x64x128xf32, #tpu.memory_space<vmem>> -> memref<64x128xf32, #tpu.memory_space<vmem>>
      %dma_wait3A_164 = arith.constant 64 : i32
      %dma_wait3A_165 = tpu.memref_slice %arg7[%add3A_147, %dma_wait3A_164] : memref<40x128xi32, #tpu.memory_space<vmem>> -> memref<1x64xi32, #tpu.memory_space<vmem>>
      %dma_wait3A_166 = tpu.memref_squeeze %dma_wait3A_165 : memref<1x64xi32, #tpu.memory_space<vmem>> -> memref<64xi32, #tpu.memory_space<vmem>>
      %dma_wait3A_167 = arith.constant 0 : i32
      %dma_wait3A_168 = arith.constant 0 : i32
      %dma_wait3A_169 = tpu.memref_slice %arg2[%dma_wait3A_167, %dma_wait3A_168] : memref<10240x128xf32, #tpu.memory_space<hbm>> -> memref<10240x128xf32, #tpu.memory_space<hbm>>
      tpu.wait_indirect_dma semaphore(%arg12 : memref<!tpu.dma_semaphore, #tpu.memory_space<semaphore_mem>>) src(%dma_wait3A_169 : memref<10240x128xf32, #tpu.memory_space<hbm>>) dst(%dma_wait3A_163 : memref<64x128xf32, #tpu.memory_space<vmem>>)
      %add3A_170 = arith.constant 2 : i32
      %add3A_171 = arith.addi %add3A_99, %add3A_170 : i32
      %lt3A = arith.constant 40 : i32
      %lt3A_172 = arith.cmpi slt, %add3A_171, %lt3A : i32
      %convert_element_type3A = arith.extui %lt3A_172 : i1 to i32
      %cond3A = arith.constant 0 : i32
      %cond3A_173 = arith.cmpi ne, %convert_element_type3A, %cond3A : i32
      scf.if %cond3A_173 {
        %add3A_177 = arith.constant 2 : i32
        %add3A_178 = arith.addi %add3A_99, %add3A_177 : i32
        %dma_start3A_179 = arith.constant 0 : i32
        %dma_start3A_180 = arith.constant 0 : i32
        %dma_start3A_181 = arith.constant 0 : i32
        %dma_start3A_182 = tpu.memref_slice %arg9[%dma_start3A_179, %dma_start3A_180, %dma_start3A_181] : memref<2x128x128xf32, #tpu.memory_space<vmem>> -> memref<1x64x128xf32, #tpu.memory_space<vmem>>
        %dma_start3A_183 = tpu.memref_squeeze %dma_start3A_182 : memref<1x64x128xf32, #tpu.memory_space<vmem>> -> memref<64x128xf32, #tpu.memory_space<vmem>>
        %dma_start3A_184 = arith.constant 0 : i32
        %dma_start3A_185 = tpu.memref_slice %arg7[%add3A_178, %dma_start3A_184] : memref<40x128xi32, #tpu.memory_space<vmem>> -> memref<1x64xi32, #tpu.memory_space<vmem>>
        %dma_start3A_186 = tpu.memref_squeeze %dma_start3A_185 : memref<1x64xi32, #tpu.memory_space<vmem>> -> memref<64xi32, #tpu.memory_space<vmem>>
        %dma_start3A_187 = arith.constant 0 : i32
        %dma_start3A_188 = arith.constant 0 : i32
        %dma_start3A_189 = tpu.memref_slice %arg2[%dma_start3A_187, %dma_start3A_188] : memref<10240x128xf32, #tpu.memory_space<hbm>> -> memref<10240x128xf32, #tpu.memory_space<hbm>>
        tpu.enqueue_indirect_dma source(%dma_start3A_189 : memref<10240x128xf32, #tpu.memory_space<hbm>>) target(%dma_start3A_183 : memref<64x128xf32, #tpu.memory_space<vmem>>) offsets(%dma_start3A_186 : memref<64xi32, #tpu.memory_space<vmem>>) semaphore(%arg11 : memref<!tpu.dma_semaphore, #tpu.memory_space<semaphore_mem>>)
        %dma_start3A_190 = arith.constant 0 : i32
        %dma_start3A_191 = arith.constant 64 : i32
        %dma_start3A_192 = arith.constant 0 : i32
        %dma_start3A_193 = tpu.memref_slice %arg9[%dma_start3A_190, %dma_start3A_191, %dma_start3A_192] : memref<2x128x128xf32, #tpu.memory_space<vmem>> -> memref<1x64x128xf32, #tpu.memory_space<vmem>>
        %dma_start3A_194 = tpu.memref_squeeze %dma_start3A_193 : memref<1x64x128xf32, #tpu.memory_space<vmem>> -> memref<64x128xf32, #tpu.memory_space<vmem>>
        %dma_start3A_195 = arith.constant 64 : i32
        %dma_start3A_196 = tpu.memref_slice %arg7[%add3A_178, %dma_start3A_195] : memref<40x128xi32, #tpu.memory_space<vmem>> -> memref<1x64xi32, #tpu.memory_space<vmem>>
        %dma_start3A_197 = tpu.memref_squeeze %dma_start3A_196 : memref<1x64xi32, #tpu.memory_space<vmem>> -> memref<64xi32, #tpu.memory_space<vmem>>
        %dma_start3A_198 = arith.constant 0 : i32
        %dma_start3A_199 = arith.constant 0 : i32
        %dma_start3A_200 = tpu.memref_slice %arg2[%dma_start3A_198, %dma_start3A_199] : memref<10240x128xf32, #tpu.memory_space<hbm>> -> memref<10240x128xf32, #tpu.memory_space<hbm>>
        tpu.enqueue_indirect_dma source(%dma_start3A_200 : memref<10240x128xf32, #tpu.memory_space<hbm>>) target(%dma_start3A_194 : memref<64x128xf32, #tpu.memory_space<vmem>>) offsets(%dma_start3A_197 : memref<64xi32, #tpu.memory_space<vmem>>) semaphore(%arg11 : memref<!tpu.dma_semaphore, #tpu.memory_space<semaphore_mem>>)
      } else {
      }
      %add3A_174 = arith.constant 1 : i32
      %add3A_175 = arith.addi %add3A_99, %add3A_174 : i32
      %run_scoped3A_176 = arith.constant 1 : i32
      "tpu.region"() ({
        %run_scoped3A_177 = tpu.sem_alloc : memref<!tpu.dma_semaphore, #tpu.memory_space<semaphore_mem>>
        %dma_start3A_178 = arith.constant 0 : i32
        %dma_start3A_179 = arith.constant 0 : i32
        %dma_start3A_180 = tpu.memref_slice %arg9[%run_scoped3A_176, %dma_start3A_178, %dma_start3A_179] : memref<2x128x128xf32, #tpu.memory_space<vmem>> -> memref<1x128x128xf32, #tpu.memory_space<vmem>>
        %dma_start3A_181 = tpu.memref_squeeze %dma_start3A_180 : memref<1x128x128xf32, #tpu.memory_space<vmem>> -> memref<128x128xf32, #tpu.memory_space<vmem>>
        %dma_start3A_182 = arith.constant 0 : i32
        %dma_start3A_183 = tpu.memref_slice %arg8[%add3A_175, %dma_start3A_182] : memref<40x128xi32, #tpu.memory_space<vmem>> -> memref<1x128xi32, #tpu.memory_space<vmem>>
        %dma_start3A_184 = tpu.memref_squeeze %dma_start3A_183 : memref<1x128xi32, #tpu.memory_space<vmem>> -> memref<128xi32, #tpu.memory_space<vmem>>
        %dma_start3A_185 = arith.constant 0 : i32
        %dma_start3A_186 = arith.constant 0 : i32
        %dma_start3A_187 = tpu.memref_slice %arg10[%dma_start3A_185, %dma_start3A_186] : memref<10240x128xf32, #tpu.memory_space<vmem_shared>> -> memref<10240x128xf32, #tpu.memory_space<vmem_shared>>
        tpu.enqueue_indirect_dma source(%dma_start3A_181 : memref<128x128xf32, #tpu.memory_space<vmem>>) target(%dma_start3A_187 : memref<10240x128xf32, #tpu.memory_space<vmem_shared>>) offsets(%dma_start3A_184 : memref<128xi32, #tpu.memory_space<vmem>>) semaphore(%run_scoped3A_177 : memref<!tpu.dma_semaphore, #tpu.memory_space<semaphore_mem>>) {add = true}
        %dma_wait3A_188 = arith.constant 0 : i32
        %dma_wait3A_189 = arith.constant 0 : i32
        %dma_wait3A_190 = tpu.memref_slice %arg9[%run_scoped3A_176, %dma_wait3A_188, %dma_wait3A_189] : memref<2x128x128xf32, #tpu.memory_space<vmem>> -> memref<1x128x128xf32, #tpu.memory_space<vmem>>
        %dma_wait3A_191 = tpu.memref_squeeze %dma_wait3A_190 : memref<1x128x128xf32, #tpu.memory_space<vmem>> -> memref<128x128xf32, #tpu.memory_space<vmem>>
        %dma_wait3A_192 = arith.constant 0 : i32
        %dma_wait3A_193 = tpu.memref_slice %arg8[%add3A_175, %dma_wait3A_192] : memref<40x128xi32, #tpu.memory_space<vmem>> -> memref<1x128xi32, #tpu.memory_space<vmem>>
        %dma_wait3A_194 = tpu.memref_squeeze %dma_wait3A_193 : memref<1x128xi32, #tpu.memory_space<vmem>> -> memref<128xi32, #tpu.memory_space<vmem>>
        %dma_wait3A_195 = arith.constant 0 : i32
        %dma_wait3A_196 = arith.constant 0 : i32
        %dma_wait3A_197 = tpu.memref_slice %arg10[%dma_wait3A_195, %dma_wait3A_196] : memref<10240x128xf32, #tpu.memory_space<vmem_shared>> -> memref<10240x128xf32, #tpu.memory_space<vmem_shared>>
        tpu.wait_indirect_dma semaphore(%run_scoped3A_177 : memref<!tpu.dma_semaphore, #tpu.memory_space<semaphore_mem>>) src(%dma_wait3A_191 : memref<128x128xf32, #tpu.memory_space<vmem>>) dst(%dma_wait3A_197 : memref<10240x128xf32, #tpu.memory_space<vmem_shared>>)
        tpu.yield
      }) : () -> ()
    }
    %scan3A_56 = arith.constant 20 : i32
    %mul3A_57 = arith.constant 80 : i32
    %mul3A_58 = arith.muli %add3A, %mul3A_57 : i32
    %add3A_59 = arith.constant 40 : i32
    %add3A_60 = arith.addi %mul3A_58, %add3A_59 : i32
    "tpu.region"() ({
      %run_scoped3A_95 = tpu.sem_alloc : memref<!tpu.dma_semaphore, #tpu.memory_space<semaphore_mem>>
      %dma_start3A_96 = arith.constant 0 : i32
      %dma_start3A_97 = tpu.memref_slice %arg3[%add3A_60, %dma_start3A_96] : memref<2560x128xi32, #tpu.memory_space<hbm>> -> memref<40x128xi32, #tpu.memory_space<hbm>>
      %dma_start3A_98 = arith.constant 0 : i32
      %dma_start3A_99 = tpu.memref_slice %arg3[%add3A_60, %dma_start3A_98] : memref<2560x128xi32, #tpu.memory_space<hbm>> -> memref<40x128xi32, #tpu.memory_space<hbm>>
      tpu.enqueue_dma source(%dma_start3A_99 : memref<40x128xi32, #tpu.memory_space<hbm>>) target(%arg7 : memref<40x128xi32, #tpu.memory_space<vmem>>) target_semaphore(%run_scoped3A_95 : memref<!tpu.dma_semaphore, #tpu.memory_space<semaphore_mem>>)
      %dma_wait3A = arith.constant 0 : i32
      %dma_wait3A_100 = tpu.memref_slice %arg3[%add3A_60, %dma_wait3A] : memref<2560x128xi32, #tpu.memory_space<hbm>> -> memref<40x128xi32, #tpu.memory_space<hbm>>
      %dma_wait3A_101 = arith.constant 0 : i32
      %dma_wait3A_102 = tpu.memref_slice %arg3[%add3A_60, %dma_wait3A_101] : memref<2560x128xi32, #tpu.memory_space<hbm>> -> memref<40x128xi32, #tpu.memory_space<hbm>>
      tpu.wait_dma2 semaphore(%run_scoped3A_95 : memref<!tpu.dma_semaphore, #tpu.memory_space<semaphore_mem>>) src(%dma_wait3A_102 : memref<40x128xi32, #tpu.memory_space<hbm>>) dst(%arg7 : memref<40x128xi32, #tpu.memory_space<vmem>>)
      tpu.yield
    }) : () -> ()
    "tpu.region"() ({
      %run_scoped3A_95 = tpu.sem_alloc : memref<!tpu.dma_semaphore, #tpu.memory_space<semaphore_mem>>
      %dma_start3A_96 = arith.constant 0 : i32
      %dma_start3A_97 = tpu.memref_slice %arg4[%add3A_60, %dma_start3A_96] : memref<2560x128xi32, #tpu.memory_space<hbm>> -> memref<40x128xi32, #tpu.memory_space<hbm>>
      %dma_start3A_98 = arith.constant 0 : i32
      %dma_start3A_99 = tpu.memref_slice %arg4[%add3A_60, %dma_start3A_98] : memref<2560x128xi32, #tpu.memory_space<hbm>> -> memref<40x128xi32, #tpu.memory_space<hbm>>
      tpu.enqueue_dma source(%dma_start3A_99 : memref<40x128xi32, #tpu.memory_space<hbm>>) target(%arg8 : memref<40x128xi32, #tpu.memory_space<vmem>>) target_semaphore(%run_scoped3A_95 : memref<!tpu.dma_semaphore, #tpu.memory_space<semaphore_mem>>)
      %dma_wait3A = arith.constant 0 : i32
      %dma_wait3A_100 = tpu.memref_slice %arg4[%add3A_60, %dma_wait3A] : memref<2560x128xi32, #tpu.memory_space<hbm>> -> memref<40x128xi32, #tpu.memory_space<hbm>>
      %dma_wait3A_101 = arith.constant 0 : i32
      %dma_wait3A_102 = tpu.memref_slice %arg4[%add3A_60, %dma_wait3A_101] : memref<2560x128xi32, #tpu.memory_space<hbm>> -> memref<40x128xi32, #tpu.memory_space<hbm>>
      tpu.wait_dma2 semaphore(%run_scoped3A_95 : memref<!tpu.dma_semaphore, #tpu.memory_space<semaphore_mem>>) src(%dma_wait3A_102 : memref<40x128xi32, #tpu.memory_space<hbm>>) dst(%arg8 : memref<40x128xi32, #tpu.memory_space<vmem>>)
      tpu.yield
    }) : () -> ()
    %dma_start3A_61 = arith.constant 0 : i32
    %dma_start3A_62 = arith.constant 0 : i32
    %dma_start3A_63 = arith.constant 0 : i32
    %dma_start3A_64 = arith.constant 0 : i32
    %dma_start3A_65 = tpu.memref_slice %arg9[%dma_start3A_62, %dma_start3A_63, %dma_start3A_64] : memref<2x128x128xf32, #tpu.memory_space<vmem>> -> memref<1x64x128xf32, #tpu.memory_space<vmem>>
    %dma_start3A_66 = tpu.memref_squeeze %dma_start3A_65 : memref<1x64x128xf32, #tpu.memory_space<vmem>> -> memref<64x128xf32, #tpu.memory_space<vmem>>
    %dma_start3A_67 = arith.constant 0 : i32
    %dma_start3A_68 = tpu.memref_slice %arg7[%dma_start3A_61, %dma_start3A_67] : memref<40x128xi32, #tpu.memory_space<vmem>> -> memref<1x64xi32, #tpu.memory_space<vmem>>
    %dma_start3A_69 = tpu.memref_squeeze %dma_start3A_68 : memref<1x64xi32, #tpu.memory_space<vmem>> -> memref<64xi32, #tpu.memory_space<vmem>>
    %dma_start3A_70 = arith.constant 0 : i32
    %dma_start3A_71 = arith.constant 0 : i32
    %dma_start3A_72 = tpu.memref_slice %arg2[%dma_start3A_70, %dma_start3A_71] : memref<10240x128xf32, #tpu.memory_space<hbm>> -> memref<10240x128xf32, #tpu.memory_space<hbm>>
    tpu.enqueue_indirect_dma source(%dma_start3A_72 : memref<10240x128xf32, #tpu.memory_space<hbm>>) target(%dma_start3A_66 : memref<64x128xf32, #tpu.memory_space<vmem>>) offsets(%dma_start3A_69 : memref<64xi32, #tpu.memory_space<vmem>>) semaphore(%arg11 : memref<!tpu.dma_semaphore, #tpu.memory_space<semaphore_mem>>)
    %dma_start3A_73 = arith.constant 0 : i32
    %dma_start3A_74 = arith.constant 0 : i32
    %dma_start3A_75 = arith.constant 64 : i32
    %dma_start3A_76 = arith.constant 0 : i32
    %dma_start3A_77 = tpu.memref_slice %arg9[%dma_start3A_74, %dma_start3A_75, %dma_start3A_76] : memref<2x128x128xf32, #tpu.memory_space<vmem>> -> memref<1x64x128xf32, #tpu.memory_space<vmem>>
    %dma_start3A_78 = tpu.memref_squeeze %dma_start3A_77 : memref<1x64x128xf32, #tpu.memory_space<vmem>> -> memref<64x128xf32, #tpu.memory_space<vmem>>
    %dma_start3A_79 = arith.constant 64 : i32
    %dma_start3A_80 = tpu.memref_slice %arg7[%dma_start3A_73, %dma_start3A_79] : memref<40x128xi32, #tpu.memory_space<vmem>> -> memref<1x64xi32, #tpu.memory_space<vmem>>
    %dma_start3A_81 = tpu.memref_squeeze %dma_start3A_80 : memref<1x64xi32, #tpu.memory_space<vmem>> -> memref<64xi32, #tpu.memory_space<vmem>>
    %dma_start3A_82 = arith.constant 0 : i32
    %dma_start3A_83 = arith.constant 0 : i32
    %dma_start3A_84 = tpu.memref_slice %arg2[%dma_start3A_82, %dma_start3A_83] : memref<10240x128xf32, #tpu.memory_space<hbm>> -> memref<10240x128xf32, #tpu.memory_space<hbm>>
    tpu.enqueue_indirect_dma source(%dma_start3A_84 : memref<10240x128xf32, #tpu.memory_space<hbm>>) target(%dma_start3A_78 : memref<64x128xf32, #tpu.memory_space<vmem>>) offsets(%dma_start3A_81 : memref<64xi32, #tpu.memory_space<vmem>>) semaphore(%arg11 : memref<!tpu.dma_semaphore, #tpu.memory_space<semaphore_mem>>)
    %scan3A_85 = arith.constant 0 : i32
    %scan3A_86 = arith.constant 20 : i32
    %scan3A_87 = arith.addi %scan3A_85, %scan3A_86 : i32
    %scan3A_88 = arith.constant 1 : i32
    scf.for %scan3A_95 = %scan3A_85 to %scan3A_87 step %scan3A_88  : i32 {
      %mul3A_96 = arith.constant 2 : i32
      %mul3A_97 = arith.muli %scan3A_95, %mul3A_96 : i32
      %add3A_98 = arith.constant 0 : i32
      %add3A_99 = arith.addi %add3A_98, %mul3A_97 : i32
      %dma_wait3A = arith.constant 0 : i32
      %dma_wait3A_100 = arith.constant 0 : i32
      %dma_wait3A_101 = arith.constant 0 : i32
      %dma_wait3A_102 = tpu.memref_slice %arg9[%dma_wait3A, %dma_wait3A_100, %dma_wait3A_101] : memref<2x128x128xf32, #tpu.memory_space<vmem>> -> memref<1x64x128xf32, #tpu.memory_space<vmem>>
      %dma_wait3A_103 = tpu.memref_squeeze %dma_wait3A_102 : memref<1x64x128xf32, #tpu.memory_space<vmem>> -> memref<64x128xf32, #tpu.memory_space<vmem>>
      %dma_wait3A_104 = arith.constant 0 : i32
      %dma_wait3A_105 = tpu.memref_slice %arg7[%add3A_99, %dma_wait3A_104] : memref<40x128xi32, #tpu.memory_space<vmem>> -> memref<1x64xi32, #tpu.memory_space<vmem>>
      %dma_wait3A_106 = tpu.memref_squeeze %dma_wait3A_105 : memref<1x64xi32, #tpu.memory_space<vmem>> -> memref<64xi32, #tpu.memory_space<vmem>>
      %dma_wait3A_107 = arith.constant 0 : i32
      %dma_wait3A_108 = arith.constant 0 : i32
      %dma_wait3A_109 = tpu.memref_slice %arg2[%dma_wait3A_107, %dma_wait3A_108] : memref<10240x128xf32, #tpu.memory_space<hbm>> -> memref<10240x128xf32, #tpu.memory_space<hbm>>
      tpu.wait_indirect_dma semaphore(%arg11 : memref<!tpu.dma_semaphore, #tpu.memory_space<semaphore_mem>>) src(%dma_wait3A_109 : memref<10240x128xf32, #tpu.memory_space<hbm>>) dst(%dma_wait3A_103 : memref<64x128xf32, #tpu.memory_space<vmem>>)
      %dma_wait3A_110 = arith.constant 0 : i32
      %dma_wait3A_111 = arith.constant 64 : i32
      %dma_wait3A_112 = arith.constant 0 : i32
      %dma_wait3A_113 = tpu.memref_slice %arg9[%dma_wait3A_110, %dma_wait3A_111, %dma_wait3A_112] : memref<2x128x128xf32, #tpu.memory_space<vmem>> -> memref<1x64x128xf32, #tpu.memory_space<vmem>>
      %dma_wait3A_114 = tpu.memref_squeeze %dma_wait3A_113 : memref<1x64x128xf32, #tpu.memory_space<vmem>> -> memref<64x128xf32, #tpu.memory_space<vmem>>
      %dma_wait3A_115 = arith.constant 64 : i32
      %dma_wait3A_116 = tpu.memref_slice %arg7[%add3A_99, %dma_wait3A_115] : memref<40x128xi32, #tpu.memory_space<vmem>> -> memref<1x64xi32, #tpu.memory_space<vmem>>
      %dma_wait3A_117 = tpu.memref_squeeze %dma_wait3A_116 : memref<1x64xi32, #tpu.memory_space<vmem>> -> memref<64xi32, #tpu.memory_space<vmem>>
      %dma_wait3A_118 = arith.constant 0 : i32
      %dma_wait3A_119 = arith.constant 0 : i32
      %dma_wait3A_120 = tpu.memref_slice %arg2[%dma_wait3A_118, %dma_wait3A_119] : memref<10240x128xf32, #tpu.memory_space<hbm>> -> memref<10240x128xf32, #tpu.memory_space<hbm>>
      tpu.wait_indirect_dma semaphore(%arg11 : memref<!tpu.dma_semaphore, #tpu.memory_space<semaphore_mem>>) src(%dma_wait3A_120 : memref<10240x128xf32, #tpu.memory_space<hbm>>) dst(%dma_wait3A_114 : memref<64x128xf32, #tpu.memory_space<vmem>>)
      %add3A_121 = arith.constant 1 : i32
      %add3A_122 = arith.addi %add3A_99, %add3A_121 : i32
      %dma_start3A_123 = arith.constant 1 : i32
      %dma_start3A_124 = arith.constant 0 : i32
      %dma_start3A_125 = arith.constant 0 : i32
      %dma_start3A_126 = tpu.memref_slice %arg9[%dma_start3A_123, %dma_start3A_124, %dma_start3A_125] : memref<2x128x128xf32, #tpu.memory_space<vmem>> -> memref<1x64x128xf32, #tpu.memory_space<vmem>>
      %dma_start3A_127 = tpu.memref_squeeze %dma_start3A_126 : memref<1x64x128xf32, #tpu.memory_space<vmem>> -> memref<64x128xf32, #tpu.memory_space<vmem>>
      %dma_start3A_128 = arith.constant 0 : i32
      %dma_start3A_129 = tpu.memref_slice %arg7[%add3A_122, %dma_start3A_128] : memref<40x128xi32, #tpu.memory_space<vmem>> -> memref<1x64xi32, #tpu.memory_space<vmem>>
      %dma_start3A_130 = tpu.memref_squeeze %dma_start3A_129 : memref<1x64xi32, #tpu.memory_space<vmem>> -> memref<64xi32, #tpu.memory_space<vmem>>
      %dma_start3A_131 = arith.constant 0 : i32
      %dma_start3A_132 = arith.constant 0 : i32
      %dma_start3A_133 = tpu.memref_slice %arg2[%dma_start3A_131, %dma_start3A_132] : memref<10240x128xf32, #tpu.memory_space<hbm>> -> memref<10240x128xf32, #tpu.memory_space<hbm>>
      tpu.enqueue_indirect_dma source(%dma_start3A_133 : memref<10240x128xf32, #tpu.memory_space<hbm>>) target(%dma_start3A_127 : memref<64x128xf32, #tpu.memory_space<vmem>>) offsets(%dma_start3A_130 : memref<64xi32, #tpu.memory_space<vmem>>) semaphore(%arg12 : memref<!tpu.dma_semaphore, #tpu.memory_space<semaphore_mem>>)
      %dma_start3A_134 = arith.constant 1 : i32
      %dma_start3A_135 = arith.constant 64 : i32
      %dma_start3A_136 = arith.constant 0 : i32
      %dma_start3A_137 = tpu.memref_slice %arg9[%dma_start3A_134, %dma_start3A_135, %dma_start3A_136] : memref<2x128x128xf32, #tpu.memory_space<vmem>> -> memref<1x64x128xf32, #tpu.memory_space<vmem>>
      %dma_start3A_138 = tpu.memref_squeeze %dma_start3A_137 : memref<1x64x128xf32, #tpu.memory_space<vmem>> -> memref<64x128xf32, #tpu.memory_space<vmem>>
      %dma_start3A_139 = arith.constant 64 : i32
      %dma_start3A_140 = tpu.memref_slice %arg7[%add3A_122, %dma_start3A_139] : memref<40x128xi32, #tpu.memory_space<vmem>> -> memref<1x64xi32, #tpu.memory_space<vmem>>
      %dma_start3A_141 = tpu.memref_squeeze %dma_start3A_140 : memref<1x64xi32, #tpu.memory_space<vmem>> -> memref<64xi32, #tpu.memory_space<vmem>>
      %dma_start3A_142 = arith.constant 0 : i32
      %dma_start3A_143 = arith.constant 0 : i32
      %dma_start3A_144 = tpu.memref_slice %arg2[%dma_start3A_142, %dma_start3A_143] : memref<10240x128xf32, #tpu.memory_space<hbm>> -> memref<10240x128xf32, #tpu.memory_space<hbm>>
      tpu.enqueue_indirect_dma source(%dma_start3A_144 : memref<10240x128xf32, #tpu.memory_space<hbm>>) target(%dma_start3A_138 : memref<64x128xf32, #tpu.memory_space<vmem>>) offsets(%dma_start3A_141 : memref<64xi32, #tpu.memory_space<vmem>>) semaphore(%arg12 : memref<!tpu.dma_semaphore, #tpu.memory_space<semaphore_mem>>)
      %run_scoped3A_145 = arith.constant 0 : i32
      "tpu.region"() ({
        %run_scoped3A_177 = tpu.sem_alloc : memref<!tpu.dma_semaphore, #tpu.memory_space<semaphore_mem>>
        %dma_start3A_178 = arith.constant 0 : i32
        %dma_start3A_179 = arith.constant 0 : i32
        %dma_start3A_180 = tpu.memref_slice %arg9[%run_scoped3A_145, %dma_start3A_178, %dma_start3A_179] : memref<2x128x128xf32, #tpu.memory_space<vmem>> -> memref<1x128x128xf32, #tpu.memory_space<vmem>>
        %dma_start3A_181 = tpu.memref_squeeze %dma_start3A_180 : memref<1x128x128xf32, #tpu.memory_space<vmem>> -> memref<128x128xf32, #tpu.memory_space<vmem>>
        %dma_start3A_182 = arith.constant 0 : i32
        %dma_start3A_183 = tpu.memref_slice %arg8[%add3A_99, %dma_start3A_182] : memref<40x128xi32, #tpu.memory_space<vmem>> -> memref<1x128xi32, #tpu.memory_space<vmem>>
        %dma_start3A_184 = tpu.memref_squeeze %dma_start3A_183 : memref<1x128xi32, #tpu.memory_space<vmem>> -> memref<128xi32, #tpu.memory_space<vmem>>
        %dma_start3A_185 = arith.constant 0 : i32
        %dma_start3A_186 = arith.constant 0 : i32
        %dma_start3A_187 = tpu.memref_slice %arg10[%dma_start3A_185, %dma_start3A_186] : memref<10240x128xf32, #tpu.memory_space<vmem_shared>> -> memref<10240x128xf32, #tpu.memory_space<vmem_shared>>
        tpu.enqueue_indirect_dma source(%dma_start3A_181 : memref<128x128xf32, #tpu.memory_space<vmem>>) target(%dma_start3A_187 : memref<10240x128xf32, #tpu.memory_space<vmem_shared>>) offsets(%dma_start3A_184 : memref<128xi32, #tpu.memory_space<vmem>>) semaphore(%run_scoped3A_177 : memref<!tpu.dma_semaphore, #tpu.memory_space<semaphore_mem>>) {add = true}
        %dma_wait3A_188 = arith.constant 0 : i32
        %dma_wait3A_189 = arith.constant 0 : i32
        %dma_wait3A_190 = tpu.memref_slice %arg9[%run_scoped3A_145, %dma_wait3A_188, %dma_wait3A_189] : memref<2x128x128xf32, #tpu.memory_space<vmem>> -> memref<1x128x128xf32, #tpu.memory_space<vmem>>
        %dma_wait3A_191 = tpu.memref_squeeze %dma_wait3A_190 : memref<1x128x128xf32, #tpu.memory_space<vmem>> -> memref<128x128xf32, #tpu.memory_space<vmem>>
        %dma_wait3A_192 = arith.constant 0 : i32
        %dma_wait3A_193 = tpu.memref_slice %arg8[%add3A_99, %dma_wait3A_192] : memref<40x128xi32, #tpu.memory_space<vmem>> -> memref<1x128xi32, #tpu.memory_space<vmem>>
        %dma_wait3A_194 = tpu.memref_squeeze %dma_wait3A_193 : memref<1x128xi32, #tpu.memory_space<vmem>> -> memref<128xi32, #tpu.memory_space<vmem>>
        %dma_wait3A_195 = arith.constant 0 : i32
        %dma_wait3A_196 = arith.constant 0 : i32
        %dma_wait3A_197 = tpu.memref_slice %arg10[%dma_wait3A_195, %dma_wait3A_196] : memref<10240x128xf32, #tpu.memory_space<vmem_shared>> -> memref<10240x128xf32, #tpu.memory_space<vmem_shared>>
        tpu.wait_indirect_dma semaphore(%run_scoped3A_177 : memref<!tpu.dma_semaphore, #tpu.memory_space<semaphore_mem>>) src(%dma_wait3A_191 : memref<128x128xf32, #tpu.memory_space<vmem>>) dst(%dma_wait3A_197 : memref<10240x128xf32, #tpu.memory_space<vmem_shared>>)
        tpu.yield
      }) : () -> ()
      %add3A_146 = arith.constant 1 : i32
      %add3A_147 = arith.addi %add3A_99, %add3A_146 : i32
      %dma_wait3A_148 = arith.constant 1 : i32
      %dma_wait3A_149 = arith.constant 0 : i32
      %dma_wait3A_150 = arith.constant 0 : i32
      %dma_wait3A_151 = tpu.memref_slice %arg9[%dma_wait3A_148, %dma_wait3A_149, %dma_wait3A_150] : memref<2x128x128xf32, #tpu.memory_space<vmem>> -> memref<1x64x128xf32, #tpu.memory_space<vmem>>
      %dma_wait3A_152 = tpu.memref_squeeze %dma_wait3A_151 : memref<1x64x128xf32, #tpu.memory_space<vmem>> -> memref<64x128xf32, #tpu.memory_space<vmem>>
      %dma_wait3A_153 = arith.constant 0 : i32
      %dma_wait3A_154 = tpu.memref_slice %arg7[%add3A_147, %dma_wait3A_153] : memref<40x128xi32, #tpu.memory_space<vmem>> -> memref<1x64xi32, #tpu.memory_space<vmem>>
      %dma_wait3A_155 = tpu.memref_squeeze %dma_wait3A_154 : memref<1x64xi32, #tpu.memory_space<vmem>> -> memref<64xi32, #tpu.memory_space<vmem>>
      %dma_wait3A_156 = arith.constant 0 : i32
      %dma_wait3A_157 = arith.constant 0 : i32
      %dma_wait3A_158 = tpu.memref_slice %arg2[%dma_wait3A_156, %dma_wait3A_157] : memref<10240x128xf32, #tpu.memory_space<hbm>> -> memref<10240x128xf32, #tpu.memory_space<hbm>>
      tpu.wait_indirect_dma semaphore(%arg12 : memref<!tpu.dma_semaphore, #tpu.memory_space<semaphore_mem>>) src(%dma_wait3A_158 : memref<10240x128xf32, #tpu.memory_space<hbm>>) dst(%dma_wait3A_152 : memref<64x128xf32, #tpu.memory_space<vmem>>)
      %dma_wait3A_159 = arith.constant 1 : i32
      %dma_wait3A_160 = arith.constant 64 : i32
      %dma_wait3A_161 = arith.constant 0 : i32
      %dma_wait3A_162 = tpu.memref_slice %arg9[%dma_wait3A_159, %dma_wait3A_160, %dma_wait3A_161] : memref<2x128x128xf32, #tpu.memory_space<vmem>> -> memref<1x64x128xf32, #tpu.memory_space<vmem>>
      %dma_wait3A_163 = tpu.memref_squeeze %dma_wait3A_162 : memref<1x64x128xf32, #tpu.memory_space<vmem>> -> memref<64x128xf32, #tpu.memory_space<vmem>>
      %dma_wait3A_164 = arith.constant 64 : i32
      %dma_wait3A_165 = tpu.memref_slice %arg7[%add3A_147, %dma_wait3A_164] : memref<40x128xi32, #tpu.memory_space<vmem>> -> memref<1x64xi32, #tpu.memory_space<vmem>>
      %dma_wait3A_166 = tpu.memref_squeeze %dma_wait3A_165 : memref<1x64xi32, #tpu.memory_space<vmem>> -> memref<64xi32, #tpu.memory_space<vmem>>
      %dma_wait3A_167 = arith.constant 0 : i32
      %dma_wait3A_168 = arith.constant 0 : i32
      %dma_wait3A_169 = tpu.memref_slice %arg2[%dma_wait3A_167, %dma_wait3A_168] : memref<10240x128xf32, #tpu.memory_space<hbm>> -> memref<10240x128xf32, #tpu.memory_space<hbm>>
      tpu.wait_indirect_dma semaphore(%arg12 : memref<!tpu.dma_semaphore, #tpu.memory_space<semaphore_mem>>) src(%dma_wait3A_169 : memref<10240x128xf32, #tpu.memory_space<hbm>>) dst(%dma_wait3A_163 : memref<64x128xf32, #tpu.memory_space<vmem>>)
      %add3A_170 = arith.constant 2 : i32
      %add3A_171 = arith.addi %add3A_99, %add3A_170 : i32
      %lt3A = arith.constant 40 : i32
      %lt3A_172 = arith.cmpi slt, %add3A_171, %lt3A : i32
      %convert_element_type3A = arith.extui %lt3A_172 : i1 to i32
      %cond3A = arith.constant 0 : i32
      %cond3A_173 = arith.cmpi ne, %convert_element_type3A, %cond3A : i32
      scf.if %cond3A_173 {
        %add3A_177 = arith.constant 2 : i32
        %add3A_178 = arith.addi %add3A_99, %add3A_177 : i32
        %dma_start3A_179 = arith.constant 0 : i32
        %dma_start3A_180 = arith.constant 0 : i32
        %dma_start3A_181 = arith.constant 0 : i32
        %dma_start3A_182 = tpu.memref_slice %arg9[%dma_start3A_179, %dma_start3A_180, %dma_start3A_181] : memref<2x128x128xf32, #tpu.memory_space<vmem>> -> memref<1x64x128xf32, #tpu.memory_space<vmem>>
        %dma_start3A_183 = tpu.memref_squeeze %dma_start3A_182 : memref<1x64x128xf32, #tpu.memory_space<vmem>> -> memref<64x128xf32, #tpu.memory_space<vmem>>
        %dma_start3A_184 = arith.constant 0 : i32
        %dma_start3A_185 = tpu.memref_slice %arg7[%add3A_178, %dma_start3A_184] : memref<40x128xi32, #tpu.memory_space<vmem>> -> memref<1x64xi32, #tpu.memory_space<vmem>>
        %dma_start3A_186 = tpu.memref_squeeze %dma_start3A_185 : memref<1x64xi32, #tpu.memory_space<vmem>> -> memref<64xi32, #tpu.memory_space<vmem>>
        %dma_start3A_187 = arith.constant 0 : i32
        %dma_start3A_188 = arith.constant 0 : i32
        %dma_start3A_189 = tpu.memref_slice %arg2[%dma_start3A_187, %dma_start3A_188] : memref<10240x128xf32, #tpu.memory_space<hbm>> -> memref<10240x128xf32, #tpu.memory_space<hbm>>
        tpu.enqueue_indirect_dma source(%dma_start3A_189 : memref<10240x128xf32, #tpu.memory_space<hbm>>) target(%dma_start3A_183 : memref<64x128xf32, #tpu.memory_space<vmem>>) offsets(%dma_start3A_186 : memref<64xi32, #tpu.memory_space<vmem>>) semaphore(%arg11 : memref<!tpu.dma_semaphore, #tpu.memory_space<semaphore_mem>>)
        %dma_start3A_190 = arith.constant 0 : i32
        %dma_start3A_191 = arith.constant 64 : i32
        %dma_start3A_192 = arith.constant 0 : i32
        %dma_start3A_193 = tpu.memref_slice %arg9[%dma_start3A_190, %dma_start3A_191, %dma_start3A_192] : memref<2x128x128xf32, #tpu.memory_space<vmem>> -> memref<1x64x128xf32, #tpu.memory_space<vmem>>
        %dma_start3A_194 = tpu.memref_squeeze %dma_start3A_193 : memref<1x64x128xf32, #tpu.memory_space<vmem>> -> memref<64x128xf32, #tpu.memory_space<vmem>>
        %dma_start3A_195 = arith.constant 64 : i32
        %dma_start3A_196 = tpu.memref_slice %arg7[%add3A_178, %dma_start3A_195] : memref<40x128xi32, #tpu.memory_space<vmem>> -> memref<1x64xi32, #tpu.memory_space<vmem>>
        %dma_start3A_197 = tpu.memref_squeeze %dma_start3A_196 : memref<1x64xi32, #tpu.memory_space<vmem>> -> memref<64xi32, #tpu.memory_space<vmem>>
        %dma_start3A_198 = arith.constant 0 : i32
        %dma_start3A_199 = arith.constant 0 : i32
        %dma_start3A_200 = tpu.memref_slice %arg2[%dma_start3A_198, %dma_start3A_199] : memref<10240x128xf32, #tpu.memory_space<hbm>> -> memref<10240x128xf32, #tpu.memory_space<hbm>>
        tpu.enqueue_indirect_dma source(%dma_start3A_200 : memref<10240x128xf32, #tpu.memory_space<hbm>>) target(%dma_start3A_194 : memref<64x128xf32, #tpu.memory_space<vmem>>) offsets(%dma_start3A_197 : memref<64xi32, #tpu.memory_space<vmem>>) semaphore(%arg11 : memref<!tpu.dma_semaphore, #tpu.memory_space<semaphore_mem>>)
      } else {
      }
      %add3A_174 = arith.constant 1 : i32
      %add3A_175 = arith.addi %add3A_99, %add3A_174 : i32
      %run_scoped3A_176 = arith.constant 1 : i32
      "tpu.region"() ({
        %run_scoped3A_177 = tpu.sem_alloc : memref<!tpu.dma_semaphore, #tpu.memory_space<semaphore_mem>>
        %dma_start3A_178 = arith.constant 0 : i32
        %dma_start3A_179 = arith.constant 0 : i32
        %dma_start3A_180 = tpu.memref_slice %arg9[%run_scoped3A_176, %dma_start3A_178, %dma_start3A_179] : memref<2x128x128xf32, #tpu.memory_space<vmem>> -> memref<1x128x128xf32, #tpu.memory_space<vmem>>
        %dma_start3A_181 = tpu.memref_squeeze %dma_start3A_180 : memref<1x128x128xf32, #tpu.memory_space<vmem>> -> memref<128x128xf32, #tpu.memory_space<vmem>>
        %dma_start3A_182 = arith.constant 0 : i32
        %dma_start3A_183 = tpu.memref_slice %arg8[%add3A_175, %dma_start3A_182] : memref<40x128xi32, #tpu.memory_space<vmem>> -> memref<1x128xi32, #tpu.memory_space<vmem>>
        %dma_start3A_184 = tpu.memref_squeeze %dma_start3A_183 : memref<1x128xi32, #tpu.memory_space<vmem>> -> memref<128xi32, #tpu.memory_space<vmem>>
        %dma_start3A_185 = arith.constant 0 : i32
        %dma_start3A_186 = arith.constant 0 : i32
        %dma_start3A_187 = tpu.memref_slice %arg10[%dma_start3A_185, %dma_start3A_186] : memref<10240x128xf32, #tpu.memory_space<vmem_shared>> -> memref<10240x128xf32, #tpu.memory_space<vmem_shared>>
        tpu.enqueue_indirect_dma source(%dma_start3A_181 : memref<128x128xf32, #tpu.memory_space<vmem>>) target(%dma_start3A_187 : memref<10240x128xf32, #tpu.memory_space<vmem_shared>>) offsets(%dma_start3A_184 : memref<128xi32, #tpu.memory_space<vmem>>) semaphore(%run_scoped3A_177 : memref<!tpu.dma_semaphore, #tpu.memory_space<semaphore_mem>>) {add = true}
        %dma_wait3A_188 = arith.constant 0 : i32
        %dma_wait3A_189 = arith.constant 0 : i32
        %dma_wait3A_190 = tpu.memref_slice %arg9[%run_scoped3A_176, %dma_wait3A_188, %dma_wait3A_189] : memref<2x128x128xf32, #tpu.memory_space<vmem>> -> memref<1x128x128xf32, #tpu.memory_space<vmem>>
        %dma_wait3A_191 = tpu.memref_squeeze %dma_wait3A_190 : memref<1x128x128xf32, #tpu.memory_space<vmem>> -> memref<128x128xf32, #tpu.memory_space<vmem>>
        %dma_wait3A_192 = arith.constant 0 : i32
        %dma_wait3A_193 = tpu.memref_slice %arg8[%add3A_175, %dma_wait3A_192] : memref<40x128xi32, #tpu.memory_space<vmem>> -> memref<1x128xi32, #tpu.memory_space<vmem>>
        %dma_wait3A_194 = tpu.memref_squeeze %dma_wait3A_193 : memref<1x128xi32, #tpu.memory_space<vmem>> -> memref<128xi32, #tpu.memory_space<vmem>>
        %dma_wait3A_195 = arith.constant 0 : i32
        %dma_wait3A_196 = arith.constant 0 : i32
        %dma_wait3A_197 = tpu.memref_slice %arg10[%dma_wait3A_195, %dma_wait3A_196] : memref<10240x128xf32, #tpu.memory_space<vmem_shared>> -> memref<10240x128xf32, #tpu.memory_space<vmem_shared>>
        tpu.wait_indirect_dma semaphore(%run_scoped3A_177 : memref<!tpu.dma_semaphore, #tpu.memory_space<semaphore_mem>>) src(%dma_wait3A_191 : memref<128x128xf32, #tpu.memory_space<vmem>>) dst(%dma_wait3A_197 : memref<10240x128xf32, #tpu.memory_space<vmem_shared>>)
        tpu.yield
      }) : () -> ()
    }
    %scan3A_89 = arith.constant 20 : i32
    %barrier3A_90 = arith.constant 0 : index
    tpu.barrier barrier_id(%barrier3A_90)
    %mul3A_91 = arith.constant 640 : i32
    %mul3A_92 = arith.muli %arg1, %mul3A_91 : i32
    %mul3A_93 = arith.constant 640 : i32
    %mul3A_94 = arith.muli %arg1, %mul3A_93 : i32
    "tpu.region"() ({
      %run_scoped3A_95 = tpu.sem_alloc : memref<!tpu.dma_semaphore, #tpu.memory_space<semaphore_mem>>
      %dma_start3A_96 = arith.constant 0 : i32
      %dma_start3A_97 = tpu.memref_slice %arg6[%arg0, %mul3A_94, %dma_start3A_96] : memref<2x10240x128xf32, #tpu.memory_space<hbm>> -> memref<1x640x128xf32, #tpu.memory_space<hbm>>
      %dma_start3A_98 = tpu.memref_squeeze %dma_start3A_97 : memref<1x640x128xf32, #tpu.memory_space<hbm>> -> memref<640x128xf32, #tpu.memory_space<hbm>>
      %dma_start3A_99 = arith.constant 0 : i32
      %dma_start3A_100 = tpu.memref_slice %arg10[%mul3A_92, %dma_start3A_99] : memref<10240x128xf32, #tpu.memory_space<vmem_shared>> -> memref<640x128xf32, #tpu.memory_space<vmem_shared>>
      tpu.enqueue_dma source(%dma_start3A_100 : memref<640x128xf32, #tpu.memory_space<vmem_shared>>) target(%dma_start3A_98 : memref<640x128xf32, #tpu.memory_space<hbm>>) target_semaphore(%run_scoped3A_95 : memref<!tpu.dma_semaphore, #tpu.memory_space<semaphore_mem>>)
      %dma_wait3A = arith.constant 0 : i32
      %dma_wait3A_101 = tpu.memref_slice %arg6[%arg0, %mul3A_94, %dma_wait3A] : memref<2x10240x128xf32, #tpu.memory_space<hbm>> -> memref<1x640x128xf32, #tpu.memory_space<hbm>>
      %dma_wait3A_102 = tpu.memref_squeeze %dma_wait3A_101 : memref<1x640x128xf32, #tpu.memory_space<hbm>> -> memref<640x128xf32, #tpu.memory_space<hbm>>
      %dma_wait3A_103 = arith.constant 0 : i32
      %dma_wait3A_104 = tpu.memref_slice %arg10[%mul3A_92, %dma_wait3A_103] : memref<10240x128xf32, #tpu.memory_space<vmem_shared>> -> memref<640x128xf32, #tpu.memory_space<vmem_shared>>
      tpu.wait_dma2 semaphore(%run_scoped3A_95 : memref<!tpu.dma_semaphore, #tpu.memory_space<semaphore_mem>>) src(%dma_wait3A_104 : memref<640x128xf32, #tpu.memory_space<vmem_shared>>) dst(%dma_wait3A_102 : memref<640x128xf32, #tpu.memory_space<hbm>>)
      tpu.yield
    }) : () -> ()
    return
  }
}

#map = affine_map<(d0, d1) -> (0, 0)>
#map1 = affine_map<(d0, d1) -> (0, 0, 0)>
module attributes {stable_mosaic.version = 14 : i64} {
  func.func @agg_kernel(%arg0: i32, %arg1: i32, %arg2: memref<10240x128xf32, #tpu.memory_space<hbm>>, %arg3: memref<2560x128xi32, #tpu.memory_space<hbm>>, %arg4: memref<2560x128xi32, #tpu.memory_space<hbm>>, %arg5: memref<128x128xf32, #tpu.memory_space<hbm>>, %arg6: memref<2x10240x128xf32, #tpu.memory_space<hbm>>, %arg7: memref<40x128xi32, #tpu.memory_space<vmem>>, %arg8: memref<40x128xi32, #tpu.memory_space<vmem>>, %arg9: memref<2x128x128xf32, #tpu.memory_space<vmem>>, %arg10: memref<10240x128xf32, #tpu.memory_space<vmem_shared>>, %arg11: memref<!tpu.dma_semaphore, #tpu.memory_space<semaphore_mem>>, %arg12: memref<!tpu.dma_semaphore, #tpu.memory_space<semaphore_mem>>) attributes {dimension_semantics = [#tpu.dimension_semantics<core_parallel>, #tpu.dimension_semantics<subcore_parallel>], iteration_bounds = array<i64: 2, 16>, scalar_prefetch = 0 : i64, scratch_operands = 6 : i64, tpu.core_type = #tpu.core_type<sc_vector_subcore>, window_params = [{transform_indices = #map}, {transform_indices = #map}, {transform_indices = #map}, {transform_indices = #map}, {transform_indices = #map1}]} {
    %mul3A = arith.constant 2 : i32
    %mul3A_0 = arith.muli %arg1, %mul3A : i32
    %add3A = arith.addi %mul3A_0, %arg0 : i32
    %run_scoped3A = arith.constant 0 : i32
    "tpu.region"() ({
      %run_scoped3A_95 = tpu.sem_alloc : memref<!tpu.dma_semaphore, #tpu.memory_space<semaphore_mem>>
      %dma_start3A_96 = arith.constant 0 : i32
      %dma_start3A_97 = arith.constant 0 : i32
      %dma_start3A_98 = tpu.memref_slice %arg9[%run_scoped3A, %dma_start3A_96, %dma_start3A_97] : memref<2x128x128xf32, #tpu.memory_space<vmem>> -> memref<1x128x128xf32, #tpu.memory_space<vmem>>
      %dma_start3A_99 = tpu.memref_squeeze %dma_start3A_98 : memref<1x128x128xf32, #tpu.memory_space<vmem>> -> memref<128x128xf32, #tpu.memory_space<vmem>>
      %dma_start3A_100 = arith.constant 0 : i32
      %dma_start3A_101 = arith.constant 0 : i32
      %dma_start3A_102 = tpu.memref_slice %arg9[%run_scoped3A, %dma_start3A_100, %dma_start3A_101] : memref<2x128x128xf32, #tpu.memory_space<vmem>> -> memref<1x128x128xf32, #tpu.memory_space<vmem>>
      %dma_start3A_103 = tpu.memref_squeeze %dma_start3A_102 : memref<1x128x128xf32, #tpu.memory_space<vmem>> -> memref<128x128xf32, #tpu.memory_space<vmem>>
      tpu.enqueue_dma source(%arg5 : memref<128x128xf32, #tpu.memory_space<hbm>>) target(%dma_start3A_103 : memref<128x128xf32, #tpu.memory_space<vmem>>) target_semaphore(%run_scoped3A_95 : memref<!tpu.dma_semaphore, #tpu.memory_space<semaphore_mem>>)
      %dma_wait3A = arith.constant 0 : i32
      %dma_wait3A_104 = arith.constant 0 : i32
      %dma_wait3A_105 = tpu.memref_slice %arg9[%run_scoped3A, %dma_wait3A, %dma_wait3A_104] : memref<2x128x128xf32, #tpu.memory_space<vmem>> -> memref<1x128x128xf32, #tpu.memory_space<vmem>>
      %dma_wait3A_106 = tpu.memref_squeeze %dma_wait3A_105 : memref<1x128x128xf32, #tpu.memory_space<vmem>> -> memref<128x128xf32, #tpu.memory_space<vmem>>
      %dma_wait3A_107 = arith.constant 0 : i32
      %dma_wait3A_108 = arith.constant 0 : i32
      %dma_wait3A_109 = tpu.memref_slice %arg9[%run_scoped3A, %dma_wait3A_107, %dma_wait3A_108] : memref<2x128x128xf32, #tpu.memory_space<vmem>> -> memref<1x128x128xf32, #tpu.memory_space<vmem>>
      %dma_wait3A_110 = tpu.memref_squeeze %dma_wait3A_109 : memref<1x128x128xf32, #tpu.memory_space<vmem>> -> memref<128x128xf32, #tpu.memory_space<vmem>>
      tpu.wait_dma2 semaphore(%run_scoped3A_95 : memref<!tpu.dma_semaphore, #tpu.memory_space<semaphore_mem>>) src(%arg5 : memref<128x128xf32, #tpu.memory_space<hbm>>) dst(%dma_wait3A_110 : memref<128x128xf32, #tpu.memory_space<vmem>>)
      tpu.yield
    }) : () -> ()
    %mul3A_1 = arith.constant 640 : i32
    %mul3A_2 = arith.muli %arg1, %mul3A_1 : i32
    %add3A_3 = arith.constant 0 : i32
    %add3A_4 = arith.addi %mul3A_2, %add3A_3 : i32
    %run_scoped3A_5 = arith.constant 0 : i32
    "tpu.region"() ({
      %run_scoped3A_95 = tpu.sem_alloc : memref<!tpu.dma_semaphore, #tpu.memory_space<semaphore_mem>>
      %dma_start3A_96 = arith.constant 0 : i32
      %dma_start3A_97 = arith.constant 0 : i32
      %dma_start3A_98 = tpu.memref_slice %arg9[%run_scoped3A_5, %dma_start3A_96, %dma_start3A_97] : memref<2x128x128xf32, #tpu.memory_space<vmem>> -> memref<1x128x128xf32, #tpu.memory_space<vmem>>
      %dma_start3A_99 = tpu.memref_squeeze %dma_start3A_98 : memref<1x128x128xf32, #tpu.memory_space<vmem>> -> memref<128x128xf32, #tpu.memory_space<vmem>>
      %dma_start3A_100 = arith.constant 0 : i32
      %dma_start3A_101 = tpu.memref_slice %arg10[%add3A_4, %dma_start3A_100] : memref<10240x128xf32, #tpu.memory_space<vmem_shared>> -> memref<128x128xf32, #tpu.memory_space<vmem_shared>>
      %dma_start3A_102 = arith.constant 0 : i32
      %dma_start3A_103 = tpu.memref_slice %arg10[%add3A_4, %dma_start3A_102] : memref<10240x128xf32, #tpu.memory_space<vmem_shared>> -> memref<128x128xf32, #tpu.memory_space<vmem_shared>>
      %dma_start3A_104 = arith.constant 0 : i32
      %dma_start3A_105 = arith.constant 0 : i32
      %dma_start3A_106 = tpu.memref_slice %arg9[%run_scoped3A_5, %dma_start3A_104, %dma_start3A_105] : memref<2x128x128xf32, #tpu.memory_space<vmem>> -> memref<1x128x128xf32, #tpu.memory_space<vmem>>
      %dma_start3A_107 = tpu.memref_squeeze %dma_start3A_106 : memref<1x128x128xf32, #tpu.memory_space<vmem>> -> memref<128x128xf32, #tpu.memory_space<vmem>>
      tpu.enqueue_dma source(%dma_start3A_107 : memref<128x128xf32, #tpu.memory_space<vmem>>) target(%dma_start3A_103 : memref<128x128xf32, #tpu.memory_space<vmem_shared>>) target_semaphore(%run_scoped3A_95 : memref<!tpu.dma_semaphore, #tpu.memory_space<semaphore_mem>>)
      %dma_wait3A = arith.constant 0 : i32
      %dma_wait3A_108 = arith.constant 0 : i32
      %dma_wait3A_109 = tpu.memref_slice %arg9[%run_scoped3A_5, %dma_wait3A, %dma_wait3A_108] : memref<2x128x128xf32, #tpu.memory_space<vmem>> -> memref<1x128x128xf32, #tpu.memory_space<vmem>>
      %dma_wait3A_110 = tpu.memref_squeeze %dma_wait3A_109 : memref<1x128x128xf32, #tpu.memory_space<vmem>> -> memref<128x128xf32, #tpu.memory_space<vmem>>
      %dma_wait3A_111 = arith.constant 0 : i32
      %dma_wait3A_112 = tpu.memref_slice %arg10[%add3A_4, %dma_wait3A_111] : memref<10240x128xf32, #tpu.memory_space<vmem_shared>> -> memref<128x128xf32, #tpu.memory_space<vmem_shared>>
      %dma_wait3A_113 = arith.constant 0 : i32
      %dma_wait3A_114 = tpu.memref_slice %arg10[%add3A_4, %dma_wait3A_113] : memref<10240x128xf32, #tpu.memory_space<vmem_shared>> -> memref<128x128xf32, #tpu.memory_space<vmem_shared>>
      %dma_wait3A_115 = arith.constant 0 : i32
      %dma_wait3A_116 = arith.constant 0 : i32
      %dma_wait3A_117 = tpu.memref_slice %arg9[%run_scoped3A_5, %dma_wait3A_115, %dma_wait3A_116] : memref<2x128x128xf32, #tpu.memory_space<vmem>> -> memref<1x128x128xf32, #tpu.memory_space<vmem>>
      %dma_wait3A_118 = tpu.memref_squeeze %dma_wait3A_117 : memref<1x128x128xf32, #tpu.memory_space<vmem>> -> memref<128x128xf32, #tpu.memory_space<vmem>>
      tpu.wait_dma2 semaphore(%run_scoped3A_95 : memref<!tpu.dma_semaphore, #tpu.memory_space<semaphore_mem>>) src(%dma_wait3A_118 : memref<128x128xf32, #tpu.memory_space<vmem>>) dst(%dma_wait3A_114 : memref<128x128xf32, #tpu.memory_space<vmem_shared>>)
      tpu.yield
    }) : () -> ()
    %mul3A_6 = arith.constant 640 : i32
    %mul3A_7 = arith.muli %arg1, %mul3A_6 : i32
    %add3A_8 = arith.constant 128 : i32
    %add3A_9 = arith.addi %mul3A_7, %add3A_8 : i32
    %run_scoped3A_10 = arith.constant 0 : i32
    "tpu.region"() ({
      %run_scoped3A_95 = tpu.sem_alloc : memref<!tpu.dma_semaphore, #tpu.memory_space<semaphore_mem>>
      %dma_start3A_96 = arith.constant 0 : i32
      %dma_start3A_97 = arith.constant 0 : i32
      %dma_start3A_98 = tpu.memref_slice %arg9[%run_scoped3A_10, %dma_start3A_96, %dma_start3A_97] : memref<2x128x128xf32, #tpu.memory_space<vmem>> -> memref<1x128x128xf32, #tpu.memory_space<vmem>>
      %dma_start3A_99 = tpu.memref_squeeze %dma_start3A_98 : memref<1x128x128xf32, #tpu.memory_space<vmem>> -> memref<128x128xf32, #tpu.memory_space<vmem>>
      %dma_start3A_100 = arith.constant 0 : i32
      %dma_start3A_101 = tpu.memref_slice %arg10[%add3A_9, %dma_start3A_100] : memref<10240x128xf32, #tpu.memory_space<vmem_shared>> -> memref<128x128xf32, #tpu.memory_space<vmem_shared>>
      %dma_start3A_102 = arith.constant 0 : i32
      %dma_start3A_103 = tpu.memref_slice %arg10[%add3A_9, %dma_start3A_102] : memref<10240x128xf32, #tpu.memory_space<vmem_shared>> -> memref<128x128xf32, #tpu.memory_space<vmem_shared>>
      %dma_start3A_104 = arith.constant 0 : i32
      %dma_start3A_105 = arith.constant 0 : i32
      %dma_start3A_106 = tpu.memref_slice %arg9[%run_scoped3A_10, %dma_start3A_104, %dma_start3A_105] : memref<2x128x128xf32, #tpu.memory_space<vmem>> -> memref<1x128x128xf32, #tpu.memory_space<vmem>>
      %dma_start3A_107 = tpu.memref_squeeze %dma_start3A_106 : memref<1x128x128xf32, #tpu.memory_space<vmem>> -> memref<128x128xf32, #tpu.memory_space<vmem>>
      tpu.enqueue_dma source(%dma_start3A_107 : memref<128x128xf32, #tpu.memory_space<vmem>>) target(%dma_start3A_103 : memref<128x128xf32, #tpu.memory_space<vmem_shared>>) target_semaphore(%run_scoped3A_95 : memref<!tpu.dma_semaphore, #tpu.memory_space<semaphore_mem>>)
      %dma_wait3A = arith.constant 0 : i32
      %dma_wait3A_108 = arith.constant 0 : i32
      %dma_wait3A_109 = tpu.memref_slice %arg9[%run_scoped3A_10, %dma_wait3A, %dma_wait3A_108] : memref<2x128x128xf32, #tpu.memory_space<vmem>> -> memref<1x128x128xf32, #tpu.memory_space<vmem>>
      %dma_wait3A_110 = tpu.memref_squeeze %dma_wait3A_109 : memref<1x128x128xf32, #tpu.memory_space<vmem>> -> memref<128x128xf32, #tpu.memory_space<vmem>>
      %dma_wait3A_111 = arith.constant 0 : i32
      %dma_wait3A_112 = tpu.memref_slice %arg10[%add3A_9, %dma_wait3A_111] : memref<10240x128xf32, #tpu.memory_space<vmem_shared>> -> memref<128x128xf32, #tpu.memory_space<vmem_shared>>
      %dma_wait3A_113 = arith.constant 0 : i32
      %dma_wait3A_114 = tpu.memref_slice %arg10[%add3A_9, %dma_wait3A_113] : memref<10240x128xf32, #tpu.memory_space<vmem_shared>> -> memref<128x128xf32, #tpu.memory_space<vmem_shared>>
      %dma_wait3A_115 = arith.constant 0 : i32
      %dma_wait3A_116 = arith.constant 0 : i32
      %dma_wait3A_117 = tpu.memref_slice %arg9[%run_scoped3A_10, %dma_wait3A_115, %dma_wait3A_116] : memref<2x128x128xf32, #tpu.memory_space<vmem>> -> memref<1x128x128xf32, #tpu.memory_space<vmem>>
      %dma_wait3A_118 = tpu.memref_squeeze %dma_wait3A_117 : memref<1x128x128xf32, #tpu.memory_space<vmem>> -> memref<128x128xf32, #tpu.memory_space<vmem>>
      tpu.wait_dma2 semaphore(%run_scoped3A_95 : memref<!tpu.dma_semaphore, #tpu.memory_space<semaphore_mem>>) src(%dma_wait3A_118 : memref<128x128xf32, #tpu.memory_space<vmem>>) dst(%dma_wait3A_114 : memref<128x128xf32, #tpu.memory_space<vmem_shared>>)
      tpu.yield
    }) : () -> ()
    %mul3A_11 = arith.constant 640 : i32
    %mul3A_12 = arith.muli %arg1, %mul3A_11 : i32
    %add3A_13 = arith.constant 256 : i32
    %add3A_14 = arith.addi %mul3A_12, %add3A_13 : i32
    %run_scoped3A_15 = arith.constant 0 : i32
    "tpu.region"() ({
      %run_scoped3A_95 = tpu.sem_alloc : memref<!tpu.dma_semaphore, #tpu.memory_space<semaphore_mem>>
      %dma_start3A_96 = arith.constant 0 : i32
      %dma_start3A_97 = arith.constant 0 : i32
      %dma_start3A_98 = tpu.memref_slice %arg9[%run_scoped3A_15, %dma_start3A_96, %dma_start3A_97] : memref<2x128x128xf32, #tpu.memory_space<vmem>> -> memref<1x128x128xf32, #tpu.memory_space<vmem>>
      %dma_start3A_99 = tpu.memref_squeeze %dma_start3A_98 : memref<1x128x128xf32, #tpu.memory_space<vmem>> -> memref<128x128xf32, #tpu.memory_space<vmem>>
      %dma_start3A_100 = arith.constant 0 : i32
      %dma_start3A_101 = tpu.memref_slice %arg10[%add3A_14, %dma_start3A_100] : memref<10240x128xf32, #tpu.memory_space<vmem_shared>> -> memref<128x128xf32, #tpu.memory_space<vmem_shared>>
      %dma_start3A_102 = arith.constant 0 : i32
      %dma_start3A_103 = tpu.memref_slice %arg10[%add3A_14, %dma_start3A_102] : memref<10240x128xf32, #tpu.memory_space<vmem_shared>> -> memref<128x128xf32, #tpu.memory_space<vmem_shared>>
      %dma_start3A_104 = arith.constant 0 : i32
      %dma_start3A_105 = arith.constant 0 : i32
      %dma_start3A_106 = tpu.memref_slice %arg9[%run_scoped3A_15, %dma_start3A_104, %dma_start3A_105] : memref<2x128x128xf32, #tpu.memory_space<vmem>> -> memref<1x128x128xf32, #tpu.memory_space<vmem>>
      %dma_start3A_107 = tpu.memref_squeeze %dma_start3A_106 : memref<1x128x128xf32, #tpu.memory_space<vmem>> -> memref<128x128xf32, #tpu.memory_space<vmem>>
      tpu.enqueue_dma source(%dma_start3A_107 : memref<128x128xf32, #tpu.memory_space<vmem>>) target(%dma_start3A_103 : memref<128x128xf32, #tpu.memory_space<vmem_shared>>) target_semaphore(%run_scoped3A_95 : memref<!tpu.dma_semaphore, #tpu.memory_space<semaphore_mem>>)
      %dma_wait3A = arith.constant 0 : i32
      %dma_wait3A_108 = arith.constant 0 : i32
      %dma_wait3A_109 = tpu.memref_slice %arg9[%run_scoped3A_15, %dma_wait3A, %dma_wait3A_108] : memref<2x128x128xf32, #tpu.memory_space<vmem>> -> memref<1x128x128xf32, #tpu.memory_space<vmem>>
      %dma_wait3A_110 = tpu.memref_squeeze %dma_wait3A_109 : memref<1x128x128xf32, #tpu.memory_space<vmem>> -> memref<128x128xf32, #tpu.memory_space<vmem>>
      %dma_wait3A_111 = arith.constant 0 : i32
      %dma_wait3A_112 = tpu.memref_slice %arg10[%add3A_14, %dma_wait3A_111] : memref<10240x128xf32, #tpu.memory_space<vmem_shared>> -> memref<128x128xf32, #tpu.memory_space<vmem_shared>>
      %dma_wait3A_113 = arith.constant 0 : i32
      %dma_wait3A_114 = tpu.memref_slice %arg10[%add3A_14, %dma_wait3A_113] : memref<10240x128xf32, #tpu.memory_space<vmem_shared>> -> memref<128x128xf32, #tpu.memory_space<vmem_shared>>
      %dma_wait3A_115 = arith.constant 0 : i32
      %dma_wait3A_116 = arith.constant 0 : i32
      %dma_wait3A_117 = tpu.memref_slice %arg9[%run_scoped3A_15, %dma_wait3A_115, %dma_wait3A_116] : memref<2x128x128xf32, #tpu.memory_space<vmem>> -> memref<1x128x128xf32, #tpu.memory_space<vmem>>
      %dma_wait3A_118 = tpu.memref_squeeze %dma_wait3A_117 : memref<1x128x128xf32, #tpu.memory_space<vmem>> -> memref<128x128xf32, #tpu.memory_space<vmem>>
      tpu.wait_dma2 semaphore(%run_scoped3A_95 : memref<!tpu.dma_semaphore, #tpu.memory_space<semaphore_mem>>) src(%dma_wait3A_118 : memref<128x128xf32, #tpu.memory_space<vmem>>) dst(%dma_wait3A_114 : memref<128x128xf32, #tpu.memory_space<vmem_shared>>)
      tpu.yield
    }) : () -> ()
    %mul3A_16 = arith.constant 640 : i32
    %mul3A_17 = arith.muli %arg1, %mul3A_16 : i32
    %add3A_18 = arith.constant 384 : i32
    %add3A_19 = arith.addi %mul3A_17, %add3A_18 : i32
    %run_scoped3A_20 = arith.constant 0 : i32
    "tpu.region"() ({
      %run_scoped3A_95 = tpu.sem_alloc : memref<!tpu.dma_semaphore, #tpu.memory_space<semaphore_mem>>
      %dma_start3A_96 = arith.constant 0 : i32
      %dma_start3A_97 = arith.constant 0 : i32
      %dma_start3A_98 = tpu.memref_slice %arg9[%run_scoped3A_20, %dma_start3A_96, %dma_start3A_97] : memref<2x128x128xf32, #tpu.memory_space<vmem>> -> memref<1x128x128xf32, #tpu.memory_space<vmem>>
      %dma_start3A_99 = tpu.memref_squeeze %dma_start3A_98 : memref<1x128x128xf32, #tpu.memory_space<vmem>> -> memref<128x128xf32, #tpu.memory_space<vmem>>
      %dma_start3A_100 = arith.constant 0 : i32
      %dma_start3A_101 = tpu.memref_slice %arg10[%add3A_19, %dma_start3A_100] : memref<10240x128xf32, #tpu.memory_space<vmem_shared>> -> memref<128x128xf32, #tpu.memory_space<vmem_shared>>
      %dma_start3A_102 = arith.constant 0 : i32
      %dma_start3A_103 = tpu.memref_slice %arg10[%add3A_19, %dma_start3A_102] : memref<10240x128xf32, #tpu.memory_space<vmem_shared>> -> memref<128x128xf32, #tpu.memory_space<vmem_shared>>
      %dma_start3A_104 = arith.constant 0 : i32
      %dma_start3A_105 = arith.constant 0 : i32
      %dma_start3A_106 = tpu.memref_slice %arg9[%run_scoped3A_20, %dma_start3A_104, %dma_start3A_105] : memref<2x128x128xf32, #tpu.memory_space<vmem>> -> memref<1x128x128xf32, #tpu.memory_space<vmem>>
      %dma_start3A_107 = tpu.memref_squeeze %dma_start3A_106 : memref<1x128x128xf32, #tpu.memory_space<vmem>> -> memref<128x128xf32, #tpu.memory_space<vmem>>
      tpu.enqueue_dma source(%dma_start3A_107 : memref<128x128xf32, #tpu.memory_space<vmem>>) target(%dma_start3A_103 : memref<128x128xf32, #tpu.memory_space<vmem_shared>>) target_semaphore(%run_scoped3A_95 : memref<!tpu.dma_semaphore, #tpu.memory_space<semaphore_mem>>)
      %dma_wait3A = arith.constant 0 : i32
      %dma_wait3A_108 = arith.constant 0 : i32
      %dma_wait3A_109 = tpu.memref_slice %arg9[%run_scoped3A_20, %dma_wait3A, %dma_wait3A_108] : memref<2x128x128xf32, #tpu.memory_space<vmem>> -> memref<1x128x128xf32, #tpu.memory_space<vmem>>
      %dma_wait3A_110 = tpu.memref_squeeze %dma_wait3A_109 : memref<1x128x128xf32, #tpu.memory_space<vmem>> -> memref<128x128xf32, #tpu.memory_space<vmem>>
      %dma_wait3A_111 = arith.constant 0 : i32
      %dma_wait3A_112 = tpu.memref_slice %arg10[%add3A_19, %dma_wait3A_111] : memref<10240x128xf32, #tpu.memory_space<vmem_shared>> -> memref<128x128xf32, #tpu.memory_space<vmem_shared>>
      %dma_wait3A_113 = arith.constant 0 : i32
      %dma_wait3A_114 = tpu.memref_slice %arg10[%add3A_19, %dma_wait3A_113] : memref<10240x128xf32, #tpu.memory_space<vmem_shared>> -> memref<128x128xf32, #tpu.memory_space<vmem_shared>>
      %dma_wait3A_115 = arith.constant 0 : i32
      %dma_wait3A_116 = arith.constant 0 : i32
      %dma_wait3A_117 = tpu.memref_slice %arg9[%run_scoped3A_20, %dma_wait3A_115, %dma_wait3A_116] : memref<2x128x128xf32, #tpu.memory_space<vmem>> -> memref<1x128x128xf32, #tpu.memory_space<vmem>>
      %dma_wait3A_118 = tpu.memref_squeeze %dma_wait3A_117 : memref<1x128x128xf32, #tpu.memory_space<vmem>> -> memref<128x128xf32, #tpu.memory_space<vmem>>
      tpu.wait_dma2 semaphore(%run_scoped3A_95 : memref<!tpu.dma_semaphore, #tpu.memory_space<semaphore_mem>>) src(%dma_wait3A_118 : memref<128x128xf32, #tpu.memory_space<vmem>>) dst(%dma_wait3A_114 : memref<128x128xf32, #tpu.memory_space<vmem_shared>>)
      tpu.yield
    }) : () -> ()
    %mul3A_21 = arith.constant 640 : i32
    %mul3A_22 = arith.muli %arg1, %mul3A_21 : i32
    %add3A_23 = arith.constant 512 : i32
    %add3A_24 = arith.addi %mul3A_22, %add3A_23 : i32
    %run_scoped3A_25 = arith.constant 0 : i32
    "tpu.region"() ({
      %run_scoped3A_95 = tpu.sem_alloc : memref<!tpu.dma_semaphore, #tpu.memory_space<semaphore_mem>>
      %dma_start3A_96 = arith.constant 0 : i32
      %dma_start3A_97 = arith.constant 0 : i32
      %dma_start3A_98 = tpu.memref_slice %arg9[%run_scoped3A_25, %dma_start3A_96, %dma_start3A_97] : memref<2x128x128xf32, #tpu.memory_space<vmem>> -> memref<1x128x128xf32, #tpu.memory_space<vmem>>
      %dma_start3A_99 = tpu.memref_squeeze %dma_start3A_98 : memref<1x128x128xf32, #tpu.memory_space<vmem>> -> memref<128x128xf32, #tpu.memory_space<vmem>>
      %dma_start3A_100 = arith.constant 0 : i32
      %dma_start3A_101 = tpu.memref_slice %arg10[%add3A_24, %dma_start3A_100] : memref<10240x128xf32, #tpu.memory_space<vmem_shared>> -> memref<128x128xf32, #tpu.memory_space<vmem_shared>>
      %dma_start3A_102 = arith.constant 0 : i32
      %dma_start3A_103 = tpu.memref_slice %arg10[%add3A_24, %dma_start3A_102] : memref<10240x128xf32, #tpu.memory_space<vmem_shared>> -> memref<128x128xf32, #tpu.memory_space<vmem_shared>>
      %dma_start3A_104 = arith.constant 0 : i32
      %dma_start3A_105 = arith.constant 0 : i32
      %dma_start3A_106 = tpu.memref_slice %arg9[%run_scoped3A_25, %dma_start3A_104, %dma_start3A_105] : memref<2x128x128xf32, #tpu.memory_space<vmem>> -> memref<1x128x128xf32, #tpu.memory_space<vmem>>
      %dma_start3A_107 = tpu.memref_squeeze %dma_start3A_106 : memref<1x128x128xf32, #tpu.memory_space<vmem>> -> memref<128x128xf32, #tpu.memory_space<vmem>>
      tpu.enqueue_dma source(%dma_start3A_107 : memref<128x128xf32, #tpu.memory_space<vmem>>) target(%dma_start3A_103 : memref<128x128xf32, #tpu.memory_space<vmem_shared>>) target_semaphore(%run_scoped3A_95 : memref<!tpu.dma_semaphore, #tpu.memory_space<semaphore_mem>>)
      %dma_wait3A = arith.constant 0 : i32
      %dma_wait3A_108 = arith.constant 0 : i32
      %dma_wait3A_109 = tpu.memref_slice %arg9[%run_scoped3A_25, %dma_wait3A, %dma_wait3A_108] : memref<2x128x128xf32, #tpu.memory_space<vmem>> -> memref<1x128x128xf32, #tpu.memory_space<vmem>>
      %dma_wait3A_110 = tpu.memref_squeeze %dma_wait3A_109 : memref<1x128x128xf32, #tpu.memory_space<vmem>> -> memref<128x128xf32, #tpu.memory_space<vmem>>
      %dma_wait3A_111 = arith.constant 0 : i32
      %dma_wait3A_112 = tpu.memref_slice %arg10[%add3A_24, %dma_wait3A_111] : memref<10240x128xf32, #tpu.memory_space<vmem_shared>> -> memref<128x128xf32, #tpu.memory_space<vmem_shared>>
      %dma_wait3A_113 = arith.constant 0 : i32
      %dma_wait3A_114 = tpu.memref_slice %arg10[%add3A_24, %dma_wait3A_113] : memref<10240x128xf32, #tpu.memory_space<vmem_shared>> -> memref<128x128xf32, #tpu.memory_space<vmem_shared>>
      %dma_wait3A_115 = arith.constant 0 : i32
      %dma_wait3A_116 = arith.constant 0 : i32
      %dma_wait3A_117 = tpu.memref_slice %arg9[%run_scoped3A_25, %dma_wait3A_115, %dma_wait3A_116] : memref<2x128x128xf32, #tpu.memory_space<vmem>> -> memref<1x128x128xf32, #tpu.memory_space<vmem>>
      %dma_wait3A_118 = tpu.memref_squeeze %dma_wait3A_117 : memref<1x128x128xf32, #tpu.memory_space<vmem>> -> memref<128x128xf32, #tpu.memory_space<vmem>>
      tpu.wait_dma2 semaphore(%run_scoped3A_95 : memref<!tpu.dma_semaphore, #tpu.memory_space<semaphore_mem>>) src(%dma_wait3A_118 : memref<128x128xf32, #tpu.memory_space<vmem>>) dst(%dma_wait3A_114 : memref<128x128xf32, #tpu.memory_space<vmem_shared>>)
      tpu.yield
    }) : () -> ()
    %barrier3A = arith.constant 0 : index
    tpu.barrier barrier_id(%barrier3A)
    %mul3A_26 = arith.constant 80 : i32
    %mul3A_27 = arith.muli %add3A, %mul3A_26 : i32
    %add3A_28 = arith.constant 0 : i32
    %add3A_29 = arith.addi %mul3A_27, %add3A_28 : i32
    "tpu.region"() ({
      %run_scoped3A_95 = tpu.sem_alloc : memref<!tpu.dma_semaphore, #tpu.memory_space<semaphore_mem>>
      %dma_start3A_96 = arith.constant 0 : i32
      %dma_start3A_97 = tpu.memref_slice %arg3[%add3A_29, %dma_start3A_96] : memref<2560x128xi32, #tpu.memory_space<hbm>> -> memref<40x128xi32, #tpu.memory_space<hbm>>
      %dma_start3A_98 = arith.constant 0 : i32
      %dma_start3A_99 = tpu.memref_slice %arg3[%add3A_29, %dma_start3A_98] : memref<2560x128xi32, #tpu.memory_space<hbm>> -> memref<40x128xi32, #tpu.memory_space<hbm>>
      tpu.enqueue_dma source(%dma_start3A_99 : memref<40x128xi32, #tpu.memory_space<hbm>>) target(%arg7 : memref<40x128xi32, #tpu.memory_space<vmem>>) target_semaphore(%run_scoped3A_95 : memref<!tpu.dma_semaphore, #tpu.memory_space<semaphore_mem>>)
      %dma_wait3A = arith.constant 0 : i32
      %dma_wait3A_100 = tpu.memref_slice %arg3[%add3A_29, %dma_wait3A] : memref<2560x128xi32, #tpu.memory_space<hbm>> -> memref<40x128xi32, #tpu.memory_space<hbm>>
      %dma_wait3A_101 = arith.constant 0 : i32
      %dma_wait3A_102 = tpu.memref_slice %arg3[%add3A_29, %dma_wait3A_101] : memref<2560x128xi32, #tpu.memory_space<hbm>> -> memref<40x128xi32, #tpu.memory_space<hbm>>
      tpu.wait_dma2 semaphore(%run_scoped3A_95 : memref<!tpu.dma_semaphore, #tpu.memory_space<semaphore_mem>>) src(%dma_wait3A_102 : memref<40x128xi32, #tpu.memory_space<hbm>>) dst(%arg7 : memref<40x128xi32, #tpu.memory_space<vmem>>)
      tpu.yield
    }) : () -> ()
    "tpu.region"() ({
      %run_scoped3A_95 = tpu.sem_alloc : memref<!tpu.dma_semaphore, #tpu.memory_space<semaphore_mem>>
      %dma_start3A_96 = arith.constant 0 : i32
      %dma_start3A_97 = tpu.memref_slice %arg4[%add3A_29, %dma_start3A_96] : memref<2560x128xi32, #tpu.memory_space<hbm>> -> memref<40x128xi32, #tpu.memory_space<hbm>>
      %dma_start3A_98 = arith.constant 0 : i32
      %dma_start3A_99 = tpu.memref_slice %arg4[%add3A_29, %dma_start3A_98] : memref<2560x128xi32, #tpu.memory_space<hbm>> -> memref<40x128xi32, #tpu.memory_space<hbm>>
      tpu.enqueue_dma source(%dma_start3A_99 : memref<40x128xi32, #tpu.memory_space<hbm>>) target(%arg8 : memref<40x128xi32, #tpu.memory_space<vmem>>) target_semaphore(%run_scoped3A_95 : memref<!tpu.dma_semaphore, #tpu.memory_space<semaphore_mem>>)
      %dma_wait3A = arith.constant 0 : i32
      %dma_wait3A_100 = tpu.memref_slice %arg4[%add3A_29, %dma_wait3A] : memref<2560x128xi32, #tpu.memory_space<hbm>> -> memref<40x128xi32, #tpu.memory_space<hbm>>
      %dma_wait3A_101 = arith.constant 0 : i32
      %dma_wait3A_102 = tpu.memref_slice %arg4[%add3A_29, %dma_wait3A_101] : memref<2560x128xi32, #tpu.memory_space<hbm>> -> memref<40x128xi32, #tpu.memory_space<hbm>>
      tpu.wait_dma2 semaphore(%run_scoped3A_95 : memref<!tpu.dma_semaphore, #tpu.memory_space<semaphore_mem>>) src(%dma_wait3A_102 : memref<40x128xi32, #tpu.memory_space<hbm>>) dst(%arg8 : memref<40x128xi32, #tpu.memory_space<vmem>>)
      tpu.yield
    }) : () -> ()
    %dma_start3A = arith.constant 0 : i32
    %dma_start3A_30 = arith.constant 0 : i32
    %dma_start3A_31 = arith.constant 0 : i32
    %dma_start3A_32 = arith.constant 0 : i32
    %dma_start3A_33 = tpu.memref_slice %arg9[%dma_start3A_30, %dma_start3A_31, %dma_start3A_32] : memref<2x128x128xf32, #tpu.memory_space<vmem>> -> memref<1x64x128xf32, #tpu.memory_space<vmem>>
    %dma_start3A_34 = tpu.memref_squeeze %dma_start3A_33 : memref<1x64x128xf32, #tpu.memory_space<vmem>> -> memref<64x128xf32, #tpu.memory_space<vmem>>
    %dma_start3A_35 = arith.constant 0 : i32
    %dma_start3A_36 = tpu.memref_slice %arg7[%dma_start3A, %dma_start3A_35] : memref<40x128xi32, #tpu.memory_space<vmem>> -> memref<1x64xi32, #tpu.memory_space<vmem>>
    %dma_start3A_37 = tpu.memref_squeeze %dma_start3A_36 : memref<1x64xi32, #tpu.memory_space<vmem>> -> memref<64xi32, #tpu.memory_space<vmem>>
    %dma_start3A_38 = arith.constant 0 : i32
    %dma_start3A_39 = arith.constant 0 : i32
    %dma_start3A_40 = tpu.memref_slice %arg2[%dma_start3A_38, %dma_start3A_39] : memref<10240x128xf32, #tpu.memory_space<hbm>> -> memref<10240x128xf32, #tpu.memory_space<hbm>>
    tpu.enqueue_indirect_dma source(%dma_start3A_40 : memref<10240x128xf32, #tpu.memory_space<hbm>>) target(%dma_start3A_34 : memref<64x128xf32, #tpu.memory_space<vmem>>) offsets(%dma_start3A_37 : memref<64xi32, #tpu.memory_space<vmem>>) semaphore(%arg11 : memref<!tpu.dma_semaphore, #tpu.memory_space<semaphore_mem>>)
    %dma_start3A_41 = arith.constant 0 : i32
    %dma_start3A_42 = arith.constant 0 : i32
    %dma_start3A_43 = arith.constant 64 : i32
    %dma_start3A_44 = arith.constant 0 : i32
    %dma_start3A_45 = tpu.memref_slice %arg9[%dma_start3A_42, %dma_start3A_43, %dma_start3A_44] : memref<2x128x128xf32, #tpu.memory_space<vmem>> -> memref<1x64x128xf32, #tpu.memory_space<vmem>>
    %dma_start3A_46 = tpu.memref_squeeze %dma_start3A_45 : memref<1x64x128xf32, #tpu.memory_space<vmem>> -> memref<64x128xf32, #tpu.memory_space<vmem>>
    %dma_start3A_47 = arith.constant 64 : i32
    %dma_start3A_48 = tpu.memref_slice %arg7[%dma_start3A_41, %dma_start3A_47] : memref<40x128xi32, #tpu.memory_space<vmem>> -> memref<1x64xi32, #tpu.memory_space<vmem>>
    %dma_start3A_49 = tpu.memref_squeeze %dma_start3A_48 : memref<1x64xi32, #tpu.memory_space<vmem>> -> memref<64xi32, #tpu.memory_space<vmem>>
    %dma_start3A_50 = arith.constant 0 : i32
    %dma_start3A_51 = arith.constant 0 : i32
    %dma_start3A_52 = tpu.memref_slice %arg2[%dma_start3A_50, %dma_start3A_51] : memref<10240x128xf32, #tpu.memory_space<hbm>> -> memref<10240x128xf32, #tpu.memory_space<hbm>>
    tpu.enqueue_indirect_dma source(%dma_start3A_52 : memref<10240x128xf32, #tpu.memory_space<hbm>>) target(%dma_start3A_46 : memref<64x128xf32, #tpu.memory_space<vmem>>) offsets(%dma_start3A_49 : memref<64xi32, #tpu.memory_space<vmem>>) semaphore(%arg11 : memref<!tpu.dma_semaphore, #tpu.memory_space<semaphore_mem>>)
    %scan3A = arith.constant 0 : i32
    %scan3A_53 = arith.constant 20 : i32
    %scan3A_54 = arith.addi %scan3A, %scan3A_53 : i32
    %scan3A_55 = arith.constant 1 : i32
    scf.for %scan3A_95 = %scan3A to %scan3A_54 step %scan3A_55  : i32 {
      %mul3A_96 = arith.constant 2 : i32
      %mul3A_97 = arith.muli %scan3A_95, %mul3A_96 : i32
      %add3A_98 = arith.constant 0 : i32
      %add3A_99 = arith.addi %add3A_98, %mul3A_97 : i32
      %dma_wait3A = arith.constant 0 : i32
      %dma_wait3A_100 = arith.constant 0 : i32
      %dma_wait3A_101 = arith.constant 0 : i32
      %dma_wait3A_102 = tpu.memref_slice %arg9[%dma_wait3A, %dma_wait3A_100, %dma_wait3A_101] : memref<2x128x128xf32, #tpu.memory_space<vmem>> -> memref<1x64x128xf32, #tpu.memory_space<vmem>>
      %dma_wait3A_103 = tpu.memref_squeeze %dma_wait3A_102 : memref<1x64x128xf32, #tpu.memory_space<vmem>> -> memref<64x128xf32, #tpu.memory_space<vmem>>
      %dma_wait3A_104 = arith.constant 0 : i32
      %dma_wait3A_105 = tpu.memref_slice %arg7[%add3A_99, %dma_wait3A_104] : memref<40x128xi32, #tpu.memory_space<vmem>> -> memref<1x64xi32, #tpu.memory_space<vmem>>
      %dma_wait3A_106 = tpu.memref_squeeze %dma_wait3A_105 : memref<1x64xi32, #tpu.memory_space<vmem>> -> memref<64xi32, #tpu.memory_space<vmem>>
      %dma_wait3A_107 = arith.constant 0 : i32
      %dma_wait3A_108 = arith.constant 0 : i32
      %dma_wait3A_109 = tpu.memref_slice %arg2[%dma_wait3A_107, %dma_wait3A_108] : memref<10240x128xf32, #tpu.memory_space<hbm>> -> memref<10240x128xf32, #tpu.memory_space<hbm>>
      tpu.wait_indirect_dma semaphore(%arg11 : memref<!tpu.dma_semaphore, #tpu.memory_space<semaphore_mem>>) src(%dma_wait3A_109 : memref<10240x128xf32, #tpu.memory_space<hbm>>) dst(%dma_wait3A_103 : memref<64x128xf32, #tpu.memory_space<vmem>>)
      %dma_wait3A_110 = arith.constant 0 : i32
      %dma_wait3A_111 = arith.constant 64 : i32
      %dma_wait3A_112 = arith.constant 0 : i32
      %dma_wait3A_113 = tpu.memref_slice %arg9[%dma_wait3A_110, %dma_wait3A_111, %dma_wait3A_112] : memref<2x128x128xf32, #tpu.memory_space<vmem>> -> memref<1x64x128xf32, #tpu.memory_space<vmem>>
      %dma_wait3A_114 = tpu.memref_squeeze %dma_wait3A_113 : memref<1x64x128xf32, #tpu.memory_space<vmem>> -> memref<64x128xf32, #tpu.memory_space<vmem>>
      %dma_wait3A_115 = arith.constant 64 : i32
      %dma_wait3A_116 = tpu.memref_slice %arg7[%add3A_99, %dma_wait3A_115] : memref<40x128xi32, #tpu.memory_space<vmem>> -> memref<1x64xi32, #tpu.memory_space<vmem>>
      %dma_wait3A_117 = tpu.memref_squeeze %dma_wait3A_116 : memref<1x64xi32, #tpu.memory_space<vmem>> -> memref<64xi32, #tpu.memory_space<vmem>>
      %dma_wait3A_118 = arith.constant 0 : i32
      %dma_wait3A_119 = arith.constant 0 : i32
      %dma_wait3A_120 = tpu.memref_slice %arg2[%dma_wait3A_118, %dma_wait3A_119] : memref<10240x128xf32, #tpu.memory_space<hbm>> -> memref<10240x128xf32, #tpu.memory_space<hbm>>
      tpu.wait_indirect_dma semaphore(%arg11 : memref<!tpu.dma_semaphore, #tpu.memory_space<semaphore_mem>>) src(%dma_wait3A_120 : memref<10240x128xf32, #tpu.memory_space<hbm>>) dst(%dma_wait3A_114 : memref<64x128xf32, #tpu.memory_space<vmem>>)
      %add3A_121 = arith.constant 1 : i32
      %add3A_122 = arith.addi %add3A_99, %add3A_121 : i32
      %dma_start3A_123 = arith.constant 1 : i32
      %dma_start3A_124 = arith.constant 0 : i32
      %dma_start3A_125 = arith.constant 0 : i32
      %dma_start3A_126 = tpu.memref_slice %arg9[%dma_start3A_123, %dma_start3A_124, %dma_start3A_125] : memref<2x128x128xf32, #tpu.memory_space<vmem>> -> memref<1x64x128xf32, #tpu.memory_space<vmem>>
      %dma_start3A_127 = tpu.memref_squeeze %dma_start3A_126 : memref<1x64x128xf32, #tpu.memory_space<vmem>> -> memref<64x128xf32, #tpu.memory_space<vmem>>
      %dma_start3A_128 = arith.constant 0 : i32
      %dma_start3A_129 = tpu.memref_slice %arg7[%add3A_122, %dma_start3A_128] : memref<40x128xi32, #tpu.memory_space<vmem>> -> memref<1x64xi32, #tpu.memory_space<vmem>>
      %dma_start3A_130 = tpu.memref_squeeze %dma_start3A_129 : memref<1x64xi32, #tpu.memory_space<vmem>> -> memref<64xi32, #tpu.memory_space<vmem>>
      %dma_start3A_131 = arith.constant 0 : i32
      %dma_start3A_132 = arith.constant 0 : i32
      %dma_start3A_133 = tpu.memref_slice %arg2[%dma_start3A_131, %dma_start3A_132] : memref<10240x128xf32, #tpu.memory_space<hbm>> -> memref<10240x128xf32, #tpu.memory_space<hbm>>
      tpu.enqueue_indirect_dma source(%dma_start3A_133 : memref<10240x128xf32, #tpu.memory_space<hbm>>) target(%dma_start3A_127 : memref<64x128xf32, #tpu.memory_space<vmem>>) offsets(%dma_start3A_130 : memref<64xi32, #tpu.memory_space<vmem>>) semaphore(%arg12 : memref<!tpu.dma_semaphore, #tpu.memory_space<semaphore_mem>>)
      %dma_start3A_134 = arith.constant 1 : i32
      %dma_start3A_135 = arith.constant 64 : i32
      %dma_start3A_136 = arith.constant 0 : i32
      %dma_start3A_137 = tpu.memref_slice %arg9[%dma_start3A_134, %dma_start3A_135, %dma_start3A_136] : memref<2x128x128xf32, #tpu.memory_space<vmem>> -> memref<1x64x128xf32, #tpu.memory_space<vmem>>
      %dma_start3A_138 = tpu.memref_squeeze %dma_start3A_137 : memref<1x64x128xf32, #tpu.memory_space<vmem>> -> memref<64x128xf32, #tpu.memory_space<vmem>>
      %dma_start3A_139 = arith.constant 64 : i32
      %dma_start3A_140 = tpu.memref_slice %arg7[%add3A_122, %dma_start3A_139] : memref<40x128xi32, #tpu.memory_space<vmem>> -> memref<1x64xi32, #tpu.memory_space<vmem>>
      %dma_start3A_141 = tpu.memref_squeeze %dma_start3A_140 : memref<1x64xi32, #tpu.memory_space<vmem>> -> memref<64xi32, #tpu.memory_space<vmem>>
      %dma_start3A_142 = arith.constant 0 : i32
      %dma_start3A_143 = arith.constant 0 : i32
      %dma_start3A_144 = tpu.memref_slice %arg2[%dma_start3A_142, %dma_start3A_143] : memref<10240x128xf32, #tpu.memory_space<hbm>> -> memref<10240x128xf32, #tpu.memory_space<hbm>>
      tpu.enqueue_indirect_dma source(%dma_start3A_144 : memref<10240x128xf32, #tpu.memory_space<hbm>>) target(%dma_start3A_138 : memref<64x128xf32, #tpu.memory_space<vmem>>) offsets(%dma_start3A_141 : memref<64xi32, #tpu.memory_space<vmem>>) semaphore(%arg12 : memref<!tpu.dma_semaphore, #tpu.memory_space<semaphore_mem>>)
      %run_scoped3A_145 = arith.constant 0 : i32
      "tpu.region"() ({
        %run_scoped3A_177 = tpu.sem_alloc : memref<!tpu.dma_semaphore, #tpu.memory_space<semaphore_mem>>
        %dma_start3A_178 = arith.constant 0 : i32
        %dma_start3A_179 = arith.constant 0 : i32
        %dma_start3A_180 = tpu.memref_slice %arg9[%run_scoped3A_145, %dma_start3A_178, %dma_start3A_179] : memref<2x128x128xf32, #tpu.memory_space<vmem>> -> memref<1x128x128xf32, #tpu.memory_space<vmem>>
        %dma_start3A_181 = tpu.memref_squeeze %dma_start3A_180 : memref<1x128x128xf32, #tpu.memory_space<vmem>> -> memref<128x128xf32, #tpu.memory_space<vmem>>
        %dma_start3A_182 = arith.constant 0 : i32
        %dma_start3A_183 = tpu.memref_slice %arg8[%add3A_99, %dma_start3A_182] : memref<40x128xi32, #tpu.memory_space<vmem>> -> memref<1x128xi32, #tpu.memory_space<vmem>>
        %dma_start3A_184 = tpu.memref_squeeze %dma_start3A_183 : memref<1x128xi32, #tpu.memory_space<vmem>> -> memref<128xi32, #tpu.memory_space<vmem>>
        %dma_start3A_185 = arith.constant 0 : i32
        %dma_start3A_186 = arith.constant 0 : i32
        %dma_start3A_187 = tpu.memref_slice %arg10[%dma_start3A_185, %dma_start3A_186] : memref<10240x128xf32, #tpu.memory_space<vmem_shared>> -> memref<10240x128xf32, #tpu.memory_space<vmem_shared>>
        tpu.enqueue_indirect_dma source(%dma_start3A_181 : memref<128x128xf32, #tpu.memory_space<vmem>>) target(%dma_start3A_187 : memref<10240x128xf32, #tpu.memory_space<vmem_shared>>) offsets(%dma_start3A_184 : memref<128xi32, #tpu.memory_space<vmem>>) semaphore(%run_scoped3A_177 : memref<!tpu.dma_semaphore, #tpu.memory_space<semaphore_mem>>) {add = true}
        %dma_wait3A_188 = arith.constant 0 : i32
        %dma_wait3A_189 = arith.constant 0 : i32
        %dma_wait3A_190 = tpu.memref_slice %arg9[%run_scoped3A_145, %dma_wait3A_188, %dma_wait3A_189] : memref<2x128x128xf32, #tpu.memory_space<vmem>> -> memref<1x128x128xf32, #tpu.memory_space<vmem>>
        %dma_wait3A_191 = tpu.memref_squeeze %dma_wait3A_190 : memref<1x128x128xf32, #tpu.memory_space<vmem>> -> memref<128x128xf32, #tpu.memory_space<vmem>>
        %dma_wait3A_192 = arith.constant 0 : i32
        %dma_wait3A_193 = tpu.memref_slice %arg8[%add3A_99, %dma_wait3A_192] : memref<40x128xi32, #tpu.memory_space<vmem>> -> memref<1x128xi32, #tpu.memory_space<vmem>>
        %dma_wait3A_194 = tpu.memref_squeeze %dma_wait3A_193 : memref<1x128xi32, #tpu.memory_space<vmem>> -> memref<128xi32, #tpu.memory_space<vmem>>
        %dma_wait3A_195 = arith.constant 0 : i32
        %dma_wait3A_196 = arith.constant 0 : i32
        %dma_wait3A_197 = tpu.memref_slice %arg10[%dma_wait3A_195, %dma_wait3A_196] : memref<10240x128xf32, #tpu.memory_space<vmem_shared>> -> memref<10240x128xf32, #tpu.memory_space<vmem_shared>>
        tpu.wait_indirect_dma semaphore(%run_scoped3A_177 : memref<!tpu.dma_semaphore, #tpu.memory_space<semaphore_mem>>) src(%dma_wait3A_191 : memref<128x128xf32, #tpu.memory_space<vmem>>) dst(%dma_wait3A_197 : memref<10240x128xf32, #tpu.memory_space<vmem_shared>>)
        tpu.yield
      }) : () -> ()
      %add3A_146 = arith.constant 1 : i32
      %add3A_147 = arith.addi %add3A_99, %add3A_146 : i32
      %dma_wait3A_148 = arith.constant 1 : i32
      %dma_wait3A_149 = arith.constant 0 : i32
      %dma_wait3A_150 = arith.constant 0 : i32
      %dma_wait3A_151 = tpu.memref_slice %arg9[%dma_wait3A_148, %dma_wait3A_149, %dma_wait3A_150] : memref<2x128x128xf32, #tpu.memory_space<vmem>> -> memref<1x64x128xf32, #tpu.memory_space<vmem>>
      %dma_wait3A_152 = tpu.memref_squeeze %dma_wait3A_151 : memref<1x64x128xf32, #tpu.memory_space<vmem>> -> memref<64x128xf32, #tpu.memory_space<vmem>>
      %dma_wait3A_153 = arith.constant 0 : i32
      %dma_wait3A_154 = tpu.memref_slice %arg7[%add3A_147, %dma_wait3A_153] : memref<40x128xi32, #tpu.memory_space<vmem>> -> memref<1x64xi32, #tpu.memory_space<vmem>>
      %dma_wait3A_155 = tpu.memref_squeeze %dma_wait3A_154 : memref<1x64xi32, #tpu.memory_space<vmem>> -> memref<64xi32, #tpu.memory_space<vmem>>
      %dma_wait3A_156 = arith.constant 0 : i32
      %dma_wait3A_157 = arith.constant 0 : i32
      %dma_wait3A_158 = tpu.memref_slice %arg2[%dma_wait3A_156, %dma_wait3A_157] : memref<10240x128xf32, #tpu.memory_space<hbm>> -> memref<10240x128xf32, #tpu.memory_space<hbm>>
      tpu.wait_indirect_dma semaphore(%arg12 : memref<!tpu.dma_semaphore, #tpu.memory_space<semaphore_mem>>) src(%dma_wait3A_158 : memref<10240x128xf32, #tpu.memory_space<hbm>>) dst(%dma_wait3A_152 : memref<64x128xf32, #tpu.memory_space<vmem>>)
      %dma_wait3A_159 = arith.constant 1 : i32
      %dma_wait3A_160 = arith.constant 64 : i32
      %dma_wait3A_161 = arith.constant 0 : i32
      %dma_wait3A_162 = tpu.memref_slice %arg9[%dma_wait3A_159, %dma_wait3A_160, %dma_wait3A_161] : memref<2x128x128xf32, #tpu.memory_space<vmem>> -> memref<1x64x128xf32, #tpu.memory_space<vmem>>
      %dma_wait3A_163 = tpu.memref_squeeze %dma_wait3A_162 : memref<1x64x128xf32, #tpu.memory_space<vmem>> -> memref<64x128xf32, #tpu.memory_space<vmem>>
      %dma_wait3A_164 = arith.constant 64 : i32
      %dma_wait3A_165 = tpu.memref_slice %arg7[%add3A_147, %dma_wait3A_164] : memref<40x128xi32, #tpu.memory_space<vmem>> -> memref<1x64xi32, #tpu.memory_space<vmem>>
      %dma_wait3A_166 = tpu.memref_squeeze %dma_wait3A_165 : memref<1x64xi32, #tpu.memory_space<vmem>> -> memref<64xi32, #tpu.memory_space<vmem>>
      %dma_wait3A_167 = arith.constant 0 : i32
      %dma_wait3A_168 = arith.constant 0 : i32
      %dma_wait3A_169 = tpu.memref_slice %arg2[%dma_wait3A_167, %dma_wait3A_168] : memref<10240x128xf32, #tpu.memory_space<hbm>> -> memref<10240x128xf32, #tpu.memory_space<hbm>>
      tpu.wait_indirect_dma semaphore(%arg12 : memref<!tpu.dma_semaphore, #tpu.memory_space<semaphore_mem>>) src(%dma_wait3A_169 : memref<10240x128xf32, #tpu.memory_space<hbm>>) dst(%dma_wait3A_163 : memref<64x128xf32, #tpu.memory_space<vmem>>)
      %add3A_170 = arith.constant 2 : i32
      %add3A_171 = arith.addi %add3A_99, %add3A_170 : i32
      %lt3A = arith.constant 40 : i32
      %lt3A_172 = arith.cmpi slt, %add3A_171, %lt3A : i32
      %convert_element_type3A = arith.extui %lt3A_172 : i1 to i32
      %cond3A = arith.constant 0 : i32
      %cond3A_173 = arith.cmpi ne, %convert_element_type3A, %cond3A : i32
      scf.if %cond3A_173 {
        %add3A_177 = arith.constant 2 : i32
        %add3A_178 = arith.addi %add3A_99, %add3A_177 : i32
        %dma_start3A_179 = arith.constant 0 : i32
        %dma_start3A_180 = arith.constant 0 : i32
        %dma_start3A_181 = arith.constant 0 : i32
        %dma_start3A_182 = tpu.memref_slice %arg9[%dma_start3A_179, %dma_start3A_180, %dma_start3A_181] : memref<2x128x128xf32, #tpu.memory_space<vmem>> -> memref<1x64x128xf32, #tpu.memory_space<vmem>>
        %dma_start3A_183 = tpu.memref_squeeze %dma_start3A_182 : memref<1x64x128xf32, #tpu.memory_space<vmem>> -> memref<64x128xf32, #tpu.memory_space<vmem>>
        %dma_start3A_184 = arith.constant 0 : i32
        %dma_start3A_185 = tpu.memref_slice %arg7[%add3A_178, %dma_start3A_184] : memref<40x128xi32, #tpu.memory_space<vmem>> -> memref<1x64xi32, #tpu.memory_space<vmem>>
        %dma_start3A_186 = tpu.memref_squeeze %dma_start3A_185 : memref<1x64xi32, #tpu.memory_space<vmem>> -> memref<64xi32, #tpu.memory_space<vmem>>
        %dma_start3A_187 = arith.constant 0 : i32
        %dma_start3A_188 = arith.constant 0 : i32
        %dma_start3A_189 = tpu.memref_slice %arg2[%dma_start3A_187, %dma_start3A_188] : memref<10240x128xf32, #tpu.memory_space<hbm>> -> memref<10240x128xf32, #tpu.memory_space<hbm>>
        tpu.enqueue_indirect_dma source(%dma_start3A_189 : memref<10240x128xf32, #tpu.memory_space<hbm>>) target(%dma_start3A_183 : memref<64x128xf32, #tpu.memory_space<vmem>>) offsets(%dma_start3A_186 : memref<64xi32, #tpu.memory_space<vmem>>) semaphore(%arg11 : memref<!tpu.dma_semaphore, #tpu.memory_space<semaphore_mem>>)
        %dma_start3A_190 = arith.constant 0 : i32
        %dma_start3A_191 = arith.constant 64 : i32
        %dma_start3A_192 = arith.constant 0 : i32
        %dma_start3A_193 = tpu.memref_slice %arg9[%dma_start3A_190, %dma_start3A_191, %dma_start3A_192] : memref<2x128x128xf32, #tpu.memory_space<vmem>> -> memref<1x64x128xf32, #tpu.memory_space<vmem>>
        %dma_start3A_194 = tpu.memref_squeeze %dma_start3A_193 : memref<1x64x128xf32, #tpu.memory_space<vmem>> -> memref<64x128xf32, #tpu.memory_space<vmem>>
        %dma_start3A_195 = arith.constant 64 : i32
        %dma_start3A_196 = tpu.memref_slice %arg7[%add3A_178, %dma_start3A_195] : memref<40x128xi32, #tpu.memory_space<vmem>> -> memref<1x64xi32, #tpu.memory_space<vmem>>
        %dma_start3A_197 = tpu.memref_squeeze %dma_start3A_196 : memref<1x64xi32, #tpu.memory_space<vmem>> -> memref<64xi32, #tpu.memory_space<vmem>>
        %dma_start3A_198 = arith.constant 0 : i32
        %dma_start3A_199 = arith.constant 0 : i32
        %dma_start3A_200 = tpu.memref_slice %arg2[%dma_start3A_198, %dma_start3A_199] : memref<10240x128xf32, #tpu.memory_space<hbm>> -> memref<10240x128xf32, #tpu.memory_space<hbm>>
        tpu.enqueue_indirect_dma source(%dma_start3A_200 : memref<10240x128xf32, #tpu.memory_space<hbm>>) target(%dma_start3A_194 : memref<64x128xf32, #tpu.memory_space<vmem>>) offsets(%dma_start3A_197 : memref<64xi32, #tpu.memory_space<vmem>>) semaphore(%arg11 : memref<!tpu.dma_semaphore, #tpu.memory_space<semaphore_mem>>)
      } else {
      }
      %add3A_174 = arith.constant 1 : i32
      %add3A_175 = arith.addi %add3A_99, %add3A_174 : i32
      %run_scoped3A_176 = arith.constant 1 : i32
      "tpu.region"() ({
        %run_scoped3A_177 = tpu.sem_alloc : memref<!tpu.dma_semaphore, #tpu.memory_space<semaphore_mem>>
        %dma_start3A_178 = arith.constant 0 : i32
        %dma_start3A_179 = arith.constant 0 : i32
        %dma_start3A_180 = tpu.memref_slice %arg9[%run_scoped3A_176, %dma_start3A_178, %dma_start3A_179] : memref<2x128x128xf32, #tpu.memory_space<vmem>> -> memref<1x128x128xf32, #tpu.memory_space<vmem>>
        %dma_start3A_181 = tpu.memref_squeeze %dma_start3A_180 : memref<1x128x128xf32, #tpu.memory_space<vmem>> -> memref<128x128xf32, #tpu.memory_space<vmem>>
        %dma_start3A_182 = arith.constant 0 : i32
        %dma_start3A_183 = tpu.memref_slice %arg8[%add3A_175, %dma_start3A_182] : memref<40x128xi32, #tpu.memory_space<vmem>> -> memref<1x128xi32, #tpu.memory_space<vmem>>
        %dma_start3A_184 = tpu.memref_squeeze %dma_start3A_183 : memref<1x128xi32, #tpu.memory_space<vmem>> -> memref<128xi32, #tpu.memory_space<vmem>>
        %dma_start3A_185 = arith.constant 0 : i32
        %dma_start3A_186 = arith.constant 0 : i32
        %dma_start3A_187 = tpu.memref_slice %arg10[%dma_start3A_185, %dma_start3A_186] : memref<10240x128xf32, #tpu.memory_space<vmem_shared>> -> memref<10240x128xf32, #tpu.memory_space<vmem_shared>>
        tpu.enqueue_indirect_dma source(%dma_start3A_181 : memref<128x128xf32, #tpu.memory_space<vmem>>) target(%dma_start3A_187 : memref<10240x128xf32, #tpu.memory_space<vmem_shared>>) offsets(%dma_start3A_184 : memref<128xi32, #tpu.memory_space<vmem>>) semaphore(%run_scoped3A_177 : memref<!tpu.dma_semaphore, #tpu.memory_space<semaphore_mem>>) {add = true}
        %dma_wait3A_188 = arith.constant 0 : i32
        %dma_wait3A_189 = arith.constant 0 : i32
        %dma_wait3A_190 = tpu.memref_slice %arg9[%run_scoped3A_176, %dma_wait3A_188, %dma_wait3A_189] : memref<2x128x128xf32, #tpu.memory_space<vmem>> -> memref<1x128x128xf32, #tpu.memory_space<vmem>>
        %dma_wait3A_191 = tpu.memref_squeeze %dma_wait3A_190 : memref<1x128x128xf32, #tpu.memory_space<vmem>> -> memref<128x128xf32, #tpu.memory_space<vmem>>
        %dma_wait3A_192 = arith.constant 0 : i32
        %dma_wait3A_193 = tpu.memref_slice %arg8[%add3A_175, %dma_wait3A_192] : memref<40x128xi32, #tpu.memory_space<vmem>> -> memref<1x128xi32, #tpu.memory_space<vmem>>
        %dma_wait3A_194 = tpu.memref_squeeze %dma_wait3A_193 : memref<1x128xi32, #tpu.memory_space<vmem>> -> memref<128xi32, #tpu.memory_space<vmem>>
        %dma_wait3A_195 = arith.constant 0 : i32
        %dma_wait3A_196 = arith.constant 0 : i32
        %dma_wait3A_197 = tpu.memref_slice %arg10[%dma_wait3A_195, %dma_wait3A_196] : memref<10240x128xf32, #tpu.memory_space<vmem_shared>> -> memref<10240x128xf32, #tpu.memory_space<vmem_shared>>
        tpu.wait_indirect_dma semaphore(%run_scoped3A_177 : memref<!tpu.dma_semaphore, #tpu.memory_space<semaphore_mem>>) src(%dma_wait3A_191 : memref<128x128xf32, #tpu.memory_space<vmem>>) dst(%dma_wait3A_197 : memref<10240x128xf32, #tpu.memory_space<vmem_shared>>)
        tpu.yield
      }) : () -> ()
    }
    %scan3A_56 = arith.constant 20 : i32
    %mul3A_57 = arith.constant 80 : i32
    %mul3A_58 = arith.muli %add3A, %mul3A_57 : i32
    %add3A_59 = arith.constant 40 : i32
    %add3A_60 = arith.addi %mul3A_58, %add3A_59 : i32
    "tpu.region"() ({
      %run_scoped3A_95 = tpu.sem_alloc : memref<!tpu.dma_semaphore, #tpu.memory_space<semaphore_mem>>
      %dma_start3A_96 = arith.constant 0 : i32
      %dma_start3A_97 = tpu.memref_slice %arg3[%add3A_60, %dma_start3A_96] : memref<2560x128xi32, #tpu.memory_space<hbm>> -> memref<40x128xi32, #tpu.memory_space<hbm>>
      %dma_start3A_98 = arith.constant 0 : i32
      %dma_start3A_99 = tpu.memref_slice %arg3[%add3A_60, %dma_start3A_98] : memref<2560x128xi32, #tpu.memory_space<hbm>> -> memref<40x128xi32, #tpu.memory_space<hbm>>
      tpu.enqueue_dma source(%dma_start3A_99 : memref<40x128xi32, #tpu.memory_space<hbm>>) target(%arg7 : memref<40x128xi32, #tpu.memory_space<vmem>>) target_semaphore(%run_scoped3A_95 : memref<!tpu.dma_semaphore, #tpu.memory_space<semaphore_mem>>)
      %dma_wait3A = arith.constant 0 : i32
      %dma_wait3A_100 = tpu.memref_slice %arg3[%add3A_60, %dma_wait3A] : memref<2560x128xi32, #tpu.memory_space<hbm>> -> memref<40x128xi32, #tpu.memory_space<hbm>>
      %dma_wait3A_101 = arith.constant 0 : i32
      %dma_wait3A_102 = tpu.memref_slice %arg3[%add3A_60, %dma_wait3A_101] : memref<2560x128xi32, #tpu.memory_space<hbm>> -> memref<40x128xi32, #tpu.memory_space<hbm>>
      tpu.wait_dma2 semaphore(%run_scoped3A_95 : memref<!tpu.dma_semaphore, #tpu.memory_space<semaphore_mem>>) src(%dma_wait3A_102 : memref<40x128xi32, #tpu.memory_space<hbm>>) dst(%arg7 : memref<40x128xi32, #tpu.memory_space<vmem>>)
      tpu.yield
    }) : () -> ()
    "tpu.region"() ({
      %run_scoped3A_95 = tpu.sem_alloc : memref<!tpu.dma_semaphore, #tpu.memory_space<semaphore_mem>>
      %dma_start3A_96 = arith.constant 0 : i32
      %dma_start3A_97 = tpu.memref_slice %arg4[%add3A_60, %dma_start3A_96] : memref<2560x128xi32, #tpu.memory_space<hbm>> -> memref<40x128xi32, #tpu.memory_space<hbm>>
      %dma_start3A_98 = arith.constant 0 : i32
      %dma_start3A_99 = tpu.memref_slice %arg4[%add3A_60, %dma_start3A_98] : memref<2560x128xi32, #tpu.memory_space<hbm>> -> memref<40x128xi32, #tpu.memory_space<hbm>>
      tpu.enqueue_dma source(%dma_start3A_99 : memref<40x128xi32, #tpu.memory_space<hbm>>) target(%arg8 : memref<40x128xi32, #tpu.memory_space<vmem>>) target_semaphore(%run_scoped3A_95 : memref<!tpu.dma_semaphore, #tpu.memory_space<semaphore_mem>>)
      %dma_wait3A = arith.constant 0 : i32
      %dma_wait3A_100 = tpu.memref_slice %arg4[%add3A_60, %dma_wait3A] : memref<2560x128xi32, #tpu.memory_space<hbm>> -> memref<40x128xi32, #tpu.memory_space<hbm>>
      %dma_wait3A_101 = arith.constant 0 : i32
      %dma_wait3A_102 = tpu.memref_slice %arg4[%add3A_60, %dma_wait3A_101] : memref<2560x128xi32, #tpu.memory_space<hbm>> -> memref<40x128xi32, #tpu.memory_space<hbm>>
      tpu.wait_dma2 semaphore(%run_scoped3A_95 : memref<!tpu.dma_semaphore, #tpu.memory_space<semaphore_mem>>) src(%dma_wait3A_102 : memref<40x128xi32, #tpu.memory_space<hbm>>) dst(%arg8 : memref<40x128xi32, #tpu.memory_space<vmem>>)
      tpu.yield
    }) : () -> ()
    %dma_start3A_61 = arith.constant 0 : i32
    %dma_start3A_62 = arith.constant 0 : i32
    %dma_start3A_63 = arith.constant 0 : i32
    %dma_start3A_64 = arith.constant 0 : i32
    %dma_start3A_65 = tpu.memref_slice %arg9[%dma_start3A_62, %dma_start3A_63, %dma_start3A_64] : memref<2x128x128xf32, #tpu.memory_space<vmem>> -> memref<1x64x128xf32, #tpu.memory_space<vmem>>
    %dma_start3A_66 = tpu.memref_squeeze %dma_start3A_65 : memref<1x64x128xf32, #tpu.memory_space<vmem>> -> memref<64x128xf32, #tpu.memory_space<vmem>>
    %dma_start3A_67 = arith.constant 0 : i32
    %dma_start3A_68 = tpu.memref_slice %arg7[%dma_start3A_61, %dma_start3A_67] : memref<40x128xi32, #tpu.memory_space<vmem>> -> memref<1x64xi32, #tpu.memory_space<vmem>>
    %dma_start3A_69 = tpu.memref_squeeze %dma_start3A_68 : memref<1x64xi32, #tpu.memory_space<vmem>> -> memref<64xi32, #tpu.memory_space<vmem>>
    %dma_start3A_70 = arith.constant 0 : i32
    %dma_start3A_71 = arith.constant 0 : i32
    %dma_start3A_72 = tpu.memref_slice %arg2[%dma_start3A_70, %dma_start3A_71] : memref<10240x128xf32, #tpu.memory_space<hbm>> -> memref<10240x128xf32, #tpu.memory_space<hbm>>
    tpu.enqueue_indirect_dma source(%dma_start3A_72 : memref<10240x128xf32, #tpu.memory_space<hbm>>) target(%dma_start3A_66 : memref<64x128xf32, #tpu.memory_space<vmem>>) offsets(%dma_start3A_69 : memref<64xi32, #tpu.memory_space<vmem>>) semaphore(%arg11 : memref<!tpu.dma_semaphore, #tpu.memory_space<semaphore_mem>>)
    %dma_start3A_73 = arith.constant 0 : i32
    %dma_start3A_74 = arith.constant 0 : i32
    %dma_start3A_75 = arith.constant 64 : i32
    %dma_start3A_76 = arith.constant 0 : i32
    %dma_start3A_77 = tpu.memref_slice %arg9[%dma_start3A_74, %dma_start3A_75, %dma_start3A_76] : memref<2x128x128xf32, #tpu.memory_space<vmem>> -> memref<1x64x128xf32, #tpu.memory_space<vmem>>
    %dma_start3A_78 = tpu.memref_squeeze %dma_start3A_77 : memref<1x64x128xf32, #tpu.memory_space<vmem>> -> memref<64x128xf32, #tpu.memory_space<vmem>>
    %dma_start3A_79 = arith.constant 64 : i32
    %dma_start3A_80 = tpu.memref_slice %arg7[%dma_start3A_73, %dma_start3A_79] : memref<40x128xi32, #tpu.memory_space<vmem>> -> memref<1x64xi32, #tpu.memory_space<vmem>>
    %dma_start3A_81 = tpu.memref_squeeze %dma_start3A_80 : memref<1x64xi32, #tpu.memory_space<vmem>> -> memref<64xi32, #tpu.memory_space<vmem>>
    %dma_start3A_82 = arith.constant 0 : i32
    %dma_start3A_83 = arith.constant 0 : i32
    %dma_start3A_84 = tpu.memref_slice %arg2[%dma_start3A_82, %dma_start3A_83] : memref<10240x128xf32, #tpu.memory_space<hbm>> -> memref<10240x128xf32, #tpu.memory_space<hbm>>
    tpu.enqueue_indirect_dma source(%dma_start3A_84 : memref<10240x128xf32, #tpu.memory_space<hbm>>) target(%dma_start3A_78 : memref<64x128xf32, #tpu.memory_space<vmem>>) offsets(%dma_start3A_81 : memref<64xi32, #tpu.memory_space<vmem>>) semaphore(%arg11 : memref<!tpu.dma_semaphore, #tpu.memory_space<semaphore_mem>>)
    %scan3A_85 = arith.constant 0 : i32
    %scan3A_86 = arith.constant 20 : i32
    %scan3A_87 = arith.addi %scan3A_85, %scan3A_86 : i32
    %scan3A_88 = arith.constant 1 : i32
    scf.for %scan3A_95 = %scan3A_85 to %scan3A_87 step %scan3A_88  : i32 {
      %mul3A_96 = arith.constant 2 : i32
      %mul3A_97 = arith.muli %scan3A_95, %mul3A_96 : i32
      %add3A_98 = arith.constant 0 : i32
      %add3A_99 = arith.addi %add3A_98, %mul3A_97 : i32
      %dma_wait3A = arith.constant 0 : i32
      %dma_wait3A_100 = arith.constant 0 : i32
      %dma_wait3A_101 = arith.constant 0 : i32
      %dma_wait3A_102 = tpu.memref_slice %arg9[%dma_wait3A, %dma_wait3A_100, %dma_wait3A_101] : memref<2x128x128xf32, #tpu.memory_space<vmem>> -> memref<1x64x128xf32, #tpu.memory_space<vmem>>
      %dma_wait3A_103 = tpu.memref_squeeze %dma_wait3A_102 : memref<1x64x128xf32, #tpu.memory_space<vmem>> -> memref<64x128xf32, #tpu.memory_space<vmem>>
      %dma_wait3A_104 = arith.constant 0 : i32
      %dma_wait3A_105 = tpu.memref_slice %arg7[%add3A_99, %dma_wait3A_104] : memref<40x128xi32, #tpu.memory_space<vmem>> -> memref<1x64xi32, #tpu.memory_space<vmem>>
      %dma_wait3A_106 = tpu.memref_squeeze %dma_wait3A_105 : memref<1x64xi32, #tpu.memory_space<vmem>> -> memref<64xi32, #tpu.memory_space<vmem>>
      %dma_wait3A_107 = arith.constant 0 : i32
      %dma_wait3A_108 = arith.constant 0 : i32
      %dma_wait3A_109 = tpu.memref_slice %arg2[%dma_wait3A_107, %dma_wait3A_108] : memref<10240x128xf32, #tpu.memory_space<hbm>> -> memref<10240x128xf32, #tpu.memory_space<hbm>>
      tpu.wait_indirect_dma semaphore(%arg11 : memref<!tpu.dma_semaphore, #tpu.memory_space<semaphore_mem>>) src(%dma_wait3A_109 : memref<10240x128xf32, #tpu.memory_space<hbm>>) dst(%dma_wait3A_103 : memref<64x128xf32, #tpu.memory_space<vmem>>)
      %dma_wait3A_110 = arith.constant 0 : i32
      %dma_wait3A_111 = arith.constant 64 : i32
      %dma_wait3A_112 = arith.constant 0 : i32
      %dma_wait3A_113 = tpu.memref_slice %arg9[%dma_wait3A_110, %dma_wait3A_111, %dma_wait3A_112] : memref<2x128x128xf32, #tpu.memory_space<vmem>> -> memref<1x64x128xf32, #tpu.memory_space<vmem>>
      %dma_wait3A_114 = tpu.memref_squeeze %dma_wait3A_113 : memref<1x64x128xf32, #tpu.memory_space<vmem>> -> memref<64x128xf32, #tpu.memory_space<vmem>>
      %dma_wait3A_115 = arith.constant 64 : i32
      %dma_wait3A_116 = tpu.memref_slice %arg7[%add3A_99, %dma_wait3A_115] : memref<40x128xi32, #tpu.memory_space<vmem>> -> memref<1x64xi32, #tpu.memory_space<vmem>>
      %dma_wait3A_117 = tpu.memref_squeeze %dma_wait3A_116 : memref<1x64xi32, #tpu.memory_space<vmem>> -> memref<64xi32, #tpu.memory_space<vmem>>
      %dma_wait3A_118 = arith.constant 0 : i32
      %dma_wait3A_119 = arith.constant 0 : i32
      %dma_wait3A_120 = tpu.memref_slice %arg2[%dma_wait3A_118, %dma_wait3A_119] : memref<10240x128xf32, #tpu.memory_space<hbm>> -> memref<10240x128xf32, #tpu.memory_space<hbm>>
      tpu.wait_indirect_dma semaphore(%arg11 : memref<!tpu.dma_semaphore, #tpu.memory_space<semaphore_mem>>) src(%dma_wait3A_120 : memref<10240x128xf32, #tpu.memory_space<hbm>>) dst(%dma_wait3A_114 : memref<64x128xf32, #tpu.memory_space<vmem>>)
      %add3A_121 = arith.constant 1 : i32
      %add3A_122 = arith.addi %add3A_99, %add3A_121 : i32
      %dma_start3A_123 = arith.constant 1 : i32
      %dma_start3A_124 = arith.constant 0 : i32
      %dma_start3A_125 = arith.constant 0 : i32
      %dma_start3A_126 = tpu.memref_slice %arg9[%dma_start3A_123, %dma_start3A_124, %dma_start3A_125] : memref<2x128x128xf32, #tpu.memory_space<vmem>> -> memref<1x64x128xf32, #tpu.memory_space<vmem>>
      %dma_start3A_127 = tpu.memref_squeeze %dma_start3A_126 : memref<1x64x128xf32, #tpu.memory_space<vmem>> -> memref<64x128xf32, #tpu.memory_space<vmem>>
      %dma_start3A_128 = arith.constant 0 : i32
      %dma_start3A_129 = tpu.memref_slice %arg7[%add3A_122, %dma_start3A_128] : memref<40x128xi32, #tpu.memory_space<vmem>> -> memref<1x64xi32, #tpu.memory_space<vmem>>
      %dma_start3A_130 = tpu.memref_squeeze %dma_start3A_129 : memref<1x64xi32, #tpu.memory_space<vmem>> -> memref<64xi32, #tpu.memory_space<vmem>>
      %dma_start3A_131 = arith.constant 0 : i32
      %dma_start3A_132 = arith.constant 0 : i32
      %dma_start3A_133 = tpu.memref_slice %arg2[%dma_start3A_131, %dma_start3A_132] : memref<10240x128xf32, #tpu.memory_space<hbm>> -> memref<10240x128xf32, #tpu.memory_space<hbm>>
      tpu.enqueue_indirect_dma source(%dma_start3A_133 : memref<10240x128xf32, #tpu.memory_space<hbm>>) target(%dma_start3A_127 : memref<64x128xf32, #tpu.memory_space<vmem>>) offsets(%dma_start3A_130 : memref<64xi32, #tpu.memory_space<vmem>>) semaphore(%arg12 : memref<!tpu.dma_semaphore, #tpu.memory_space<semaphore_mem>>)
      %dma_start3A_134 = arith.constant 1 : i32
      %dma_start3A_135 = arith.constant 64 : i32
      %dma_start3A_136 = arith.constant 0 : i32
      %dma_start3A_137 = tpu.memref_slice %arg9[%dma_start3A_134, %dma_start3A_135, %dma_start3A_136] : memref<2x128x128xf32, #tpu.memory_space<vmem>> -> memref<1x64x128xf32, #tpu.memory_space<vmem>>
      %dma_start3A_138 = tpu.memref_squeeze %dma_start3A_137 : memref<1x64x128xf32, #tpu.memory_space<vmem>> -> memref<64x128xf32, #tpu.memory_space<vmem>>
      %dma_start3A_139 = arith.constant 64 : i32
      %dma_start3A_140 = tpu.memref_slice %arg7[%add3A_122, %dma_start3A_139] : memref<40x128xi32, #tpu.memory_space<vmem>> -> memref<1x64xi32, #tpu.memory_space<vmem>>
      %dma_start3A_141 = tpu.memref_squeeze %dma_start3A_140 : memref<1x64xi32, #tpu.memory_space<vmem>> -> memref<64xi32, #tpu.memory_space<vmem>>
      %dma_start3A_142 = arith.constant 0 : i32
      %dma_start3A_143 = arith.constant 0 : i32
      %dma_start3A_144 = tpu.memref_slice %arg2[%dma_start3A_142, %dma_start3A_143] : memref<10240x128xf32, #tpu.memory_space<hbm>> -> memref<10240x128xf32, #tpu.memory_space<hbm>>
      tpu.enqueue_indirect_dma source(%dma_start3A_144 : memref<10240x128xf32, #tpu.memory_space<hbm>>) target(%dma_start3A_138 : memref<64x128xf32, #tpu.memory_space<vmem>>) offsets(%dma_start3A_141 : memref<64xi32, #tpu.memory_space<vmem>>) semaphore(%arg12 : memref<!tpu.dma_semaphore, #tpu.memory_space<semaphore_mem>>)
      %run_scoped3A_145 = arith.constant 0 : i32
      "tpu.region"() ({
        %run_scoped3A_177 = tpu.sem_alloc : memref<!tpu.dma_semaphore, #tpu.memory_space<semaphore_mem>>
        %dma_start3A_178 = arith.constant 0 : i32
        %dma_start3A_179 = arith.constant 0 : i32
        %dma_start3A_180 = tpu.memref_slice %arg9[%run_scoped3A_145, %dma_start3A_178, %dma_start3A_179] : memref<2x128x128xf32, #tpu.memory_space<vmem>> -> memref<1x128x128xf32, #tpu.memory_space<vmem>>
        %dma_start3A_181 = tpu.memref_squeeze %dma_start3A_180 : memref<1x128x128xf32, #tpu.memory_space<vmem>> -> memref<128x128xf32, #tpu.memory_space<vmem>>
        %dma_start3A_182 = arith.constant 0 : i32
        %dma_start3A_183 = tpu.memref_slice %arg8[%add3A_99, %dma_start3A_182] : memref<40x128xi32, #tpu.memory_space<vmem>> -> memref<1x128xi32, #tpu.memory_space<vmem>>
        %dma_start3A_184 = tpu.memref_squeeze %dma_start3A_183 : memref<1x128xi32, #tpu.memory_space<vmem>> -> memref<128xi32, #tpu.memory_space<vmem>>
        %dma_start3A_185 = arith.constant 0 : i32
        %dma_start3A_186 = arith.constant 0 : i32
        %dma_start3A_187 = tpu.memref_slice %arg10[%dma_start3A_185, %dma_start3A_186] : memref<10240x128xf32, #tpu.memory_space<vmem_shared>> -> memref<10240x128xf32, #tpu.memory_space<vmem_shared>>
        tpu.enqueue_indirect_dma source(%dma_start3A_181 : memref<128x128xf32, #tpu.memory_space<vmem>>) target(%dma_start3A_187 : memref<10240x128xf32, #tpu.memory_space<vmem_shared>>) offsets(%dma_start3A_184 : memref<128xi32, #tpu.memory_space<vmem>>) semaphore(%run_scoped3A_177 : memref<!tpu.dma_semaphore, #tpu.memory_space<semaphore_mem>>) {add = true}
        %dma_wait3A_188 = arith.constant 0 : i32
        %dma_wait3A_189 = arith.constant 0 : i32
        %dma_wait3A_190 = tpu.memref_slice %arg9[%run_scoped3A_145, %dma_wait3A_188, %dma_wait3A_189] : memref<2x128x128xf32, #tpu.memory_space<vmem>> -> memref<1x128x128xf32, #tpu.memory_space<vmem>>
        %dma_wait3A_191 = tpu.memref_squeeze %dma_wait3A_190 : memref<1x128x128xf32, #tpu.memory_space<vmem>> -> memref<128x128xf32, #tpu.memory_space<vmem>>
        %dma_wait3A_192 = arith.constant 0 : i32
        %dma_wait3A_193 = tpu.memref_slice %arg8[%add3A_99, %dma_wait3A_192] : memref<40x128xi32, #tpu.memory_space<vmem>> -> memref<1x128xi32, #tpu.memory_space<vmem>>
        %dma_wait3A_194 = tpu.memref_squeeze %dma_wait3A_193 : memref<1x128xi32, #tpu.memory_space<vmem>> -> memref<128xi32, #tpu.memory_space<vmem>>
        %dma_wait3A_195 = arith.constant 0 : i32
        %dma_wait3A_196 = arith.constant 0 : i32
        %dma_wait3A_197 = tpu.memref_slice %arg10[%dma_wait3A_195, %dma_wait3A_196] : memref<10240x128xf32, #tpu.memory_space<vmem_shared>> -> memref<10240x128xf32, #tpu.memory_space<vmem_shared>>
        tpu.wait_indirect_dma semaphore(%run_scoped3A_177 : memref<!tpu.dma_semaphore, #tpu.memory_space<semaphore_mem>>) src(%dma_wait3A_191 : memref<128x128xf32, #tpu.memory_space<vmem>>) dst(%dma_wait3A_197 : memref<10240x128xf32, #tpu.memory_space<vmem_shared>>)
        tpu.yield
      }) : () -> ()
      %add3A_146 = arith.constant 1 : i32
      %add3A_147 = arith.addi %add3A_99, %add3A_146 : i32
      %dma_wait3A_148 = arith.constant 1 : i32
      %dma_wait3A_149 = arith.constant 0 : i32
      %dma_wait3A_150 = arith.constant 0 : i32
      %dma_wait3A_151 = tpu.memref_slice %arg9[%dma_wait3A_148, %dma_wait3A_149, %dma_wait3A_150] : memref<2x128x128xf32, #tpu.memory_space<vmem>> -> memref<1x64x128xf32, #tpu.memory_space<vmem>>
      %dma_wait3A_152 = tpu.memref_squeeze %dma_wait3A_151 : memref<1x64x128xf32, #tpu.memory_space<vmem>> -> memref<64x128xf32, #tpu.memory_space<vmem>>
      %dma_wait3A_153 = arith.constant 0 : i32
      %dma_wait3A_154 = tpu.memref_slice %arg7[%add3A_147, %dma_wait3A_153] : memref<40x128xi32, #tpu.memory_space<vmem>> -> memref<1x64xi32, #tpu.memory_space<vmem>>
      %dma_wait3A_155 = tpu.memref_squeeze %dma_wait3A_154 : memref<1x64xi32, #tpu.memory_space<vmem>> -> memref<64xi32, #tpu.memory_space<vmem>>
      %dma_wait3A_156 = arith.constant 0 : i32
      %dma_wait3A_157 = arith.constant 0 : i32
      %dma_wait3A_158 = tpu.memref_slice %arg2[%dma_wait3A_156, %dma_wait3A_157] : memref<10240x128xf32, #tpu.memory_space<hbm>> -> memref<10240x128xf32, #tpu.memory_space<hbm>>
      tpu.wait_indirect_dma semaphore(%arg12 : memref<!tpu.dma_semaphore, #tpu.memory_space<semaphore_mem>>) src(%dma_wait3A_158 : memref<10240x128xf32, #tpu.memory_space<hbm>>) dst(%dma_wait3A_152 : memref<64x128xf32, #tpu.memory_space<vmem>>)
      %dma_wait3A_159 = arith.constant 1 : i32
      %dma_wait3A_160 = arith.constant 64 : i32
      %dma_wait3A_161 = arith.constant 0 : i32
      %dma_wait3A_162 = tpu.memref_slice %arg9[%dma_wait3A_159, %dma_wait3A_160, %dma_wait3A_161] : memref<2x128x128xf32, #tpu.memory_space<vmem>> -> memref<1x64x128xf32, #tpu.memory_space<vmem>>
      %dma_wait3A_163 = tpu.memref_squeeze %dma_wait3A_162 : memref<1x64x128xf32, #tpu.memory_space<vmem>> -> memref<64x128xf32, #tpu.memory_space<vmem>>
      %dma_wait3A_164 = arith.constant 64 : i32
      %dma_wait3A_165 = tpu.memref_slice %arg7[%add3A_147, %dma_wait3A_164] : memref<40x128xi32, #tpu.memory_space<vmem>> -> memref<1x64xi32, #tpu.memory_space<vmem>>
      %dma_wait3A_166 = tpu.memref_squeeze %dma_wait3A_165 : memref<1x64xi32, #tpu.memory_space<vmem>> -> memref<64xi32, #tpu.memory_space<vmem>>
      %dma_wait3A_167 = arith.constant 0 : i32
      %dma_wait3A_168 = arith.constant 0 : i32
      %dma_wait3A_169 = tpu.memref_slice %arg2[%dma_wait3A_167, %dma_wait3A_168] : memref<10240x128xf32, #tpu.memory_space<hbm>> -> memref<10240x128xf32, #tpu.memory_space<hbm>>
      tpu.wait_indirect_dma semaphore(%arg12 : memref<!tpu.dma_semaphore, #tpu.memory_space<semaphore_mem>>) src(%dma_wait3A_169 : memref<10240x128xf32, #tpu.memory_space<hbm>>) dst(%dma_wait3A_163 : memref<64x128xf32, #tpu.memory_space<vmem>>)
      %add3A_170 = arith.constant 2 : i32
      %add3A_171 = arith.addi %add3A_99, %add3A_170 : i32
      %lt3A = arith.constant 40 : i32
      %lt3A_172 = arith.cmpi slt, %add3A_171, %lt3A : i32
      %convert_element_type3A = arith.extui %lt3A_172 : i1 to i32
      %cond3A = arith.constant 0 : i32
      %cond3A_173 = arith.cmpi ne, %convert_element_type3A, %cond3A : i32
      scf.if %cond3A_173 {
        %add3A_177 = arith.constant 2 : i32
        %add3A_178 = arith.addi %add3A_99, %add3A_177 : i32
        %dma_start3A_179 = arith.constant 0 : i32
        %dma_start3A_180 = arith.constant 0 : i32
        %dma_start3A_181 = arith.constant 0 : i32
        %dma_start3A_182 = tpu.memref_slice %arg9[%dma_start3A_179, %dma_start3A_180, %dma_start3A_181] : memref<2x128x128xf32, #tpu.memory_space<vmem>> -> memref<1x64x128xf32, #tpu.memory_space<vmem>>
        %dma_start3A_183 = tpu.memref_squeeze %dma_start3A_182 : memref<1x64x128xf32, #tpu.memory_space<vmem>> -> memref<64x128xf32, #tpu.memory_space<vmem>>
        %dma_start3A_184 = arith.constant 0 : i32
        %dma_start3A_185 = tpu.memref_slice %arg7[%add3A_178, %dma_start3A_184] : memref<40x128xi32, #tpu.memory_space<vmem>> -> memref<1x64xi32, #tpu.memory_space<vmem>>
        %dma_start3A_186 = tpu.memref_squeeze %dma_start3A_185 : memref<1x64xi32, #tpu.memory_space<vmem>> -> memref<64xi32, #tpu.memory_space<vmem>>
        %dma_start3A_187 = arith.constant 0 : i32
        %dma_start3A_188 = arith.constant 0 : i32
        %dma_start3A_189 = tpu.memref_slice %arg2[%dma_start3A_187, %dma_start3A_188] : memref<10240x128xf32, #tpu.memory_space<hbm>> -> memref<10240x128xf32, #tpu.memory_space<hbm>>
        tpu.enqueue_indirect_dma source(%dma_start3A_189 : memref<10240x128xf32, #tpu.memory_space<hbm>>) target(%dma_start3A_183 : memref<64x128xf32, #tpu.memory_space<vmem>>) offsets(%dma_start3A_186 : memref<64xi32, #tpu.memory_space<vmem>>) semaphore(%arg11 : memref<!tpu.dma_semaphore, #tpu.memory_space<semaphore_mem>>)
        %dma_start3A_190 = arith.constant 0 : i32
        %dma_start3A_191 = arith.constant 64 : i32
        %dma_start3A_192 = arith.constant 0 : i32
        %dma_start3A_193 = tpu.memref_slice %arg9[%dma_start3A_190, %dma_start3A_191, %dma_start3A_192] : memref<2x128x128xf32, #tpu.memory_space<vmem>> -> memref<1x64x128xf32, #tpu.memory_space<vmem>>
        %dma_start3A_194 = tpu.memref_squeeze %dma_start3A_193 : memref<1x64x128xf32, #tpu.memory_space<vmem>> -> memref<64x128xf32, #tpu.memory_space<vmem>>
        %dma_start3A_195 = arith.constant 64 : i32
        %dma_start3A_196 = tpu.memref_slice %arg7[%add3A_178, %dma_start3A_195] : memref<40x128xi32, #tpu.memory_space<vmem>> -> memref<1x64xi32, #tpu.memory_space<vmem>>
        %dma_start3A_197 = tpu.memref_squeeze %dma_start3A_196 : memref<1x64xi32, #tpu.memory_space<vmem>> -> memref<64xi32, #tpu.memory_space<vmem>>
        %dma_start3A_198 = arith.constant 0 : i32
        %dma_start3A_199 = arith.constant 0 : i32
        %dma_start3A_200 = tpu.memref_slice %arg2[%dma_start3A_198, %dma_start3A_199] : memref<10240x128xf32, #tpu.memory_space<hbm>> -> memref<10240x128xf32, #tpu.memory_space<hbm>>
        tpu.enqueue_indirect_dma source(%dma_start3A_200 : memref<10240x128xf32, #tpu.memory_space<hbm>>) target(%dma_start3A_194 : memref<64x128xf32, #tpu.memory_space<vmem>>) offsets(%dma_start3A_197 : memref<64xi32, #tpu.memory_space<vmem>>) semaphore(%arg11 : memref<!tpu.dma_semaphore, #tpu.memory_space<semaphore_mem>>)
      } else {
      }
      %add3A_174 = arith.constant 1 : i32
      %add3A_175 = arith.addi %add3A_99, %add3A_174 : i32
      %run_scoped3A_176 = arith.constant 1 : i32
      "tpu.region"() ({
        %run_scoped3A_177 = tpu.sem_alloc : memref<!tpu.dma_semaphore, #tpu.memory_space<semaphore_mem>>
        %dma_start3A_178 = arith.constant 0 : i32
        %dma_start3A_179 = arith.constant 0 : i32
        %dma_start3A_180 = tpu.memref_slice %arg9[%run_scoped3A_176, %dma_start3A_178, %dma_start3A_179] : memref<2x128x128xf32, #tpu.memory_space<vmem>> -> memref<1x128x128xf32, #tpu.memory_space<vmem>>
        %dma_start3A_181 = tpu.memref_squeeze %dma_start3A_180 : memref<1x128x128xf32, #tpu.memory_space<vmem>> -> memref<128x128xf32, #tpu.memory_space<vmem>>
        %dma_start3A_182 = arith.constant 0 : i32
        %dma_start3A_183 = tpu.memref_slice %arg8[%add3A_175, %dma_start3A_182] : memref<40x128xi32, #tpu.memory_space<vmem>> -> memref<1x128xi32, #tpu.memory_space<vmem>>
        %dma_start3A_184 = tpu.memref_squeeze %dma_start3A_183 : memref<1x128xi32, #tpu.memory_space<vmem>> -> memref<128xi32, #tpu.memory_space<vmem>>
        %dma_start3A_185 = arith.constant 0 : i32
        %dma_start3A_186 = arith.constant 0 : i32
        %dma_start3A_187 = tpu.memref_slice %arg10[%dma_start3A_185, %dma_start3A_186] : memref<10240x128xf32, #tpu.memory_space<vmem_shared>> -> memref<10240x128xf32, #tpu.memory_space<vmem_shared>>
        tpu.enqueue_indirect_dma source(%dma_start3A_181 : memref<128x128xf32, #tpu.memory_space<vmem>>) target(%dma_start3A_187 : memref<10240x128xf32, #tpu.memory_space<vmem_shared>>) offsets(%dma_start3A_184 : memref<128xi32, #tpu.memory_space<vmem>>) semaphore(%run_scoped3A_177 : memref<!tpu.dma_semaphore, #tpu.memory_space<semaphore_mem>>) {add = true}
        %dma_wait3A_188 = arith.constant 0 : i32
        %dma_wait3A_189 = arith.constant 0 : i32
        %dma_wait3A_190 = tpu.memref_slice %arg9[%run_scoped3A_176, %dma_wait3A_188, %dma_wait3A_189] : memref<2x128x128xf32, #tpu.memory_space<vmem>> -> memref<1x128x128xf32, #tpu.memory_space<vmem>>
        %dma_wait3A_191 = tpu.memref_squeeze %dma_wait3A_190 : memref<1x128x128xf32, #tpu.memory_space<vmem>> -> memref<128x128xf32, #tpu.memory_space<vmem>>
        %dma_wait3A_192 = arith.constant 0 : i32
        %dma_wait3A_193 = tpu.memref_slice %arg8[%add3A_175, %dma_wait3A_192] : memref<40x128xi32, #tpu.memory_space<vmem>> -> memref<1x128xi32, #tpu.memory_space<vmem>>
        %dma_wait3A_194 = tpu.memref_squeeze %dma_wait3A_193 : memref<1x128xi32, #tpu.memory_space<vmem>> -> memref<128xi32, #tpu.memory_space<vmem>>
        %dma_wait3A_195 = arith.constant 0 : i32
        %dma_wait3A_196 = arith.constant 0 : i32
        %dma_wait3A_197 = tpu.memref_slice %arg10[%dma_wait3A_195, %dma_wait3A_196] : memref<10240x128xf32, #tpu.memory_space<vmem_shared>> -> memref<10240x128xf32, #tpu.memory_space<vmem_shared>>
        tpu.wait_indirect_dma semaphore(%run_scoped3A_177 : memref<!tpu.dma_semaphore, #tpu.memory_space<semaphore_mem>>) src(%dma_wait3A_191 : memref<128x128xf32, #tpu.memory_space<vmem>>) dst(%dma_wait3A_197 : memref<10240x128xf32, #tpu.memory_space<vmem_shared>>)
        tpu.yield
      }) : () -> ()
    }
    %scan3A_89 = arith.constant 20 : i32
    %barrier3A_90 = arith.constant 0 : index
    tpu.barrier barrier_id(%barrier3A_90)
    %mul3A_91 = arith.constant 640 : i32
    %mul3A_92 = arith.muli %arg1, %mul3A_91 : i32
    %mul3A_93 = arith.constant 640 : i32
    %mul3A_94 = arith.muli %arg1, %mul3A_93 : i32
    "tpu.region"() ({
      %run_scoped3A_95 = tpu.sem_alloc : memref<!tpu.dma_semaphore, #tpu.memory_space<semaphore_mem>>
      %dma_start3A_96 = arith.constant 0 : i32
      %dma_start3A_97 = tpu.memref_slice %arg6[%arg0, %mul3A_94, %dma_start3A_96] : memref<2x10240x128xf32, #tpu.memory_space<hbm>> -> memref<1x640x128xf32, #tpu.memory_space<hbm>>
      %dma_start3A_98 = tpu.memref_squeeze %dma_start3A_97 : memref<1x640x128xf32, #tpu.memory_space<hbm>> -> memref<640x128xf32, #tpu.memory_space<hbm>>
      %dma_start3A_99 = arith.constant 0 : i32
      %dma_start3A_100 = tpu.memref_slice %arg10[%mul3A_92, %dma_start3A_99] : memref<10240x128xf32, #tpu.memory_space<vmem_shared>> -> memref<640x128xf32, #tpu.memory_space<vmem_shared>>
      tpu.enqueue_dma source(%dma_start3A_100 : memref<640x128xf32, #tpu.memory_space<vmem_shared>>) target(%dma_start3A_98 : memref<640x128xf32, #tpu.memory_space<hbm>>) target_semaphore(%run_scoped3A_95 : memref<!tpu.dma_semaphore, #tpu.memory_space<semaphore_mem>>)
      %dma_wait3A = arith.constant 0 : i32
      %dma_wait3A_101 = tpu.memref_slice %arg6[%arg0, %mul3A_94, %dma_wait3A] : memref<2x10240x128xf32, #tpu.memory_space<hbm>> -> memref<1x640x128xf32, #tpu.memory_space<hbm>>
      %dma_wait3A_102 = tpu.memref_squeeze %dma_wait3A_101 : memref<1x640x128xf32, #tpu.memory_space<hbm>> -> memref<640x128xf32, #tpu.memory_space<hbm>>
      %dma_wait3A_103 = arith.constant 0 : i32
      %dma_wait3A_104 = tpu.memref_slice %arg10[%mul3A_92, %dma_wait3A_103] : memref<10240x128xf32, #tpu.memory_space<vmem_shared>> -> memref<640x128xf32, #tpu.memory_space<vmem_shared>>
      tpu.wait_dma2 semaphore(%run_scoped3A_95 : memref<!tpu.dma_semaphore, #tpu.memory_space<semaphore_mem>>) src(%dma_wait3A_104 : memref<640x128xf32, #tpu.memory_space<vmem_shared>>) dst(%dma_wait3A_102 : memref<640x128xf32, #tpu.memory_space<hbm>>)
      tpu.yield
    }) : () -> ()
    return
  }
}

module attributes {stable_mosaic.version = 14 : i64} {
  func.func @_scale_body(%arg0: i32, %arg1: memref<2x8x128xf32, #tpu.memory_space<vmem>>, %arg2: memref<1024x128xf32, #tpu.memory_space<vmem>>, %arg3: memref<1024x128xf32, #tpu.memory_space<vmem>>) attributes {dimension_semantics = [#tpu.dimension_semantics<arbitrary>], iteration_bounds = array<i64: 10>, scalar_prefetch = 0 : i64, scratch_operands = 0 : i64, tpu.core_type = #tpu.core_type<tc>, window_params = [{transform_indices = @transform_0, window_bounds = array<i64: 2, 8, 128>}, {transform_indices = @transform_1, window_bounds = array<i64: 1024, 128>}, {transform_indices = @transform_2, window_bounds = array<i64: 1024, 128>}]} {
    %get3A = arith.constant 0 : index
    %get3A_0 = arith.constant 0 : index
    %get3A_1 = arith.constant 0 : index
    %get3A_2 = vector.load %arg1[%get3A, %get3A_0, %get3A_1] : memref<2x8x128xf32, #tpu.memory_space<vmem>>, vector<1x8x128xf32>
    %get3A_3 = vector.shape_cast %get3A_2 : vector<1x8x128xf32> to vector<8x128xf32>
    %get3A_4 = arith.constant 1 : index
    %get3A_5 = arith.constant 0 : index
    %get3A_6 = arith.constant 0 : index
    %get3A_7 = vector.load %arg1[%get3A_4, %get3A_5, %get3A_6] : memref<2x8x128xf32, #tpu.memory_space<vmem>>, vector<1x8x128xf32>
    %get3A_8 = vector.shape_cast %get3A_7 : vector<1x8x128xf32> to vector<8x128xf32>
    %add3A = arith.addf %get3A_3, %get3A_8 : vector<8x128xf32>
    %gt3A = arith.constant 0.000000e+00 : f32
    %gt3A_9 = vector.broadcast %gt3A : f32 to vector<8x128xf32>
    %gt3A_10 = arith.cmpf ogt, %add3A, %gt3A_9 : vector<8x128xf32>
    %max3A = arith.constant 1.000000e+00 : f32
    %max3A_11 = vector.broadcast %max3A : f32 to vector<8x128xf32>
    %max3A_12 = arith.maximumf %add3A, %max3A_11 : vector<8x128xf32>
    %rsqrt3A = math.rsqrt %max3A_12 : vector<8x128xf32>
    %jit3A = arith.constant 0.000000e+00 : f32
    %broadcast_in_dim3A = vector.broadcast %jit3A : f32 to vector<8x128xf32>
    %select_n3A = arith.select %gt3A_10, %rsqrt3A, %broadcast_in_dim3A : vector<8x128xi1>, vector<8x128xf32>
    %iota3A = tpu.iota {dimensions = array<i32: 0>} : vector<1024x128xi32>
    %iota3A_13 = tpu.iota {dimensions = array<i32: 1>} : vector<1024x128xi32>
    %broadcast_in_dim3A_14 = arith.constant 0.000000e+00 : f32
    %broadcast_in_dim3A_15 = vector.broadcast %broadcast_in_dim3A_14 : f32 to vector<1024x128xf32>
    %jit3A_16 = arith.constant 128 : i32
    %div3A = vector.broadcast %jit3A_16 : i32 to vector<1024x128xi32>
    %div3A_17 = arith.divsi %iota3A, %div3A : vector<1024x128xi32>
    %sign3A = arith.constant 0 : i32
    %sign3A_18 = vector.broadcast %sign3A : i32 to vector<1024x128xi32>
    %sign3A_19 = arith.cmpi sgt, %iota3A, %sign3A_18 : vector<1024x128xi32>
    %sign3A_20 = arith.extui %sign3A_19 : vector<1024x128xi1> to vector<1024x128xi32>
    %sign3A_21 = arith.constant 0 : i32
    %sign3A_22 = vector.broadcast %sign3A_21 : i32 to vector<1024x128xi32>
    %sign3A_23 = arith.cmpi slt, %iota3A, %sign3A_22 : vector<1024x128xi32>
    %sign3A_24 = arith.extui %sign3A_23 : vector<1024x128xi1> to vector<1024x128xi32>
    %sign3A_25 = arith.subi %sign3A_20, %sign3A_24 : vector<1024x128xi32>
    %sign3A_26 = arith.constant 0 : i32
    %sign3A_27 = arith.cmpi sgt, %jit3A_16, %sign3A_26 : i32
    %sign3A_28 = arith.extui %sign3A_27 : i1 to i32
    %sign3A_29 = arith.constant 0 : i32
    %sign3A_30 = arith.cmpi slt, %jit3A_16, %sign3A_29 : i32
    %sign3A_31 = arith.extui %sign3A_30 : i1 to i32
    %sign3A_32 = arith.subi %sign3A_28, %sign3A_31 : i32
    %ne3A = vector.broadcast %sign3A_32 : i32 to vector<1024x128xi32>
    %ne3A_33 = arith.cmpi ne, %sign3A_25, %ne3A : vector<1024x128xi32>
    %rem3A = vector.broadcast %jit3A_16 : i32 to vector<1024x128xi32>
    %rem3A_34 = arith.remsi %iota3A, %rem3A : vector<1024x128xi32>
    %ne3A_35 = arith.constant 0 : i32
    %ne3A_36 = vector.broadcast %ne3A_35 : i32 to vector<1024x128xi32>
    %ne3A_37 = arith.cmpi ne, %rem3A_34, %ne3A_36 : vector<1024x128xi32>
    %and3A = arith.andi %ne3A_33, %ne3A_37 : vector<1024x128xi1>
    %sub3A = arith.constant 1 : i32
    %sub3A_38 = vector.broadcast %sub3A : i32 to vector<1024x128xi32>
    %sub3A_39 = arith.subi %div3A_17, %sub3A_38 : vector<1024x128xi32>
    %select_n3A_40 = arith.select %and3A, %sub3A_39, %div3A_17 : vector<1024x128xi1>, vector<1024x128xi32>
    %eq3A = arith.constant 0 : i32
    %eq3A_41 = vector.broadcast %eq3A : i32 to vector<1024x128xi32>
    %eq3A_42 = arith.cmpi eq, %select_n3A_40, %eq3A_41 : vector<1024x128xi32>
    %slice3A = vector.extract_strided_slice %select_n3A {offsets = [0, 0], sizes = [1, 128], strides = [1, 1]} : vector<8x128xf32> to vector<1x128xf32>
    %broadcast_in_dim3A_43 = vector.shape_cast %slice3A : vector<1x128xf32> to vector<1x128xf32>
    %broadcast_in_dim3A_44 = vector.broadcast %broadcast_in_dim3A_43 : vector<1x128xf32> to vector<1024x128xf32>
    %select_n3A_45 = arith.select %eq3A_42, %broadcast_in_dim3A_44, %broadcast_in_dim3A_15 : vector<1024x128xi1>, vector<1024x128xf32>
    %jit3A_46 = arith.constant 128 : i32
    %div3A_47 = vector.broadcast %jit3A_46 : i32 to vector<1024x128xi32>
    %div3A_48 = arith.divsi %iota3A, %div3A_47 : vector<1024x128xi32>
    %sign3A_49 = arith.constant 0 : i32
    %sign3A_50 = vector.broadcast %sign3A_49 : i32 to vector<1024x128xi32>
    %sign3A_51 = arith.cmpi sgt, %iota3A, %sign3A_50 : vector<1024x128xi32>
    %sign3A_52 = arith.extui %sign3A_51 : vector<1024x128xi1> to vector<1024x128xi32>
    %sign3A_53 = arith.constant 0 : i32
    %sign3A_54 = vector.broadcast %sign3A_53 : i32 to vector<1024x128xi32>
    %sign3A_55 = arith.cmpi slt, %iota3A, %sign3A_54 : vector<1024x128xi32>
    %sign3A_56 = arith.extui %sign3A_55 : vector<1024x128xi1> to vector<1024x128xi32>
    %sign3A_57 = arith.subi %sign3A_52, %sign3A_56 : vector<1024x128xi32>
    %sign3A_58 = arith.constant 0 : i32
    %sign3A_59 = arith.cmpi sgt, %jit3A_46, %sign3A_58 : i32
    %sign3A_60 = arith.extui %sign3A_59 : i1 to i32
    %sign3A_61 = arith.constant 0 : i32
    %sign3A_62 = arith.cmpi slt, %jit3A_46, %sign3A_61 : i32
    %sign3A_63 = arith.extui %sign3A_62 : i1 to i32
    %sign3A_64 = arith.subi %sign3A_60, %sign3A_63 : i32
    %ne3A_65 = vector.broadcast %sign3A_64 : i32 to vector<1024x128xi32>
    %ne3A_66 = arith.cmpi ne, %sign3A_57, %ne3A_65 : vector<1024x128xi32>
    %rem3A_67 = vector.broadcast %jit3A_46 : i32 to vector<1024x128xi32>
    %rem3A_68 = arith.remsi %iota3A, %rem3A_67 : vector<1024x128xi32>
    %ne3A_69 = arith.constant 0 : i32
    %ne3A_70 = vector.broadcast %ne3A_69 : i32 to vector<1024x128xi32>
    %ne3A_71 = arith.cmpi ne, %rem3A_68, %ne3A_70 : vector<1024x128xi32>
    %and3A_72 = arith.andi %ne3A_66, %ne3A_71 : vector<1024x128xi1>
    %sub3A_73 = arith.constant 1 : i32
    %sub3A_74 = vector.broadcast %sub3A_73 : i32 to vector<1024x128xi32>
    %sub3A_75 = arith.subi %div3A_48, %sub3A_74 : vector<1024x128xi32>
    %select_n3A_76 = arith.select %and3A_72, %sub3A_75, %div3A_48 : vector<1024x128xi1>, vector<1024x128xi32>
    %eq3A_77 = arith.constant 1 : i32
    %eq3A_78 = vector.broadcast %eq3A_77 : i32 to vector<1024x128xi32>
    %eq3A_79 = arith.cmpi eq, %select_n3A_76, %eq3A_78 : vector<1024x128xi32>
    %slice3A_80 = vector.extract_strided_slice %select_n3A {offsets = [1, 0], sizes = [1, 128], strides = [1, 1]} : vector<8x128xf32> to vector<1x128xf32>
    %broadcast_in_dim3A_81 = vector.shape_cast %slice3A_80 : vector<1x128xf32> to vector<1x128xf32>
    %broadcast_in_dim3A_82 = vector.broadcast %broadcast_in_dim3A_81 : vector<1x128xf32> to vector<1024x128xf32>
    %select_n3A_83 = arith.select %eq3A_79, %broadcast_in_dim3A_82, %select_n3A_45 : vector<1024x128xi1>, vector<1024x128xf32>
    %jit3A_84 = arith.constant 128 : i32
    %div3A_85 = vector.broadcast %jit3A_84 : i32 to vector<1024x128xi32>
    %div3A_86 = arith.divsi %iota3A, %div3A_85 : vector<1024x128xi32>
    %sign3A_87 = arith.constant 0 : i32
    %sign3A_88 = vector.broadcast %sign3A_87 : i32 to vector<1024x128xi32>
    %sign3A_89 = arith.cmpi sgt, %iota3A, %sign3A_88 : vector<1024x128xi32>
    %sign3A_90 = arith.extui %sign3A_89 : vector<1024x128xi1> to vector<1024x128xi32>
    %sign3A_91 = arith.constant 0 : i32
    %sign3A_92 = vector.broadcast %sign3A_91 : i32 to vector<1024x128xi32>
    %sign3A_93 = arith.cmpi slt, %iota3A, %sign3A_92 : vector<1024x128xi32>
    %sign3A_94 = arith.extui %sign3A_93 : vector<1024x128xi1> to vector<1024x128xi32>
    %sign3A_95 = arith.subi %sign3A_90, %sign3A_94 : vector<1024x128xi32>
    %sign3A_96 = arith.constant 0 : i32
    %sign3A_97 = arith.cmpi sgt, %jit3A_84, %sign3A_96 : i32
    %sign3A_98 = arith.extui %sign3A_97 : i1 to i32
    %sign3A_99 = arith.constant 0 : i32
    %sign3A_100 = arith.cmpi slt, %jit3A_84, %sign3A_99 : i32
    %sign3A_101 = arith.extui %sign3A_100 : i1 to i32
    %sign3A_102 = arith.subi %sign3A_98, %sign3A_101 : i32
    %ne3A_103 = vector.broadcast %sign3A_102 : i32 to vector<1024x128xi32>
    %ne3A_104 = arith.cmpi ne, %sign3A_95, %ne3A_103 : vector<1024x128xi32>
    %rem3A_105 = vector.broadcast %jit3A_84 : i32 to vector<1024x128xi32>
    %rem3A_106 = arith.remsi %iota3A, %rem3A_105 : vector<1024x128xi32>
    %ne3A_107 = arith.constant 0 : i32
    %ne3A_108 = vector.broadcast %ne3A_107 : i32 to vector<1024x128xi32>
    %ne3A_109 = arith.cmpi ne, %rem3A_106, %ne3A_108 : vector<1024x128xi32>
    %and3A_110 = arith.andi %ne3A_104, %ne3A_109 : vector<1024x128xi1>
    %sub3A_111 = arith.constant 1 : i32
    %sub3A_112 = vector.broadcast %sub3A_111 : i32 to vector<1024x128xi32>
    %sub3A_113 = arith.subi %div3A_86, %sub3A_112 : vector<1024x128xi32>
    %select_n3A_114 = arith.select %and3A_110, %sub3A_113, %div3A_86 : vector<1024x128xi1>, vector<1024x128xi32>
    %eq3A_115 = arith.constant 2 : i32
    %eq3A_116 = vector.broadcast %eq3A_115 : i32 to vector<1024x128xi32>
    %eq3A_117 = arith.cmpi eq, %select_n3A_114, %eq3A_116 : vector<1024x128xi32>
    %slice3A_118 = vector.extract_strided_slice %select_n3A {offsets = [2, 0], sizes = [1, 128], strides = [1, 1]} : vector<8x128xf32> to vector<1x128xf32>
    %broadcast_in_dim3A_119 = vector.shape_cast %slice3A_118 : vector<1x128xf32> to vector<1x128xf32>
    %broadcast_in_dim3A_120 = vector.broadcast %broadcast_in_dim3A_119 : vector<1x128xf32> to vector<1024x128xf32>
    %select_n3A_121 = arith.select %eq3A_117, %broadcast_in_dim3A_120, %select_n3A_83 : vector<1024x128xi1>, vector<1024x128xf32>
    %jit3A_122 = arith.constant 128 : i32
    %div3A_123 = vector.broadcast %jit3A_122 : i32 to vector<1024x128xi32>
    %div3A_124 = arith.divsi %iota3A, %div3A_123 : vector<1024x128xi32>
    %sign3A_125 = arith.constant 0 : i32
    %sign3A_126 = vector.broadcast %sign3A_125 : i32 to vector<1024x128xi32>
    %sign3A_127 = arith.cmpi sgt, %iota3A, %sign3A_126 : vector<1024x128xi32>
    %sign3A_128 = arith.extui %sign3A_127 : vector<1024x128xi1> to vector<1024x128xi32>
    %sign3A_129 = arith.constant 0 : i32
    %sign3A_130 = vector.broadcast %sign3A_129 : i32 to vector<1024x128xi32>
    %sign3A_131 = arith.cmpi slt, %iota3A, %sign3A_130 : vector<1024x128xi32>
    %sign3A_132 = arith.extui %sign3A_131 : vector<1024x128xi1> to vector<1024x128xi32>
    %sign3A_133 = arith.subi %sign3A_128, %sign3A_132 : vector<1024x128xi32>
    %sign3A_134 = arith.constant 0 : i32
    %sign3A_135 = arith.cmpi sgt, %jit3A_122, %sign3A_134 : i32
    %sign3A_136 = arith.extui %sign3A_135 : i1 to i32
    %sign3A_137 = arith.constant 0 : i32
    %sign3A_138 = arith.cmpi slt, %jit3A_122, %sign3A_137 : i32
    %sign3A_139 = arith.extui %sign3A_138 : i1 to i32
    %sign3A_140 = arith.subi %sign3A_136, %sign3A_139 : i32
    %ne3A_141 = vector.broadcast %sign3A_140 : i32 to vector<1024x128xi32>
    %ne3A_142 = arith.cmpi ne, %sign3A_133, %ne3A_141 : vector<1024x128xi32>
    %rem3A_143 = vector.broadcast %jit3A_122 : i32 to vector<1024x128xi32>
    %rem3A_144 = arith.remsi %iota3A, %rem3A_143 : vector<1024x128xi32>
    %ne3A_145 = arith.constant 0 : i32
    %ne3A_146 = vector.broadcast %ne3A_145 : i32 to vector<1024x128xi32>
    %ne3A_147 = arith.cmpi ne, %rem3A_144, %ne3A_146 : vector<1024x128xi32>
    %and3A_148 = arith.andi %ne3A_142, %ne3A_147 : vector<1024x128xi1>
    %sub3A_149 = arith.constant 1 : i32
    %sub3A_150 = vector.broadcast %sub3A_149 : i32 to vector<1024x128xi32>
    %sub3A_151 = arith.subi %div3A_124, %sub3A_150 : vector<1024x128xi32>
    %select_n3A_152 = arith.select %and3A_148, %sub3A_151, %div3A_124 : vector<1024x128xi1>, vector<1024x128xi32>
    %eq3A_153 = arith.constant 3 : i32
    %eq3A_154 = vector.broadcast %eq3A_153 : i32 to vector<1024x128xi32>
    %eq3A_155 = arith.cmpi eq, %select_n3A_152, %eq3A_154 : vector<1024x128xi32>
    %slice3A_156 = vector.extract_strided_slice %select_n3A {offsets = [3, 0], sizes = [1, 128], strides = [1, 1]} : vector<8x128xf32> to vector<1x128xf32>
    %broadcast_in_dim3A_157 = vector.shape_cast %slice3A_156 : vector<1x128xf32> to vector<1x128xf32>
    %broadcast_in_dim3A_158 = vector.broadcast %broadcast_in_dim3A_157 : vector<1x128xf32> to vector<1024x128xf32>
    %select_n3A_159 = arith.select %eq3A_155, %broadcast_in_dim3A_158, %select_n3A_121 : vector<1024x128xi1>, vector<1024x128xf32>
    %jit3A_160 = arith.constant 128 : i32
    %div3A_161 = vector.broadcast %jit3A_160 : i32 to vector<1024x128xi32>
    %div3A_162 = arith.divsi %iota3A, %div3A_161 : vector<1024x128xi32>
    %sign3A_163 = arith.constant 0 : i32
    %sign3A_164 = vector.broadcast %sign3A_163 : i32 to vector<1024x128xi32>
    %sign3A_165 = arith.cmpi sgt, %iota3A, %sign3A_164 : vector<1024x128xi32>
    %sign3A_166 = arith.extui %sign3A_165 : vector<1024x128xi1> to vector<1024x128xi32>
    %sign3A_167 = arith.constant 0 : i32
    %sign3A_168 = vector.broadcast %sign3A_167 : i32 to vector<1024x128xi32>
    %sign3A_169 = arith.cmpi slt, %iota3A, %sign3A_168 : vector<1024x128xi32>
    %sign3A_170 = arith.extui %sign3A_169 : vector<1024x128xi1> to vector<1024x128xi32>
    %sign3A_171 = arith.subi %sign3A_166, %sign3A_170 : vector<1024x128xi32>
    %sign3A_172 = arith.constant 0 : i32
    %sign3A_173 = arith.cmpi sgt, %jit3A_160, %sign3A_172 : i32
    %sign3A_174 = arith.extui %sign3A_173 : i1 to i32
    %sign3A_175 = arith.constant 0 : i32
    %sign3A_176 = arith.cmpi slt, %jit3A_160, %sign3A_175 : i32
    %sign3A_177 = arith.extui %sign3A_176 : i1 to i32
    %sign3A_178 = arith.subi %sign3A_174, %sign3A_177 : i32
    %ne3A_179 = vector.broadcast %sign3A_178 : i32 to vector<1024x128xi32>
    %ne3A_180 = arith.cmpi ne, %sign3A_171, %ne3A_179 : vector<1024x128xi32>
    %rem3A_181 = vector.broadcast %jit3A_160 : i32 to vector<1024x128xi32>
    %rem3A_182 = arith.remsi %iota3A, %rem3A_181 : vector<1024x128xi32>
    %ne3A_183 = arith.constant 0 : i32
    %ne3A_184 = vector.broadcast %ne3A_183 : i32 to vector<1024x128xi32>
    %ne3A_185 = arith.cmpi ne, %rem3A_182, %ne3A_184 : vector<1024x128xi32>
    %and3A_186 = arith.andi %ne3A_180, %ne3A_185 : vector<1024x128xi1>
    %sub3A_187 = arith.constant 1 : i32
    %sub3A_188 = vector.broadcast %sub3A_187 : i32 to vector<1024x128xi32>
    %sub3A_189 = arith.subi %div3A_162, %sub3A_188 : vector<1024x128xi32>
    %select_n3A_190 = arith.select %and3A_186, %sub3A_189, %div3A_162 : vector<1024x128xi1>, vector<1024x128xi32>
    %eq3A_191 = arith.constant 4 : i32
    %eq3A_192 = vector.broadcast %eq3A_191 : i32 to vector<1024x128xi32>
    %eq3A_193 = arith.cmpi eq, %select_n3A_190, %eq3A_192 : vector<1024x128xi32>
    %slice3A_194 = vector.extract_strided_slice %select_n3A {offsets = [4, 0], sizes = [1, 128], strides = [1, 1]} : vector<8x128xf32> to vector<1x128xf32>
    %broadcast_in_dim3A_195 = vector.shape_cast %slice3A_194 : vector<1x128xf32> to vector<1x128xf32>
    %broadcast_in_dim3A_196 = vector.broadcast %broadcast_in_dim3A_195 : vector<1x128xf32> to vector<1024x128xf32>
    %select_n3A_197 = arith.select %eq3A_193, %broadcast_in_dim3A_196, %select_n3A_159 : vector<1024x128xi1>, vector<1024x128xf32>
    %jit3A_198 = arith.constant 128 : i32
    %div3A_199 = vector.broadcast %jit3A_198 : i32 to vector<1024x128xi32>
    %div3A_200 = arith.divsi %iota3A, %div3A_199 : vector<1024x128xi32>
    %sign3A_201 = arith.constant 0 : i32
    %sign3A_202 = vector.broadcast %sign3A_201 : i32 to vector<1024x128xi32>
    %sign3A_203 = arith.cmpi sgt, %iota3A, %sign3A_202 : vector<1024x128xi32>
    %sign3A_204 = arith.extui %sign3A_203 : vector<1024x128xi1> to vector<1024x128xi32>
    %sign3A_205 = arith.constant 0 : i32
    %sign3A_206 = vector.broadcast %sign3A_205 : i32 to vector<1024x128xi32>
    %sign3A_207 = arith.cmpi slt, %iota3A, %sign3A_206 : vector<1024x128xi32>
    %sign3A_208 = arith.extui %sign3A_207 : vector<1024x128xi1> to vector<1024x128xi32>
    %sign3A_209 = arith.subi %sign3A_204, %sign3A_208 : vector<1024x128xi32>
    %sign3A_210 = arith.constant 0 : i32
    %sign3A_211 = arith.cmpi sgt, %jit3A_198, %sign3A_210 : i32
    %sign3A_212 = arith.extui %sign3A_211 : i1 to i32
    %sign3A_213 = arith.constant 0 : i32
    %sign3A_214 = arith.cmpi slt, %jit3A_198, %sign3A_213 : i32
    %sign3A_215 = arith.extui %sign3A_214 : i1 to i32
    %sign3A_216 = arith.subi %sign3A_212, %sign3A_215 : i32
    %ne3A_217 = vector.broadcast %sign3A_216 : i32 to vector<1024x128xi32>
    %ne3A_218 = arith.cmpi ne, %sign3A_209, %ne3A_217 : vector<1024x128xi32>
    %rem3A_219 = vector.broadcast %jit3A_198 : i32 to vector<1024x128xi32>
    %rem3A_220 = arith.remsi %iota3A, %rem3A_219 : vector<1024x128xi32>
    %ne3A_221 = arith.constant 0 : i32
    %ne3A_222 = vector.broadcast %ne3A_221 : i32 to vector<1024x128xi32>
    %ne3A_223 = arith.cmpi ne, %rem3A_220, %ne3A_222 : vector<1024x128xi32>
    %and3A_224 = arith.andi %ne3A_218, %ne3A_223 : vector<1024x128xi1>
    %sub3A_225 = arith.constant 1 : i32
    %sub3A_226 = vector.broadcast %sub3A_225 : i32 to vector<1024x128xi32>
    %sub3A_227 = arith.subi %div3A_200, %sub3A_226 : vector<1024x128xi32>
    %select_n3A_228 = arith.select %and3A_224, %sub3A_227, %div3A_200 : vector<1024x128xi1>, vector<1024x128xi32>
    %eq3A_229 = arith.constant 5 : i32
    %eq3A_230 = vector.broadcast %eq3A_229 : i32 to vector<1024x128xi32>
    %eq3A_231 = arith.cmpi eq, %select_n3A_228, %eq3A_230 : vector<1024x128xi32>
    %slice3A_232 = vector.extract_strided_slice %select_n3A {offsets = [5, 0], sizes = [1, 128], strides = [1, 1]} : vector<8x128xf32> to vector<1x128xf32>
    %broadcast_in_dim3A_233 = vector.shape_cast %slice3A_232 : vector<1x128xf32> to vector<1x128xf32>
    %broadcast_in_dim3A_234 = vector.broadcast %broadcast_in_dim3A_233 : vector<1x128xf32> to vector<1024x128xf32>
    %select_n3A_235 = arith.select %eq3A_231, %broadcast_in_dim3A_234, %select_n3A_197 : vector<1024x128xi1>, vector<1024x128xf32>
    %jit3A_236 = arith.constant 128 : i32
    %div3A_237 = vector.broadcast %jit3A_236 : i32 to vector<1024x128xi32>
    %div3A_238 = arith.divsi %iota3A, %div3A_237 : vector<1024x128xi32>
    %sign3A_239 = arith.constant 0 : i32
    %sign3A_240 = vector.broadcast %sign3A_239 : i32 to vector<1024x128xi32>
    %sign3A_241 = arith.cmpi sgt, %iota3A, %sign3A_240 : vector<1024x128xi32>
    %sign3A_242 = arith.extui %sign3A_241 : vector<1024x128xi1> to vector<1024x128xi32>
    %sign3A_243 = arith.constant 0 : i32
    %sign3A_244 = vector.broadcast %sign3A_243 : i32 to vector<1024x128xi32>
    %sign3A_245 = arith.cmpi slt, %iota3A, %sign3A_244 : vector<1024x128xi32>
    %sign3A_246 = arith.extui %sign3A_245 : vector<1024x128xi1> to vector<1024x128xi32>
    %sign3A_247 = arith.subi %sign3A_242, %sign3A_246 : vector<1024x128xi32>
    %sign3A_248 = arith.constant 0 : i32
    %sign3A_249 = arith.cmpi sgt, %jit3A_236, %sign3A_248 : i32
    %sign3A_250 = arith.extui %sign3A_249 : i1 to i32
    %sign3A_251 = arith.constant 0 : i32
    %sign3A_252 = arith.cmpi slt, %jit3A_236, %sign3A_251 : i32
    %sign3A_253 = arith.extui %sign3A_252 : i1 to i32
    %sign3A_254 = arith.subi %sign3A_250, %sign3A_253 : i32
    %ne3A_255 = vector.broadcast %sign3A_254 : i32 to vector<1024x128xi32>
    %ne3A_256 = arith.cmpi ne, %sign3A_247, %ne3A_255 : vector<1024x128xi32>
    %rem3A_257 = vector.broadcast %jit3A_236 : i32 to vector<1024x128xi32>
    %rem3A_258 = arith.remsi %iota3A, %rem3A_257 : vector<1024x128xi32>
    %ne3A_259 = arith.constant 0 : i32
    %ne3A_260 = vector.broadcast %ne3A_259 : i32 to vector<1024x128xi32>
    %ne3A_261 = arith.cmpi ne, %rem3A_258, %ne3A_260 : vector<1024x128xi32>
    %and3A_262 = arith.andi %ne3A_256, %ne3A_261 : vector<1024x128xi1>
    %sub3A_263 = arith.constant 1 : i32
    %sub3A_264 = vector.broadcast %sub3A_263 : i32 to vector<1024x128xi32>
    %sub3A_265 = arith.subi %div3A_238, %sub3A_264 : vector<1024x128xi32>
    %select_n3A_266 = arith.select %and3A_262, %sub3A_265, %div3A_238 : vector<1024x128xi1>, vector<1024x128xi32>
    %eq3A_267 = arith.constant 6 : i32
    %eq3A_268 = vector.broadcast %eq3A_267 : i32 to vector<1024x128xi32>
    %eq3A_269 = arith.cmpi eq, %select_n3A_266, %eq3A_268 : vector<1024x128xi32>
    %slice3A_270 = vector.extract_strided_slice %select_n3A {offsets = [6, 0], sizes = [1, 128], strides = [1, 1]} : vector<8x128xf32> to vector<1x128xf32>
    %broadcast_in_dim3A_271 = vector.shape_cast %slice3A_270 : vector<1x128xf32> to vector<1x128xf32>
    %broadcast_in_dim3A_272 = vector.broadcast %broadcast_in_dim3A_271 : vector<1x128xf32> to vector<1024x128xf32>
    %select_n3A_273 = arith.select %eq3A_269, %broadcast_in_dim3A_272, %select_n3A_235 : vector<1024x128xi1>, vector<1024x128xf32>
    %jit3A_274 = arith.constant 128 : i32
    %div3A_275 = vector.broadcast %jit3A_274 : i32 to vector<1024x128xi32>
    %div3A_276 = arith.divsi %iota3A, %div3A_275 : vector<1024x128xi32>
    %sign3A_277 = arith.constant 0 : i32
    %sign3A_278 = vector.broadcast %sign3A_277 : i32 to vector<1024x128xi32>
    %sign3A_279 = arith.cmpi sgt, %iota3A, %sign3A_278 : vector<1024x128xi32>
    %sign3A_280 = arith.extui %sign3A_279 : vector<1024x128xi1> to vector<1024x128xi32>
    %sign3A_281 = arith.constant 0 : i32
    %sign3A_282 = vector.broadcast %sign3A_281 : i32 to vector<1024x128xi32>
    %sign3A_283 = arith.cmpi slt, %iota3A, %sign3A_282 : vector<1024x128xi32>
    %sign3A_284 = arith.extui %sign3A_283 : vector<1024x128xi1> to vector<1024x128xi32>
    %sign3A_285 = arith.subi %sign3A_280, %sign3A_284 : vector<1024x128xi32>
    %sign3A_286 = arith.constant 0 : i32
    %sign3A_287 = arith.cmpi sgt, %jit3A_274, %sign3A_286 : i32
    %sign3A_288 = arith.extui %sign3A_287 : i1 to i32
    %sign3A_289 = arith.constant 0 : i32
    %sign3A_290 = arith.cmpi slt, %jit3A_274, %sign3A_289 : i32
    %sign3A_291 = arith.extui %sign3A_290 : i1 to i32
    %sign3A_292 = arith.subi %sign3A_288, %sign3A_291 : i32
    %ne3A_293 = vector.broadcast %sign3A_292 : i32 to vector<1024x128xi32>
    %ne3A_294 = arith.cmpi ne, %sign3A_285, %ne3A_293 : vector<1024x128xi32>
    %rem3A_295 = vector.broadcast %jit3A_274 : i32 to vector<1024x128xi32>
    %rem3A_296 = arith.remsi %iota3A, %rem3A_295 : vector<1024x128xi32>
    %ne3A_297 = arith.constant 0 : i32
    %ne3A_298 = vector.broadcast %ne3A_297 : i32 to vector<1024x128xi32>
    %ne3A_299 = arith.cmpi ne, %rem3A_296, %ne3A_298 : vector<1024x128xi32>
    %and3A_300 = arith.andi %ne3A_294, %ne3A_299 : vector<1024x128xi1>
    %sub3A_301 = arith.constant 1 : i32
    %sub3A_302 = vector.broadcast %sub3A_301 : i32 to vector<1024x128xi32>
    %sub3A_303 = arith.subi %div3A_276, %sub3A_302 : vector<1024x128xi32>
    %select_n3A_304 = arith.select %and3A_300, %sub3A_303, %div3A_276 : vector<1024x128xi1>, vector<1024x128xi32>
    %eq3A_305 = arith.constant 7 : i32
    %eq3A_306 = vector.broadcast %eq3A_305 : i32 to vector<1024x128xi32>
    %eq3A_307 = arith.cmpi eq, %select_n3A_304, %eq3A_306 : vector<1024x128xi32>
    %slice3A_308 = vector.extract_strided_slice %select_n3A {offsets = [7, 0], sizes = [1, 128], strides = [1, 1]} : vector<8x128xf32> to vector<1x128xf32>
    %broadcast_in_dim3A_309 = vector.shape_cast %slice3A_308 : vector<1x128xf32> to vector<1x128xf32>
    %broadcast_in_dim3A_310 = vector.broadcast %broadcast_in_dim3A_309 : vector<1x128xf32> to vector<1024x128xf32>
    %select_n3A_311 = arith.select %eq3A_307, %broadcast_in_dim3A_310, %select_n3A_273 : vector<1024x128xi1>, vector<1024x128xf32>
    %jit3A_312 = arith.constant 128 : i32
    %eq3A_313 = arith.constant 0 : i32
    %eq3A_314 = arith.cmpi eq, %jit3A_312, %eq3A_313 : i32
    %jit3A_315 = arith.constant 1 : i32
    %select_n3A_316 = arith.select %eq3A_314, %jit3A_315, %jit3A_312 : i32
    %rem3A_317 = vector.broadcast %select_n3A_316 : i32 to vector<1024x128xi32>
    %rem3A_318 = arith.remsi %iota3A, %rem3A_317 : vector<1024x128xi32>
    %ne3A_319 = arith.constant 0 : i32
    %ne3A_320 = vector.broadcast %ne3A_319 : i32 to vector<1024x128xi32>
    %ne3A_321 = arith.cmpi ne, %rem3A_318, %ne3A_320 : vector<1024x128xi32>
    %lt3A = arith.constant 0 : i32
    %lt3A_322 = vector.broadcast %lt3A : i32 to vector<1024x128xi32>
    %lt3A_323 = arith.cmpi slt, %rem3A_318, %lt3A_322 : vector<1024x128xi32>
    %lt3A_324 = arith.constant 0 : i32
    %lt3A_325 = arith.cmpi slt, %select_n3A_316, %lt3A_324 : i32
    %ne3A_326 = vector.broadcast %lt3A_325 : i1 to vector<1024x128xi1>
    %ne3A_327 = vector.broadcast %ne3A_326 : vector<1024x128xi1> to vector<1024x128xi1>
    %ne3A_328 = arith.xori %lt3A_323, %ne3A_327 : vector<1024x128xi1>
    %and3A_329 = arith.andi %ne3A_328, %ne3A_321 : vector<1024x128xi1>
    %add3A_330 = vector.broadcast %select_n3A_316 : i32 to vector<1024x128xi32>
    %add3A_331 = arith.addi %rem3A_318, %add3A_330 : vector<1024x128xi32>
    %select_n3A_332 = arith.select %and3A_329, %add3A_331, %rem3A_318 : vector<1024x128xi1>, vector<1024x128xi32>
    %eq3A_333 = arith.cmpi eq, %select_n3A_332, %iota3A_13 : vector<1024x128xi32>
    %jit3A_334 = arith.constant 0.000000e+00 : f32
    %broadcast_in_dim3A_335 = vector.broadcast %jit3A_334 : f32 to vector<1024x128xf32>
    %select_n3A_336 = arith.select %eq3A_333, %select_n3A_311, %broadcast_in_dim3A_335 : vector<1024x128xi1>, vector<1024x128xf32>
    %reduce_sum3A = arith.constant dense<0.000000e+00> : vector<1024xf32>
    %reduce_sum3A_337 = vector.multi_reduction <add>, %select_n3A_336, %reduce_sum3A [1] : vector<1024x128xf32> to vector<1024xf32>
    %broadcast_in_dim3A_338 = vector.shape_cast %reduce_sum3A_337 : vector<1024xf32> to vector<1024x1xf32>
    %get3A_339 = arith.constant 0 : index
    %get3A_340 = arith.constant 0 : index
    %get3A_341 = vector.load %arg2[%get3A_339, %get3A_340] : memref<1024x128xf32, #tpu.memory_space<vmem>>, vector<1024x128xf32>
    %mul3A = vector.broadcast %broadcast_in_dim3A_338 : vector<1024x1xf32> to vector<1024x128xf32>
    %mul3A_342 = arith.mulf %get3A_341, %mul3A : vector<1024x128xf32>
    %swap3A = arith.constant 0 : index
    %swap3A_343 = arith.constant 0 : index
    %swap3A_344 = vector.load %arg3[%swap3A, %swap3A_343] : memref<1024x128xf32, #tpu.memory_space<vmem>>, vector<1024x128xf32>
    tpu.vector_store %arg3[%swap3A, %swap3A_343], %mul3A_342 {strides = array<i32>} : memref<1024x128xf32, #tpu.memory_space<vmem>>, vector<1024x128xf32>,
    return
  }
  func.func @transform_0(%arg0: i32) -> (i32, i32, i32) {
    %c0_i32 = arith.constant 0 : i32
    %c0_i32_0 = arith.constant 0 : i32
    %c0_i32_1 = arith.constant 0 : i32
    return %c0_i32, %arg0, %c0_i32_0 : i32, i32, i32
  }
  func.func @transform_1(%arg0: i32) -> (i32, i32) {
    %c0_i32 = arith.constant 0 : i32
    %c0_i32_0 = arith.constant 0 : i32
    return %arg0, %c0_i32 : i32, i32
  }
  func.func @transform_2(%arg0: i32) -> (i32, i32) {
    %c0_i32 = arith.constant 0 : i32
    %c0_i32_0 = arith.constant 0 : i32
    return %arg0, %c0_i32 : i32, i32
  }
}

module attributes {stable_mosaic.version = 14 : i64} {
  func.func @_l2ph_body(%arg0: i32, %arg1: memref<2x8x128xf32, #tpu.memory_space<vmem>>, %arg2: memref<2x1024x128xf32, #tpu.memory_space<vmem>>, %arg3: memref<128x128xf32, #tpu.memory_space<vmem>>, %arg4: memref<1x128xf32, #tpu.memory_space<vmem>>, %arg5: memref<1x128xf32, #tpu.memory_space<vmem>>, %arg6: memref<1x128xf32, #tpu.memory_space<vmem>>, %arg7: memref<8x128xf32, #tpu.memory_space<vmem>>, %arg8: memref<16x8xf32, #tpu.memory_space<vmem>>, %arg9: memref<8x128xf32, #tpu.memory_space<vmem>>, %arg10: memref<384x128xf32, #tpu.memory_space<vmem>>, %arg11: memref<1x128xf32, #tpu.memory_space<vmem>>, %arg12: memref<1x128xf32, #tpu.memory_space<vmem>>, %arg13: memref<1x128xf32, #tpu.memory_space<vmem>>, %arg14: memref<128x128xf32, #tpu.memory_space<vmem>>, %arg15: memref<1x128xf32, #tpu.memory_space<vmem>>, %arg16: memref<1x128xf32, #tpu.memory_space<vmem>>, %arg17: memref<1x128xf32, #tpu.memory_space<vmem>>, %arg18: memref<128x10xf32, #tpu.memory_space<vmem>>, %arg19: memref<1x10xf32, #tpu.memory_space<vmem>>, %arg20: memref<16x10xf32, #tpu.memory_space<vmem>>, %arg21: memref<16x128xf32, #tpu.memory_space<vmem>>, %arg22: memref<16x128xf32, #tpu.memory_space<vmem>>, %arg23: memref<16x128xf32, #tpu.memory_space<vmem>>) attributes {dimension_semantics = [#tpu.dimension_semantics<arbitrary>], iteration_bounds = array<i64: 10>, scalar_prefetch = 0 : i64, scratch_operands = 3 : i64, tpu.core_type = #tpu.core_type<tc>, window_params = [{transform_indices = @transform_0, window_bounds = array<i64: 2, 8, 128>}, {transform_indices = @transform_1, window_bounds = array<i64: 2, 1024, 128>}, {pipeline_mode = #tpu.pipeline_mode<synchronous>, transform_indices = @transform_2, window_bounds = array<i64: 128, 128>}, {pipeline_mode = #tpu.pipeline_mode<synchronous>, transform_indices = @transform_3, window_bounds = array<i64: 1, 128>}, {pipeline_mode = #tpu.pipeline_mode<synchronous>, transform_indices = @transform_4, window_bounds = array<i64: 1, 128>}, {pipeline_mode = #tpu.pipeline_mode<synchronous>, transform_indices = @transform_5, window_bounds = array<i64: 1, 128>}, {transform_indices = @transform_6, window_bounds = array<i64: 8, 128>}, {pipeline_mode = #tpu.pipeline_mode<synchronous>, transform_indices = @transform_7, window_bounds = array<i64: 16, 8>}, {pipeline_mode = #tpu.pipeline_mode<synchronous>, transform_indices = @transform_8, window_bounds = array<i64: 8, 128>}, {pipeline_mode = #tpu.pipeline_mode<synchronous>, transform_indices = @transform_9, window_bounds = array<i64: 384, 128>}, {pipeline_mode = #tpu.pipeline_mode<synchronous>, transform_indices = @transform_10, window_bounds = array<i64: 1, 128>}, {pipeline_mode = #tpu.pipeline_mode<synchronous>, transform_indices = @transform_11, window_bounds = array<i64: 1, 128>}, {pipeline_mode = #tpu.pipeline_mode<synchronous>, transform_indices = @transform_12, window_bounds = array<i64: 1, 128>}, {pipeline_mode = #tpu.pipeline_mode<synchronous>, transform_indices = @transform_13, window_bounds = array<i64: 128, 128>}, {pipeline_mode = #tpu.pipeline_mode<synchronous>, transform_indices = @transform_14, window_bounds = array<i64: 1, 128>}, {pipeline_mode = #tpu.pipeline_mode<synchronous>, transform_indices = @transform_15, window_bounds = array<i64: 1, 128>}, {pipeline_mode = #tpu.pipeline_mode<synchronous>, transform_indices = @transform_16, window_bounds = array<i64: 1, 128>}, {pipeline_mode = #tpu.pipeline_mode<synchronous>, transform_indices = @transform_17, window_bounds = array<i64: 128, 10>}, {pipeline_mode = #tpu.pipeline_mode<synchronous>, transform_indices = @transform_18, window_bounds = array<i64: 1, 10>}, {pipeline_mode = #tpu.pipeline_mode<synchronous>, transform_indices = @transform_19, window_bounds = array<i64: 16, 10>}]} {
    %eq3A = arith.constant 0 : i32
    %eq3A_0 = arith.cmpi eq, %arg0, %eq3A : i32
    %convert_element_type3A = arith.extui %eq3A_0 : i1 to i32
    %cond3A = arith.constant 0 : i32
    %cond3A_1 = arith.cmpi ne, %convert_element_type3A, %cond3A : i32
    scf.if %cond3A_1 {
      %broadcast_in_dim3A_1070 = arith.constant 0.000000e+00 : f32
      %broadcast_in_dim3A_1071 = vector.broadcast %broadcast_in_dim3A_1070 : f32 to vector<16x128xf32>
      %swap3A_1072 = arith.constant 0 : index
      %swap3A_1073 = arith.constant 0 : index
      %swap3A_1074 = vector.load %arg21[%swap3A_1072, %swap3A_1073] : memref<16x128xf32, #tpu.memory_space<vmem>>, vector<16x128xf32>
      tpu.vector_store %arg21[%swap3A_1072, %swap3A_1073], %broadcast_in_dim3A_1071 {strides = array<i32>} : memref<16x128xf32, #tpu.memory_space<vmem>>, vector<16x128xf32>,
      %broadcast_in_dim3A_1075 = arith.constant 0.000000e+00 : f32
      %broadcast_in_dim3A_1076 = vector.broadcast %broadcast_in_dim3A_1075 : f32 to vector<16x128xf32>
      %swap3A_1077 = arith.constant 0 : index
      %swap3A_1078 = arith.constant 0 : index
      %swap3A_1079 = vector.load %arg23[%swap3A_1077, %swap3A_1078] : memref<16x128xf32, #tpu.memory_space<vmem>>, vector<16x128xf32>
      tpu.vector_store %arg23[%swap3A_1077, %swap3A_1078], %broadcast_in_dim3A_1076 {strides = array<i32>} : memref<16x128xf32, #tpu.memory_space<vmem>>, vector<16x128xf32>,
      %broadcast_in_dim3A_1080 = arith.constant 0xFF800000 : f32
      %broadcast_in_dim3A_1081 = vector.broadcast %broadcast_in_dim3A_1080 : f32 to vector<16x128xf32>
      %swap3A_1082 = arith.constant 0 : index
      %swap3A_1083 = arith.constant 0 : index
      %swap3A_1084 = vector.load %arg22[%swap3A_1082, %swap3A_1083] : memref<16x128xf32, #tpu.memory_space<vmem>>, vector<16x128xf32>
      tpu.vector_store %arg22[%swap3A_1082, %swap3A_1083], %broadcast_in_dim3A_1081 {strides = array<i32>} : memref<16x128xf32, #tpu.memory_space<vmem>>, vector<16x128xf32>,
    } else {
    }
    %get3A = arith.constant 0 : index
    %get3A_2 = arith.constant 0 : index
    %get3A_3 = arith.constant 0 : index
    %get3A_4 = vector.load %arg1[%get3A, %get3A_2, %get3A_3] : memref<2x8x128xf32, #tpu.memory_space<vmem>>, vector<1x8x128xf32>
    %get3A_5 = vector.shape_cast %get3A_4 : vector<1x8x128xf32> to vector<8x128xf32>
    %get3A_6 = arith.constant 1 : index
    %get3A_7 = arith.constant 0 : index
    %get3A_8 = arith.constant 0 : index
    %get3A_9 = vector.load %arg1[%get3A_6, %get3A_7, %get3A_8] : memref<2x8x128xf32, #tpu.memory_space<vmem>>, vector<1x8x128xf32>
    %get3A_10 = vector.shape_cast %get3A_9 : vector<1x8x128xf32> to vector<8x128xf32>
    %add3A = arith.addf %get3A_5, %get3A_10 : vector<8x128xf32>
    %gt3A = arith.constant 0.000000e+00 : f32
    %gt3A_11 = vector.broadcast %gt3A : f32 to vector<8x128xf32>
    %gt3A_12 = arith.cmpf ogt, %add3A, %gt3A_11 : vector<8x128xf32>
    %max3A = arith.constant 1.000000e+00 : f32
    %max3A_13 = vector.broadcast %max3A : f32 to vector<8x128xf32>
    %max3A_14 = arith.maximumf %add3A, %max3A_13 : vector<8x128xf32>
    %rsqrt3A = math.rsqrt %max3A_14 : vector<8x128xf32>
    %jit3A = arith.constant 0.000000e+00 : f32
    %broadcast_in_dim3A = vector.broadcast %jit3A : f32 to vector<8x128xf32>
    %select_n3A = arith.select %gt3A_12, %rsqrt3A, %broadcast_in_dim3A : vector<8x128xi1>, vector<8x128xf32>
    %iota3A = tpu.iota {dimensions = array<i32: 0>} : vector<1024x128xi32>
    %iota3A_15 = tpu.iota {dimensions = array<i32: 1>} : vector<1024x128xi32>
    %broadcast_in_dim3A_16 = arith.constant 0.000000e+00 : f32
    %broadcast_in_dim3A_17 = vector.broadcast %broadcast_in_dim3A_16 : f32 to vector<1024x128xf32>
    %jit3A_18 = arith.constant 128 : i32
    %div3A = vector.broadcast %jit3A_18 : i32 to vector<1024x128xi32>
    %div3A_19 = arith.divsi %iota3A, %div3A : vector<1024x128xi32>
    %sign3A = arith.constant 0 : i32
    %sign3A_20 = vector.broadcast %sign3A : i32 to vector<1024x128xi32>
    %sign3A_21 = arith.cmpi sgt, %iota3A, %sign3A_20 : vector<1024x128xi32>
    %sign3A_22 = arith.extui %sign3A_21 : vector<1024x128xi1> to vector<1024x128xi32>
    %sign3A_23 = arith.constant 0 : i32
    %sign3A_24 = vector.broadcast %sign3A_23 : i32 to vector<1024x128xi32>
    %sign3A_25 = arith.cmpi slt, %iota3A, %sign3A_24 : vector<1024x128xi32>
    %sign3A_26 = arith.extui %sign3A_25 : vector<1024x128xi1> to vector<1024x128xi32>
    %sign3A_27 = arith.subi %sign3A_22, %sign3A_26 : vector<1024x128xi32>
    %sign3A_28 = arith.constant 0 : i32
    %sign3A_29 = arith.cmpi sgt, %jit3A_18, %sign3A_28 : i32
    %sign3A_30 = arith.extui %sign3A_29 : i1 to i32
    %sign3A_31 = arith.constant 0 : i32
    %sign3A_32 = arith.cmpi slt, %jit3A_18, %sign3A_31 : i32
    %sign3A_33 = arith.extui %sign3A_32 : i1 to i32
    %sign3A_34 = arith.subi %sign3A_30, %sign3A_33 : i32
    %ne3A = vector.broadcast %sign3A_34 : i32 to vector<1024x128xi32>
    %ne3A_35 = arith.cmpi ne, %sign3A_27, %ne3A : vector<1024x128xi32>
    %rem3A = vector.broadcast %jit3A_18 : i32 to vector<1024x128xi32>
    %rem3A_36 = arith.remsi %iota3A, %rem3A : vector<1024x128xi32>
    %ne3A_37 = arith.constant 0 : i32
    %ne3A_38 = vector.broadcast %ne3A_37 : i32 to vector<1024x128xi32>
    %ne3A_39 = arith.cmpi ne, %rem3A_36, %ne3A_38 : vector<1024x128xi32>
    %and3A = arith.andi %ne3A_35, %ne3A_39 : vector<1024x128xi1>
    %sub3A = arith.constant 1 : i32
    %sub3A_40 = vector.broadcast %sub3A : i32 to vector<1024x128xi32>
    %sub3A_41 = arith.subi %div3A_19, %sub3A_40 : vector<1024x128xi32>
    %select_n3A_42 = arith.select %and3A, %sub3A_41, %div3A_19 : vector<1024x128xi1>, vector<1024x128xi32>
    %eq3A_43 = arith.constant 0 : i32
    %eq3A_44 = vector.broadcast %eq3A_43 : i32 to vector<1024x128xi32>
    %eq3A_45 = arith.cmpi eq, %select_n3A_42, %eq3A_44 : vector<1024x128xi32>
    %slice3A = vector.extract_strided_slice %select_n3A {offsets = [0, 0], sizes = [1, 128], strides = [1, 1]} : vector<8x128xf32> to vector<1x128xf32>
    %broadcast_in_dim3A_46 = vector.shape_cast %slice3A : vector<1x128xf32> to vector<1x128xf32>
    %broadcast_in_dim3A_47 = vector.broadcast %broadcast_in_dim3A_46 : vector<1x128xf32> to vector<1024x128xf32>
    %select_n3A_48 = arith.select %eq3A_45, %broadcast_in_dim3A_47, %broadcast_in_dim3A_17 : vector<1024x128xi1>, vector<1024x128xf32>
    %jit3A_49 = arith.constant 128 : i32
    %div3A_50 = vector.broadcast %jit3A_49 : i32 to vector<1024x128xi32>
    %div3A_51 = arith.divsi %iota3A, %div3A_50 : vector<1024x128xi32>
    %sign3A_52 = arith.constant 0 : i32
    %sign3A_53 = vector.broadcast %sign3A_52 : i32 to vector<1024x128xi32>
    %sign3A_54 = arith.cmpi sgt, %iota3A, %sign3A_53 : vector<1024x128xi32>
    %sign3A_55 = arith.extui %sign3A_54 : vector<1024x128xi1> to vector<1024x128xi32>
    %sign3A_56 = arith.constant 0 : i32
    %sign3A_57 = vector.broadcast %sign3A_56 : i32 to vector<1024x128xi32>
    %sign3A_58 = arith.cmpi slt, %iota3A, %sign3A_57 : vector<1024x128xi32>
    %sign3A_59 = arith.extui %sign3A_58 : vector<1024x128xi1> to vector<1024x128xi32>
    %sign3A_60 = arith.subi %sign3A_55, %sign3A_59 : vector<1024x128xi32>
    %sign3A_61 = arith.constant 0 : i32
    %sign3A_62 = arith.cmpi sgt, %jit3A_49, %sign3A_61 : i32
    %sign3A_63 = arith.extui %sign3A_62 : i1 to i32
    %sign3A_64 = arith.constant 0 : i32
    %sign3A_65 = arith.cmpi slt, %jit3A_49, %sign3A_64 : i32
    %sign3A_66 = arith.extui %sign3A_65 : i1 to i32
    %sign3A_67 = arith.subi %sign3A_63, %sign3A_66 : i32
    %ne3A_68 = vector.broadcast %sign3A_67 : i32 to vector<1024x128xi32>
    %ne3A_69 = arith.cmpi ne, %sign3A_60, %ne3A_68 : vector<1024x128xi32>
    %rem3A_70 = vector.broadcast %jit3A_49 : i32 to vector<1024x128xi32>
    %rem3A_71 = arith.remsi %iota3A, %rem3A_70 : vector<1024x128xi32>
    %ne3A_72 = arith.constant 0 : i32
    %ne3A_73 = vector.broadcast %ne3A_72 : i32 to vector<1024x128xi32>
    %ne3A_74 = arith.cmpi ne, %rem3A_71, %ne3A_73 : vector<1024x128xi32>
    %and3A_75 = arith.andi %ne3A_69, %ne3A_74 : vector<1024x128xi1>
    %sub3A_76 = arith.constant 1 : i32
    %sub3A_77 = vector.broadcast %sub3A_76 : i32 to vector<1024x128xi32>
    %sub3A_78 = arith.subi %div3A_51, %sub3A_77 : vector<1024x128xi32>
    %select_n3A_79 = arith.select %and3A_75, %sub3A_78, %div3A_51 : vector<1024x128xi1>, vector<1024x128xi32>
    %eq3A_80 = arith.constant 1 : i32
    %eq3A_81 = vector.broadcast %eq3A_80 : i32 to vector<1024x128xi32>
    %eq3A_82 = arith.cmpi eq, %select_n3A_79, %eq3A_81 : vector<1024x128xi32>
    %slice3A_83 = vector.extract_strided_slice %select_n3A {offsets = [1, 0], sizes = [1, 128], strides = [1, 1]} : vector<8x128xf32> to vector<1x128xf32>
    %broadcast_in_dim3A_84 = vector.shape_cast %slice3A_83 : vector<1x128xf32> to vector<1x128xf32>
    %broadcast_in_dim3A_85 = vector.broadcast %broadcast_in_dim3A_84 : vector<1x128xf32> to vector<1024x128xf32>
    %select_n3A_86 = arith.select %eq3A_82, %broadcast_in_dim3A_85, %select_n3A_48 : vector<1024x128xi1>, vector<1024x128xf32>
    %jit3A_87 = arith.constant 128 : i32
    %div3A_88 = vector.broadcast %jit3A_87 : i32 to vector<1024x128xi32>
    %div3A_89 = arith.divsi %iota3A, %div3A_88 : vector<1024x128xi32>
    %sign3A_90 = arith.constant 0 : i32
    %sign3A_91 = vector.broadcast %sign3A_90 : i32 to vector<1024x128xi32>
    %sign3A_92 = arith.cmpi sgt, %iota3A, %sign3A_91 : vector<1024x128xi32>
    %sign3A_93 = arith.extui %sign3A_92 : vector<1024x128xi1> to vector<1024x128xi32>
    %sign3A_94 = arith.constant 0 : i32
    %sign3A_95 = vector.broadcast %sign3A_94 : i32 to vector<1024x128xi32>
    %sign3A_96 = arith.cmpi slt, %iota3A, %sign3A_95 : vector<1024x128xi32>
    %sign3A_97 = arith.extui %sign3A_96 : vector<1024x128xi1> to vector<1024x128xi32>
    %sign3A_98 = arith.subi %sign3A_93, %sign3A_97 : vector<1024x128xi32>
    %sign3A_99 = arith.constant 0 : i32
    %sign3A_100 = arith.cmpi sgt, %jit3A_87, %sign3A_99 : i32
    %sign3A_101 = arith.extui %sign3A_100 : i1 to i32
    %sign3A_102 = arith.constant 0 : i32
    %sign3A_103 = arith.cmpi slt, %jit3A_87, %sign3A_102 : i32
    %sign3A_104 = arith.extui %sign3A_103 : i1 to i32
    %sign3A_105 = arith.subi %sign3A_101, %sign3A_104 : i32
    %ne3A_106 = vector.broadcast %sign3A_105 : i32 to vector<1024x128xi32>
    %ne3A_107 = arith.cmpi ne, %sign3A_98, %ne3A_106 : vector<1024x128xi32>
    %rem3A_108 = vector.broadcast %jit3A_87 : i32 to vector<1024x128xi32>
    %rem3A_109 = arith.remsi %iota3A, %rem3A_108 : vector<1024x128xi32>
    %ne3A_110 = arith.constant 0 : i32
    %ne3A_111 = vector.broadcast %ne3A_110 : i32 to vector<1024x128xi32>
    %ne3A_112 = arith.cmpi ne, %rem3A_109, %ne3A_111 : vector<1024x128xi32>
    %and3A_113 = arith.andi %ne3A_107, %ne3A_112 : vector<1024x128xi1>
    %sub3A_114 = arith.constant 1 : i32
    %sub3A_115 = vector.broadcast %sub3A_114 : i32 to vector<1024x128xi32>
    %sub3A_116 = arith.subi %div3A_89, %sub3A_115 : vector<1024x128xi32>
    %select_n3A_117 = arith.select %and3A_113, %sub3A_116, %div3A_89 : vector<1024x128xi1>, vector<1024x128xi32>
    %eq3A_118 = arith.constant 2 : i32
    %eq3A_119 = vector.broadcast %eq3A_118 : i32 to vector<1024x128xi32>
    %eq3A_120 = arith.cmpi eq, %select_n3A_117, %eq3A_119 : vector<1024x128xi32>
    %slice3A_121 = vector.extract_strided_slice %select_n3A {offsets = [2, 0], sizes = [1, 128], strides = [1, 1]} : vector<8x128xf32> to vector<1x128xf32>
    %broadcast_in_dim3A_122 = vector.shape_cast %slice3A_121 : vector<1x128xf32> to vector<1x128xf32>
    %broadcast_in_dim3A_123 = vector.broadcast %broadcast_in_dim3A_122 : vector<1x128xf32> to vector<1024x128xf32>
    %select_n3A_124 = arith.select %eq3A_120, %broadcast_in_dim3A_123, %select_n3A_86 : vector<1024x128xi1>, vector<1024x128xf32>
    %jit3A_125 = arith.constant 128 : i32
    %div3A_126 = vector.broadcast %jit3A_125 : i32 to vector<1024x128xi32>
    %div3A_127 = arith.divsi %iota3A, %div3A_126 : vector<1024x128xi32>
    %sign3A_128 = arith.constant 0 : i32
    %sign3A_129 = vector.broadcast %sign3A_128 : i32 to vector<1024x128xi32>
    %sign3A_130 = arith.cmpi sgt, %iota3A, %sign3A_129 : vector<1024x128xi32>
    %sign3A_131 = arith.extui %sign3A_130 : vector<1024x128xi1> to vector<1024x128xi32>
    %sign3A_132 = arith.constant 0 : i32
    %sign3A_133 = vector.broadcast %sign3A_132 : i32 to vector<1024x128xi32>
    %sign3A_134 = arith.cmpi slt, %iota3A, %sign3A_133 : vector<1024x128xi32>
    %sign3A_135 = arith.extui %sign3A_134 : vector<1024x128xi1> to vector<1024x128xi32>
    %sign3A_136 = arith.subi %sign3A_131, %sign3A_135 : vector<1024x128xi32>
    %sign3A_137 = arith.constant 0 : i32
    %sign3A_138 = arith.cmpi sgt, %jit3A_125, %sign3A_137 : i32
    %sign3A_139 = arith.extui %sign3A_138 : i1 to i32
    %sign3A_140 = arith.constant 0 : i32
    %sign3A_141 = arith.cmpi slt, %jit3A_125, %sign3A_140 : i32
    %sign3A_142 = arith.extui %sign3A_141 : i1 to i32
    %sign3A_143 = arith.subi %sign3A_139, %sign3A_142 : i32
    %ne3A_144 = vector.broadcast %sign3A_143 : i32 to vector<1024x128xi32>
    %ne3A_145 = arith.cmpi ne, %sign3A_136, %ne3A_144 : vector<1024x128xi32>
    %rem3A_146 = vector.broadcast %jit3A_125 : i32 to vector<1024x128xi32>
    %rem3A_147 = arith.remsi %iota3A, %rem3A_146 : vector<1024x128xi32>
    %ne3A_148 = arith.constant 0 : i32
    %ne3A_149 = vector.broadcast %ne3A_148 : i32 to vector<1024x128xi32>
    %ne3A_150 = arith.cmpi ne, %rem3A_147, %ne3A_149 : vector<1024x128xi32>
    %and3A_151 = arith.andi %ne3A_145, %ne3A_150 : vector<1024x128xi1>
    %sub3A_152 = arith.constant 1 : i32
    %sub3A_153 = vector.broadcast %sub3A_152 : i32 to vector<1024x128xi32>
    %sub3A_154 = arith.subi %div3A_127, %sub3A_153 : vector<1024x128xi32>
    %select_n3A_155 = arith.select %and3A_151, %sub3A_154, %div3A_127 : vector<1024x128xi1>, vector<1024x128xi32>
    %eq3A_156 = arith.constant 3 : i32
    %eq3A_157 = vector.broadcast %eq3A_156 : i32 to vector<1024x128xi32>
    %eq3A_158 = arith.cmpi eq, %select_n3A_155, %eq3A_157 : vector<1024x128xi32>
    %slice3A_159 = vector.extract_strided_slice %select_n3A {offsets = [3, 0], sizes = [1, 128], strides = [1, 1]} : vector<8x128xf32> to vector<1x128xf32>
    %broadcast_in_dim3A_160 = vector.shape_cast %slice3A_159 : vector<1x128xf32> to vector<1x128xf32>
    %broadcast_in_dim3A_161 = vector.broadcast %broadcast_in_dim3A_160 : vector<1x128xf32> to vector<1024x128xf32>
    %select_n3A_162 = arith.select %eq3A_158, %broadcast_in_dim3A_161, %select_n3A_124 : vector<1024x128xi1>, vector<1024x128xf32>
    %jit3A_163 = arith.constant 128 : i32
    %div3A_164 = vector.broadcast %jit3A_163 : i32 to vector<1024x128xi32>
    %div3A_165 = arith.divsi %iota3A, %div3A_164 : vector<1024x128xi32>
    %sign3A_166 = arith.constant 0 : i32
    %sign3A_167 = vector.broadcast %sign3A_166 : i32 to vector<1024x128xi32>
    %sign3A_168 = arith.cmpi sgt, %iota3A, %sign3A_167 : vector<1024x128xi32>
    %sign3A_169 = arith.extui %sign3A_168 : vector<1024x128xi1> to vector<1024x128xi32>
    %sign3A_170 = arith.constant 0 : i32
    %sign3A_171 = vector.broadcast %sign3A_170 : i32 to vector<1024x128xi32>
    %sign3A_172 = arith.cmpi slt, %iota3A, %sign3A_171 : vector<1024x128xi32>
    %sign3A_173 = arith.extui %sign3A_172 : vector<1024x128xi1> to vector<1024x128xi32>
    %sign3A_174 = arith.subi %sign3A_169, %sign3A_173 : vector<1024x128xi32>
    %sign3A_175 = arith.constant 0 : i32
    %sign3A_176 = arith.cmpi sgt, %jit3A_163, %sign3A_175 : i32
    %sign3A_177 = arith.extui %sign3A_176 : i1 to i32
    %sign3A_178 = arith.constant 0 : i32
    %sign3A_179 = arith.cmpi slt, %jit3A_163, %sign3A_178 : i32
    %sign3A_180 = arith.extui %sign3A_179 : i1 to i32
    %sign3A_181 = arith.subi %sign3A_177, %sign3A_180 : i32
    %ne3A_182 = vector.broadcast %sign3A_181 : i32 to vector<1024x128xi32>
    %ne3A_183 = arith.cmpi ne, %sign3A_174, %ne3A_182 : vector<1024x128xi32>
    %rem3A_184 = vector.broadcast %jit3A_163 : i32 to vector<1024x128xi32>
    %rem3A_185 = arith.remsi %iota3A, %rem3A_184 : vector<1024x128xi32>
    %ne3A_186 = arith.constant 0 : i32
    %ne3A_187 = vector.broadcast %ne3A_186 : i32 to vector<1024x128xi32>
    %ne3A_188 = arith.cmpi ne, %rem3A_185, %ne3A_187 : vector<1024x128xi32>
    %and3A_189 = arith.andi %ne3A_183, %ne3A_188 : vector<1024x128xi1>
    %sub3A_190 = arith.constant 1 : i32
    %sub3A_191 = vector.broadcast %sub3A_190 : i32 to vector<1024x128xi32>
    %sub3A_192 = arith.subi %div3A_165, %sub3A_191 : vector<1024x128xi32>
    %select_n3A_193 = arith.select %and3A_189, %sub3A_192, %div3A_165 : vector<1024x128xi1>, vector<1024x128xi32>
    %eq3A_194 = arith.constant 4 : i32
    %eq3A_195 = vector.broadcast %eq3A_194 : i32 to vector<1024x128xi32>
    %eq3A_196 = arith.cmpi eq, %select_n3A_193, %eq3A_195 : vector<1024x128xi32>
    %slice3A_197 = vector.extract_strided_slice %select_n3A {offsets = [4, 0], sizes = [1, 128], strides = [1, 1]} : vector<8x128xf32> to vector<1x128xf32>
    %broadcast_in_dim3A_198 = vector.shape_cast %slice3A_197 : vector<1x128xf32> to vector<1x128xf32>
    %broadcast_in_dim3A_199 = vector.broadcast %broadcast_in_dim3A_198 : vector<1x128xf32> to vector<1024x128xf32>
    %select_n3A_200 = arith.select %eq3A_196, %broadcast_in_dim3A_199, %select_n3A_162 : vector<1024x128xi1>, vector<1024x128xf32>
    %jit3A_201 = arith.constant 128 : i32
    %div3A_202 = vector.broadcast %jit3A_201 : i32 to vector<1024x128xi32>
    %div3A_203 = arith.divsi %iota3A, %div3A_202 : vector<1024x128xi32>
    %sign3A_204 = arith.constant 0 : i32
    %sign3A_205 = vector.broadcast %sign3A_204 : i32 to vector<1024x128xi32>
    %sign3A_206 = arith.cmpi sgt, %iota3A, %sign3A_205 : vector<1024x128xi32>
    %sign3A_207 = arith.extui %sign3A_206 : vector<1024x128xi1> to vector<1024x128xi32>
    %sign3A_208 = arith.constant 0 : i32
    %sign3A_209 = vector.broadcast %sign3A_208 : i32 to vector<1024x128xi32>
    %sign3A_210 = arith.cmpi slt, %iota3A, %sign3A_209 : vector<1024x128xi32>
    %sign3A_211 = arith.extui %sign3A_210 : vector<1024x128xi1> to vector<1024x128xi32>
    %sign3A_212 = arith.subi %sign3A_207, %sign3A_211 : vector<1024x128xi32>
    %sign3A_213 = arith.constant 0 : i32
    %sign3A_214 = arith.cmpi sgt, %jit3A_201, %sign3A_213 : i32
    %sign3A_215 = arith.extui %sign3A_214 : i1 to i32
    %sign3A_216 = arith.constant 0 : i32
    %sign3A_217 = arith.cmpi slt, %jit3A_201, %sign3A_216 : i32
    %sign3A_218 = arith.extui %sign3A_217 : i1 to i32
    %sign3A_219 = arith.subi %sign3A_215, %sign3A_218 : i32
    %ne3A_220 = vector.broadcast %sign3A_219 : i32 to vector<1024x128xi32>
    %ne3A_221 = arith.cmpi ne, %sign3A_212, %ne3A_220 : vector<1024x128xi32>
    %rem3A_222 = vector.broadcast %jit3A_201 : i32 to vector<1024x128xi32>
    %rem3A_223 = arith.remsi %iota3A, %rem3A_222 : vector<1024x128xi32>
    %ne3A_224 = arith.constant 0 : i32
    %ne3A_225 = vector.broadcast %ne3A_224 : i32 to vector<1024x128xi32>
    %ne3A_226 = arith.cmpi ne, %rem3A_223, %ne3A_225 : vector<1024x128xi32>
    %and3A_227 = arith.andi %ne3A_221, %ne3A_226 : vector<1024x128xi1>
    %sub3A_228 = arith.constant 1 : i32
    %sub3A_229 = vector.broadcast %sub3A_228 : i32 to vector<1024x128xi32>
    %sub3A_230 = arith.subi %div3A_203, %sub3A_229 : vector<1024x128xi32>
    %select_n3A_231 = arith.select %and3A_227, %sub3A_230, %div3A_203 : vector<1024x128xi1>, vector<1024x128xi32>
    %eq3A_232 = arith.constant 5 : i32
    %eq3A_233 = vector.broadcast %eq3A_232 : i32 to vector<1024x128xi32>
    %eq3A_234 = arith.cmpi eq, %select_n3A_231, %eq3A_233 : vector<1024x128xi32>
    %slice3A_235 = vector.extract_strided_slice %select_n3A {offsets = [5, 0], sizes = [1, 128], strides = [1, 1]} : vector<8x128xf32> to vector<1x128xf32>
    %broadcast_in_dim3A_236 = vector.shape_cast %slice3A_235 : vector<1x128xf32> to vector<1x128xf32>
    %broadcast_in_dim3A_237 = vector.broadcast %broadcast_in_dim3A_236 : vector<1x128xf32> to vector<1024x128xf32>
    %select_n3A_238 = arith.select %eq3A_234, %broadcast_in_dim3A_237, %select_n3A_200 : vector<1024x128xi1>, vector<1024x128xf32>
    %jit3A_239 = arith.constant 128 : i32
    %div3A_240 = vector.broadcast %jit3A_239 : i32 to vector<1024x128xi32>
    %div3A_241 = arith.divsi %iota3A, %div3A_240 : vector<1024x128xi32>
    %sign3A_242 = arith.constant 0 : i32
    %sign3A_243 = vector.broadcast %sign3A_242 : i32 to vector<1024x128xi32>
    %sign3A_244 = arith.cmpi sgt, %iota3A, %sign3A_243 : vector<1024x128xi32>
    %sign3A_245 = arith.extui %sign3A_244 : vector<1024x128xi1> to vector<1024x128xi32>
    %sign3A_246 = arith.constant 0 : i32
    %sign3A_247 = vector.broadcast %sign3A_246 : i32 to vector<1024x128xi32>
    %sign3A_248 = arith.cmpi slt, %iota3A, %sign3A_247 : vector<1024x128xi32>
    %sign3A_249 = arith.extui %sign3A_248 : vector<1024x128xi1> to vector<1024x128xi32>
    %sign3A_250 = arith.subi %sign3A_245, %sign3A_249 : vector<1024x128xi32>
    %sign3A_251 = arith.constant 0 : i32
    %sign3A_252 = arith.cmpi sgt, %jit3A_239, %sign3A_251 : i32
    %sign3A_253 = arith.extui %sign3A_252 : i1 to i32
    %sign3A_254 = arith.constant 0 : i32
    %sign3A_255 = arith.cmpi slt, %jit3A_239, %sign3A_254 : i32
    %sign3A_256 = arith.extui %sign3A_255 : i1 to i32
    %sign3A_257 = arith.subi %sign3A_253, %sign3A_256 : i32
    %ne3A_258 = vector.broadcast %sign3A_257 : i32 to vector<1024x128xi32>
    %ne3A_259 = arith.cmpi ne, %sign3A_250, %ne3A_258 : vector<1024x128xi32>
    %rem3A_260 = vector.broadcast %jit3A_239 : i32 to vector<1024x128xi32>
    %rem3A_261 = arith.remsi %iota3A, %rem3A_260 : vector<1024x128xi32>
    %ne3A_262 = arith.constant 0 : i32
    %ne3A_263 = vector.broadcast %ne3A_262 : i32 to vector<1024x128xi32>
    %ne3A_264 = arith.cmpi ne, %rem3A_261, %ne3A_263 : vector<1024x128xi32>
    %and3A_265 = arith.andi %ne3A_259, %ne3A_264 : vector<1024x128xi1>
    %sub3A_266 = arith.constant 1 : i32
    %sub3A_267 = vector.broadcast %sub3A_266 : i32 to vector<1024x128xi32>
    %sub3A_268 = arith.subi %div3A_241, %sub3A_267 : vector<1024x128xi32>
    %select_n3A_269 = arith.select %and3A_265, %sub3A_268, %div3A_241 : vector<1024x128xi1>, vector<1024x128xi32>
    %eq3A_270 = arith.constant 6 : i32
    %eq3A_271 = vector.broadcast %eq3A_270 : i32 to vector<1024x128xi32>
    %eq3A_272 = arith.cmpi eq, %select_n3A_269, %eq3A_271 : vector<1024x128xi32>
    %slice3A_273 = vector.extract_strided_slice %select_n3A {offsets = [6, 0], sizes = [1, 128], strides = [1, 1]} : vector<8x128xf32> to vector<1x128xf32>
    %broadcast_in_dim3A_274 = vector.shape_cast %slice3A_273 : vector<1x128xf32> to vector<1x128xf32>
    %broadcast_in_dim3A_275 = vector.broadcast %broadcast_in_dim3A_274 : vector<1x128xf32> to vector<1024x128xf32>
    %select_n3A_276 = arith.select %eq3A_272, %broadcast_in_dim3A_275, %select_n3A_238 : vector<1024x128xi1>, vector<1024x128xf32>
    %jit3A_277 = arith.constant 128 : i32
    %div3A_278 = vector.broadcast %jit3A_277 : i32 to vector<1024x128xi32>
    %div3A_279 = arith.divsi %iota3A, %div3A_278 : vector<1024x128xi32>
    %sign3A_280 = arith.constant 0 : i32
    %sign3A_281 = vector.broadcast %sign3A_280 : i32 to vector<1024x128xi32>
    %sign3A_282 = arith.cmpi sgt, %iota3A, %sign3A_281 : vector<1024x128xi32>
    %sign3A_283 = arith.extui %sign3A_282 : vector<1024x128xi1> to vector<1024x128xi32>
    %sign3A_284 = arith.constant 0 : i32
    %sign3A_285 = vector.broadcast %sign3A_284 : i32 to vector<1024x128xi32>
    %sign3A_286 = arith.cmpi slt, %iota3A, %sign3A_285 : vector<1024x128xi32>
    %sign3A_287 = arith.extui %sign3A_286 : vector<1024x128xi1> to vector<1024x128xi32>
    %sign3A_288 = arith.subi %sign3A_283, %sign3A_287 : vector<1024x128xi32>
    %sign3A_289 = arith.constant 0 : i32
    %sign3A_290 = arith.cmpi sgt, %jit3A_277, %sign3A_289 : i32
    %sign3A_291 = arith.extui %sign3A_290 : i1 to i32
    %sign3A_292 = arith.constant 0 : i32
    %sign3A_293 = arith.cmpi slt, %jit3A_277, %sign3A_292 : i32
    %sign3A_294 = arith.extui %sign3A_293 : i1 to i32
    %sign3A_295 = arith.subi %sign3A_291, %sign3A_294 : i32
    %ne3A_296 = vector.broadcast %sign3A_295 : i32 to vector<1024x128xi32>
    %ne3A_297 = arith.cmpi ne, %sign3A_288, %ne3A_296 : vector<1024x128xi32>
    %rem3A_298 = vector.broadcast %jit3A_277 : i32 to vector<1024x128xi32>
    %rem3A_299 = arith.remsi %iota3A, %rem3A_298 : vector<1024x128xi32>
    %ne3A_300 = arith.constant 0 : i32
    %ne3A_301 = vector.broadcast %ne3A_300 : i32 to vector<1024x128xi32>
    %ne3A_302 = arith.cmpi ne, %rem3A_299, %ne3A_301 : vector<1024x128xi32>
    %and3A_303 = arith.andi %ne3A_297, %ne3A_302 : vector<1024x128xi1>
    %sub3A_304 = arith.constant 1 : i32
    %sub3A_305 = vector.broadcast %sub3A_304 : i32 to vector<1024x128xi32>
    %sub3A_306 = arith.subi %div3A_279, %sub3A_305 : vector<1024x128xi32>
    %select_n3A_307 = arith.select %and3A_303, %sub3A_306, %div3A_279 : vector<1024x128xi1>, vector<1024x128xi32>
    %eq3A_308 = arith.constant 7 : i32
    %eq3A_309 = vector.broadcast %eq3A_308 : i32 to vector<1024x128xi32>
    %eq3A_310 = arith.cmpi eq, %select_n3A_307, %eq3A_309 : vector<1024x128xi32>
    %slice3A_311 = vector.extract_strided_slice %select_n3A {offsets = [7, 0], sizes = [1, 128], strides = [1, 1]} : vector<8x128xf32> to vector<1x128xf32>
    %broadcast_in_dim3A_312 = vector.shape_cast %slice3A_311 : vector<1x128xf32> to vector<1x128xf32>
    %broadcast_in_dim3A_313 = vector.broadcast %broadcast_in_dim3A_312 : vector<1x128xf32> to vector<1024x128xf32>
    %select_n3A_314 = arith.select %eq3A_310, %broadcast_in_dim3A_313, %select_n3A_276 : vector<1024x128xi1>, vector<1024x128xf32>
    %jit3A_315 = arith.constant 128 : i32
    %eq3A_316 = arith.constant 0 : i32
    %eq3A_317 = arith.cmpi eq, %jit3A_315, %eq3A_316 : i32
    %jit3A_318 = arith.constant 1 : i32
    %select_n3A_319 = arith.select %eq3A_317, %jit3A_318, %jit3A_315 : i32
    %rem3A_320 = vector.broadcast %select_n3A_319 : i32 to vector<1024x128xi32>
    %rem3A_321 = arith.remsi %iota3A, %rem3A_320 : vector<1024x128xi32>
    %ne3A_322 = arith.constant 0 : i32
    %ne3A_323 = vector.broadcast %ne3A_322 : i32 to vector<1024x128xi32>
    %ne3A_324 = arith.cmpi ne, %rem3A_321, %ne3A_323 : vector<1024x128xi32>
    %lt3A = arith.constant 0 : i32
    %lt3A_325 = vector.broadcast %lt3A : i32 to vector<1024x128xi32>
    %lt3A_326 = arith.cmpi slt, %rem3A_321, %lt3A_325 : vector<1024x128xi32>
    %lt3A_327 = arith.constant 0 : i32
    %lt3A_328 = arith.cmpi slt, %select_n3A_319, %lt3A_327 : i32
    %ne3A_329 = vector.broadcast %lt3A_328 : i1 to vector<1024x128xi1>
    %ne3A_330 = vector.broadcast %ne3A_329 : vector<1024x128xi1> to vector<1024x128xi1>
    %ne3A_331 = arith.xori %lt3A_326, %ne3A_330 : vector<1024x128xi1>
    %and3A_332 = arith.andi %ne3A_331, %ne3A_324 : vector<1024x128xi1>
    %add3A_333 = vector.broadcast %select_n3A_319 : i32 to vector<1024x128xi32>
    %add3A_334 = arith.addi %rem3A_321, %add3A_333 : vector<1024x128xi32>
    %select_n3A_335 = arith.select %and3A_332, %add3A_334, %rem3A_321 : vector<1024x128xi1>, vector<1024x128xi32>
    %eq3A_336 = arith.cmpi eq, %select_n3A_335, %iota3A_15 : vector<1024x128xi32>
    %jit3A_337 = arith.constant 0.000000e+00 : f32
    %broadcast_in_dim3A_338 = vector.broadcast %jit3A_337 : f32 to vector<1024x128xf32>
    %select_n3A_339 = arith.select %eq3A_336, %select_n3A_314, %broadcast_in_dim3A_338 : vector<1024x128xi1>, vector<1024x128xf32>
    %reduce_sum3A = arith.constant dense<0.000000e+00> : vector<1024xf32>
    %reduce_sum3A_340 = vector.multi_reduction <add>, %select_n3A_339, %reduce_sum3A [1] : vector<1024x128xf32> to vector<1024xf32>
    %broadcast_in_dim3A_341 = vector.shape_cast %reduce_sum3A_340 : vector<1024xf32> to vector<1024x1xf32>
    %get3A_342 = arith.constant 0 : index
    %get3A_343 = arith.constant 0 : index
    %get3A_344 = arith.constant 0 : index
    %get3A_345 = vector.load %arg2[%get3A_342, %get3A_343, %get3A_344] : memref<2x1024x128xf32, #tpu.memory_space<vmem>>, vector<1x1024x128xf32>
    %get3A_346 = vector.shape_cast %get3A_345 : vector<1x1024x128xf32> to vector<1024x128xf32>
    %get3A_347 = arith.constant 1 : index
    %get3A_348 = arith.constant 0 : index
    %get3A_349 = arith.constant 0 : index
    %get3A_350 = vector.load %arg2[%get3A_347, %get3A_348, %get3A_349] : memref<2x1024x128xf32, #tpu.memory_space<vmem>>, vector<1x1024x128xf32>
    %get3A_351 = vector.shape_cast %get3A_350 : vector<1x1024x128xf32> to vector<1024x128xf32>
    %add3A_352 = arith.addf %get3A_346, %get3A_351 : vector<1024x128xf32>
    %mul3A = vector.broadcast %broadcast_in_dim3A_341 : vector<1024x1xf32> to vector<1024x128xf32>
    %mul3A_353 = arith.mulf %add3A_352, %mul3A : vector<1024x128xf32>
    %get3A_354 = arith.constant 0 : index
    %get3A_355 = arith.constant 0 : index
    %get3A_356 = vector.load %arg3[%get3A_354, %get3A_355] : memref<128x128xf32, #tpu.memory_space<vmem>>, vector<128x128xf32>
    %dot_general3A = arith.constant dense<0.000000e+00> : vector<1024x128xf32>
    %dot_general3A_357 = tpu.matmul %mul3A_353, %get3A_356, %dot_general3A {dimension_numbers = #tpu.dot_dimension_numbers<[1], [0], [0], [1], [0, 0, 1, 1], [], []>, precision = #tpu.contract_precision<fp32>, transpose_lhs_hint = false} : vector<1024x128xf32>, vector<128x128xf32>, vector<1024x128xf32> -> vector<1024x128xf32>
    %get3A_358 = arith.constant 0 : index
    %get3A_359 = arith.constant 0 : index
    %get3A_360 = vector.load %arg4[%get3A_358, %get3A_359] : memref<1x128xf32, #tpu.memory_space<vmem>>, vector<1x128xf32>
    %add3A_361 = vector.broadcast %get3A_360 : vector<1x128xf32> to vector<1024x128xf32>
    %add3A_362 = arith.addf %dot_general3A_357, %add3A_361 : vector<1024x128xf32>
    %get3A_363 = arith.constant 0 : index
    %get3A_364 = arith.constant 0 : index
    %get3A_365 = vector.load %arg5[%get3A_363, %get3A_364] : memref<1x128xf32, #tpu.memory_space<vmem>>, vector<1x128xf32>
    %get3A_366 = arith.constant 0 : index
    %get3A_367 = arith.constant 0 : index
    %get3A_368 = vector.load %arg6[%get3A_366, %get3A_367] : memref<1x128xf32, #tpu.memory_space<vmem>>, vector<1x128xf32>
    %reduce_sum3A_369 = arith.constant dense<0.000000e+00> : vector<1024xf32>
    %reduce_sum3A_370 = vector.multi_reduction <add>, %add3A_362, %reduce_sum3A_369 [1] : vector<1024x128xf32> to vector<1024xf32>
    %broadcast_in_dim3A_371 = vector.shape_cast %reduce_sum3A_370 : vector<1024xf32> to vector<1024x1xf32>
    %div3A_372 = arith.constant 1.280000e+02 : f32
    %div3A_373 = vector.broadcast %div3A_372 : f32 to vector<1024x1xf32>
    %div3A_374 = arith.divf %broadcast_in_dim3A_371, %div3A_373 : vector<1024x1xf32>
    %sub3A_375 = vector.broadcast %div3A_374 : vector<1024x1xf32> to vector<1024x128xf32>
    %sub3A_376 = arith.subf %add3A_362, %sub3A_375 : vector<1024x128xf32>
    %integer_pow3A = arith.mulf %sub3A_376, %sub3A_376 : vector<1024x128xf32>
    %reduce_sum3A_377 = arith.constant dense<0.000000e+00> : vector<1024xf32>
    %reduce_sum3A_378 = vector.multi_reduction <add>, %integer_pow3A, %reduce_sum3A_377 [1] : vector<1024x128xf32> to vector<1024xf32>
    %broadcast_in_dim3A_379 = vector.shape_cast %reduce_sum3A_378 : vector<1024xf32> to vector<1024x1xf32>
    %div3A_380 = arith.constant 1.280000e+02 : f32
    %div3A_381 = vector.broadcast %div3A_380 : f32 to vector<1024x1xf32>
    %div3A_382 = arith.divf %broadcast_in_dim3A_379, %div3A_381 : vector<1024x1xf32>
    %sub3A_383 = vector.broadcast %div3A_374 : vector<1024x1xf32> to vector<1024x128xf32>
    %sub3A_384 = arith.subf %add3A_362, %sub3A_383 : vector<1024x128xf32>
    %add3A_385 = arith.constant 9.99999974E-6 : f32
    %add3A_386 = vector.broadcast %add3A_385 : f32 to vector<1024x1xf32>
    %add3A_387 = arith.addf %div3A_382, %add3A_386 : vector<1024x1xf32>
    %sqrt3A = math.sqrt %add3A_387 : vector<1024x1xf32>
    %div3A_388 = vector.broadcast %sqrt3A : vector<1024x1xf32> to vector<1024x128xf32>
    %div3A_389 = arith.divf %sub3A_384, %div3A_388 : vector<1024x128xf32>
    %mul3A_390 = vector.broadcast %get3A_365 : vector<1x128xf32> to vector<1024x128xf32>
    %mul3A_391 = arith.mulf %div3A_389, %mul3A_390 : vector<1024x128xf32>
    %add3A_392 = vector.broadcast %get3A_368 : vector<1x128xf32> to vector<1024x128xf32>
    %add3A_393 = arith.addf %mul3A_391, %add3A_392 : vector<1024x128xf32>
    %max3A_394 = arith.constant 0.000000e+00 : f32
    %max3A_395 = vector.broadcast %max3A_394 : f32 to vector<1024x128xf32>
    %max3A_396 = arith.maximumf %add3A_393, %max3A_395 : vector<1024x128xf32>
    %get3A_397 = arith.constant 0 : index
    %get3A_398 = arith.constant 0 : index
    %get3A_399 = vector.load %arg7[%get3A_397, %get3A_398] : memref<8x128xf32, #tpu.memory_space<vmem>>, vector<8x128xf32>
    %iota3A_400 = tpu.iota {dimensions = array<i32: 0>} : vector<1024x128xi32>
    %iota3A_401 = tpu.iota {dimensions = array<i32: 1>} : vector<1024x128xi32>
    %broadcast_in_dim3A_402 = arith.constant 0.000000e+00 : f32
    %broadcast_in_dim3A_403 = vector.broadcast %broadcast_in_dim3A_402 : f32 to vector<1024x128xf32>
    %jit3A_404 = arith.constant 128 : i32
    %div3A_405 = vector.broadcast %jit3A_404 : i32 to vector<1024x128xi32>
    %div3A_406 = arith.divsi %iota3A_400, %div3A_405 : vector<1024x128xi32>
    %sign3A_407 = arith.constant 0 : i32
    %sign3A_408 = vector.broadcast %sign3A_407 : i32 to vector<1024x128xi32>
    %sign3A_409 = arith.cmpi sgt, %iota3A_400, %sign3A_408 : vector<1024x128xi32>
    %sign3A_410 = arith.extui %sign3A_409 : vector<1024x128xi1> to vector<1024x128xi32>
    %sign3A_411 = arith.constant 0 : i32
    %sign3A_412 = vector.broadcast %sign3A_411 : i32 to vector<1024x128xi32>
    %sign3A_413 = arith.cmpi slt, %iota3A_400, %sign3A_412 : vector<1024x128xi32>
    %sign3A_414 = arith.extui %sign3A_413 : vector<1024x128xi1> to vector<1024x128xi32>
    %sign3A_415 = arith.subi %sign3A_410, %sign3A_414 : vector<1024x128xi32>
    %sign3A_416 = arith.constant 0 : i32
    %sign3A_417 = arith.cmpi sgt, %jit3A_404, %sign3A_416 : i32
    %sign3A_418 = arith.extui %sign3A_417 : i1 to i32
    %sign3A_419 = arith.constant 0 : i32
    %sign3A_420 = arith.cmpi slt, %jit3A_404, %sign3A_419 : i32
    %sign3A_421 = arith.extui %sign3A_420 : i1 to i32
    %sign3A_422 = arith.subi %sign3A_418, %sign3A_421 : i32
    %ne3A_423 = vector.broadcast %sign3A_422 : i32 to vector<1024x128xi32>
    %ne3A_424 = arith.cmpi ne, %sign3A_415, %ne3A_423 : vector<1024x128xi32>
    %rem3A_425 = vector.broadcast %jit3A_404 : i32 to vector<1024x128xi32>
    %rem3A_426 = arith.remsi %iota3A_400, %rem3A_425 : vector<1024x128xi32>
    %ne3A_427 = arith.constant 0 : i32
    %ne3A_428 = vector.broadcast %ne3A_427 : i32 to vector<1024x128xi32>
    %ne3A_429 = arith.cmpi ne, %rem3A_426, %ne3A_428 : vector<1024x128xi32>
    %and3A_430 = arith.andi %ne3A_424, %ne3A_429 : vector<1024x128xi1>
    %sub3A_431 = arith.constant 1 : i32
    %sub3A_432 = vector.broadcast %sub3A_431 : i32 to vector<1024x128xi32>
    %sub3A_433 = arith.subi %div3A_406, %sub3A_432 : vector<1024x128xi32>
    %select_n3A_434 = arith.select %and3A_430, %sub3A_433, %div3A_406 : vector<1024x128xi1>, vector<1024x128xi32>
    %eq3A_435 = arith.constant 0 : i32
    %eq3A_436 = vector.broadcast %eq3A_435 : i32 to vector<1024x128xi32>
    %eq3A_437 = arith.cmpi eq, %select_n3A_434, %eq3A_436 : vector<1024x128xi32>
    %slice3A_438 = vector.extract_strided_slice %get3A_399 {offsets = [0, 0], sizes = [1, 128], strides = [1, 1]} : vector<8x128xf32> to vector<1x128xf32>
    %broadcast_in_dim3A_439 = vector.shape_cast %slice3A_438 : vector<1x128xf32> to vector<1x128xf32>
    %broadcast_in_dim3A_440 = vector.broadcast %broadcast_in_dim3A_439 : vector<1x128xf32> to vector<1024x128xf32>
    %select_n3A_441 = arith.select %eq3A_437, %broadcast_in_dim3A_440, %broadcast_in_dim3A_403 : vector<1024x128xi1>, vector<1024x128xf32>
    %jit3A_442 = arith.constant 128 : i32
    %div3A_443 = vector.broadcast %jit3A_442 : i32 to vector<1024x128xi32>
    %div3A_444 = arith.divsi %iota3A_400, %div3A_443 : vector<1024x128xi32>
    %sign3A_445 = arith.constant 0 : i32
    %sign3A_446 = vector.broadcast %sign3A_445 : i32 to vector<1024x128xi32>
    %sign3A_447 = arith.cmpi sgt, %iota3A_400, %sign3A_446 : vector<1024x128xi32>
    %sign3A_448 = arith.extui %sign3A_447 : vector<1024x128xi1> to vector<1024x128xi32>
    %sign3A_449 = arith.constant 0 : i32
    %sign3A_450 = vector.broadcast %sign3A_449 : i32 to vector<1024x128xi32>
    %sign3A_451 = arith.cmpi slt, %iota3A_400, %sign3A_450 : vector<1024x128xi32>
    %sign3A_452 = arith.extui %sign3A_451 : vector<1024x128xi1> to vector<1024x128xi32>
    %sign3A_453 = arith.subi %sign3A_448, %sign3A_452 : vector<1024x128xi32>
    %sign3A_454 = arith.constant 0 : i32
    %sign3A_455 = arith.cmpi sgt, %jit3A_442, %sign3A_454 : i32
    %sign3A_456 = arith.extui %sign3A_455 : i1 to i32
    %sign3A_457 = arith.constant 0 : i32
    %sign3A_458 = arith.cmpi slt, %jit3A_442, %sign3A_457 : i32
    %sign3A_459 = arith.extui %sign3A_458 : i1 to i32
    %sign3A_460 = arith.subi %sign3A_456, %sign3A_459 : i32
    %ne3A_461 = vector.broadcast %sign3A_460 : i32 to vector<1024x128xi32>
    %ne3A_462 = arith.cmpi ne, %sign3A_453, %ne3A_461 : vector<1024x128xi32>
    %rem3A_463 = vector.broadcast %jit3A_442 : i32 to vector<1024x128xi32>
    %rem3A_464 = arith.remsi %iota3A_400, %rem3A_463 : vector<1024x128xi32>
    %ne3A_465 = arith.constant 0 : i32
    %ne3A_466 = vector.broadcast %ne3A_465 : i32 to vector<1024x128xi32>
    %ne3A_467 = arith.cmpi ne, %rem3A_464, %ne3A_466 : vector<1024x128xi32>
    %and3A_468 = arith.andi %ne3A_462, %ne3A_467 : vector<1024x128xi1>
    %sub3A_469 = arith.constant 1 : i32
    %sub3A_470 = vector.broadcast %sub3A_469 : i32 to vector<1024x128xi32>
    %sub3A_471 = arith.subi %div3A_444, %sub3A_470 : vector<1024x128xi32>
    %select_n3A_472 = arith.select %and3A_468, %sub3A_471, %div3A_444 : vector<1024x128xi1>, vector<1024x128xi32>
    %eq3A_473 = arith.constant 1 : i32
    %eq3A_474 = vector.broadcast %eq3A_473 : i32 to vector<1024x128xi32>
    %eq3A_475 = arith.cmpi eq, %select_n3A_472, %eq3A_474 : vector<1024x128xi32>
    %slice3A_476 = vector.extract_strided_slice %get3A_399 {offsets = [1, 0], sizes = [1, 128], strides = [1, 1]} : vector<8x128xf32> to vector<1x128xf32>
    %broadcast_in_dim3A_477 = vector.shape_cast %slice3A_476 : vector<1x128xf32> to vector<1x128xf32>
    %broadcast_in_dim3A_478 = vector.broadcast %broadcast_in_dim3A_477 : vector<1x128xf32> to vector<1024x128xf32>
    %select_n3A_479 = arith.select %eq3A_475, %broadcast_in_dim3A_478, %select_n3A_441 : vector<1024x128xi1>, vector<1024x128xf32>
    %jit3A_480 = arith.constant 128 : i32
    %div3A_481 = vector.broadcast %jit3A_480 : i32 to vector<1024x128xi32>
    %div3A_482 = arith.divsi %iota3A_400, %div3A_481 : vector<1024x128xi32>
    %sign3A_483 = arith.constant 0 : i32
    %sign3A_484 = vector.broadcast %sign3A_483 : i32 to vector<1024x128xi32>
    %sign3A_485 = arith.cmpi sgt, %iota3A_400, %sign3A_484 : vector<1024x128xi32>
    %sign3A_486 = arith.extui %sign3A_485 : vector<1024x128xi1> to vector<1024x128xi32>
    %sign3A_487 = arith.constant 0 : i32
    %sign3A_488 = vector.broadcast %sign3A_487 : i32 to vector<1024x128xi32>
    %sign3A_489 = arith.cmpi slt, %iota3A_400, %sign3A_488 : vector<1024x128xi32>
    %sign3A_490 = arith.extui %sign3A_489 : vector<1024x128xi1> to vector<1024x128xi32>
    %sign3A_491 = arith.subi %sign3A_486, %sign3A_490 : vector<1024x128xi32>
    %sign3A_492 = arith.constant 0 : i32
    %sign3A_493 = arith.cmpi sgt, %jit3A_480, %sign3A_492 : i32
    %sign3A_494 = arith.extui %sign3A_493 : i1 to i32
    %sign3A_495 = arith.constant 0 : i32
    %sign3A_496 = arith.cmpi slt, %jit3A_480, %sign3A_495 : i32
    %sign3A_497 = arith.extui %sign3A_496 : i1 to i32
    %sign3A_498 = arith.subi %sign3A_494, %sign3A_497 : i32
    %ne3A_499 = vector.broadcast %sign3A_498 : i32 to vector<1024x128xi32>
    %ne3A_500 = arith.cmpi ne, %sign3A_491, %ne3A_499 : vector<1024x128xi32>
    %rem3A_501 = vector.broadcast %jit3A_480 : i32 to vector<1024x128xi32>
    %rem3A_502 = arith.remsi %iota3A_400, %rem3A_501 : vector<1024x128xi32>
    %ne3A_503 = arith.constant 0 : i32
    %ne3A_504 = vector.broadcast %ne3A_503 : i32 to vector<1024x128xi32>
    %ne3A_505 = arith.cmpi ne, %rem3A_502, %ne3A_504 : vector<1024x128xi32>
    %and3A_506 = arith.andi %ne3A_500, %ne3A_505 : vector<1024x128xi1>
    %sub3A_507 = arith.constant 1 : i32
    %sub3A_508 = vector.broadcast %sub3A_507 : i32 to vector<1024x128xi32>
    %sub3A_509 = arith.subi %div3A_482, %sub3A_508 : vector<1024x128xi32>
    %select_n3A_510 = arith.select %and3A_506, %sub3A_509, %div3A_482 : vector<1024x128xi1>, vector<1024x128xi32>
    %eq3A_511 = arith.constant 2 : i32
    %eq3A_512 = vector.broadcast %eq3A_511 : i32 to vector<1024x128xi32>
    %eq3A_513 = arith.cmpi eq, %select_n3A_510, %eq3A_512 : vector<1024x128xi32>
    %slice3A_514 = vector.extract_strided_slice %get3A_399 {offsets = [2, 0], sizes = [1, 128], strides = [1, 1]} : vector<8x128xf32> to vector<1x128xf32>
    %broadcast_in_dim3A_515 = vector.shape_cast %slice3A_514 : vector<1x128xf32> to vector<1x128xf32>
    %broadcast_in_dim3A_516 = vector.broadcast %broadcast_in_dim3A_515 : vector<1x128xf32> to vector<1024x128xf32>
    %select_n3A_517 = arith.select %eq3A_513, %broadcast_in_dim3A_516, %select_n3A_479 : vector<1024x128xi1>, vector<1024x128xf32>
    %jit3A_518 = arith.constant 128 : i32
    %div3A_519 = vector.broadcast %jit3A_518 : i32 to vector<1024x128xi32>
    %div3A_520 = arith.divsi %iota3A_400, %div3A_519 : vector<1024x128xi32>
    %sign3A_521 = arith.constant 0 : i32
    %sign3A_522 = vector.broadcast %sign3A_521 : i32 to vector<1024x128xi32>
    %sign3A_523 = arith.cmpi sgt, %iota3A_400, %sign3A_522 : vector<1024x128xi32>
    %sign3A_524 = arith.extui %sign3A_523 : vector<1024x128xi1> to vector<1024x128xi32>
    %sign3A_525 = arith.constant 0 : i32
    %sign3A_526 = vector.broadcast %sign3A_525 : i32 to vector<1024x128xi32>
    %sign3A_527 = arith.cmpi slt, %iota3A_400, %sign3A_526 : vector<1024x128xi32>
    %sign3A_528 = arith.extui %sign3A_527 : vector<1024x128xi1> to vector<1024x128xi32>
    %sign3A_529 = arith.subi %sign3A_524, %sign3A_528 : vector<1024x128xi32>
    %sign3A_530 = arith.constant 0 : i32
    %sign3A_531 = arith.cmpi sgt, %jit3A_518, %sign3A_530 : i32
    %sign3A_532 = arith.extui %sign3A_531 : i1 to i32
    %sign3A_533 = arith.constant 0 : i32
    %sign3A_534 = arith.cmpi slt, %jit3A_518, %sign3A_533 : i32
    %sign3A_535 = arith.extui %sign3A_534 : i1 to i32
    %sign3A_536 = arith.subi %sign3A_532, %sign3A_535 : i32
    %ne3A_537 = vector.broadcast %sign3A_536 : i32 to vector<1024x128xi32>
    %ne3A_538 = arith.cmpi ne, %sign3A_529, %ne3A_537 : vector<1024x128xi32>
    %rem3A_539 = vector.broadcast %jit3A_518 : i32 to vector<1024x128xi32>
    %rem3A_540 = arith.remsi %iota3A_400, %rem3A_539 : vector<1024x128xi32>
    %ne3A_541 = arith.constant 0 : i32
    %ne3A_542 = vector.broadcast %ne3A_541 : i32 to vector<1024x128xi32>
    %ne3A_543 = arith.cmpi ne, %rem3A_540, %ne3A_542 : vector<1024x128xi32>
    %and3A_544 = arith.andi %ne3A_538, %ne3A_543 : vector<1024x128xi1>
    %sub3A_545 = arith.constant 1 : i32
    %sub3A_546 = vector.broadcast %sub3A_545 : i32 to vector<1024x128xi32>
    %sub3A_547 = arith.subi %div3A_520, %sub3A_546 : vector<1024x128xi32>
    %select_n3A_548 = arith.select %and3A_544, %sub3A_547, %div3A_520 : vector<1024x128xi1>, vector<1024x128xi32>
    %eq3A_549 = arith.constant 3 : i32
    %eq3A_550 = vector.broadcast %eq3A_549 : i32 to vector<1024x128xi32>
    %eq3A_551 = arith.cmpi eq, %select_n3A_548, %eq3A_550 : vector<1024x128xi32>
    %slice3A_552 = vector.extract_strided_slice %get3A_399 {offsets = [3, 0], sizes = [1, 128], strides = [1, 1]} : vector<8x128xf32> to vector<1x128xf32>
    %broadcast_in_dim3A_553 = vector.shape_cast %slice3A_552 : vector<1x128xf32> to vector<1x128xf32>
    %broadcast_in_dim3A_554 = vector.broadcast %broadcast_in_dim3A_553 : vector<1x128xf32> to vector<1024x128xf32>
    %select_n3A_555 = arith.select %eq3A_551, %broadcast_in_dim3A_554, %select_n3A_517 : vector<1024x128xi1>, vector<1024x128xf32>
    %jit3A_556 = arith.constant 128 : i32
    %div3A_557 = vector.broadcast %jit3A_556 : i32 to vector<1024x128xi32>
    %div3A_558 = arith.divsi %iota3A_400, %div3A_557 : vector<1024x128xi32>
    %sign3A_559 = arith.constant 0 : i32
    %sign3A_560 = vector.broadcast %sign3A_559 : i32 to vector<1024x128xi32>
    %sign3A_561 = arith.cmpi sgt, %iota3A_400, %sign3A_560 : vector<1024x128xi32>
    %sign3A_562 = arith.extui %sign3A_561 : vector<1024x128xi1> to vector<1024x128xi32>
    %sign3A_563 = arith.constant 0 : i32
    %sign3A_564 = vector.broadcast %sign3A_563 : i32 to vector<1024x128xi32>
    %sign3A_565 = arith.cmpi slt, %iota3A_400, %sign3A_564 : vector<1024x128xi32>
    %sign3A_566 = arith.extui %sign3A_565 : vector<1024x128xi1> to vector<1024x128xi32>
    %sign3A_567 = arith.subi %sign3A_562, %sign3A_566 : vector<1024x128xi32>
    %sign3A_568 = arith.constant 0 : i32
    %sign3A_569 = arith.cmpi sgt, %jit3A_556, %sign3A_568 : i32
    %sign3A_570 = arith.extui %sign3A_569 : i1 to i32
    %sign3A_571 = arith.constant 0 : i32
    %sign3A_572 = arith.cmpi slt, %jit3A_556, %sign3A_571 : i32
    %sign3A_573 = arith.extui %sign3A_572 : i1 to i32
    %sign3A_574 = arith.subi %sign3A_570, %sign3A_573 : i32
    %ne3A_575 = vector.broadcast %sign3A_574 : i32 to vector<1024x128xi32>
    %ne3A_576 = arith.cmpi ne, %sign3A_567, %ne3A_575 : vector<1024x128xi32>
    %rem3A_577 = vector.broadcast %jit3A_556 : i32 to vector<1024x128xi32>
    %rem3A_578 = arith.remsi %iota3A_400, %rem3A_577 : vector<1024x128xi32>
    %ne3A_579 = arith.constant 0 : i32
    %ne3A_580 = vector.broadcast %ne3A_579 : i32 to vector<1024x128xi32>
    %ne3A_581 = arith.cmpi ne, %rem3A_578, %ne3A_580 : vector<1024x128xi32>
    %and3A_582 = arith.andi %ne3A_576, %ne3A_581 : vector<1024x128xi1>
    %sub3A_583 = arith.constant 1 : i32
    %sub3A_584 = vector.broadcast %sub3A_583 : i32 to vector<1024x128xi32>
    %sub3A_585 = arith.subi %div3A_558, %sub3A_584 : vector<1024x128xi32>
    %select_n3A_586 = arith.select %and3A_582, %sub3A_585, %div3A_558 : vector<1024x128xi1>, vector<1024x128xi32>
    %eq3A_587 = arith.constant 4 : i32
    %eq3A_588 = vector.broadcast %eq3A_587 : i32 to vector<1024x128xi32>
    %eq3A_589 = arith.cmpi eq, %select_n3A_586, %eq3A_588 : vector<1024x128xi32>
    %slice3A_590 = vector.extract_strided_slice %get3A_399 {offsets = [4, 0], sizes = [1, 128], strides = [1, 1]} : vector<8x128xf32> to vector<1x128xf32>
    %broadcast_in_dim3A_591 = vector.shape_cast %slice3A_590 : vector<1x128xf32> to vector<1x128xf32>
    %broadcast_in_dim3A_592 = vector.broadcast %broadcast_in_dim3A_591 : vector<1x128xf32> to vector<1024x128xf32>
    %select_n3A_593 = arith.select %eq3A_589, %broadcast_in_dim3A_592, %select_n3A_555 : vector<1024x128xi1>, vector<1024x128xf32>
    %jit3A_594 = arith.constant 128 : i32
    %div3A_595 = vector.broadcast %jit3A_594 : i32 to vector<1024x128xi32>
    %div3A_596 = arith.divsi %iota3A_400, %div3A_595 : vector<1024x128xi32>
    %sign3A_597 = arith.constant 0 : i32
    %sign3A_598 = vector.broadcast %sign3A_597 : i32 to vector<1024x128xi32>
    %sign3A_599 = arith.cmpi sgt, %iota3A_400, %sign3A_598 : vector<1024x128xi32>
    %sign3A_600 = arith.extui %sign3A_599 : vector<1024x128xi1> to vector<1024x128xi32>
    %sign3A_601 = arith.constant 0 : i32
    %sign3A_602 = vector.broadcast %sign3A_601 : i32 to vector<1024x128xi32>
    %sign3A_603 = arith.cmpi slt, %iota3A_400, %sign3A_602 : vector<1024x128xi32>
    %sign3A_604 = arith.extui %sign3A_603 : vector<1024x128xi1> to vector<1024x128xi32>
    %sign3A_605 = arith.subi %sign3A_600, %sign3A_604 : vector<1024x128xi32>
    %sign3A_606 = arith.constant 0 : i32
    %sign3A_607 = arith.cmpi sgt, %jit3A_594, %sign3A_606 : i32
    %sign3A_608 = arith.extui %sign3A_607 : i1 to i32
    %sign3A_609 = arith.constant 0 : i32
    %sign3A_610 = arith.cmpi slt, %jit3A_594, %sign3A_609 : i32
    %sign3A_611 = arith.extui %sign3A_610 : i1 to i32
    %sign3A_612 = arith.subi %sign3A_608, %sign3A_611 : i32
    %ne3A_613 = vector.broadcast %sign3A_612 : i32 to vector<1024x128xi32>
    %ne3A_614 = arith.cmpi ne, %sign3A_605, %ne3A_613 : vector<1024x128xi32>
    %rem3A_615 = vector.broadcast %jit3A_594 : i32 to vector<1024x128xi32>
    %rem3A_616 = arith.remsi %iota3A_400, %rem3A_615 : vector<1024x128xi32>
    %ne3A_617 = arith.constant 0 : i32
    %ne3A_618 = vector.broadcast %ne3A_617 : i32 to vector<1024x128xi32>
    %ne3A_619 = arith.cmpi ne, %rem3A_616, %ne3A_618 : vector<1024x128xi32>
    %and3A_620 = arith.andi %ne3A_614, %ne3A_619 : vector<1024x128xi1>
    %sub3A_621 = arith.constant 1 : i32
    %sub3A_622 = vector.broadcast %sub3A_621 : i32 to vector<1024x128xi32>
    %sub3A_623 = arith.subi %div3A_596, %sub3A_622 : vector<1024x128xi32>
    %select_n3A_624 = arith.select %and3A_620, %sub3A_623, %div3A_596 : vector<1024x128xi1>, vector<1024x128xi32>
    %eq3A_625 = arith.constant 5 : i32
    %eq3A_626 = vector.broadcast %eq3A_625 : i32 to vector<1024x128xi32>
    %eq3A_627 = arith.cmpi eq, %select_n3A_624, %eq3A_626 : vector<1024x128xi32>
    %slice3A_628 = vector.extract_strided_slice %get3A_399 {offsets = [5, 0], sizes = [1, 128], strides = [1, 1]} : vector<8x128xf32> to vector<1x128xf32>
    %broadcast_in_dim3A_629 = vector.shape_cast %slice3A_628 : vector<1x128xf32> to vector<1x128xf32>
    %broadcast_in_dim3A_630 = vector.broadcast %broadcast_in_dim3A_629 : vector<1x128xf32> to vector<1024x128xf32>
    %select_n3A_631 = arith.select %eq3A_627, %broadcast_in_dim3A_630, %select_n3A_593 : vector<1024x128xi1>, vector<1024x128xf32>
    %jit3A_632 = arith.constant 128 : i32
    %div3A_633 = vector.broadcast %jit3A_632 : i32 to vector<1024x128xi32>
    %div3A_634 = arith.divsi %iota3A_400, %div3A_633 : vector<1024x128xi32>
    %sign3A_635 = arith.constant 0 : i32
    %sign3A_636 = vector.broadcast %sign3A_635 : i32 to vector<1024x128xi32>
    %sign3A_637 = arith.cmpi sgt, %iota3A_400, %sign3A_636 : vector<1024x128xi32>
    %sign3A_638 = arith.extui %sign3A_637 : vector<1024x128xi1> to vector<1024x128xi32>
    %sign3A_639 = arith.constant 0 : i32
    %sign3A_640 = vector.broadcast %sign3A_639 : i32 to vector<1024x128xi32>
    %sign3A_641 = arith.cmpi slt, %iota3A_400, %sign3A_640 : vector<1024x128xi32>
    %sign3A_642 = arith.extui %sign3A_641 : vector<1024x128xi1> to vector<1024x128xi32>
    %sign3A_643 = arith.subi %sign3A_638, %sign3A_642 : vector<1024x128xi32>
    %sign3A_644 = arith.constant 0 : i32
    %sign3A_645 = arith.cmpi sgt, %jit3A_632, %sign3A_644 : i32
    %sign3A_646 = arith.extui %sign3A_645 : i1 to i32
    %sign3A_647 = arith.constant 0 : i32
    %sign3A_648 = arith.cmpi slt, %jit3A_632, %sign3A_647 : i32
    %sign3A_649 = arith.extui %sign3A_648 : i1 to i32
    %sign3A_650 = arith.subi %sign3A_646, %sign3A_649 : i32
    %ne3A_651 = vector.broadcast %sign3A_650 : i32 to vector<1024x128xi32>
    %ne3A_652 = arith.cmpi ne, %sign3A_643, %ne3A_651 : vector<1024x128xi32>
    %rem3A_653 = vector.broadcast %jit3A_632 : i32 to vector<1024x128xi32>
    %rem3A_654 = arith.remsi %iota3A_400, %rem3A_653 : vector<1024x128xi32>
    %ne3A_655 = arith.constant 0 : i32
    %ne3A_656 = vector.broadcast %ne3A_655 : i32 to vector<1024x128xi32>
    %ne3A_657 = arith.cmpi ne, %rem3A_654, %ne3A_656 : vector<1024x128xi32>
    %and3A_658 = arith.andi %ne3A_652, %ne3A_657 : vector<1024x128xi1>
    %sub3A_659 = arith.constant 1 : i32
    %sub3A_660 = vector.broadcast %sub3A_659 : i32 to vector<1024x128xi32>
    %sub3A_661 = arith.subi %div3A_634, %sub3A_660 : vector<1024x128xi32>
    %select_n3A_662 = arith.select %and3A_658, %sub3A_661, %div3A_634 : vector<1024x128xi1>, vector<1024x128xi32>
    %eq3A_663 = arith.constant 6 : i32
    %eq3A_664 = vector.broadcast %eq3A_663 : i32 to vector<1024x128xi32>
    %eq3A_665 = arith.cmpi eq, %select_n3A_662, %eq3A_664 : vector<1024x128xi32>
    %slice3A_666 = vector.extract_strided_slice %get3A_399 {offsets = [6, 0], sizes = [1, 128], strides = [1, 1]} : vector<8x128xf32> to vector<1x128xf32>
    %broadcast_in_dim3A_667 = vector.shape_cast %slice3A_666 : vector<1x128xf32> to vector<1x128xf32>
    %broadcast_in_dim3A_668 = vector.broadcast %broadcast_in_dim3A_667 : vector<1x128xf32> to vector<1024x128xf32>
    %select_n3A_669 = arith.select %eq3A_665, %broadcast_in_dim3A_668, %select_n3A_631 : vector<1024x128xi1>, vector<1024x128xf32>
    %jit3A_670 = arith.constant 128 : i32
    %div3A_671 = vector.broadcast %jit3A_670 : i32 to vector<1024x128xi32>
    %div3A_672 = arith.divsi %iota3A_400, %div3A_671 : vector<1024x128xi32>
    %sign3A_673 = arith.constant 0 : i32
    %sign3A_674 = vector.broadcast %sign3A_673 : i32 to vector<1024x128xi32>
    %sign3A_675 = arith.cmpi sgt, %iota3A_400, %sign3A_674 : vector<1024x128xi32>
    %sign3A_676 = arith.extui %sign3A_675 : vector<1024x128xi1> to vector<1024x128xi32>
    %sign3A_677 = arith.constant 0 : i32
    %sign3A_678 = vector.broadcast %sign3A_677 : i32 to vector<1024x128xi32>
    %sign3A_679 = arith.cmpi slt, %iota3A_400, %sign3A_678 : vector<1024x128xi32>
    %sign3A_680 = arith.extui %sign3A_679 : vector<1024x128xi1> to vector<1024x128xi32>
    %sign3A_681 = arith.subi %sign3A_676, %sign3A_680 : vector<1024x128xi32>
    %sign3A_682 = arith.constant 0 : i32
    %sign3A_683 = arith.cmpi sgt, %jit3A_670, %sign3A_682 : i32
    %sign3A_684 = arith.extui %sign3A_683 : i1 to i32
    %sign3A_685 = arith.constant 0 : i32
    %sign3A_686 = arith.cmpi slt, %jit3A_670, %sign3A_685 : i32
    %sign3A_687 = arith.extui %sign3A_686 : i1 to i32
    %sign3A_688 = arith.subi %sign3A_684, %sign3A_687 : i32
    %ne3A_689 = vector.broadcast %sign3A_688 : i32 to vector<1024x128xi32>
    %ne3A_690 = arith.cmpi ne, %sign3A_681, %ne3A_689 : vector<1024x128xi32>
    %rem3A_691 = vector.broadcast %jit3A_670 : i32 to vector<1024x128xi32>
    %rem3A_692 = arith.remsi %iota3A_400, %rem3A_691 : vector<1024x128xi32>
    %ne3A_693 = arith.constant 0 : i32
    %ne3A_694 = vector.broadcast %ne3A_693 : i32 to vector<1024x128xi32>
    %ne3A_695 = arith.cmpi ne, %rem3A_692, %ne3A_694 : vector<1024x128xi32>
    %and3A_696 = arith.andi %ne3A_690, %ne3A_695 : vector<1024x128xi1>
    %sub3A_697 = arith.constant 1 : i32
    %sub3A_698 = vector.broadcast %sub3A_697 : i32 to vector<1024x128xi32>
    %sub3A_699 = arith.subi %div3A_672, %sub3A_698 : vector<1024x128xi32>
    %select_n3A_700 = arith.select %and3A_696, %sub3A_699, %div3A_672 : vector<1024x128xi1>, vector<1024x128xi32>
    %eq3A_701 = arith.constant 7 : i32
    %eq3A_702 = vector.broadcast %eq3A_701 : i32 to vector<1024x128xi32>
    %eq3A_703 = arith.cmpi eq, %select_n3A_700, %eq3A_702 : vector<1024x128xi32>
    %slice3A_704 = vector.extract_strided_slice %get3A_399 {offsets = [7, 0], sizes = [1, 128], strides = [1, 1]} : vector<8x128xf32> to vector<1x128xf32>
    %broadcast_in_dim3A_705 = vector.shape_cast %slice3A_704 : vector<1x128xf32> to vector<1x128xf32>
    %broadcast_in_dim3A_706 = vector.broadcast %broadcast_in_dim3A_705 : vector<1x128xf32> to vector<1024x128xf32>
    %select_n3A_707 = arith.select %eq3A_703, %broadcast_in_dim3A_706, %select_n3A_669 : vector<1024x128xi1>, vector<1024x128xf32>
    %jit3A_708 = arith.constant 128 : i32
    %eq3A_709 = arith.constant 0 : i32
    %eq3A_710 = arith.cmpi eq, %jit3A_708, %eq3A_709 : i32
    %jit3A_711 = arith.constant 1 : i32
    %select_n3A_712 = arith.select %eq3A_710, %jit3A_711, %jit3A_708 : i32
    %rem3A_713 = vector.broadcast %select_n3A_712 : i32 to vector<1024x128xi32>
    %rem3A_714 = arith.remsi %iota3A_400, %rem3A_713 : vector<1024x128xi32>
    %ne3A_715 = arith.constant 0 : i32
    %ne3A_716 = vector.broadcast %ne3A_715 : i32 to vector<1024x128xi32>
    %ne3A_717 = arith.cmpi ne, %rem3A_714, %ne3A_716 : vector<1024x128xi32>
    %lt3A_718 = arith.constant 0 : i32
    %lt3A_719 = vector.broadcast %lt3A_718 : i32 to vector<1024x128xi32>
    %lt3A_720 = arith.cmpi slt, %rem3A_714, %lt3A_719 : vector<1024x128xi32>
    %lt3A_721 = arith.constant 0 : i32
    %lt3A_722 = arith.cmpi slt, %select_n3A_712, %lt3A_721 : i32
    %ne3A_723 = vector.broadcast %lt3A_722 : i1 to vector<1024x128xi1>
    %ne3A_724 = vector.broadcast %ne3A_723 : vector<1024x128xi1> to vector<1024x128xi1>
    %ne3A_725 = arith.xori %lt3A_720, %ne3A_724 : vector<1024x128xi1>
    %and3A_726 = arith.andi %ne3A_725, %ne3A_717 : vector<1024x128xi1>
    %add3A_727 = vector.broadcast %select_n3A_712 : i32 to vector<1024x128xi32>
    %add3A_728 = arith.addi %rem3A_714, %add3A_727 : vector<1024x128xi32>
    %select_n3A_729 = arith.select %and3A_726, %add3A_728, %rem3A_714 : vector<1024x128xi1>, vector<1024x128xi32>
    %eq3A_730 = arith.cmpi eq, %select_n3A_729, %iota3A_401 : vector<1024x128xi32>
    %jit3A_731 = arith.constant 0.000000e+00 : f32
    %broadcast_in_dim3A_732 = vector.broadcast %jit3A_731 : f32 to vector<1024x128xf32>
    %select_n3A_733 = arith.select %eq3A_730, %select_n3A_707, %broadcast_in_dim3A_732 : vector<1024x128xi1>, vector<1024x128xf32>
    %reduce_sum3A_734 = arith.constant dense<0.000000e+00> : vector<1024xf32>
    %reduce_sum3A_735 = vector.multi_reduction <add>, %select_n3A_733, %reduce_sum3A_734 [1] : vector<1024x128xf32> to vector<1024xf32>
    %broadcast_in_dim3A_736 = vector.shape_cast %reduce_sum3A_735 : vector<1024xf32> to vector<1024x1xf32>
    %iota3A_737 = tpu.iota {dimensions = array<i32: 1>} : vector<1024x16xi32>
    %convert_element_type3A_738 = arith.sitofp %iota3A_737 : vector<1024x16xi32> to vector<1024x16xf32>
    %eq3A_739 = vector.broadcast %broadcast_in_dim3A_736 : vector<1024x1xf32> to vector<1024x16xf32>
    %eq3A_740 = arith.cmpf oeq, %eq3A_739, %convert_element_type3A_738 : vector<1024x16xf32>
    %convert_element_type3A_741 = arith.extui %eq3A_740 : vector<1024x16xi1> to vector<1024x16xi32>
    %convert_element_type3A_742 = arith.sitofp %convert_element_type3A_741 : vector<1024x16xi32> to vector<1024x16xf32>
    %get3A_743 = arith.constant 0 : index
    %get3A_744 = arith.constant 0 : index
    %get3A_745 = vector.load %arg21[%get3A_743, %get3A_744] : memref<16x128xf32, #tpu.memory_space<vmem>>, vector<16x128xf32>
    %dot_general3A_746 = arith.constant dense<0.000000e+00> : vector<16x128xf32>
    %dot_general3A_747 = tpu.matmul %convert_element_type3A_742, %max3A_396, %dot_general3A_746 {dimension_numbers = #tpu.dot_dimension_numbers<[0], [0], [1], [1], [0, 1, 1, 1], [], []>, precision = #tpu.contract_precision<fp32>, transpose_lhs_hint = false} : vector<1024x16xf32>, vector<1024x128xf32>, vector<16x128xf32> -> vector<16x128xf32>
    %add3A_748 = arith.addf %get3A_745, %dot_general3A_747 : vector<16x128xf32>
    %swap3A = arith.constant 0 : index
    %swap3A_749 = arith.constant 0 : index
    %swap3A_750 = vector.load %arg21[%swap3A, %swap3A_749] : memref<16x128xf32, #tpu.memory_space<vmem>>, vector<16x128xf32>
    tpu.vector_store %arg21[%swap3A, %swap3A_749], %add3A_748 {strides = array<i32>} : memref<16x128xf32, #tpu.memory_space<vmem>>, vector<16x128xf32>,
    %get3A_751 = arith.constant 0 : index
    %get3A_752 = arith.constant 0 : index
    %get3A_753 = vector.load %arg23[%get3A_751, %get3A_752] : memref<16x128xf32, #tpu.memory_space<vmem>>, vector<16x128xf32>
    %broadcast_in_dim3A_754 = arith.constant 1.000000e+00 : f32
    %broadcast_in_dim3A_755 = vector.broadcast %broadcast_in_dim3A_754 : f32 to vector<1024x128xf32>
    %dot_general3A_756 = arith.constant dense<0.000000e+00> : vector<16x128xf32>
    %dot_general3A_757 = tpu.matmul %convert_element_type3A_742, %broadcast_in_dim3A_755, %dot_general3A_756 {dimension_numbers = #tpu.dot_dimension_numbers<[0], [0], [1], [1], [0, 1, 1, 1], [], []>, precision = #tpu.contract_precision<fp32>, transpose_lhs_hint = false} : vector<1024x16xf32>, vector<1024x128xf32>, vector<16x128xf32> -> vector<16x128xf32>
    %add3A_758 = arith.addf %get3A_753, %dot_general3A_757 : vector<16x128xf32>
    %swap3A_759 = arith.constant 0 : index
    %swap3A_760 = arith.constant 0 : index
    %swap3A_761 = vector.load %arg23[%swap3A_759, %swap3A_760] : memref<16x128xf32, #tpu.memory_space<vmem>>, vector<16x128xf32>
    tpu.vector_store %arg23[%swap3A_759, %swap3A_760], %add3A_758 {strides = array<i32>} : memref<16x128xf32, #tpu.memory_space<vmem>>, vector<16x128xf32>,
    %slice3A_762 = vector.extract_strided_slice %convert_element_type3A_742 {offsets = [0, 0], sizes = [1024, 1], strides = [1, 1]} : vector<1024x16xf32> to vector<1024x1xf32>
    %gt3A_763 = arith.constant 5.000000e-01 : f32
    %gt3A_764 = vector.broadcast %gt3A_763 : f32 to vector<1024x1xf32>
    %gt3A_765 = arith.cmpf ogt, %slice3A_762, %gt3A_764 : vector<1024x1xf32>
    %jit3A_766 = arith.constant 0xFF800000 : f32
    %broadcast_in_dim3A_767 = vector.shape_cast %gt3A_765 : vector<1024x1xi1> to vector<1024x1xi1>
    %broadcast_in_dim3A_768 = vector.broadcast %broadcast_in_dim3A_767 : vector<1024x1xi1> to vector<1024x128xi1>
    %broadcast_in_dim3A_769 = vector.broadcast %jit3A_766 : f32 to vector<1024x128xf32>
    %select_n3A_770 = arith.select %broadcast_in_dim3A_768, %max3A_396, %broadcast_in_dim3A_769 : vector<1024x128xi1>, vector<1024x128xf32>
    %reduce_max3A = arith.constant dense<0xFF800000> : vector<128xf32>
    %reduce_max3A_771 = vector.multi_reduction <maximumf>, %select_n3A_770, %reduce_max3A [0] : vector<1024x128xf32> to vector<128xf32>
    %broadcast_in_dim3A_772 = vector.shape_cast %reduce_max3A_771 : vector<128xf32> to vector<1x128xf32>
    %get3A_773 = arith.constant 0 : index
    %get3A_774 = arith.constant 0 : index
    %get3A_775 = vector.load %arg22[%get3A_773, %get3A_774] : memref<16x128xf32, #tpu.memory_space<vmem>>, vector<1x128xf32>
    %max3A_776 = arith.maximumf %get3A_775, %broadcast_in_dim3A_772 : vector<1x128xf32>
    %swap3A_777 = arith.constant 0 : index
    %swap3A_778 = arith.constant 0 : index
    %swap3A_779 = vector.load %arg22[%swap3A_777, %swap3A_778] : memref<16x128xf32, #tpu.memory_space<vmem>>, vector<1x128xf32>
    tpu.vector_store %arg22[%swap3A_777, %swap3A_778], %max3A_776 {strides = array<i32>} : memref<16x128xf32, #tpu.memory_space<vmem>>, vector<1x128xf32>,
    %slice3A_780 = vector.extract_strided_slice %convert_element_type3A_742 {offsets = [0, 1], sizes = [1024, 1], strides = [1, 1]} : vector<1024x16xf32> to vector<1024x1xf32>
    %gt3A_781 = arith.constant 5.000000e-01 : f32
    %gt3A_782 = vector.broadcast %gt3A_781 : f32 to vector<1024x1xf32>
    %gt3A_783 = arith.cmpf ogt, %slice3A_780, %gt3A_782 : vector<1024x1xf32>
    %jit3A_784 = arith.constant 0xFF800000 : f32
    %broadcast_in_dim3A_785 = vector.shape_cast %gt3A_783 : vector<1024x1xi1> to vector<1024x1xi1>
    %broadcast_in_dim3A_786 = vector.broadcast %broadcast_in_dim3A_785 : vector<1024x1xi1> to vector<1024x128xi1>
    %broadcast_in_dim3A_787 = vector.broadcast %jit3A_784 : f32 to vector<1024x128xf32>
    %select_n3A_788 = arith.select %broadcast_in_dim3A_786, %max3A_396, %broadcast_in_dim3A_787 : vector<1024x128xi1>, vector<1024x128xf32>
    %reduce_max3A_789 = arith.constant dense<0xFF800000> : vector<128xf32>
    %reduce_max3A_790 = vector.multi_reduction <maximumf>, %select_n3A_788, %reduce_max3A_789 [0] : vector<1024x128xf32> to vector<128xf32>
    %broadcast_in_dim3A_791 = vector.shape_cast %reduce_max3A_790 : vector<128xf32> to vector<1x128xf32>
    %get3A_792 = arith.constant 1 : index
    %get3A_793 = arith.constant 0 : index
    %get3A_794 = vector.load %arg22[%get3A_792, %get3A_793] : memref<16x128xf32, #tpu.memory_space<vmem>>, vector<1x128xf32>
    %max3A_795 = arith.maximumf %get3A_794, %broadcast_in_dim3A_791 : vector<1x128xf32>
    %swap3A_796 = arith.constant 1 : index
    %swap3A_797 = arith.constant 0 : index
    %swap3A_798 = vector.load %arg22[%swap3A_796, %swap3A_797] : memref<16x128xf32, #tpu.memory_space<vmem>>, vector<1x128xf32>
    tpu.vector_store %arg22[%swap3A_796, %swap3A_797], %max3A_795 {strides = array<i32>} : memref<16x128xf32, #tpu.memory_space<vmem>>, vector<1x128xf32>,
    %slice3A_799 = vector.extract_strided_slice %convert_element_type3A_742 {offsets = [0, 2], sizes = [1024, 1], strides = [1, 1]} : vector<1024x16xf32> to vector<1024x1xf32>
    %gt3A_800 = arith.constant 5.000000e-01 : f32
    %gt3A_801 = vector.broadcast %gt3A_800 : f32 to vector<1024x1xf32>
    %gt3A_802 = arith.cmpf ogt, %slice3A_799, %gt3A_801 : vector<1024x1xf32>
    %jit3A_803 = arith.constant 0xFF800000 : f32
    %broadcast_in_dim3A_804 = vector.shape_cast %gt3A_802 : vector<1024x1xi1> to vector<1024x1xi1>
    %broadcast_in_dim3A_805 = vector.broadcast %broadcast_in_dim3A_804 : vector<1024x1xi1> to vector<1024x128xi1>
    %broadcast_in_dim3A_806 = vector.broadcast %jit3A_803 : f32 to vector<1024x128xf32>
    %select_n3A_807 = arith.select %broadcast_in_dim3A_805, %max3A_396, %broadcast_in_dim3A_806 : vector<1024x128xi1>, vector<1024x128xf32>
    %reduce_max3A_808 = arith.constant dense<0xFF800000> : vector<128xf32>
    %reduce_max3A_809 = vector.multi_reduction <maximumf>, %select_n3A_807, %reduce_max3A_808 [0] : vector<1024x128xf32> to vector<128xf32>
    %broadcast_in_dim3A_810 = vector.shape_cast %reduce_max3A_809 : vector<128xf32> to vector<1x128xf32>
    %get3A_811 = arith.constant 2 : index
    %get3A_812 = arith.constant 0 : index
    %get3A_813 = vector.load %arg22[%get3A_811, %get3A_812] : memref<16x128xf32, #tpu.memory_space<vmem>>, vector<1x128xf32>
    %max3A_814 = arith.maximumf %get3A_813, %broadcast_in_dim3A_810 : vector<1x128xf32>
    %swap3A_815 = arith.constant 2 : index
    %swap3A_816 = arith.constant 0 : index
    %swap3A_817 = vector.load %arg22[%swap3A_815, %swap3A_816] : memref<16x128xf32, #tpu.memory_space<vmem>>, vector<1x128xf32>
    tpu.vector_store %arg22[%swap3A_815, %swap3A_816], %max3A_814 {strides = array<i32>} : memref<16x128xf32, #tpu.memory_space<vmem>>, vector<1x128xf32>,
    %slice3A_818 = vector.extract_strided_slice %convert_element_type3A_742 {offsets = [0, 3], sizes = [1024, 1], strides = [1, 1]} : vector<1024x16xf32> to vector<1024x1xf32>
    %gt3A_819 = arith.constant 5.000000e-01 : f32
    %gt3A_820 = vector.broadcast %gt3A_819 : f32 to vector<1024x1xf32>
    %gt3A_821 = arith.cmpf ogt, %slice3A_818, %gt3A_820 : vector<1024x1xf32>
    %jit3A_822 = arith.constant 0xFF800000 : f32
    %broadcast_in_dim3A_823 = vector.shape_cast %gt3A_821 : vector<1024x1xi1> to vector<1024x1xi1>
    %broadcast_in_dim3A_824 = vector.broadcast %broadcast_in_dim3A_823 : vector<1024x1xi1> to vector<1024x128xi1>
    %broadcast_in_dim3A_825 = vector.broadcast %jit3A_822 : f32 to vector<1024x128xf32>
    %select_n3A_826 = arith.select %broadcast_in_dim3A_824, %max3A_396, %broadcast_in_dim3A_825 : vector<1024x128xi1>, vector<1024x128xf32>
    %reduce_max3A_827 = arith.constant dense<0xFF800000> : vector<128xf32>
    %reduce_max3A_828 = vector.multi_reduction <maximumf>, %select_n3A_826, %reduce_max3A_827 [0] : vector<1024x128xf32> to vector<128xf32>
    %broadcast_in_dim3A_829 = vector.shape_cast %reduce_max3A_828 : vector<128xf32> to vector<1x128xf32>
    %get3A_830 = arith.constant 3 : index
    %get3A_831 = arith.constant 0 : index
    %get3A_832 = vector.load %arg22[%get3A_830, %get3A_831] : memref<16x128xf32, #tpu.memory_space<vmem>>, vector<1x128xf32>
    %max3A_833 = arith.maximumf %get3A_832, %broadcast_in_dim3A_829 : vector<1x128xf32>
    %swap3A_834 = arith.constant 3 : index
    %swap3A_835 = arith.constant 0 : index
    %swap3A_836 = vector.load %arg22[%swap3A_834, %swap3A_835] : memref<16x128xf32, #tpu.memory_space<vmem>>, vector<1x128xf32>
    tpu.vector_store %arg22[%swap3A_834, %swap3A_835], %max3A_833 {strides = array<i32>} : memref<16x128xf32, #tpu.memory_space<vmem>>, vector<1x128xf32>,
    %slice3A_837 = vector.extract_strided_slice %convert_element_type3A_742 {offsets = [0, 4], sizes = [1024, 1], strides = [1, 1]} : vector<1024x16xf32> to vector<1024x1xf32>
    %gt3A_838 = arith.constant 5.000000e-01 : f32
    %gt3A_839 = vector.broadcast %gt3A_838 : f32 to vector<1024x1xf32>
    %gt3A_840 = arith.cmpf ogt, %slice3A_837, %gt3A_839 : vector<1024x1xf32>
    %jit3A_841 = arith.constant 0xFF800000 : f32
    %broadcast_in_dim3A_842 = vector.shape_cast %gt3A_840 : vector<1024x1xi1> to vector<1024x1xi1>
    %broadcast_in_dim3A_843 = vector.broadcast %broadcast_in_dim3A_842 : vector<1024x1xi1> to vector<1024x128xi1>
    %broadcast_in_dim3A_844 = vector.broadcast %jit3A_841 : f32 to vector<1024x128xf32>
    %select_n3A_845 = arith.select %broadcast_in_dim3A_843, %max3A_396, %broadcast_in_dim3A_844 : vector<1024x128xi1>, vector<1024x128xf32>
    %reduce_max3A_846 = arith.constant dense<0xFF800000> : vector<128xf32>
    %reduce_max3A_847 = vector.multi_reduction <maximumf>, %select_n3A_845, %reduce_max3A_846 [0] : vector<1024x128xf32> to vector<128xf32>
    %broadcast_in_dim3A_848 = vector.shape_cast %reduce_max3A_847 : vector<128xf32> to vector<1x128xf32>
    %get3A_849 = arith.constant 4 : index
    %get3A_850 = arith.constant 0 : index
    %get3A_851 = vector.load %arg22[%get3A_849, %get3A_850] : memref<16x128xf32, #tpu.memory_space<vmem>>, vector<1x128xf32>
    %max3A_852 = arith.maximumf %get3A_851, %broadcast_in_dim3A_848 : vector<1x128xf32>
    %swap3A_853 = arith.constant 4 : index
    %swap3A_854 = arith.constant 0 : index
    %swap3A_855 = vector.load %arg22[%swap3A_853, %swap3A_854] : memref<16x128xf32, #tpu.memory_space<vmem>>, vector<1x128xf32>
    tpu.vector_store %arg22[%swap3A_853, %swap3A_854], %max3A_852 {strides = array<i32>} : memref<16x128xf32, #tpu.memory_space<vmem>>, vector<1x128xf32>,
    %slice3A_856 = vector.extract_strided_slice %convert_element_type3A_742 {offsets = [0, 5], sizes = [1024, 1], strides = [1, 1]} : vector<1024x16xf32> to vector<1024x1xf32>
    %gt3A_857 = arith.constant 5.000000e-01 : f32
    %gt3A_858 = vector.broadcast %gt3A_857 : f32 to vector<1024x1xf32>
    %gt3A_859 = arith.cmpf ogt, %slice3A_856, %gt3A_858 : vector<1024x1xf32>
    %jit3A_860 = arith.constant 0xFF800000 : f32
    %broadcast_in_dim3A_861 = vector.shape_cast %gt3A_859 : vector<1024x1xi1> to vector<1024x1xi1>
    %broadcast_in_dim3A_862 = vector.broadcast %broadcast_in_dim3A_861 : vector<1024x1xi1> to vector<1024x128xi1>
    %broadcast_in_dim3A_863 = vector.broadcast %jit3A_860 : f32 to vector<1024x128xf32>
    %select_n3A_864 = arith.select %broadcast_in_dim3A_862, %max3A_396, %broadcast_in_dim3A_863 : vector<1024x128xi1>, vector<1024x128xf32>
    %reduce_max3A_865 = arith.constant dense<0xFF800000> : vector<128xf32>
    %reduce_max3A_866 = vector.multi_reduction <maximumf>, %select_n3A_864, %reduce_max3A_865 [0] : vector<1024x128xf32> to vector<128xf32>
    %broadcast_in_dim3A_867 = vector.shape_cast %reduce_max3A_866 : vector<128xf32> to vector<1x128xf32>
    %get3A_868 = arith.constant 5 : index
    %get3A_869 = arith.constant 0 : index
    %get3A_870 = vector.load %arg22[%get3A_868, %get3A_869] : memref<16x128xf32, #tpu.memory_space<vmem>>, vector<1x128xf32>
    %max3A_871 = arith.maximumf %get3A_870, %broadcast_in_dim3A_867 : vector<1x128xf32>
    %swap3A_872 = arith.constant 5 : index
    %swap3A_873 = arith.constant 0 : index
    %swap3A_874 = vector.load %arg22[%swap3A_872, %swap3A_873] : memref<16x128xf32, #tpu.memory_space<vmem>>, vector<1x128xf32>
    tpu.vector_store %arg22[%swap3A_872, %swap3A_873], %max3A_871 {strides = array<i32>} : memref<16x128xf32, #tpu.memory_space<vmem>>, vector<1x128xf32>,
    %slice3A_875 = vector.extract_strided_slice %convert_element_type3A_742 {offsets = [0, 6], sizes = [1024, 1], strides = [1, 1]} : vector<1024x16xf32> to vector<1024x1xf32>
    %gt3A_876 = arith.constant 5.000000e-01 : f32
    %gt3A_877 = vector.broadcast %gt3A_876 : f32 to vector<1024x1xf32>
    %gt3A_878 = arith.cmpf ogt, %slice3A_875, %gt3A_877 : vector<1024x1xf32>
    %jit3A_879 = arith.constant 0xFF800000 : f32
    %broadcast_in_dim3A_880 = vector.shape_cast %gt3A_878 : vector<1024x1xi1> to vector<1024x1xi1>
    %broadcast_in_dim3A_881 = vector.broadcast %broadcast_in_dim3A_880 : vector<1024x1xi1> to vector<1024x128xi1>
    %broadcast_in_dim3A_882 = vector.broadcast %jit3A_879 : f32 to vector<1024x128xf32>
    %select_n3A_883 = arith.select %broadcast_in_dim3A_881, %max3A_396, %broadcast_in_dim3A_882 : vector<1024x128xi1>, vector<1024x128xf32>
    %reduce_max3A_884 = arith.constant dense<0xFF800000> : vector<128xf32>
    %reduce_max3A_885 = vector.multi_reduction <maximumf>, %select_n3A_883, %reduce_max3A_884 [0] : vector<1024x128xf32> to vector<128xf32>
    %broadcast_in_dim3A_886 = vector.shape_cast %reduce_max3A_885 : vector<128xf32> to vector<1x128xf32>
    %get3A_887 = arith.constant 6 : index
    %get3A_888 = arith.constant 0 : index
    %get3A_889 = vector.load %arg22[%get3A_887, %get3A_888] : memref<16x128xf32, #tpu.memory_space<vmem>>, vector<1x128xf32>
    %max3A_890 = arith.maximumf %get3A_889, %broadcast_in_dim3A_886 : vector<1x128xf32>
    %swap3A_891 = arith.constant 6 : index
    %swap3A_892 = arith.constant 0 : index
    %swap3A_893 = vector.load %arg22[%swap3A_891, %swap3A_892] : memref<16x128xf32, #tpu.memory_space<vmem>>, vector<1x128xf32>
    tpu.vector_store %arg22[%swap3A_891, %swap3A_892], %max3A_890 {strides = array<i32>} : memref<16x128xf32, #tpu.memory_space<vmem>>, vector<1x128xf32>,
    %slice3A_894 = vector.extract_strided_slice %convert_element_type3A_742 {offsets = [0, 7], sizes = [1024, 1], strides = [1, 1]} : vector<1024x16xf32> to vector<1024x1xf32>
    %gt3A_895 = arith.constant 5.000000e-01 : f32
    %gt3A_896 = vector.broadcast %gt3A_895 : f32 to vector<1024x1xf32>
    %gt3A_897 = arith.cmpf ogt, %slice3A_894, %gt3A_896 : vector<1024x1xf32>
    %jit3A_898 = arith.constant 0xFF800000 : f32
    %broadcast_in_dim3A_899 = vector.shape_cast %gt3A_897 : vector<1024x1xi1> to vector<1024x1xi1>
    %broadcast_in_dim3A_900 = vector.broadcast %broadcast_in_dim3A_899 : vector<1024x1xi1> to vector<1024x128xi1>
    %broadcast_in_dim3A_901 = vector.broadcast %jit3A_898 : f32 to vector<1024x128xf32>
    %select_n3A_902 = arith.select %broadcast_in_dim3A_900, %max3A_396, %broadcast_in_dim3A_901 : vector<1024x128xi1>, vector<1024x128xf32>
    %reduce_max3A_903 = arith.constant dense<0xFF800000> : vector<128xf32>
    %reduce_max3A_904 = vector.multi_reduction <maximumf>, %select_n3A_902, %reduce_max3A_903 [0] : vector<1024x128xf32> to vector<128xf32>
    %broadcast_in_dim3A_905 = vector.shape_cast %reduce_max3A_904 : vector<128xf32> to vector<1x128xf32>
    %get3A_906 = arith.constant 7 : index
    %get3A_907 = arith.constant 0 : index
    %get3A_908 = vector.load %arg22[%get3A_906, %get3A_907] : memref<16x128xf32, #tpu.memory_space<vmem>>, vector<1x128xf32>
    %max3A_909 = arith.maximumf %get3A_908, %broadcast_in_dim3A_905 : vector<1x128xf32>
    %swap3A_910 = arith.constant 7 : index
    %swap3A_911 = arith.constant 0 : index
    %swap3A_912 = vector.load %arg22[%swap3A_910, %swap3A_911] : memref<16x128xf32, #tpu.memory_space<vmem>>, vector<1x128xf32>
    tpu.vector_store %arg22[%swap3A_910, %swap3A_911], %max3A_909 {strides = array<i32>} : memref<16x128xf32, #tpu.memory_space<vmem>>, vector<1x128xf32>,
    %slice3A_913 = vector.extract_strided_slice %convert_element_type3A_742 {offsets = [0, 8], sizes = [1024, 1], strides = [1, 1]} : vector<1024x16xf32> to vector<1024x1xf32>
    %gt3A_914 = arith.constant 5.000000e-01 : f32
    %gt3A_915 = vector.broadcast %gt3A_914 : f32 to vector<1024x1xf32>
    %gt3A_916 = arith.cmpf ogt, %slice3A_913, %gt3A_915 : vector<1024x1xf32>
    %jit3A_917 = arith.constant 0xFF800000 : f32
    %broadcast_in_dim3A_918 = vector.shape_cast %gt3A_916 : vector<1024x1xi1> to vector<1024x1xi1>
    %broadcast_in_dim3A_919 = vector.broadcast %broadcast_in_dim3A_918 : vector<1024x1xi1> to vector<1024x128xi1>
    %broadcast_in_dim3A_920 = vector.broadcast %jit3A_917 : f32 to vector<1024x128xf32>
    %select_n3A_921 = arith.select %broadcast_in_dim3A_919, %max3A_396, %broadcast_in_dim3A_920 : vector<1024x128xi1>, vector<1024x128xf32>
    %reduce_max3A_922 = arith.constant dense<0xFF800000> : vector<128xf32>
    %reduce_max3A_923 = vector.multi_reduction <maximumf>, %select_n3A_921, %reduce_max3A_922 [0] : vector<1024x128xf32> to vector<128xf32>
    %broadcast_in_dim3A_924 = vector.shape_cast %reduce_max3A_923 : vector<128xf32> to vector<1x128xf32>
    %get3A_925 = arith.constant 8 : index
    %get3A_926 = arith.constant 0 : index
    %get3A_927 = vector.load %arg22[%get3A_925, %get3A_926] : memref<16x128xf32, #tpu.memory_space<vmem>>, vector<1x128xf32>
    %max3A_928 = arith.maximumf %get3A_927, %broadcast_in_dim3A_924 : vector<1x128xf32>
    %swap3A_929 = arith.constant 8 : index
    %swap3A_930 = arith.constant 0 : index
    %swap3A_931 = vector.load %arg22[%swap3A_929, %swap3A_930] : memref<16x128xf32, #tpu.memory_space<vmem>>, vector<1x128xf32>
    tpu.vector_store %arg22[%swap3A_929, %swap3A_930], %max3A_928 {strides = array<i32>} : memref<16x128xf32, #tpu.memory_space<vmem>>, vector<1x128xf32>,
    %slice3A_932 = vector.extract_strided_slice %convert_element_type3A_742 {offsets = [0, 9], sizes = [1024, 1], strides = [1, 1]} : vector<1024x16xf32> to vector<1024x1xf32>
    %gt3A_933 = arith.constant 5.000000e-01 : f32
    %gt3A_934 = vector.broadcast %gt3A_933 : f32 to vector<1024x1xf32>
    %gt3A_935 = arith.cmpf ogt, %slice3A_932, %gt3A_934 : vector<1024x1xf32>
    %jit3A_936 = arith.constant 0xFF800000 : f32
    %broadcast_in_dim3A_937 = vector.shape_cast %gt3A_935 : vector<1024x1xi1> to vector<1024x1xi1>
    %broadcast_in_dim3A_938 = vector.broadcast %broadcast_in_dim3A_937 : vector<1024x1xi1> to vector<1024x128xi1>
    %broadcast_in_dim3A_939 = vector.broadcast %jit3A_936 : f32 to vector<1024x128xf32>
    %select_n3A_940 = arith.select %broadcast_in_dim3A_938, %max3A_396, %broadcast_in_dim3A_939 : vector<1024x128xi1>, vector<1024x128xf32>
    %reduce_max3A_941 = arith.constant dense<0xFF800000> : vector<128xf32>
    %reduce_max3A_942 = vector.multi_reduction <maximumf>, %select_n3A_940, %reduce_max3A_941 [0] : vector<1024x128xf32> to vector<128xf32>
    %broadcast_in_dim3A_943 = vector.shape_cast %reduce_max3A_942 : vector<128xf32> to vector<1x128xf32>
    %get3A_944 = arith.constant 9 : index
    %get3A_945 = arith.constant 0 : index
    %get3A_946 = vector.load %arg22[%get3A_944, %get3A_945] : memref<16x128xf32, #tpu.memory_space<vmem>>, vector<1x128xf32>
    %max3A_947 = arith.maximumf %get3A_946, %broadcast_in_dim3A_943 : vector<1x128xf32>
    %swap3A_948 = arith.constant 9 : index
    %swap3A_949 = arith.constant 0 : index
    %swap3A_950 = vector.load %arg22[%swap3A_948, %swap3A_949] : memref<16x128xf32, #tpu.memory_space<vmem>>, vector<1x128xf32>
    tpu.vector_store %arg22[%swap3A_948, %swap3A_949], %max3A_947 {strides = array<i32>} : memref<16x128xf32, #tpu.memory_space<vmem>>, vector<1x128xf32>,
    %slice3A_951 = vector.extract_strided_slice %convert_element_type3A_742 {offsets = [0, 10], sizes = [1024, 1], strides = [1, 1]} : vector<1024x16xf32> to vector<1024x1xf32>
    %gt3A_952 = arith.constant 5.000000e-01 : f32
    %gt3A_953 = vector.broadcast %gt3A_952 : f32 to vector<1024x1xf32>
    %gt3A_954 = arith.cmpf ogt, %slice3A_951, %gt3A_953 : vector<1024x1xf32>
    %jit3A_955 = arith.constant 0xFF800000 : f32
    %broadcast_in_dim3A_956 = vector.shape_cast %gt3A_954 : vector<1024x1xi1> to vector<1024x1xi1>
    %broadcast_in_dim3A_957 = vector.broadcast %broadcast_in_dim3A_956 : vector<1024x1xi1> to vector<1024x128xi1>
    %broadcast_in_dim3A_958 = vector.broadcast %jit3A_955 : f32 to vector<1024x128xf32>
    %select_n3A_959 = arith.select %broadcast_in_dim3A_957, %max3A_396, %broadcast_in_dim3A_958 : vector<1024x128xi1>, vector<1024x128xf32>
    %reduce_max3A_960 = arith.constant dense<0xFF800000> : vector<128xf32>
    %reduce_max3A_961 = vector.multi_reduction <maximumf>, %select_n3A_959, %reduce_max3A_960 [0] : vector<1024x128xf32> to vector<128xf32>
    %broadcast_in_dim3A_962 = vector.shape_cast %reduce_max3A_961 : vector<128xf32> to vector<1x128xf32>
    %get3A_963 = arith.constant 10 : index
    %get3A_964 = arith.constant 0 : index
    %get3A_965 = vector.load %arg22[%get3A_963, %get3A_964] : memref<16x128xf32, #tpu.memory_space<vmem>>, vector<1x128xf32>
    %max3A_966 = arith.maximumf %get3A_965, %broadcast_in_dim3A_962 : vector<1x128xf32>
    %swap3A_967 = arith.constant 10 : index
    %swap3A_968 = arith.constant 0 : index
    %swap3A_969 = vector.load %arg22[%swap3A_967, %swap3A_968] : memref<16x128xf32, #tpu.memory_space<vmem>>, vector<1x128xf32>
    tpu.vector_store %arg22[%swap3A_967, %swap3A_968], %max3A_966 {strides = array<i32>} : memref<16x128xf32, #tpu.memory_space<vmem>>, vector<1x128xf32>,
    %slice3A_970 = vector.extract_strided_slice %convert_element_type3A_742 {offsets = [0, 11], sizes = [1024, 1], strides = [1, 1]} : vector<1024x16xf32> to vector<1024x1xf32>
    %gt3A_971 = arith.constant 5.000000e-01 : f32
    %gt3A_972 = vector.broadcast %gt3A_971 : f32 to vector<1024x1xf32>
    %gt3A_973 = arith.cmpf ogt, %slice3A_970, %gt3A_972 : vector<1024x1xf32>
    %jit3A_974 = arith.constant 0xFF800000 : f32
    %broadcast_in_dim3A_975 = vector.shape_cast %gt3A_973 : vector<1024x1xi1> to vector<1024x1xi1>
    %broadcast_in_dim3A_976 = vector.broadcast %broadcast_in_dim3A_975 : vector<1024x1xi1> to vector<1024x128xi1>
    %broadcast_in_dim3A_977 = vector.broadcast %jit3A_974 : f32 to vector<1024x128xf32>
    %select_n3A_978 = arith.select %broadcast_in_dim3A_976, %max3A_396, %broadcast_in_dim3A_977 : vector<1024x128xi1>, vector<1024x128xf32>
    %reduce_max3A_979 = arith.constant dense<0xFF800000> : vector<128xf32>
    %reduce_max3A_980 = vector.multi_reduction <maximumf>, %select_n3A_978, %reduce_max3A_979 [0] : vector<1024x128xf32> to vector<128xf32>
    %broadcast_in_dim3A_981 = vector.shape_cast %reduce_max3A_980 : vector<128xf32> to vector<1x128xf32>
    %get3A_982 = arith.constant 11 : index
    %get3A_983 = arith.constant 0 : index
    %get3A_984 = vector.load %arg22[%get3A_982, %get3A_983] : memref<16x128xf32, #tpu.memory_space<vmem>>, vector<1x128xf32>
    %max3A_985 = arith.maximumf %get3A_984, %broadcast_in_dim3A_981 : vector<1x128xf32>
    %swap3A_986 = arith.constant 11 : index
    %swap3A_987 = arith.constant 0 : index
    %swap3A_988 = vector.load %arg22[%swap3A_986, %swap3A_987] : memref<16x128xf32, #tpu.memory_space<vmem>>, vector<1x128xf32>
    tpu.vector_store %arg22[%swap3A_986, %swap3A_987], %max3A_985 {strides = array<i32>} : memref<16x128xf32, #tpu.memory_space<vmem>>, vector<1x128xf32>,
    %slice3A_989 = vector.extract_strided_slice %convert_element_type3A_742 {offsets = [0, 12], sizes = [1024, 1], strides = [1, 1]} : vector<1024x16xf32> to vector<1024x1xf32>
    %gt3A_990 = arith.constant 5.000000e-01 : f32
    %gt3A_991 = vector.broadcast %gt3A_990 : f32 to vector<1024x1xf32>
    %gt3A_992 = arith.cmpf ogt, %slice3A_989, %gt3A_991 : vector<1024x1xf32>
    %jit3A_993 = arith.constant 0xFF800000 : f32
    %broadcast_in_dim3A_994 = vector.shape_cast %gt3A_992 : vector<1024x1xi1> to vector<1024x1xi1>
    %broadcast_in_dim3A_995 = vector.broadcast %broadcast_in_dim3A_994 : vector<1024x1xi1> to vector<1024x128xi1>
    %broadcast_in_dim3A_996 = vector.broadcast %jit3A_993 : f32 to vector<1024x128xf32>
    %select_n3A_997 = arith.select %broadcast_in_dim3A_995, %max3A_396, %broadcast_in_dim3A_996 : vector<1024x128xi1>, vector<1024x128xf32>
    %reduce_max3A_998 = arith.constant dense<0xFF800000> : vector<128xf32>
    %reduce_max3A_999 = vector.multi_reduction <maximumf>, %select_n3A_997, %reduce_max3A_998 [0] : vector<1024x128xf32> to vector<128xf32>
    %broadcast_in_dim3A_1000 = vector.shape_cast %reduce_max3A_999 : vector<128xf32> to vector<1x128xf32>
    %get3A_1001 = arith.constant 12 : index
    %get3A_1002 = arith.constant 0 : index
    %get3A_1003 = vector.load %arg22[%get3A_1001, %get3A_1002] : memref<16x128xf32, #tpu.memory_space<vmem>>, vector<1x128xf32>
    %max3A_1004 = arith.maximumf %get3A_1003, %broadcast_in_dim3A_1000 : vector<1x128xf32>
    %swap3A_1005 = arith.constant 12 : index
    %swap3A_1006 = arith.constant 0 : index
    %swap3A_1007 = vector.load %arg22[%swap3A_1005, %swap3A_1006] : memref<16x128xf32, #tpu.memory_space<vmem>>, vector<1x128xf32>
    tpu.vector_store %arg22[%swap3A_1005, %swap3A_1006], %max3A_1004 {strides = array<i32>} : memref<16x128xf32, #tpu.memory_space<vmem>>, vector<1x128xf32>,
    %slice3A_1008 = vector.extract_strided_slice %convert_element_type3A_742 {offsets = [0, 13], sizes = [1024, 1], strides = [1, 1]} : vector<1024x16xf32> to vector<1024x1xf32>
    %gt3A_1009 = arith.constant 5.000000e-01 : f32
    %gt3A_1010 = vector.broadcast %gt3A_1009 : f32 to vector<1024x1xf32>
    %gt3A_1011 = arith.cmpf ogt, %slice3A_1008, %gt3A_1010 : vector<1024x1xf32>
    %jit3A_1012 = arith.constant 0xFF800000 : f32
    %broadcast_in_dim3A_1013 = vector.shape_cast %gt3A_1011 : vector<1024x1xi1> to vector<1024x1xi1>
    %broadcast_in_dim3A_1014 = vector.broadcast %broadcast_in_dim3A_1013 : vector<1024x1xi1> to vector<1024x128xi1>
    %broadcast_in_dim3A_1015 = vector.broadcast %jit3A_1012 : f32 to vector<1024x128xf32>
    %select_n3A_1016 = arith.select %broadcast_in_dim3A_1014, %max3A_396, %broadcast_in_dim3A_1015 : vector<1024x128xi1>, vector<1024x128xf32>
    %reduce_max3A_1017 = arith.constant dense<0xFF800000> : vector<128xf32>
    %reduce_max3A_1018 = vector.multi_reduction <maximumf>, %select_n3A_1016, %reduce_max3A_1017 [0] : vector<1024x128xf32> to vector<128xf32>
    %broadcast_in_dim3A_1019 = vector.shape_cast %reduce_max3A_1018 : vector<128xf32> to vector<1x128xf32>
    %get3A_1020 = arith.constant 13 : index
    %get3A_1021 = arith.constant 0 : index
    %get3A_1022 = vector.load %arg22[%get3A_1020, %get3A_1021] : memref<16x128xf32, #tpu.memory_space<vmem>>, vector<1x128xf32>
    %max3A_1023 = arith.maximumf %get3A_1022, %broadcast_in_dim3A_1019 : vector<1x128xf32>
    %swap3A_1024 = arith.constant 13 : index
    %swap3A_1025 = arith.constant 0 : index
    %swap3A_1026 = vector.load %arg22[%swap3A_1024, %swap3A_1025] : memref<16x128xf32, #tpu.memory_space<vmem>>, vector<1x128xf32>
    tpu.vector_store %arg22[%swap3A_1024, %swap3A_1025], %max3A_1023 {strides = array<i32>} : memref<16x128xf32, #tpu.memory_space<vmem>>, vector<1x128xf32>,
    %slice3A_1027 = vector.extract_strided_slice %convert_element_type3A_742 {offsets = [0, 14], sizes = [1024, 1], strides = [1, 1]} : vector<1024x16xf32> to vector<1024x1xf32>
    %gt3A_1028 = arith.constant 5.000000e-01 : f32
    %gt3A_1029 = vector.broadcast %gt3A_1028 : f32 to vector<1024x1xf32>
    %gt3A_1030 = arith.cmpf ogt, %slice3A_1027, %gt3A_1029 : vector<1024x1xf32>
    %jit3A_1031 = arith.constant 0xFF800000 : f32
    %broadcast_in_dim3A_1032 = vector.shape_cast %gt3A_1030 : vector<1024x1xi1> to vector<1024x1xi1>
    %broadcast_in_dim3A_1033 = vector.broadcast %broadcast_in_dim3A_1032 : vector<1024x1xi1> to vector<1024x128xi1>
    %broadcast_in_dim3A_1034 = vector.broadcast %jit3A_1031 : f32 to vector<1024x128xf32>
    %select_n3A_1035 = arith.select %broadcast_in_dim3A_1033, %max3A_396, %broadcast_in_dim3A_1034 : vector<1024x128xi1>, vector<1024x128xf32>
    %reduce_max3A_1036 = arith.constant dense<0xFF800000> : vector<128xf32>
    %reduce_max3A_1037 = vector.multi_reduction <maximumf>, %select_n3A_1035, %reduce_max3A_1036 [0] : vector<1024x128xf32> to vector<128xf32>
    %broadcast_in_dim3A_1038 = vector.shape_cast %reduce_max3A_1037 : vector<128xf32> to vector<1x128xf32>
    %get3A_1039 = arith.constant 14 : index
    %get3A_1040 = arith.constant 0 : index
    %get3A_1041 = vector.load %arg22[%get3A_1039, %get3A_1040] : memref<16x128xf32, #tpu.memory_space<vmem>>, vector<1x128xf32>
    %max3A_1042 = arith.maximumf %get3A_1041, %broadcast_in_dim3A_1038 : vector<1x128xf32>
    %swap3A_1043 = arith.constant 14 : index
    %swap3A_1044 = arith.constant 0 : index
    %swap3A_1045 = vector.load %arg22[%swap3A_1043, %swap3A_1044] : memref<16x128xf32, #tpu.memory_space<vmem>>, vector<1x128xf32>
    tpu.vector_store %arg22[%swap3A_1043, %swap3A_1044], %max3A_1042 {strides = array<i32>} : memref<16x128xf32, #tpu.memory_space<vmem>>, vector<1x128xf32>,
    %slice3A_1046 = vector.extract_strided_slice %convert_element_type3A_742 {offsets = [0, 15], sizes = [1024, 1], strides = [1, 1]} : vector<1024x16xf32> to vector<1024x1xf32>
    %gt3A_1047 = arith.constant 5.000000e-01 : f32
    %gt3A_1048 = vector.broadcast %gt3A_1047 : f32 to vector<1024x1xf32>
    %gt3A_1049 = arith.cmpf ogt, %slice3A_1046, %gt3A_1048 : vector<1024x1xf32>
    %jit3A_1050 = arith.constant 0xFF800000 : f32
    %broadcast_in_dim3A_1051 = vector.shape_cast %gt3A_1049 : vector<1024x1xi1> to vector<1024x1xi1>
    %broadcast_in_dim3A_1052 = vector.broadcast %broadcast_in_dim3A_1051 : vector<1024x1xi1> to vector<1024x128xi1>
    %broadcast_in_dim3A_1053 = vector.broadcast %jit3A_1050 : f32 to vector<1024x128xf32>
    %select_n3A_1054 = arith.select %broadcast_in_dim3A_1052, %max3A_396, %broadcast_in_dim3A_1053 : vector<1024x128xi1>, vector<1024x128xf32>
    %reduce_max3A_1055 = arith.constant dense<0xFF800000> : vector<128xf32>
    %reduce_max3A_1056 = vector.multi_reduction <maximumf>, %select_n3A_1054, %reduce_max3A_1055 [0] : vector<1024x128xf32> to vector<128xf32>
    %broadcast_in_dim3A_1057 = vector.shape_cast %reduce_max3A_1056 : vector<128xf32> to vector<1x128xf32>
    %get3A_1058 = arith.constant 15 : index
    %get3A_1059 = arith.constant 0 : index
    %get3A_1060 = vector.load %arg22[%get3A_1058, %get3A_1059] : memref<16x128xf32, #tpu.memory_space<vmem>>, vector<1x128xf32>
    %max3A_1061 = arith.maximumf %get3A_1060, %broadcast_in_dim3A_1057 : vector<1x128xf32>
    %swap3A_1062 = arith.constant 15 : index
    %swap3A_1063 = arith.constant 0 : index
    %swap3A_1064 = vector.load %arg22[%swap3A_1062, %swap3A_1063] : memref<16x128xf32, #tpu.memory_space<vmem>>, vector<1x128xf32>
    tpu.vector_store %arg22[%swap3A_1062, %swap3A_1063], %max3A_1061 {strides = array<i32>} : memref<16x128xf32, #tpu.memory_space<vmem>>, vector<1x128xf32>,
    %eq3A_1065 = arith.constant 9 : i32
    %eq3A_1066 = arith.cmpi eq, %arg0, %eq3A_1065 : i32
    %convert_element_type3A_1067 = arith.extui %eq3A_1066 : i1 to i32
    %cond3A_1068 = arith.constant 0 : i32
    %cond3A_1069 = arith.cmpi ne, %convert_element_type3A_1067, %cond3A_1068 : i32
    scf.if %cond3A_1069 {
      %get3A_1070 = arith.constant 0 : index
      %get3A_1071 = arith.constant 0 : index
      %get3A_1072 = vector.load %arg21[%get3A_1070, %get3A_1071] : memref<16x128xf32, #tpu.memory_space<vmem>>, vector<16x128xf32>
      %get3A_1073 = arith.constant 0 : index
      %get3A_1074 = arith.constant 0 : index
      %get3A_1075 = vector.load %arg23[%get3A_1073, %get3A_1074] : memref<16x128xf32, #tpu.memory_space<vmem>>, vector<16x128xf32>
      %max3A_1076 = arith.constant 1.000000e+00 : f32
      %max3A_1077 = vector.broadcast %max3A_1076 : f32 to vector<16x128xf32>
      %max3A_1078 = arith.maximumf %get3A_1075, %max3A_1077 : vector<16x128xf32>
      %div3A_1079 = arith.divf %get3A_1072, %max3A_1078 : vector<16x128xf32>
      %mul3A_1080 = arith.mulf %div3A_1079, %div3A_1079 : vector<16x128xf32>
      %reduce_sum3A_1081 = arith.constant dense<0.000000e+00> : vector<16xf32>
      %reduce_sum3A_1082 = vector.multi_reduction <add>, %mul3A_1080, %reduce_sum3A_1081 [1] : vector<16x128xf32> to vector<16xf32>
      %broadcast_in_dim3A_1083 = vector.shape_cast %reduce_sum3A_1082 : vector<16xf32> to vector<16x1xf32>
      %sqrt3A_1084 = math.sqrt %broadcast_in_dim3A_1083 : vector<16x1xf32>
      %max3A_1085 = arith.constant 9.99999996E-13 : f32
      %max3A_1086 = vector.broadcast %max3A_1085 : f32 to vector<16x1xf32>
      %max3A_1087 = arith.maximumf %sqrt3A_1084, %max3A_1086 : vector<16x1xf32>
      %div3A_1088 = vector.broadcast %max3A_1087 : vector<16x1xf32> to vector<16x128xf32>
      %div3A_1089 = arith.divf %div3A_1079, %div3A_1088 : vector<16x128xf32>
      %get3A_1090 = arith.constant 0 : index
      %get3A_1091 = arith.constant 0 : index
      %get3A_1092 = vector.load %arg22[%get3A_1090, %get3A_1091] : memref<16x128xf32, #tpu.memory_space<vmem>>, vector<16x128xf32>
      %mul3A_1093 = arith.mulf %get3A_1092, %get3A_1092 : vector<16x128xf32>
      %reduce_sum3A_1094 = arith.constant dense<0.000000e+00> : vector<16xf32>
      %reduce_sum3A_1095 = vector.multi_reduction <add>, %mul3A_1093, %reduce_sum3A_1094 [1] : vector<16x128xf32> to vector<16xf32>
      %broadcast_in_dim3A_1096 = vector.shape_cast %reduce_sum3A_1095 : vector<16xf32> to vector<16x1xf32>
      %sqrt3A_1097 = math.sqrt %broadcast_in_dim3A_1096 : vector<16x1xf32>
      %max3A_1098 = arith.constant 9.99999996E-13 : f32
      %max3A_1099 = vector.broadcast %max3A_1098 : f32 to vector<16x1xf32>
      %max3A_1100 = arith.maximumf %sqrt3A_1097, %max3A_1099 : vector<16x1xf32>
      %div3A_1101 = vector.broadcast %max3A_1100 : vector<16x1xf32> to vector<16x128xf32>
      %div3A_1102 = arith.divf %get3A_1092, %div3A_1101 : vector<16x128xf32>
      %get3A_1103 = arith.constant 0 : index
      %get3A_1104 = arith.constant 0 : index
      %get3A_1105 = vector.load %arg8[%get3A_1103, %get3A_1104] : memref<16x8xf32, #tpu.memory_space<vmem>>, vector<16x8xf32>
      %get3A_1106 = arith.constant 0 : index
      %get3A_1107 = arith.constant 0 : index
      %get3A_1108 = vector.load %arg9[%get3A_1106, %get3A_1107] : memref<8x128xf32, #tpu.memory_space<vmem>>, vector<8x128xf32>
      %dot_general3A_1109 = arith.constant dense<0.000000e+00> : vector<16x128xf32>
      %dot_general3A_1110 = tpu.matmul %get3A_1105, %get3A_1108, %dot_general3A_1109 {dimension_numbers = #tpu.dot_dimension_numbers<[1], [0], [0], [1], [0, 0, 1, 1], [], []>, precision = #tpu.contract_precision<fp32>, transpose_lhs_hint = false} : vector<16x8xf32>, vector<8x128xf32>, vector<16x128xf32> -> vector<16x128xf32>
      %max3A_1111 = arith.constant 0.000000e+00 : f32
      %max3A_1112 = vector.broadcast %max3A_1111 : f32 to vector<16x128xf32>
      %max3A_1113 = arith.maximumf %dot_general3A_1110, %max3A_1112 : vector<16x128xf32>
      %get3A_1114 = arith.constant 0 : index
      %get3A_1115 = arith.constant 0 : index
      %get3A_1116 = vector.load %arg10[%get3A_1114, %get3A_1115] : memref<384x128xf32, #tpu.memory_space<vmem>>, vector<128x128xf32>
      %dot_general3A_1117 = arith.constant dense<0.000000e+00> : vector<16x128xf32>
      %dot_general3A_1118 = tpu.matmul %div3A_1089, %get3A_1116, %dot_general3A_1117 {dimension_numbers = #tpu.dot_dimension_numbers<[1], [0], [0], [1], [0, 0, 1, 1], [], []>, precision = #tpu.contract_precision<fp32>, transpose_lhs_hint = false} : vector<16x128xf32>, vector<128x128xf32>, vector<16x128xf32> -> vector<16x128xf32>
      %get3A_1119 = arith.constant 128 : index
      %get3A_1120 = arith.constant 0 : index
      %get3A_1121 = vector.load %arg10[%get3A_1119, %get3A_1120] : memref<384x128xf32, #tpu.memory_space<vmem>>, vector<128x128xf32>
      %dot_general3A_1122 = arith.constant dense<0.000000e+00> : vector<16x128xf32>
      %dot_general3A_1123 = tpu.matmul %div3A_1102, %get3A_1121, %dot_general3A_1122 {dimension_numbers = #tpu.dot_dimension_numbers<[1], [0], [0], [1], [0, 0, 1, 1], [], []>, precision = #tpu.contract_precision<fp32>, transpose_lhs_hint = false} : vector<16x128xf32>, vector<128x128xf32>, vector<16x128xf32> -> vector<16x128xf32>
      %add3A_1124 = arith.addf %dot_general3A_1118, %dot_general3A_1123 : vector<16x128xf32>
      %get3A_1125 = arith.constant 256 : index
      %get3A_1126 = arith.constant 0 : index
      %get3A_1127 = vector.load %arg10[%get3A_1125, %get3A_1126] : memref<384x128xf32, #tpu.memory_space<vmem>>, vector<128x128xf32>
      %dot_general3A_1128 = arith.constant dense<0.000000e+00> : vector<16x128xf32>
      %dot_general3A_1129 = tpu.matmul %max3A_1113, %get3A_1127, %dot_general3A_1128 {dimension_numbers = #tpu.dot_dimension_numbers<[1], [0], [0], [1], [0, 0, 1, 1], [], []>, precision = #tpu.contract_precision<fp32>, transpose_lhs_hint = false} : vector<16x128xf32>, vector<128x128xf32>, vector<16x128xf32> -> vector<16x128xf32>
      %add3A_1130 = arith.addf %add3A_1124, %dot_general3A_1129 : vector<16x128xf32>
      %get3A_1131 = arith.constant 0 : index
      %get3A_1132 = arith.constant 0 : index
      %get3A_1133 = vector.load %arg11[%get3A_1131, %get3A_1132] : memref<1x128xf32, #tpu.memory_space<vmem>>, vector<1x128xf32>
      %add3A_1134 = vector.broadcast %get3A_1133 : vector<1x128xf32> to vector<16x128xf32>
      %add3A_1135 = arith.addf %add3A_1130, %add3A_1134 : vector<16x128xf32>
      %get3A_1136 = arith.constant 0 : index
      %get3A_1137 = arith.constant 0 : index
      %get3A_1138 = vector.load %arg12[%get3A_1136, %get3A_1137] : memref<1x128xf32, #tpu.memory_space<vmem>>, vector<1x128xf32>
      %get3A_1139 = arith.constant 0 : index
      %get3A_1140 = arith.constant 0 : index
      %get3A_1141 = vector.load %arg13[%get3A_1139, %get3A_1140] : memref<1x128xf32, #tpu.memory_space<vmem>>, vector<1x128xf32>
      %reduce_sum3A_1142 = arith.constant dense<0.000000e+00> : vector<16xf32>
      %reduce_sum3A_1143 = vector.multi_reduction <add>, %add3A_1135, %reduce_sum3A_1142 [1] : vector<16x128xf32> to vector<16xf32>
      %broadcast_in_dim3A_1144 = vector.shape_cast %reduce_sum3A_1143 : vector<16xf32> to vector<16x1xf32>
      %div3A_1145 = arith.constant 1.280000e+02 : f32
      %div3A_1146 = vector.broadcast %div3A_1145 : f32 to vector<16x1xf32>
      %div3A_1147 = arith.divf %broadcast_in_dim3A_1144, %div3A_1146 : vector<16x1xf32>
      %sub3A_1148 = vector.broadcast %div3A_1147 : vector<16x1xf32> to vector<16x128xf32>
      %sub3A_1149 = arith.subf %add3A_1135, %sub3A_1148 : vector<16x128xf32>
      %integer_pow3A_1150 = arith.mulf %sub3A_1149, %sub3A_1149 : vector<16x128xf32>
      %reduce_sum3A_1151 = arith.constant dense<0.000000e+00> : vector<16xf32>
      %reduce_sum3A_1152 = vector.multi_reduction <add>, %integer_pow3A_1150, %reduce_sum3A_1151 [1] : vector<16x128xf32> to vector<16xf32>
      %broadcast_in_dim3A_1153 = vector.shape_cast %reduce_sum3A_1152 : vector<16xf32> to vector<16x1xf32>
      %div3A_1154 = arith.constant 1.280000e+02 : f32
      %div3A_1155 = vector.broadcast %div3A_1154 : f32 to vector<16x1xf32>
      %div3A_1156 = arith.divf %broadcast_in_dim3A_1153, %div3A_1155 : vector<16x1xf32>
      %sub3A_1157 = vector.broadcast %div3A_1147 : vector<16x1xf32> to vector<16x128xf32>
      %sub3A_1158 = arith.subf %add3A_1135, %sub3A_1157 : vector<16x128xf32>
      %add3A_1159 = arith.constant 9.99999974E-6 : f32
      %add3A_1160 = vector.broadcast %add3A_1159 : f32 to vector<16x1xf32>
      %add3A_1161 = arith.addf %div3A_1156, %add3A_1160 : vector<16x1xf32>
      %sqrt3A_1162 = math.sqrt %add3A_1161 : vector<16x1xf32>
      %div3A_1163 = vector.broadcast %sqrt3A_1162 : vector<16x1xf32> to vector<16x128xf32>
      %div3A_1164 = arith.divf %sub3A_1158, %div3A_1163 : vector<16x128xf32>
      %mul3A_1165 = vector.broadcast %get3A_1138 : vector<1x128xf32> to vector<16x128xf32>
      %mul3A_1166 = arith.mulf %div3A_1164, %mul3A_1165 : vector<16x128xf32>
      %add3A_1167 = vector.broadcast %get3A_1141 : vector<1x128xf32> to vector<16x128xf32>
      %add3A_1168 = arith.addf %mul3A_1166, %add3A_1167 : vector<16x128xf32>
      %max3A_1169 = arith.constant 0.000000e+00 : f32
      %max3A_1170 = vector.broadcast %max3A_1169 : f32 to vector<16x128xf32>
      %max3A_1171 = arith.maximumf %add3A_1168, %max3A_1170 : vector<16x128xf32>
      %get3A_1172 = arith.constant 0 : index
      %get3A_1173 = arith.constant 0 : index
      %get3A_1174 = vector.load %arg14[%get3A_1172, %get3A_1173] : memref<128x128xf32, #tpu.memory_space<vmem>>, vector<128x128xf32>
      %dot_general3A_1175 = arith.constant dense<0.000000e+00> : vector<16x128xf32>
      %dot_general3A_1176 = tpu.matmul %max3A_1171, %get3A_1174, %dot_general3A_1175 {dimension_numbers = #tpu.dot_dimension_numbers<[1], [0], [0], [1], [0, 0, 1, 1], [], []>, precision = #tpu.contract_precision<fp32>, transpose_lhs_hint = false} : vector<16x128xf32>, vector<128x128xf32>, vector<16x128xf32> -> vector<16x128xf32>
      %get3A_1177 = arith.constant 0 : index
      %get3A_1178 = arith.constant 0 : index
      %get3A_1179 = vector.load %arg15[%get3A_1177, %get3A_1178] : memref<1x128xf32, #tpu.memory_space<vmem>>, vector<1x128xf32>
      %add3A_1180 = vector.broadcast %get3A_1179 : vector<1x128xf32> to vector<16x128xf32>
      %add3A_1181 = arith.addf %dot_general3A_1176, %add3A_1180 : vector<16x128xf32>
      %get3A_1182 = arith.constant 0 : index
      %get3A_1183 = arith.constant 0 : index
      %get3A_1184 = vector.load %arg16[%get3A_1182, %get3A_1183] : memref<1x128xf32, #tpu.memory_space<vmem>>, vector<1x128xf32>
      %get3A_1185 = arith.constant 0 : index
      %get3A_1186 = arith.constant 0 : index
      %get3A_1187 = vector.load %arg17[%get3A_1185, %get3A_1186] : memref<1x128xf32, #tpu.memory_space<vmem>>, vector<1x128xf32>
      %reduce_sum3A_1188 = arith.constant dense<0.000000e+00> : vector<16xf32>
      %reduce_sum3A_1189 = vector.multi_reduction <add>, %add3A_1181, %reduce_sum3A_1188 [1] : vector<16x128xf32> to vector<16xf32>
      %broadcast_in_dim3A_1190 = vector.shape_cast %reduce_sum3A_1189 : vector<16xf32> to vector<16x1xf32>
      %div3A_1191 = arith.constant 1.280000e+02 : f32
      %div3A_1192 = vector.broadcast %div3A_1191 : f32 to vector<16x1xf32>
      %div3A_1193 = arith.divf %broadcast_in_dim3A_1190, %div3A_1192 : vector<16x1xf32>
      %sub3A_1194 = vector.broadcast %div3A_1193 : vector<16x1xf32> to vector<16x128xf32>
      %sub3A_1195 = arith.subf %add3A_1181, %sub3A_1194 : vector<16x128xf32>
      %integer_pow3A_1196 = arith.mulf %sub3A_1195, %sub3A_1195 : vector<16x128xf32>
      %reduce_sum3A_1197 = arith.constant dense<0.000000e+00> : vector<16xf32>
      %reduce_sum3A_1198 = vector.multi_reduction <add>, %integer_pow3A_1196, %reduce_sum3A_1197 [1] : vector<16x128xf32> to vector<16xf32>
      %broadcast_in_dim3A_1199 = vector.shape_cast %reduce_sum3A_1198 : vector<16xf32> to vector<16x1xf32>
      %div3A_1200 = arith.constant 1.280000e+02 : f32
      %div3A_1201 = vector.broadcast %div3A_1200 : f32 to vector<16x1xf32>
      %div3A_1202 = arith.divf %broadcast_in_dim3A_1199, %div3A_1201 : vector<16x1xf32>
      %sub3A_1203 = vector.broadcast %div3A_1193 : vector<16x1xf32> to vector<16x128xf32>
      %sub3A_1204 = arith.subf %add3A_1181, %sub3A_1203 : vector<16x128xf32>
      %add3A_1205 = arith.constant 9.99999974E-6 : f32
      %add3A_1206 = vector.broadcast %add3A_1205 : f32 to vector<16x1xf32>
      %add3A_1207 = arith.addf %div3A_1202, %add3A_1206 : vector<16x1xf32>
      %sqrt3A_1208 = math.sqrt %add3A_1207 : vector<16x1xf32>
      %div3A_1209 = vector.broadcast %sqrt3A_1208 : vector<16x1xf32> to vector<16x128xf32>
      %div3A_1210 = arith.divf %sub3A_1204, %div3A_1209 : vector<16x128xf32>
      %mul3A_1211 = vector.broadcast %get3A_1184 : vector<1x128xf32> to vector<16x128xf32>
      %mul3A_1212 = arith.mulf %div3A_1210, %mul3A_1211 : vector<16x128xf32>
      %add3A_1213 = vector.broadcast %get3A_1187 : vector<1x128xf32> to vector<16x128xf32>
      %add3A_1214 = arith.addf %mul3A_1212, %add3A_1213 : vector<16x128xf32>
      %max3A_1215 = arith.constant 0.000000e+00 : f32
      %max3A_1216 = vector.broadcast %max3A_1215 : f32 to vector<16x128xf32>
      %max3A_1217 = arith.maximumf %add3A_1214, %max3A_1216 : vector<16x128xf32>
      %get3A_1218 = arith.constant 0 : index
      %get3A_1219 = arith.constant 0 : index
      %get3A_1220 = vector.load %arg18[%get3A_1218, %get3A_1219] : memref<128x10xf32, #tpu.memory_space<vmem>>, vector<128x10xf32>
      %dot_general3A_1221 = arith.constant dense<0.000000e+00> : vector<16x10xf32>
      %dot_general3A_1222 = tpu.matmul %max3A_1217, %get3A_1220, %dot_general3A_1221 {dimension_numbers = #tpu.dot_dimension_numbers<[1], [0], [0], [1], [0, 0, 1, 1], [], []>, precision = #tpu.contract_precision<fp32>, transpose_lhs_hint = false} : vector<16x128xf32>, vector<128x10xf32>, vector<16x10xf32> -> vector<16x10xf32>
      %get3A_1223 = arith.constant 0 : index
      %get3A_1224 = arith.constant 0 : index
      %get3A_1225 = vector.load %arg19[%get3A_1223, %get3A_1224] : memref<1x10xf32, #tpu.memory_space<vmem>>, vector<1x10xf32>
      %add3A_1226 = vector.broadcast %get3A_1225 : vector<1x10xf32> to vector<16x10xf32>
      %add3A_1227 = arith.addf %dot_general3A_1222, %add3A_1226 : vector<16x10xf32>
      %swap3A_1228 = arith.constant 0 : index
      %swap3A_1229 = arith.constant 0 : index
      %swap3A_1230 = vector.load %arg20[%swap3A_1228, %swap3A_1229] : memref<16x10xf32, #tpu.memory_space<vmem>>, vector<16x10xf32>
      tpu.vector_store %arg20[%swap3A_1228, %swap3A_1229], %add3A_1227 {strides = array<i32>} : memref<16x10xf32, #tpu.memory_space<vmem>>, vector<16x10xf32>,
    } else {
    }
    return
  }
  func.func @transform_0(%arg0: i32) -> (i32, i32, i32) {
    %c0_i32 = arith.constant 0 : i32
    %c0_i32_0 = arith.constant 0 : i32
    %c0_i32_1 = arith.constant 0 : i32
    return %c0_i32, %arg0, %c0_i32_0 : i32, i32, i32
  }
  func.func @transform_1(%arg0: i32) -> (i32, i32, i32) {
    %c0_i32 = arith.constant 0 : i32
    %c0_i32_0 = arith.constant 0 : i32
    %c0_i32_1 = arith.constant 0 : i32
    return %c0_i32, %arg0, %c0_i32_0 : i32, i32, i32
  }
  func.func @transform_2(%arg0: i32) -> (i32, i32) {
    %c0_i32 = arith.constant 0 : i32
    %c0_i32_0 = arith.constant 0 : i32
    %c0_i32_1 = arith.constant 0 : i32
    return %c0_i32, %c0_i32_0 : i32, i32
  }
  func.func @transform_3(%arg0: i32) -> (i32, i32) {
    %c0_i32 = arith.constant 0 : i32
    %c0_i32_0 = arith.constant 0 : i32
    %c0_i32_1 = arith.constant 0 : i32
    return %c0_i32, %c0_i32_0 : i32, i32
  }
  func.func @transform_4(%arg0: i32) -> (i32, i32) {
    %c0_i32 = arith.constant 0 : i32
    %c0_i32_0 = arith.constant 0 : i32
    %c0_i32_1 = arith.constant 0 : i32
    return %c0_i32, %c0_i32_0 : i32, i32
  }
  func.func @transform_5(%arg0: i32) -> (i32, i32) {
    %c0_i32 = arith.constant 0 : i32
    %c0_i32_0 = arith.constant 0 : i32
    %c0_i32_1 = arith.constant 0 : i32
    return %c0_i32, %c0_i32_0 : i32, i32
  }
  func.func @transform_6(%arg0: i32) -> (i32, i32) {
    %c0_i32 = arith.constant 0 : i32
    %c0_i32_0 = arith.constant 0 : i32
    return %arg0, %c0_i32 : i32, i32
  }
  func.func @transform_7(%arg0: i32) -> (i32, i32) {
    %c0_i32 = arith.constant 0 : i32
    %c0_i32_0 = arith.constant 0 : i32
    %c0_i32_1 = arith.constant 0 : i32
    return %c0_i32, %c0_i32_0 : i32, i32
  }
  func.func @transform_8(%arg0: i32) -> (i32, i32) {
    %c0_i32 = arith.constant 0 : i32
    %c0_i32_0 = arith.constant 0 : i32
    %c0_i32_1 = arith.constant 0 : i32
    return %c0_i32, %c0_i32_0 : i32, i32
  }
  func.func @transform_9(%arg0: i32) -> (i32, i32) {
    %c0_i32 = arith.constant 0 : i32
    %c0_i32_0 = arith.constant 0 : i32
    %c0_i32_1 = arith.constant 0 : i32
    return %c0_i32, %c0_i32_0 : i32, i32
  }
  func.func @transform_10(%arg0: i32) -> (i32, i32) {
    %c0_i32 = arith.constant 0 : i32
    %c0_i32_0 = arith.constant 0 : i32
    %c0_i32_1 = arith.constant 0 : i32
    return %c0_i32, %c0_i32_0 : i32, i32
  }
  func.func @transform_11(%arg0: i32) -> (i32, i32) {
    %c0_i32 = arith.constant 0 : i32
    %c0_i32_0 = arith.constant 0 : i32
    %c0_i32_1 = arith.constant 0 : i32
    return %c0_i32, %c0_i32_0 : i32, i32
  }
  func.func @transform_12(%arg0: i32) -> (i32, i32) {
    %c0_i32 = arith.constant 0 : i32
    %c0_i32_0 = arith.constant 0 : i32
    %c0_i32_1 = arith.constant 0 : i32
    return %c0_i32, %c0_i32_0 : i32, i32
  }
  func.func @transform_13(%arg0: i32) -> (i32, i32) {
    %c0_i32 = arith.constant 0 : i32
    %c0_i32_0 = arith.constant 0 : i32
    %c0_i32_1 = arith.constant 0 : i32
    return %c0_i32, %c0_i32_0 : i32, i32
  }
  func.func @transform_14(%arg0: i32) -> (i32, i32) {
    %c0_i32 = arith.constant 0 : i32
    %c0_i32_0 = arith.constant 0 : i32
    %c0_i32_1 = arith.constant 0 : i32
    return %c0_i32, %c0_i32_0 : i32, i32
  }
  func.func @transform_15(%arg0: i32) -> (i32, i32) {
    %c0_i32 = arith.constant 0 : i32
    %c0_i32_0 = arith.constant 0 : i32
    %c0_i32_1 = arith.constant 0 : i32
    return %c0_i32, %c0_i32_0 : i32, i32
  }
  func.func @transform_16(%arg0: i32) -> (i32, i32) {
    %c0_i32 = arith.constant 0 : i32
    %c0_i32_0 = arith.constant 0 : i32
    %c0_i32_1 = arith.constant 0 : i32
    return %c0_i32, %c0_i32_0 : i32, i32
  }
  func.func @transform_17(%arg0: i32) -> (i32, i32) {
    %c0_i32 = arith.constant 0 : i32
    %c0_i32_0 = arith.constant 0 : i32
    %c0_i32_1 = arith.constant 0 : i32
    return %c0_i32, %c0_i32_0 : i32, i32
  }
  func.func @transform_18(%arg0: i32) -> (i32, i32) {
    %c0_i32 = arith.constant 0 : i32
    %c0_i32_0 = arith.constant 0 : i32
    %c0_i32_1 = arith.constant 0 : i32
    return %c0_i32, %c0_i32_0 : i32, i32
  }
  func.func @transform_19(%arg0: i32) -> (i32, i32) {
    %c0_i32 = arith.constant 0 : i32
    %c0_i32_0 = arith.constant 0 : i32
    %c0_i32_1 = arith.constant 0 : i32
    return %c0_i32, %c0_i32_0 : i32, i32
  }
}

module attributes {stable_mosaic.version = 14 : i64} {
  func.func @_layer1_body(%arg0: i32, %arg1: memref<2x8x128xf32, #tpu.memory_space<vmem>>, %arg2: memref<2x8x128xf32, #tpu.memory_space<vmem>>, %arg3: memref<2x1024x128xf32, #tpu.memory_space<vmem>>, %arg4: memref<128x128xf32, #tpu.memory_space<vmem>>, %arg5: memref<1x128xf32, #tpu.memory_space<vmem>>, %arg6: memref<1x128xf32, #tpu.memory_space<vmem>>, %arg7: memref<1x128xf32, #tpu.memory_space<vmem>>, %arg8: memref<1024x128xf32, #tpu.memory_space<vmem>>) attributes {dimension_semantics = [#tpu.dimension_semantics<arbitrary>], iteration_bounds = array<i64: 10>, scalar_prefetch = 0 : i64, scratch_operands = 0 : i64, tpu.core_type = #tpu.core_type<tc>, window_params = [{transform_indices = @transform_0, window_bounds = array<i64: 2, 8, 128>}, {transform_indices = @transform_1, window_bounds = array<i64: 2, 8, 128>}, {transform_indices = @transform_2, window_bounds = array<i64: 2, 1024, 128>}, {pipeline_mode = #tpu.pipeline_mode<synchronous>, transform_indices = @transform_3, window_bounds = array<i64: 128, 128>}, {pipeline_mode = #tpu.pipeline_mode<synchronous>, transform_indices = @transform_4, window_bounds = array<i64: 1, 128>}, {pipeline_mode = #tpu.pipeline_mode<synchronous>, transform_indices = @transform_5, window_bounds = array<i64: 1, 128>}, {pipeline_mode = #tpu.pipeline_mode<synchronous>, transform_indices = @transform_6, window_bounds = array<i64: 1, 128>}, {transform_indices = @transform_7, window_bounds = array<i64: 1024, 128>}]} {
    %get3A = arith.constant 0 : index
    %get3A_0 = arith.constant 0 : index
    %get3A_1 = arith.constant 0 : index
    %get3A_2 = vector.load %arg1[%get3A, %get3A_0, %get3A_1] : memref<2x8x128xf32, #tpu.memory_space<vmem>>, vector<1x8x128xf32>
    %get3A_3 = vector.shape_cast %get3A_2 : vector<1x8x128xf32> to vector<8x128xf32>
    %get3A_4 = arith.constant 1 : index
    %get3A_5 = arith.constant 0 : index
    %get3A_6 = arith.constant 0 : index
    %get3A_7 = vector.load %arg1[%get3A_4, %get3A_5, %get3A_6] : memref<2x8x128xf32, #tpu.memory_space<vmem>>, vector<1x8x128xf32>
    %get3A_8 = vector.shape_cast %get3A_7 : vector<1x8x128xf32> to vector<8x128xf32>
    %add3A = arith.addf %get3A_3, %get3A_8 : vector<8x128xf32>
    %gt3A = arith.constant 0.000000e+00 : f32
    %gt3A_9 = vector.broadcast %gt3A : f32 to vector<8x128xf32>
    %gt3A_10 = arith.cmpf ogt, %add3A, %gt3A_9 : vector<8x128xf32>
    %max3A = arith.constant 1.000000e+00 : f32
    %max3A_11 = vector.broadcast %max3A : f32 to vector<8x128xf32>
    %max3A_12 = arith.maximumf %add3A, %max3A_11 : vector<8x128xf32>
    %rsqrt3A = math.rsqrt %max3A_12 : vector<8x128xf32>
    %jit3A = arith.constant 0.000000e+00 : f32
    %broadcast_in_dim3A = vector.broadcast %jit3A : f32 to vector<8x128xf32>
    %select_n3A = arith.select %gt3A_10, %rsqrt3A, %broadcast_in_dim3A : vector<8x128xi1>, vector<8x128xf32>
    %iota3A = tpu.iota {dimensions = array<i32: 0>} : vector<1024x128xi32>
    %iota3A_13 = tpu.iota {dimensions = array<i32: 1>} : vector<1024x128xi32>
    %broadcast_in_dim3A_14 = arith.constant 0.000000e+00 : f32
    %broadcast_in_dim3A_15 = vector.broadcast %broadcast_in_dim3A_14 : f32 to vector<1024x128xf32>
    %jit3A_16 = arith.constant 128 : i32
    %div3A = vector.broadcast %jit3A_16 : i32 to vector<1024x128xi32>
    %div3A_17 = arith.divsi %iota3A, %div3A : vector<1024x128xi32>
    %sign3A = arith.constant 0 : i32
    %sign3A_18 = vector.broadcast %sign3A : i32 to vector<1024x128xi32>
    %sign3A_19 = arith.cmpi sgt, %iota3A, %sign3A_18 : vector<1024x128xi32>
    %sign3A_20 = arith.extui %sign3A_19 : vector<1024x128xi1> to vector<1024x128xi32>
    %sign3A_21 = arith.constant 0 : i32
    %sign3A_22 = vector.broadcast %sign3A_21 : i32 to vector<1024x128xi32>
    %sign3A_23 = arith.cmpi slt, %iota3A, %sign3A_22 : vector<1024x128xi32>
    %sign3A_24 = arith.extui %sign3A_23 : vector<1024x128xi1> to vector<1024x128xi32>
    %sign3A_25 = arith.subi %sign3A_20, %sign3A_24 : vector<1024x128xi32>
    %sign3A_26 = arith.constant 0 : i32
    %sign3A_27 = arith.cmpi sgt, %jit3A_16, %sign3A_26 : i32
    %sign3A_28 = arith.extui %sign3A_27 : i1 to i32
    %sign3A_29 = arith.constant 0 : i32
    %sign3A_30 = arith.cmpi slt, %jit3A_16, %sign3A_29 : i32
    %sign3A_31 = arith.extui %sign3A_30 : i1 to i32
    %sign3A_32 = arith.subi %sign3A_28, %sign3A_31 : i32
    %ne3A = vector.broadcast %sign3A_32 : i32 to vector<1024x128xi32>
    %ne3A_33 = arith.cmpi ne, %sign3A_25, %ne3A : vector<1024x128xi32>
    %rem3A = vector.broadcast %jit3A_16 : i32 to vector<1024x128xi32>
    %rem3A_34 = arith.remsi %iota3A, %rem3A : vector<1024x128xi32>
    %ne3A_35 = arith.constant 0 : i32
    %ne3A_36 = vector.broadcast %ne3A_35 : i32 to vector<1024x128xi32>
    %ne3A_37 = arith.cmpi ne, %rem3A_34, %ne3A_36 : vector<1024x128xi32>
    %and3A = arith.andi %ne3A_33, %ne3A_37 : vector<1024x128xi1>
    %sub3A = arith.constant 1 : i32
    %sub3A_38 = vector.broadcast %sub3A : i32 to vector<1024x128xi32>
    %sub3A_39 = arith.subi %div3A_17, %sub3A_38 : vector<1024x128xi32>
    %select_n3A_40 = arith.select %and3A, %sub3A_39, %div3A_17 : vector<1024x128xi1>, vector<1024x128xi32>
    %eq3A = arith.constant 0 : i32
    %eq3A_41 = vector.broadcast %eq3A : i32 to vector<1024x128xi32>
    %eq3A_42 = arith.cmpi eq, %select_n3A_40, %eq3A_41 : vector<1024x128xi32>
    %slice3A = vector.extract_strided_slice %select_n3A {offsets = [0, 0], sizes = [1, 128], strides = [1, 1]} : vector<8x128xf32> to vector<1x128xf32>
    %broadcast_in_dim3A_43 = vector.shape_cast %slice3A : vector<1x128xf32> to vector<1x128xf32>
    %broadcast_in_dim3A_44 = vector.broadcast %broadcast_in_dim3A_43 : vector<1x128xf32> to vector<1024x128xf32>
    %select_n3A_45 = arith.select %eq3A_42, %broadcast_in_dim3A_44, %broadcast_in_dim3A_15 : vector<1024x128xi1>, vector<1024x128xf32>
    %jit3A_46 = arith.constant 128 : i32
    %div3A_47 = vector.broadcast %jit3A_46 : i32 to vector<1024x128xi32>
    %div3A_48 = arith.divsi %iota3A, %div3A_47 : vector<1024x128xi32>
    %sign3A_49 = arith.constant 0 : i32
    %sign3A_50 = vector.broadcast %sign3A_49 : i32 to vector<1024x128xi32>
    %sign3A_51 = arith.cmpi sgt, %iota3A, %sign3A_50 : vector<1024x128xi32>
    %sign3A_52 = arith.extui %sign3A_51 : vector<1024x128xi1> to vector<1024x128xi32>
    %sign3A_53 = arith.constant 0 : i32
    %sign3A_54 = vector.broadcast %sign3A_53 : i32 to vector<1024x128xi32>
    %sign3A_55 = arith.cmpi slt, %iota3A, %sign3A_54 : vector<1024x128xi32>
    %sign3A_56 = arith.extui %sign3A_55 : vector<1024x128xi1> to vector<1024x128xi32>
    %sign3A_57 = arith.subi %sign3A_52, %sign3A_56 : vector<1024x128xi32>
    %sign3A_58 = arith.constant 0 : i32
    %sign3A_59 = arith.cmpi sgt, %jit3A_46, %sign3A_58 : i32
    %sign3A_60 = arith.extui %sign3A_59 : i1 to i32
    %sign3A_61 = arith.constant 0 : i32
    %sign3A_62 = arith.cmpi slt, %jit3A_46, %sign3A_61 : i32
    %sign3A_63 = arith.extui %sign3A_62 : i1 to i32
    %sign3A_64 = arith.subi %sign3A_60, %sign3A_63 : i32
    %ne3A_65 = vector.broadcast %sign3A_64 : i32 to vector<1024x128xi32>
    %ne3A_66 = arith.cmpi ne, %sign3A_57, %ne3A_65 : vector<1024x128xi32>
    %rem3A_67 = vector.broadcast %jit3A_46 : i32 to vector<1024x128xi32>
    %rem3A_68 = arith.remsi %iota3A, %rem3A_67 : vector<1024x128xi32>
    %ne3A_69 = arith.constant 0 : i32
    %ne3A_70 = vector.broadcast %ne3A_69 : i32 to vector<1024x128xi32>
    %ne3A_71 = arith.cmpi ne, %rem3A_68, %ne3A_70 : vector<1024x128xi32>
    %and3A_72 = arith.andi %ne3A_66, %ne3A_71 : vector<1024x128xi1>
    %sub3A_73 = arith.constant 1 : i32
    %sub3A_74 = vector.broadcast %sub3A_73 : i32 to vector<1024x128xi32>
    %sub3A_75 = arith.subi %div3A_48, %sub3A_74 : vector<1024x128xi32>
    %select_n3A_76 = arith.select %and3A_72, %sub3A_75, %div3A_48 : vector<1024x128xi1>, vector<1024x128xi32>
    %eq3A_77 = arith.constant 1 : i32
    %eq3A_78 = vector.broadcast %eq3A_77 : i32 to vector<1024x128xi32>
    %eq3A_79 = arith.cmpi eq, %select_n3A_76, %eq3A_78 : vector<1024x128xi32>
    %slice3A_80 = vector.extract_strided_slice %select_n3A {offsets = [1, 0], sizes = [1, 128], strides = [1, 1]} : vector<8x128xf32> to vector<1x128xf32>
    %broadcast_in_dim3A_81 = vector.shape_cast %slice3A_80 : vector<1x128xf32> to vector<1x128xf32>
    %broadcast_in_dim3A_82 = vector.broadcast %broadcast_in_dim3A_81 : vector<1x128xf32> to vector<1024x128xf32>
    %select_n3A_83 = arith.select %eq3A_79, %broadcast_in_dim3A_82, %select_n3A_45 : vector<1024x128xi1>, vector<1024x128xf32>
    %jit3A_84 = arith.constant 128 : i32
    %div3A_85 = vector.broadcast %jit3A_84 : i32 to vector<1024x128xi32>
    %div3A_86 = arith.divsi %iota3A, %div3A_85 : vector<1024x128xi32>
    %sign3A_87 = arith.constant 0 : i32
    %sign3A_88 = vector.broadcast %sign3A_87 : i32 to vector<1024x128xi32>
    %sign3A_89 = arith.cmpi sgt, %iota3A, %sign3A_88 : vector<1024x128xi32>
    %sign3A_90 = arith.extui %sign3A_89 : vector<1024x128xi1> to vector<1024x128xi32>
    %sign3A_91 = arith.constant 0 : i32
    %sign3A_92 = vector.broadcast %sign3A_91 : i32 to vector<1024x128xi32>
    %sign3A_93 = arith.cmpi slt, %iota3A, %sign3A_92 : vector<1024x128xi32>
    %sign3A_94 = arith.extui %sign3A_93 : vector<1024x128xi1> to vector<1024x128xi32>
    %sign3A_95 = arith.subi %sign3A_90, %sign3A_94 : vector<1024x128xi32>
    %sign3A_96 = arith.constant 0 : i32
    %sign3A_97 = arith.cmpi sgt, %jit3A_84, %sign3A_96 : i32
    %sign3A_98 = arith.extui %sign3A_97 : i1 to i32
    %sign3A_99 = arith.constant 0 : i32
    %sign3A_100 = arith.cmpi slt, %jit3A_84, %sign3A_99 : i32
    %sign3A_101 = arith.extui %sign3A_100 : i1 to i32
    %sign3A_102 = arith.subi %sign3A_98, %sign3A_101 : i32
    %ne3A_103 = vector.broadcast %sign3A_102 : i32 to vector<1024x128xi32>
    %ne3A_104 = arith.cmpi ne, %sign3A_95, %ne3A_103 : vector<1024x128xi32>
    %rem3A_105 = vector.broadcast %jit3A_84 : i32 to vector<1024x128xi32>
    %rem3A_106 = arith.remsi %iota3A, %rem3A_105 : vector<1024x128xi32>
    %ne3A_107 = arith.constant 0 : i32
    %ne3A_108 = vector.broadcast %ne3A_107 : i32 to vector<1024x128xi32>
    %ne3A_109 = arith.cmpi ne, %rem3A_106, %ne3A_108 : vector<1024x128xi32>
    %and3A_110 = arith.andi %ne3A_104, %ne3A_109 : vector<1024x128xi1>
    %sub3A_111 = arith.constant 1 : i32
    %sub3A_112 = vector.broadcast %sub3A_111 : i32 to vector<1024x128xi32>
    %sub3A_113 = arith.subi %div3A_86, %sub3A_112 : vector<1024x128xi32>
    %select_n3A_114 = arith.select %and3A_110, %sub3A_113, %div3A_86 : vector<1024x128xi1>, vector<1024x128xi32>
    %eq3A_115 = arith.constant 2 : i32
    %eq3A_116 = vector.broadcast %eq3A_115 : i32 to vector<1024x128xi32>
    %eq3A_117 = arith.cmpi eq, %select_n3A_114, %eq3A_116 : vector<1024x128xi32>
    %slice3A_118 = vector.extract_strided_slice %select_n3A {offsets = [2, 0], sizes = [1, 128], strides = [1, 1]} : vector<8x128xf32> to vector<1x128xf32>
    %broadcast_in_dim3A_119 = vector.shape_cast %slice3A_118 : vector<1x128xf32> to vector<1x128xf32>
    %broadcast_in_dim3A_120 = vector.broadcast %broadcast_in_dim3A_119 : vector<1x128xf32> to vector<1024x128xf32>
    %select_n3A_121 = arith.select %eq3A_117, %broadcast_in_dim3A_120, %select_n3A_83 : vector<1024x128xi1>, vector<1024x128xf32>
    %jit3A_122 = arith.constant 128 : i32
    %div3A_123 = vector.broadcast %jit3A_122 : i32 to vector<1024x128xi32>
    %div3A_124 = arith.divsi %iota3A, %div3A_123 : vector<1024x128xi32>
    %sign3A_125 = arith.constant 0 : i32
    %sign3A_126 = vector.broadcast %sign3A_125 : i32 to vector<1024x128xi32>
    %sign3A_127 = arith.cmpi sgt, %iota3A, %sign3A_126 : vector<1024x128xi32>
    %sign3A_128 = arith.extui %sign3A_127 : vector<1024x128xi1> to vector<1024x128xi32>
    %sign3A_129 = arith.constant 0 : i32
    %sign3A_130 = vector.broadcast %sign3A_129 : i32 to vector<1024x128xi32>
    %sign3A_131 = arith.cmpi slt, %iota3A, %sign3A_130 : vector<1024x128xi32>
    %sign3A_132 = arith.extui %sign3A_131 : vector<1024x128xi1> to vector<1024x128xi32>
    %sign3A_133 = arith.subi %sign3A_128, %sign3A_132 : vector<1024x128xi32>
    %sign3A_134 = arith.constant 0 : i32
    %sign3A_135 = arith.cmpi sgt, %jit3A_122, %sign3A_134 : i32
    %sign3A_136 = arith.extui %sign3A_135 : i1 to i32
    %sign3A_137 = arith.constant 0 : i32
    %sign3A_138 = arith.cmpi slt, %jit3A_122, %sign3A_137 : i32
    %sign3A_139 = arith.extui %sign3A_138 : i1 to i32
    %sign3A_140 = arith.subi %sign3A_136, %sign3A_139 : i32
    %ne3A_141 = vector.broadcast %sign3A_140 : i32 to vector<1024x128xi32>
    %ne3A_142 = arith.cmpi ne, %sign3A_133, %ne3A_141 : vector<1024x128xi32>
    %rem3A_143 = vector.broadcast %jit3A_122 : i32 to vector<1024x128xi32>
    %rem3A_144 = arith.remsi %iota3A, %rem3A_143 : vector<1024x128xi32>
    %ne3A_145 = arith.constant 0 : i32
    %ne3A_146 = vector.broadcast %ne3A_145 : i32 to vector<1024x128xi32>
    %ne3A_147 = arith.cmpi ne, %rem3A_144, %ne3A_146 : vector<1024x128xi32>
    %and3A_148 = arith.andi %ne3A_142, %ne3A_147 : vector<1024x128xi1>
    %sub3A_149 = arith.constant 1 : i32
    %sub3A_150 = vector.broadcast %sub3A_149 : i32 to vector<1024x128xi32>
    %sub3A_151 = arith.subi %div3A_124, %sub3A_150 : vector<1024x128xi32>
    %select_n3A_152 = arith.select %and3A_148, %sub3A_151, %div3A_124 : vector<1024x128xi1>, vector<1024x128xi32>
    %eq3A_153 = arith.constant 3 : i32
    %eq3A_154 = vector.broadcast %eq3A_153 : i32 to vector<1024x128xi32>
    %eq3A_155 = arith.cmpi eq, %select_n3A_152, %eq3A_154 : vector<1024x128xi32>
    %slice3A_156 = vector.extract_strided_slice %select_n3A {offsets = [3, 0], sizes = [1, 128], strides = [1, 1]} : vector<8x128xf32> to vector<1x128xf32>
    %broadcast_in_dim3A_157 = vector.shape_cast %slice3A_156 : vector<1x128xf32> to vector<1x128xf32>
    %broadcast_in_dim3A_158 = vector.broadcast %broadcast_in_dim3A_157 : vector<1x128xf32> to vector<1024x128xf32>
    %select_n3A_159 = arith.select %eq3A_155, %broadcast_in_dim3A_158, %select_n3A_121 : vector<1024x128xi1>, vector<1024x128xf32>
    %jit3A_160 = arith.constant 128 : i32
    %div3A_161 = vector.broadcast %jit3A_160 : i32 to vector<1024x128xi32>
    %div3A_162 = arith.divsi %iota3A, %div3A_161 : vector<1024x128xi32>
    %sign3A_163 = arith.constant 0 : i32
    %sign3A_164 = vector.broadcast %sign3A_163 : i32 to vector<1024x128xi32>
    %sign3A_165 = arith.cmpi sgt, %iota3A, %sign3A_164 : vector<1024x128xi32>
    %sign3A_166 = arith.extui %sign3A_165 : vector<1024x128xi1> to vector<1024x128xi32>
    %sign3A_167 = arith.constant 0 : i32
    %sign3A_168 = vector.broadcast %sign3A_167 : i32 to vector<1024x128xi32>
    %sign3A_169 = arith.cmpi slt, %iota3A, %sign3A_168 : vector<1024x128xi32>
    %sign3A_170 = arith.extui %sign3A_169 : vector<1024x128xi1> to vector<1024x128xi32>
    %sign3A_171 = arith.subi %sign3A_166, %sign3A_170 : vector<1024x128xi32>
    %sign3A_172 = arith.constant 0 : i32
    %sign3A_173 = arith.cmpi sgt, %jit3A_160, %sign3A_172 : i32
    %sign3A_174 = arith.extui %sign3A_173 : i1 to i32
    %sign3A_175 = arith.constant 0 : i32
    %sign3A_176 = arith.cmpi slt, %jit3A_160, %sign3A_175 : i32
    %sign3A_177 = arith.extui %sign3A_176 : i1 to i32
    %sign3A_178 = arith.subi %sign3A_174, %sign3A_177 : i32
    %ne3A_179 = vector.broadcast %sign3A_178 : i32 to vector<1024x128xi32>
    %ne3A_180 = arith.cmpi ne, %sign3A_171, %ne3A_179 : vector<1024x128xi32>
    %rem3A_181 = vector.broadcast %jit3A_160 : i32 to vector<1024x128xi32>
    %rem3A_182 = arith.remsi %iota3A, %rem3A_181 : vector<1024x128xi32>
    %ne3A_183 = arith.constant 0 : i32
    %ne3A_184 = vector.broadcast %ne3A_183 : i32 to vector<1024x128xi32>
    %ne3A_185 = arith.cmpi ne, %rem3A_182, %ne3A_184 : vector<1024x128xi32>
    %and3A_186 = arith.andi %ne3A_180, %ne3A_185 : vector<1024x128xi1>
    %sub3A_187 = arith.constant 1 : i32
    %sub3A_188 = vector.broadcast %sub3A_187 : i32 to vector<1024x128xi32>
    %sub3A_189 = arith.subi %div3A_162, %sub3A_188 : vector<1024x128xi32>
    %select_n3A_190 = arith.select %and3A_186, %sub3A_189, %div3A_162 : vector<1024x128xi1>, vector<1024x128xi32>
    %eq3A_191 = arith.constant 4 : i32
    %eq3A_192 = vector.broadcast %eq3A_191 : i32 to vector<1024x128xi32>
    %eq3A_193 = arith.cmpi eq, %select_n3A_190, %eq3A_192 : vector<1024x128xi32>
    %slice3A_194 = vector.extract_strided_slice %select_n3A {offsets = [4, 0], sizes = [1, 128], strides = [1, 1]} : vector<8x128xf32> to vector<1x128xf32>
    %broadcast_in_dim3A_195 = vector.shape_cast %slice3A_194 : vector<1x128xf32> to vector<1x128xf32>
    %broadcast_in_dim3A_196 = vector.broadcast %broadcast_in_dim3A_195 : vector<1x128xf32> to vector<1024x128xf32>
    %select_n3A_197 = arith.select %eq3A_193, %broadcast_in_dim3A_196, %select_n3A_159 : vector<1024x128xi1>, vector<1024x128xf32>
    %jit3A_198 = arith.constant 128 : i32
    %div3A_199 = vector.broadcast %jit3A_198 : i32 to vector<1024x128xi32>
    %div3A_200 = arith.divsi %iota3A, %div3A_199 : vector<1024x128xi32>
    %sign3A_201 = arith.constant 0 : i32
    %sign3A_202 = vector.broadcast %sign3A_201 : i32 to vector<1024x128xi32>
    %sign3A_203 = arith.cmpi sgt, %iota3A, %sign3A_202 : vector<1024x128xi32>
    %sign3A_204 = arith.extui %sign3A_203 : vector<1024x128xi1> to vector<1024x128xi32>
    %sign3A_205 = arith.constant 0 : i32
    %sign3A_206 = vector.broadcast %sign3A_205 : i32 to vector<1024x128xi32>
    %sign3A_207 = arith.cmpi slt, %iota3A, %sign3A_206 : vector<1024x128xi32>
    %sign3A_208 = arith.extui %sign3A_207 : vector<1024x128xi1> to vector<1024x128xi32>
    %sign3A_209 = arith.subi %sign3A_204, %sign3A_208 : vector<1024x128xi32>
    %sign3A_210 = arith.constant 0 : i32
    %sign3A_211 = arith.cmpi sgt, %jit3A_198, %sign3A_210 : i32
    %sign3A_212 = arith.extui %sign3A_211 : i1 to i32
    %sign3A_213 = arith.constant 0 : i32
    %sign3A_214 = arith.cmpi slt, %jit3A_198, %sign3A_213 : i32
    %sign3A_215 = arith.extui %sign3A_214 : i1 to i32
    %sign3A_216 = arith.subi %sign3A_212, %sign3A_215 : i32
    %ne3A_217 = vector.broadcast %sign3A_216 : i32 to vector<1024x128xi32>
    %ne3A_218 = arith.cmpi ne, %sign3A_209, %ne3A_217 : vector<1024x128xi32>
    %rem3A_219 = vector.broadcast %jit3A_198 : i32 to vector<1024x128xi32>
    %rem3A_220 = arith.remsi %iota3A, %rem3A_219 : vector<1024x128xi32>
    %ne3A_221 = arith.constant 0 : i32
    %ne3A_222 = vector.broadcast %ne3A_221 : i32 to vector<1024x128xi32>
    %ne3A_223 = arith.cmpi ne, %rem3A_220, %ne3A_222 : vector<1024x128xi32>
    %and3A_224 = arith.andi %ne3A_218, %ne3A_223 : vector<1024x128xi1>
    %sub3A_225 = arith.constant 1 : i32
    %sub3A_226 = vector.broadcast %sub3A_225 : i32 to vector<1024x128xi32>
    %sub3A_227 = arith.subi %div3A_200, %sub3A_226 : vector<1024x128xi32>
    %select_n3A_228 = arith.select %and3A_224, %sub3A_227, %div3A_200 : vector<1024x128xi1>, vector<1024x128xi32>
    %eq3A_229 = arith.constant 5 : i32
    %eq3A_230 = vector.broadcast %eq3A_229 : i32 to vector<1024x128xi32>
    %eq3A_231 = arith.cmpi eq, %select_n3A_228, %eq3A_230 : vector<1024x128xi32>
    %slice3A_232 = vector.extract_strided_slice %select_n3A {offsets = [5, 0], sizes = [1, 128], strides = [1, 1]} : vector<8x128xf32> to vector<1x128xf32>
    %broadcast_in_dim3A_233 = vector.shape_cast %slice3A_232 : vector<1x128xf32> to vector<1x128xf32>
    %broadcast_in_dim3A_234 = vector.broadcast %broadcast_in_dim3A_233 : vector<1x128xf32> to vector<1024x128xf32>
    %select_n3A_235 = arith.select %eq3A_231, %broadcast_in_dim3A_234, %select_n3A_197 : vector<1024x128xi1>, vector<1024x128xf32>
    %jit3A_236 = arith.constant 128 : i32
    %div3A_237 = vector.broadcast %jit3A_236 : i32 to vector<1024x128xi32>
    %div3A_238 = arith.divsi %iota3A, %div3A_237 : vector<1024x128xi32>
    %sign3A_239 = arith.constant 0 : i32
    %sign3A_240 = vector.broadcast %sign3A_239 : i32 to vector<1024x128xi32>
    %sign3A_241 = arith.cmpi sgt, %iota3A, %sign3A_240 : vector<1024x128xi32>
    %sign3A_242 = arith.extui %sign3A_241 : vector<1024x128xi1> to vector<1024x128xi32>
    %sign3A_243 = arith.constant 0 : i32
    %sign3A_244 = vector.broadcast %sign3A_243 : i32 to vector<1024x128xi32>
    %sign3A_245 = arith.cmpi slt, %iota3A, %sign3A_244 : vector<1024x128xi32>
    %sign3A_246 = arith.extui %sign3A_245 : vector<1024x128xi1> to vector<1024x128xi32>
    %sign3A_247 = arith.subi %sign3A_242, %sign3A_246 : vector<1024x128xi32>
    %sign3A_248 = arith.constant 0 : i32
    %sign3A_249 = arith.cmpi sgt, %jit3A_236, %sign3A_248 : i32
    %sign3A_250 = arith.extui %sign3A_249 : i1 to i32
    %sign3A_251 = arith.constant 0 : i32
    %sign3A_252 = arith.cmpi slt, %jit3A_236, %sign3A_251 : i32
    %sign3A_253 = arith.extui %sign3A_252 : i1 to i32
    %sign3A_254 = arith.subi %sign3A_250, %sign3A_253 : i32
    %ne3A_255 = vector.broadcast %sign3A_254 : i32 to vector<1024x128xi32>
    %ne3A_256 = arith.cmpi ne, %sign3A_247, %ne3A_255 : vector<1024x128xi32>
    %rem3A_257 = vector.broadcast %jit3A_236 : i32 to vector<1024x128xi32>
    %rem3A_258 = arith.remsi %iota3A, %rem3A_257 : vector<1024x128xi32>
    %ne3A_259 = arith.constant 0 : i32
    %ne3A_260 = vector.broadcast %ne3A_259 : i32 to vector<1024x128xi32>
    %ne3A_261 = arith.cmpi ne, %rem3A_258, %ne3A_260 : vector<1024x128xi32>
    %and3A_262 = arith.andi %ne3A_256, %ne3A_261 : vector<1024x128xi1>
    %sub3A_263 = arith.constant 1 : i32
    %sub3A_264 = vector.broadcast %sub3A_263 : i32 to vector<1024x128xi32>
    %sub3A_265 = arith.subi %div3A_238, %sub3A_264 : vector<1024x128xi32>
    %select_n3A_266 = arith.select %and3A_262, %sub3A_265, %div3A_238 : vector<1024x128xi1>, vector<1024x128xi32>
    %eq3A_267 = arith.constant 6 : i32
    %eq3A_268 = vector.broadcast %eq3A_267 : i32 to vector<1024x128xi32>
    %eq3A_269 = arith.cmpi eq, %select_n3A_266, %eq3A_268 : vector<1024x128xi32>
    %slice3A_270 = vector.extract_strided_slice %select_n3A {offsets = [6, 0], sizes = [1, 128], strides = [1, 1]} : vector<8x128xf32> to vector<1x128xf32>
    %broadcast_in_dim3A_271 = vector.shape_cast %slice3A_270 : vector<1x128xf32> to vector<1x128xf32>
    %broadcast_in_dim3A_272 = vector.broadcast %broadcast_in_dim3A_271 : vector<1x128xf32> to vector<1024x128xf32>
    %select_n3A_273 = arith.select %eq3A_269, %broadcast_in_dim3A_272, %select_n3A_235 : vector<1024x128xi1>, vector<1024x128xf32>
    %jit3A_274 = arith.constant 128 : i32
    %div3A_275 = vector.broadcast %jit3A_274 : i32 to vector<1024x128xi32>
    %div3A_276 = arith.divsi %iota3A, %div3A_275 : vector<1024x128xi32>
    %sign3A_277 = arith.constant 0 : i32
    %sign3A_278 = vector.broadcast %sign3A_277 : i32 to vector<1024x128xi32>
    %sign3A_279 = arith.cmpi sgt, %iota3A, %sign3A_278 : vector<1024x128xi32>
    %sign3A_280 = arith.extui %sign3A_279 : vector<1024x128xi1> to vector<1024x128xi32>
    %sign3A_281 = arith.constant 0 : i32
    %sign3A_282 = vector.broadcast %sign3A_281 : i32 to vector<1024x128xi32>
    %sign3A_283 = arith.cmpi slt, %iota3A, %sign3A_282 : vector<1024x128xi32>
    %sign3A_284 = arith.extui %sign3A_283 : vector<1024x128xi1> to vector<1024x128xi32>
    %sign3A_285 = arith.subi %sign3A_280, %sign3A_284 : vector<1024x128xi32>
    %sign3A_286 = arith.constant 0 : i32
    %sign3A_287 = arith.cmpi sgt, %jit3A_274, %sign3A_286 : i32
    %sign3A_288 = arith.extui %sign3A_287 : i1 to i32
    %sign3A_289 = arith.constant 0 : i32
    %sign3A_290 = arith.cmpi slt, %jit3A_274, %sign3A_289 : i32
    %sign3A_291 = arith.extui %sign3A_290 : i1 to i32
    %sign3A_292 = arith.subi %sign3A_288, %sign3A_291 : i32
    %ne3A_293 = vector.broadcast %sign3A_292 : i32 to vector<1024x128xi32>
    %ne3A_294 = arith.cmpi ne, %sign3A_285, %ne3A_293 : vector<1024x128xi32>
    %rem3A_295 = vector.broadcast %jit3A_274 : i32 to vector<1024x128xi32>
    %rem3A_296 = arith.remsi %iota3A, %rem3A_295 : vector<1024x128xi32>
    %ne3A_297 = arith.constant 0 : i32
    %ne3A_298 = vector.broadcast %ne3A_297 : i32 to vector<1024x128xi32>
    %ne3A_299 = arith.cmpi ne, %rem3A_296, %ne3A_298 : vector<1024x128xi32>
    %and3A_300 = arith.andi %ne3A_294, %ne3A_299 : vector<1024x128xi1>
    %sub3A_301 = arith.constant 1 : i32
    %sub3A_302 = vector.broadcast %sub3A_301 : i32 to vector<1024x128xi32>
    %sub3A_303 = arith.subi %div3A_276, %sub3A_302 : vector<1024x128xi32>
    %select_n3A_304 = arith.select %and3A_300, %sub3A_303, %div3A_276 : vector<1024x128xi1>, vector<1024x128xi32>
    %eq3A_305 = arith.constant 7 : i32
    %eq3A_306 = vector.broadcast %eq3A_305 : i32 to vector<1024x128xi32>
    %eq3A_307 = arith.cmpi eq, %select_n3A_304, %eq3A_306 : vector<1024x128xi32>
    %slice3A_308 = vector.extract_strided_slice %select_n3A {offsets = [7, 0], sizes = [1, 128], strides = [1, 1]} : vector<8x128xf32> to vector<1x128xf32>
    %broadcast_in_dim3A_309 = vector.shape_cast %slice3A_308 : vector<1x128xf32> to vector<1x128xf32>
    %broadcast_in_dim3A_310 = vector.broadcast %broadcast_in_dim3A_309 : vector<1x128xf32> to vector<1024x128xf32>
    %select_n3A_311 = arith.select %eq3A_307, %broadcast_in_dim3A_310, %select_n3A_273 : vector<1024x128xi1>, vector<1024x128xf32>
    %jit3A_312 = arith.constant 128 : i32
    %eq3A_313 = arith.constant 0 : i32
    %eq3A_314 = arith.cmpi eq, %jit3A_312, %eq3A_313 : i32
    %jit3A_315 = arith.constant 1 : i32
    %select_n3A_316 = arith.select %eq3A_314, %jit3A_315, %jit3A_312 : i32
    %rem3A_317 = vector.broadcast %select_n3A_316 : i32 to vector<1024x128xi32>
    %rem3A_318 = arith.remsi %iota3A, %rem3A_317 : vector<1024x128xi32>
    %ne3A_319 = arith.constant 0 : i32
    %ne3A_320 = vector.broadcast %ne3A_319 : i32 to vector<1024x128xi32>
    %ne3A_321 = arith.cmpi ne, %rem3A_318, %ne3A_320 : vector<1024x128xi32>
    %lt3A = arith.constant 0 : i32
    %lt3A_322 = vector.broadcast %lt3A : i32 to vector<1024x128xi32>
    %lt3A_323 = arith.cmpi slt, %rem3A_318, %lt3A_322 : vector<1024x128xi32>
    %lt3A_324 = arith.constant 0 : i32
    %lt3A_325 = arith.cmpi slt, %select_n3A_316, %lt3A_324 : i32
    %ne3A_326 = vector.broadcast %lt3A_325 : i1 to vector<1024x128xi1>
    %ne3A_327 = vector.broadcast %ne3A_326 : vector<1024x128xi1> to vector<1024x128xi1>
    %ne3A_328 = arith.xori %lt3A_323, %ne3A_327 : vector<1024x128xi1>
    %and3A_329 = arith.andi %ne3A_328, %ne3A_321 : vector<1024x128xi1>
    %add3A_330 = vector.broadcast %select_n3A_316 : i32 to vector<1024x128xi32>
    %add3A_331 = arith.addi %rem3A_318, %add3A_330 : vector<1024x128xi32>
    %select_n3A_332 = arith.select %and3A_329, %add3A_331, %rem3A_318 : vector<1024x128xi1>, vector<1024x128xi32>
    %eq3A_333 = arith.cmpi eq, %select_n3A_332, %iota3A_13 : vector<1024x128xi32>
    %jit3A_334 = arith.constant 0.000000e+00 : f32
    %broadcast_in_dim3A_335 = vector.broadcast %jit3A_334 : f32 to vector<1024x128xf32>
    %select_n3A_336 = arith.select %eq3A_333, %select_n3A_311, %broadcast_in_dim3A_335 : vector<1024x128xi1>, vector<1024x128xf32>
    %reduce_sum3A = arith.constant dense<0.000000e+00> : vector<1024xf32>
    %reduce_sum3A_337 = vector.multi_reduction <add>, %select_n3A_336, %reduce_sum3A [1] : vector<1024x128xf32> to vector<1024xf32>
    %broadcast_in_dim3A_338 = vector.shape_cast %reduce_sum3A_337 : vector<1024xf32> to vector<1024x1xf32>
    %get3A_339 = arith.constant 0 : index
    %get3A_340 = arith.constant 0 : index
    %get3A_341 = arith.constant 0 : index
    %get3A_342 = vector.load %arg2[%get3A_339, %get3A_340, %get3A_341] : memref<2x8x128xf32, #tpu.memory_space<vmem>>, vector<1x8x128xf32>
    %get3A_343 = vector.shape_cast %get3A_342 : vector<1x8x128xf32> to vector<8x128xf32>
    %get3A_344 = arith.constant 1 : index
    %get3A_345 = arith.constant 0 : index
    %get3A_346 = arith.constant 0 : index
    %get3A_347 = vector.load %arg2[%get3A_344, %get3A_345, %get3A_346] : memref<2x8x128xf32, #tpu.memory_space<vmem>>, vector<1x8x128xf32>
    %get3A_348 = vector.shape_cast %get3A_347 : vector<1x8x128xf32> to vector<8x128xf32>
    %add3A_349 = arith.addf %get3A_343, %get3A_348 : vector<8x128xf32>
    %gt3A_350 = arith.constant 0.000000e+00 : f32
    %gt3A_351 = vector.broadcast %gt3A_350 : f32 to vector<8x128xf32>
    %gt3A_352 = arith.cmpf ogt, %add3A_349, %gt3A_351 : vector<8x128xf32>
    %max3A_353 = arith.constant 1.000000e+00 : f32
    %max3A_354 = vector.broadcast %max3A_353 : f32 to vector<8x128xf32>
    %max3A_355 = arith.maximumf %add3A_349, %max3A_354 : vector<8x128xf32>
    %rsqrt3A_356 = math.rsqrt %max3A_355 : vector<8x128xf32>
    %jit3A_357 = arith.constant 0.000000e+00 : f32
    %broadcast_in_dim3A_358 = vector.broadcast %jit3A_357 : f32 to vector<8x128xf32>
    %select_n3A_359 = arith.select %gt3A_352, %rsqrt3A_356, %broadcast_in_dim3A_358 : vector<8x128xi1>, vector<8x128xf32>
    %iota3A_360 = tpu.iota {dimensions = array<i32: 0>} : vector<1024x128xi32>
    %iota3A_361 = tpu.iota {dimensions = array<i32: 1>} : vector<1024x128xi32>
    %broadcast_in_dim3A_362 = arith.constant 0.000000e+00 : f32
    %broadcast_in_dim3A_363 = vector.broadcast %broadcast_in_dim3A_362 : f32 to vector<1024x128xf32>
    %jit3A_364 = arith.constant 128 : i32
    %div3A_365 = vector.broadcast %jit3A_364 : i32 to vector<1024x128xi32>
    %div3A_366 = arith.divsi %iota3A_360, %div3A_365 : vector<1024x128xi32>
    %sign3A_367 = arith.constant 0 : i32
    %sign3A_368 = vector.broadcast %sign3A_367 : i32 to vector<1024x128xi32>
    %sign3A_369 = arith.cmpi sgt, %iota3A_360, %sign3A_368 : vector<1024x128xi32>
    %sign3A_370 = arith.extui %sign3A_369 : vector<1024x128xi1> to vector<1024x128xi32>
    %sign3A_371 = arith.constant 0 : i32
    %sign3A_372 = vector.broadcast %sign3A_371 : i32 to vector<1024x128xi32>
    %sign3A_373 = arith.cmpi slt, %iota3A_360, %sign3A_372 : vector<1024x128xi32>
    %sign3A_374 = arith.extui %sign3A_373 : vector<1024x128xi1> to vector<1024x128xi32>
    %sign3A_375 = arith.subi %sign3A_370, %sign3A_374 : vector<1024x128xi32>
    %sign3A_376 = arith.constant 0 : i32
    %sign3A_377 = arith.cmpi sgt, %jit3A_364, %sign3A_376 : i32
    %sign3A_378 = arith.extui %sign3A_377 : i1 to i32
    %sign3A_379 = arith.constant 0 : i32
    %sign3A_380 = arith.cmpi slt, %jit3A_364, %sign3A_379 : i32
    %sign3A_381 = arith.extui %sign3A_380 : i1 to i32
    %sign3A_382 = arith.subi %sign3A_378, %sign3A_381 : i32
    %ne3A_383 = vector.broadcast %sign3A_382 : i32 to vector<1024x128xi32>
    %ne3A_384 = arith.cmpi ne, %sign3A_375, %ne3A_383 : vector<1024x128xi32>
    %rem3A_385 = vector.broadcast %jit3A_364 : i32 to vector<1024x128xi32>
    %rem3A_386 = arith.remsi %iota3A_360, %rem3A_385 : vector<1024x128xi32>
    %ne3A_387 = arith.constant 0 : i32
    %ne3A_388 = vector.broadcast %ne3A_387 : i32 to vector<1024x128xi32>
    %ne3A_389 = arith.cmpi ne, %rem3A_386, %ne3A_388 : vector<1024x128xi32>
    %and3A_390 = arith.andi %ne3A_384, %ne3A_389 : vector<1024x128xi1>
    %sub3A_391 = arith.constant 1 : i32
    %sub3A_392 = vector.broadcast %sub3A_391 : i32 to vector<1024x128xi32>
    %sub3A_393 = arith.subi %div3A_366, %sub3A_392 : vector<1024x128xi32>
    %select_n3A_394 = arith.select %and3A_390, %sub3A_393, %div3A_366 : vector<1024x128xi1>, vector<1024x128xi32>
    %eq3A_395 = arith.constant 0 : i32
    %eq3A_396 = vector.broadcast %eq3A_395 : i32 to vector<1024x128xi32>
    %eq3A_397 = arith.cmpi eq, %select_n3A_394, %eq3A_396 : vector<1024x128xi32>
    %slice3A_398 = vector.extract_strided_slice %select_n3A_359 {offsets = [0, 0], sizes = [1, 128], strides = [1, 1]} : vector<8x128xf32> to vector<1x128xf32>
    %broadcast_in_dim3A_399 = vector.shape_cast %slice3A_398 : vector<1x128xf32> to vector<1x128xf32>
    %broadcast_in_dim3A_400 = vector.broadcast %broadcast_in_dim3A_399 : vector<1x128xf32> to vector<1024x128xf32>
    %select_n3A_401 = arith.select %eq3A_397, %broadcast_in_dim3A_400, %broadcast_in_dim3A_363 : vector<1024x128xi1>, vector<1024x128xf32>
    %jit3A_402 = arith.constant 128 : i32
    %div3A_403 = vector.broadcast %jit3A_402 : i32 to vector<1024x128xi32>
    %div3A_404 = arith.divsi %iota3A_360, %div3A_403 : vector<1024x128xi32>
    %sign3A_405 = arith.constant 0 : i32
    %sign3A_406 = vector.broadcast %sign3A_405 : i32 to vector<1024x128xi32>
    %sign3A_407 = arith.cmpi sgt, %iota3A_360, %sign3A_406 : vector<1024x128xi32>
    %sign3A_408 = arith.extui %sign3A_407 : vector<1024x128xi1> to vector<1024x128xi32>
    %sign3A_409 = arith.constant 0 : i32
    %sign3A_410 = vector.broadcast %sign3A_409 : i32 to vector<1024x128xi32>
    %sign3A_411 = arith.cmpi slt, %iota3A_360, %sign3A_410 : vector<1024x128xi32>
    %sign3A_412 = arith.extui %sign3A_411 : vector<1024x128xi1> to vector<1024x128xi32>
    %sign3A_413 = arith.subi %sign3A_408, %sign3A_412 : vector<1024x128xi32>
    %sign3A_414 = arith.constant 0 : i32
    %sign3A_415 = arith.cmpi sgt, %jit3A_402, %sign3A_414 : i32
    %sign3A_416 = arith.extui %sign3A_415 : i1 to i32
    %sign3A_417 = arith.constant 0 : i32
    %sign3A_418 = arith.cmpi slt, %jit3A_402, %sign3A_417 : i32
    %sign3A_419 = arith.extui %sign3A_418 : i1 to i32
    %sign3A_420 = arith.subi %sign3A_416, %sign3A_419 : i32
    %ne3A_421 = vector.broadcast %sign3A_420 : i32 to vector<1024x128xi32>
    %ne3A_422 = arith.cmpi ne, %sign3A_413, %ne3A_421 : vector<1024x128xi32>
    %rem3A_423 = vector.broadcast %jit3A_402 : i32 to vector<1024x128xi32>
    %rem3A_424 = arith.remsi %iota3A_360, %rem3A_423 : vector<1024x128xi32>
    %ne3A_425 = arith.constant 0 : i32
    %ne3A_426 = vector.broadcast %ne3A_425 : i32 to vector<1024x128xi32>
    %ne3A_427 = arith.cmpi ne, %rem3A_424, %ne3A_426 : vector<1024x128xi32>
    %and3A_428 = arith.andi %ne3A_422, %ne3A_427 : vector<1024x128xi1>
    %sub3A_429 = arith.constant 1 : i32
    %sub3A_430 = vector.broadcast %sub3A_429 : i32 to vector<1024x128xi32>
    %sub3A_431 = arith.subi %div3A_404, %sub3A_430 : vector<1024x128xi32>
    %select_n3A_432 = arith.select %and3A_428, %sub3A_431, %div3A_404 : vector<1024x128xi1>, vector<1024x128xi32>
    %eq3A_433 = arith.constant 1 : i32
    %eq3A_434 = vector.broadcast %eq3A_433 : i32 to vector<1024x128xi32>
    %eq3A_435 = arith.cmpi eq, %select_n3A_432, %eq3A_434 : vector<1024x128xi32>
    %slice3A_436 = vector.extract_strided_slice %select_n3A_359 {offsets = [1, 0], sizes = [1, 128], strides = [1, 1]} : vector<8x128xf32> to vector<1x128xf32>
    %broadcast_in_dim3A_437 = vector.shape_cast %slice3A_436 : vector<1x128xf32> to vector<1x128xf32>
    %broadcast_in_dim3A_438 = vector.broadcast %broadcast_in_dim3A_437 : vector<1x128xf32> to vector<1024x128xf32>
    %select_n3A_439 = arith.select %eq3A_435, %broadcast_in_dim3A_438, %select_n3A_401 : vector<1024x128xi1>, vector<1024x128xf32>
    %jit3A_440 = arith.constant 128 : i32
    %div3A_441 = vector.broadcast %jit3A_440 : i32 to vector<1024x128xi32>
    %div3A_442 = arith.divsi %iota3A_360, %div3A_441 : vector<1024x128xi32>
    %sign3A_443 = arith.constant 0 : i32
    %sign3A_444 = vector.broadcast %sign3A_443 : i32 to vector<1024x128xi32>
    %sign3A_445 = arith.cmpi sgt, %iota3A_360, %sign3A_444 : vector<1024x128xi32>
    %sign3A_446 = arith.extui %sign3A_445 : vector<1024x128xi1> to vector<1024x128xi32>
    %sign3A_447 = arith.constant 0 : i32
    %sign3A_448 = vector.broadcast %sign3A_447 : i32 to vector<1024x128xi32>
    %sign3A_449 = arith.cmpi slt, %iota3A_360, %sign3A_448 : vector<1024x128xi32>
    %sign3A_450 = arith.extui %sign3A_449 : vector<1024x128xi1> to vector<1024x128xi32>
    %sign3A_451 = arith.subi %sign3A_446, %sign3A_450 : vector<1024x128xi32>
    %sign3A_452 = arith.constant 0 : i32
    %sign3A_453 = arith.cmpi sgt, %jit3A_440, %sign3A_452 : i32
    %sign3A_454 = arith.extui %sign3A_453 : i1 to i32
    %sign3A_455 = arith.constant 0 : i32
    %sign3A_456 = arith.cmpi slt, %jit3A_440, %sign3A_455 : i32
    %sign3A_457 = arith.extui %sign3A_456 : i1 to i32
    %sign3A_458 = arith.subi %sign3A_454, %sign3A_457 : i32
    %ne3A_459 = vector.broadcast %sign3A_458 : i32 to vector<1024x128xi32>
    %ne3A_460 = arith.cmpi ne, %sign3A_451, %ne3A_459 : vector<1024x128xi32>
    %rem3A_461 = vector.broadcast %jit3A_440 : i32 to vector<1024x128xi32>
    %rem3A_462 = arith.remsi %iota3A_360, %rem3A_461 : vector<1024x128xi32>
    %ne3A_463 = arith.constant 0 : i32
    %ne3A_464 = vector.broadcast %ne3A_463 : i32 to vector<1024x128xi32>
    %ne3A_465 = arith.cmpi ne, %rem3A_462, %ne3A_464 : vector<1024x128xi32>
    %and3A_466 = arith.andi %ne3A_460, %ne3A_465 : vector<1024x128xi1>
    %sub3A_467 = arith.constant 1 : i32
    %sub3A_468 = vector.broadcast %sub3A_467 : i32 to vector<1024x128xi32>
    %sub3A_469 = arith.subi %div3A_442, %sub3A_468 : vector<1024x128xi32>
    %select_n3A_470 = arith.select %and3A_466, %sub3A_469, %div3A_442 : vector<1024x128xi1>, vector<1024x128xi32>
    %eq3A_471 = arith.constant 2 : i32
    %eq3A_472 = vector.broadcast %eq3A_471 : i32 to vector<1024x128xi32>
    %eq3A_473 = arith.cmpi eq, %select_n3A_470, %eq3A_472 : vector<1024x128xi32>
    %slice3A_474 = vector.extract_strided_slice %select_n3A_359 {offsets = [2, 0], sizes = [1, 128], strides = [1, 1]} : vector<8x128xf32> to vector<1x128xf32>
    %broadcast_in_dim3A_475 = vector.shape_cast %slice3A_474 : vector<1x128xf32> to vector<1x128xf32>
    %broadcast_in_dim3A_476 = vector.broadcast %broadcast_in_dim3A_475 : vector<1x128xf32> to vector<1024x128xf32>
    %select_n3A_477 = arith.select %eq3A_473, %broadcast_in_dim3A_476, %select_n3A_439 : vector<1024x128xi1>, vector<1024x128xf32>
    %jit3A_478 = arith.constant 128 : i32
    %div3A_479 = vector.broadcast %jit3A_478 : i32 to vector<1024x128xi32>
    %div3A_480 = arith.divsi %iota3A_360, %div3A_479 : vector<1024x128xi32>
    %sign3A_481 = arith.constant 0 : i32
    %sign3A_482 = vector.broadcast %sign3A_481 : i32 to vector<1024x128xi32>
    %sign3A_483 = arith.cmpi sgt, %iota3A_360, %sign3A_482 : vector<1024x128xi32>
    %sign3A_484 = arith.extui %sign3A_483 : vector<1024x128xi1> to vector<1024x128xi32>
    %sign3A_485 = arith.constant 0 : i32
    %sign3A_486 = vector.broadcast %sign3A_485 : i32 to vector<1024x128xi32>
    %sign3A_487 = arith.cmpi slt, %iota3A_360, %sign3A_486 : vector<1024x128xi32>
    %sign3A_488 = arith.extui %sign3A_487 : vector<1024x128xi1> to vector<1024x128xi32>
    %sign3A_489 = arith.subi %sign3A_484, %sign3A_488 : vector<1024x128xi32>
    %sign3A_490 = arith.constant 0 : i32
    %sign3A_491 = arith.cmpi sgt, %jit3A_478, %sign3A_490 : i32
    %sign3A_492 = arith.extui %sign3A_491 : i1 to i32
    %sign3A_493 = arith.constant 0 : i32
    %sign3A_494 = arith.cmpi slt, %jit3A_478, %sign3A_493 : i32
    %sign3A_495 = arith.extui %sign3A_494 : i1 to i32
    %sign3A_496 = arith.subi %sign3A_492, %sign3A_495 : i32
    %ne3A_497 = vector.broadcast %sign3A_496 : i32 to vector<1024x128xi32>
    %ne3A_498 = arith.cmpi ne, %sign3A_489, %ne3A_497 : vector<1024x128xi32>
    %rem3A_499 = vector.broadcast %jit3A_478 : i32 to vector<1024x128xi32>
    %rem3A_500 = arith.remsi %iota3A_360, %rem3A_499 : vector<1024x128xi32>
    %ne3A_501 = arith.constant 0 : i32
    %ne3A_502 = vector.broadcast %ne3A_501 : i32 to vector<1024x128xi32>
    %ne3A_503 = arith.cmpi ne, %rem3A_500, %ne3A_502 : vector<1024x128xi32>
    %and3A_504 = arith.andi %ne3A_498, %ne3A_503 : vector<1024x128xi1>
    %sub3A_505 = arith.constant 1 : i32
    %sub3A_506 = vector.broadcast %sub3A_505 : i32 to vector<1024x128xi32>
    %sub3A_507 = arith.subi %div3A_480, %sub3A_506 : vector<1024x128xi32>
    %select_n3A_508 = arith.select %and3A_504, %sub3A_507, %div3A_480 : vector<1024x128xi1>, vector<1024x128xi32>
    %eq3A_509 = arith.constant 3 : i32
    %eq3A_510 = vector.broadcast %eq3A_509 : i32 to vector<1024x128xi32>
    %eq3A_511 = arith.cmpi eq, %select_n3A_508, %eq3A_510 : vector<1024x128xi32>
    %slice3A_512 = vector.extract_strided_slice %select_n3A_359 {offsets = [3, 0], sizes = [1, 128], strides = [1, 1]} : vector<8x128xf32> to vector<1x128xf32>
    %broadcast_in_dim3A_513 = vector.shape_cast %slice3A_512 : vector<1x128xf32> to vector<1x128xf32>
    %broadcast_in_dim3A_514 = vector.broadcast %broadcast_in_dim3A_513 : vector<1x128xf32> to vector<1024x128xf32>
    %select_n3A_515 = arith.select %eq3A_511, %broadcast_in_dim3A_514, %select_n3A_477 : vector<1024x128xi1>, vector<1024x128xf32>
    %jit3A_516 = arith.constant 128 : i32
    %div3A_517 = vector.broadcast %jit3A_516 : i32 to vector<1024x128xi32>
    %div3A_518 = arith.divsi %iota3A_360, %div3A_517 : vector<1024x128xi32>
    %sign3A_519 = arith.constant 0 : i32
    %sign3A_520 = vector.broadcast %sign3A_519 : i32 to vector<1024x128xi32>
    %sign3A_521 = arith.cmpi sgt, %iota3A_360, %sign3A_520 : vector<1024x128xi32>
    %sign3A_522 = arith.extui %sign3A_521 : vector<1024x128xi1> to vector<1024x128xi32>
    %sign3A_523 = arith.constant 0 : i32
    %sign3A_524 = vector.broadcast %sign3A_523 : i32 to vector<1024x128xi32>
    %sign3A_525 = arith.cmpi slt, %iota3A_360, %sign3A_524 : vector<1024x128xi32>
    %sign3A_526 = arith.extui %sign3A_525 : vector<1024x128xi1> to vector<1024x128xi32>
    %sign3A_527 = arith.subi %sign3A_522, %sign3A_526 : vector<1024x128xi32>
    %sign3A_528 = arith.constant 0 : i32
    %sign3A_529 = arith.cmpi sgt, %jit3A_516, %sign3A_528 : i32
    %sign3A_530 = arith.extui %sign3A_529 : i1 to i32
    %sign3A_531 = arith.constant 0 : i32
    %sign3A_532 = arith.cmpi slt, %jit3A_516, %sign3A_531 : i32
    %sign3A_533 = arith.extui %sign3A_532 : i1 to i32
    %sign3A_534 = arith.subi %sign3A_530, %sign3A_533 : i32
    %ne3A_535 = vector.broadcast %sign3A_534 : i32 to vector<1024x128xi32>
    %ne3A_536 = arith.cmpi ne, %sign3A_527, %ne3A_535 : vector<1024x128xi32>
    %rem3A_537 = vector.broadcast %jit3A_516 : i32 to vector<1024x128xi32>
    %rem3A_538 = arith.remsi %iota3A_360, %rem3A_537 : vector<1024x128xi32>
    %ne3A_539 = arith.constant 0 : i32
    %ne3A_540 = vector.broadcast %ne3A_539 : i32 to vector<1024x128xi32>
    %ne3A_541 = arith.cmpi ne, %rem3A_538, %ne3A_540 : vector<1024x128xi32>
    %and3A_542 = arith.andi %ne3A_536, %ne3A_541 : vector<1024x128xi1>
    %sub3A_543 = arith.constant 1 : i32
    %sub3A_544 = vector.broadcast %sub3A_543 : i32 to vector<1024x128xi32>
    %sub3A_545 = arith.subi %div3A_518, %sub3A_544 : vector<1024x128xi32>
    %select_n3A_546 = arith.select %and3A_542, %sub3A_545, %div3A_518 : vector<1024x128xi1>, vector<1024x128xi32>
    %eq3A_547 = arith.constant 4 : i32
    %eq3A_548 = vector.broadcast %eq3A_547 : i32 to vector<1024x128xi32>
    %eq3A_549 = arith.cmpi eq, %select_n3A_546, %eq3A_548 : vector<1024x128xi32>
    %slice3A_550 = vector.extract_strided_slice %select_n3A_359 {offsets = [4, 0], sizes = [1, 128], strides = [1, 1]} : vector<8x128xf32> to vector<1x128xf32>
    %broadcast_in_dim3A_551 = vector.shape_cast %slice3A_550 : vector<1x128xf32> to vector<1x128xf32>
    %broadcast_in_dim3A_552 = vector.broadcast %broadcast_in_dim3A_551 : vector<1x128xf32> to vector<1024x128xf32>
    %select_n3A_553 = arith.select %eq3A_549, %broadcast_in_dim3A_552, %select_n3A_515 : vector<1024x128xi1>, vector<1024x128xf32>
    %jit3A_554 = arith.constant 128 : i32
    %div3A_555 = vector.broadcast %jit3A_554 : i32 to vector<1024x128xi32>
    %div3A_556 = arith.divsi %iota3A_360, %div3A_555 : vector<1024x128xi32>
    %sign3A_557 = arith.constant 0 : i32
    %sign3A_558 = vector.broadcast %sign3A_557 : i32 to vector<1024x128xi32>
    %sign3A_559 = arith.cmpi sgt, %iota3A_360, %sign3A_558 : vector<1024x128xi32>
    %sign3A_560 = arith.extui %sign3A_559 : vector<1024x128xi1> to vector<1024x128xi32>
    %sign3A_561 = arith.constant 0 : i32
    %sign3A_562 = vector.broadcast %sign3A_561 : i32 to vector<1024x128xi32>
    %sign3A_563 = arith.cmpi slt, %iota3A_360, %sign3A_562 : vector<1024x128xi32>
    %sign3A_564 = arith.extui %sign3A_563 : vector<1024x128xi1> to vector<1024x128xi32>
    %sign3A_565 = arith.subi %sign3A_560, %sign3A_564 : vector<1024x128xi32>
    %sign3A_566 = arith.constant 0 : i32
    %sign3A_567 = arith.cmpi sgt, %jit3A_554, %sign3A_566 : i32
    %sign3A_568 = arith.extui %sign3A_567 : i1 to i32
    %sign3A_569 = arith.constant 0 : i32
    %sign3A_570 = arith.cmpi slt, %jit3A_554, %sign3A_569 : i32
    %sign3A_571 = arith.extui %sign3A_570 : i1 to i32
    %sign3A_572 = arith.subi %sign3A_568, %sign3A_571 : i32
    %ne3A_573 = vector.broadcast %sign3A_572 : i32 to vector<1024x128xi32>
    %ne3A_574 = arith.cmpi ne, %sign3A_565, %ne3A_573 : vector<1024x128xi32>
    %rem3A_575 = vector.broadcast %jit3A_554 : i32 to vector<1024x128xi32>
    %rem3A_576 = arith.remsi %iota3A_360, %rem3A_575 : vector<1024x128xi32>
    %ne3A_577 = arith.constant 0 : i32
    %ne3A_578 = vector.broadcast %ne3A_577 : i32 to vector<1024x128xi32>
    %ne3A_579 = arith.cmpi ne, %rem3A_576, %ne3A_578 : vector<1024x128xi32>
    %and3A_580 = arith.andi %ne3A_574, %ne3A_579 : vector<1024x128xi1>
    %sub3A_581 = arith.constant 1 : i32
    %sub3A_582 = vector.broadcast %sub3A_581 : i32 to vector<1024x128xi32>
    %sub3A_583 = arith.subi %div3A_556, %sub3A_582 : vector<1024x128xi32>
    %select_n3A_584 = arith.select %and3A_580, %sub3A_583, %div3A_556 : vector<1024x128xi1>, vector<1024x128xi32>
    %eq3A_585 = arith.constant 5 : i32
    %eq3A_586 = vector.broadcast %eq3A_585 : i32 to vector<1024x128xi32>
    %eq3A_587 = arith.cmpi eq, %select_n3A_584, %eq3A_586 : vector<1024x128xi32>
    %slice3A_588 = vector.extract_strided_slice %select_n3A_359 {offsets = [5, 0], sizes = [1, 128], strides = [1, 1]} : vector<8x128xf32> to vector<1x128xf32>
    %broadcast_in_dim3A_589 = vector.shape_cast %slice3A_588 : vector<1x128xf32> to vector<1x128xf32>
    %broadcast_in_dim3A_590 = vector.broadcast %broadcast_in_dim3A_589 : vector<1x128xf32> to vector<1024x128xf32>
    %select_n3A_591 = arith.select %eq3A_587, %broadcast_in_dim3A_590, %select_n3A_553 : vector<1024x128xi1>, vector<1024x128xf32>
    %jit3A_592 = arith.constant 128 : i32
    %div3A_593 = vector.broadcast %jit3A_592 : i32 to vector<1024x128xi32>
    %div3A_594 = arith.divsi %iota3A_360, %div3A_593 : vector<1024x128xi32>
    %sign3A_595 = arith.constant 0 : i32
    %sign3A_596 = vector.broadcast %sign3A_595 : i32 to vector<1024x128xi32>
    %sign3A_597 = arith.cmpi sgt, %iota3A_360, %sign3A_596 : vector<1024x128xi32>
    %sign3A_598 = arith.extui %sign3A_597 : vector<1024x128xi1> to vector<1024x128xi32>
    %sign3A_599 = arith.constant 0 : i32
    %sign3A_600 = vector.broadcast %sign3A_599 : i32 to vector<1024x128xi32>
    %sign3A_601 = arith.cmpi slt, %iota3A_360, %sign3A_600 : vector<1024x128xi32>
    %sign3A_602 = arith.extui %sign3A_601 : vector<1024x128xi1> to vector<1024x128xi32>
    %sign3A_603 = arith.subi %sign3A_598, %sign3A_602 : vector<1024x128xi32>
    %sign3A_604 = arith.constant 0 : i32
    %sign3A_605 = arith.cmpi sgt, %jit3A_592, %sign3A_604 : i32
    %sign3A_606 = arith.extui %sign3A_605 : i1 to i32
    %sign3A_607 = arith.constant 0 : i32
    %sign3A_608 = arith.cmpi slt, %jit3A_592, %sign3A_607 : i32
    %sign3A_609 = arith.extui %sign3A_608 : i1 to i32
    %sign3A_610 = arith.subi %sign3A_606, %sign3A_609 : i32
    %ne3A_611 = vector.broadcast %sign3A_610 : i32 to vector<1024x128xi32>
    %ne3A_612 = arith.cmpi ne, %sign3A_603, %ne3A_611 : vector<1024x128xi32>
    %rem3A_613 = vector.broadcast %jit3A_592 : i32 to vector<1024x128xi32>
    %rem3A_614 = arith.remsi %iota3A_360, %rem3A_613 : vector<1024x128xi32>
    %ne3A_615 = arith.constant 0 : i32
    %ne3A_616 = vector.broadcast %ne3A_615 : i32 to vector<1024x128xi32>
    %ne3A_617 = arith.cmpi ne, %rem3A_614, %ne3A_616 : vector<1024x128xi32>
    %and3A_618 = arith.andi %ne3A_612, %ne3A_617 : vector<1024x128xi1>
    %sub3A_619 = arith.constant 1 : i32
    %sub3A_620 = vector.broadcast %sub3A_619 : i32 to vector<1024x128xi32>
    %sub3A_621 = arith.subi %div3A_594, %sub3A_620 : vector<1024x128xi32>
    %select_n3A_622 = arith.select %and3A_618, %sub3A_621, %div3A_594 : vector<1024x128xi1>, vector<1024x128xi32>
    %eq3A_623 = arith.constant 6 : i32
    %eq3A_624 = vector.broadcast %eq3A_623 : i32 to vector<1024x128xi32>
    %eq3A_625 = arith.cmpi eq, %select_n3A_622, %eq3A_624 : vector<1024x128xi32>
    %slice3A_626 = vector.extract_strided_slice %select_n3A_359 {offsets = [6, 0], sizes = [1, 128], strides = [1, 1]} : vector<8x128xf32> to vector<1x128xf32>
    %broadcast_in_dim3A_627 = vector.shape_cast %slice3A_626 : vector<1x128xf32> to vector<1x128xf32>
    %broadcast_in_dim3A_628 = vector.broadcast %broadcast_in_dim3A_627 : vector<1x128xf32> to vector<1024x128xf32>
    %select_n3A_629 = arith.select %eq3A_625, %broadcast_in_dim3A_628, %select_n3A_591 : vector<1024x128xi1>, vector<1024x128xf32>
    %jit3A_630 = arith.constant 128 : i32
    %div3A_631 = vector.broadcast %jit3A_630 : i32 to vector<1024x128xi32>
    %div3A_632 = arith.divsi %iota3A_360, %div3A_631 : vector<1024x128xi32>
    %sign3A_633 = arith.constant 0 : i32
    %sign3A_634 = vector.broadcast %sign3A_633 : i32 to vector<1024x128xi32>
    %sign3A_635 = arith.cmpi sgt, %iota3A_360, %sign3A_634 : vector<1024x128xi32>
    %sign3A_636 = arith.extui %sign3A_635 : vector<1024x128xi1> to vector<1024x128xi32>
    %sign3A_637 = arith.constant 0 : i32
    %sign3A_638 = vector.broadcast %sign3A_637 : i32 to vector<1024x128xi32>
    %sign3A_639 = arith.cmpi slt, %iota3A_360, %sign3A_638 : vector<1024x128xi32>
    %sign3A_640 = arith.extui %sign3A_639 : vector<1024x128xi1> to vector<1024x128xi32>
    %sign3A_641 = arith.subi %sign3A_636, %sign3A_640 : vector<1024x128xi32>
    %sign3A_642 = arith.constant 0 : i32
    %sign3A_643 = arith.cmpi sgt, %jit3A_630, %sign3A_642 : i32
    %sign3A_644 = arith.extui %sign3A_643 : i1 to i32
    %sign3A_645 = arith.constant 0 : i32
    %sign3A_646 = arith.cmpi slt, %jit3A_630, %sign3A_645 : i32
    %sign3A_647 = arith.extui %sign3A_646 : i1 to i32
    %sign3A_648 = arith.subi %sign3A_644, %sign3A_647 : i32
    %ne3A_649 = vector.broadcast %sign3A_648 : i32 to vector<1024x128xi32>
    %ne3A_650 = arith.cmpi ne, %sign3A_641, %ne3A_649 : vector<1024x128xi32>
    %rem3A_651 = vector.broadcast %jit3A_630 : i32 to vector<1024x128xi32>
    %rem3A_652 = arith.remsi %iota3A_360, %rem3A_651 : vector<1024x128xi32>
    %ne3A_653 = arith.constant 0 : i32
    %ne3A_654 = vector.broadcast %ne3A_653 : i32 to vector<1024x128xi32>
    %ne3A_655 = arith.cmpi ne, %rem3A_652, %ne3A_654 : vector<1024x128xi32>
    %and3A_656 = arith.andi %ne3A_650, %ne3A_655 : vector<1024x128xi1>
    %sub3A_657 = arith.constant 1 : i32
    %sub3A_658 = vector.broadcast %sub3A_657 : i32 to vector<1024x128xi32>
    %sub3A_659 = arith.subi %div3A_632, %sub3A_658 : vector<1024x128xi32>
    %select_n3A_660 = arith.select %and3A_656, %sub3A_659, %div3A_632 : vector<1024x128xi1>, vector<1024x128xi32>
    %eq3A_661 = arith.constant 7 : i32
    %eq3A_662 = vector.broadcast %eq3A_661 : i32 to vector<1024x128xi32>
    %eq3A_663 = arith.cmpi eq, %select_n3A_660, %eq3A_662 : vector<1024x128xi32>
    %slice3A_664 = vector.extract_strided_slice %select_n3A_359 {offsets = [7, 0], sizes = [1, 128], strides = [1, 1]} : vector<8x128xf32> to vector<1x128xf32>
    %broadcast_in_dim3A_665 = vector.shape_cast %slice3A_664 : vector<1x128xf32> to vector<1x128xf32>
    %broadcast_in_dim3A_666 = vector.broadcast %broadcast_in_dim3A_665 : vector<1x128xf32> to vector<1024x128xf32>
    %select_n3A_667 = arith.select %eq3A_663, %broadcast_in_dim3A_666, %select_n3A_629 : vector<1024x128xi1>, vector<1024x128xf32>
    %jit3A_668 = arith.constant 128 : i32
    %eq3A_669 = arith.constant 0 : i32
    %eq3A_670 = arith.cmpi eq, %jit3A_668, %eq3A_669 : i32
    %jit3A_671 = arith.constant 1 : i32
    %select_n3A_672 = arith.select %eq3A_670, %jit3A_671, %jit3A_668 : i32
    %rem3A_673 = vector.broadcast %select_n3A_672 : i32 to vector<1024x128xi32>
    %rem3A_674 = arith.remsi %iota3A_360, %rem3A_673 : vector<1024x128xi32>
    %ne3A_675 = arith.constant 0 : i32
    %ne3A_676 = vector.broadcast %ne3A_675 : i32 to vector<1024x128xi32>
    %ne3A_677 = arith.cmpi ne, %rem3A_674, %ne3A_676 : vector<1024x128xi32>
    %lt3A_678 = arith.constant 0 : i32
    %lt3A_679 = vector.broadcast %lt3A_678 : i32 to vector<1024x128xi32>
    %lt3A_680 = arith.cmpi slt, %rem3A_674, %lt3A_679 : vector<1024x128xi32>
    %lt3A_681 = arith.constant 0 : i32
    %lt3A_682 = arith.cmpi slt, %select_n3A_672, %lt3A_681 : i32
    %ne3A_683 = vector.broadcast %lt3A_682 : i1 to vector<1024x128xi1>
    %ne3A_684 = vector.broadcast %ne3A_683 : vector<1024x128xi1> to vector<1024x128xi1>
    %ne3A_685 = arith.xori %lt3A_680, %ne3A_684 : vector<1024x128xi1>
    %and3A_686 = arith.andi %ne3A_685, %ne3A_677 : vector<1024x128xi1>
    %add3A_687 = vector.broadcast %select_n3A_672 : i32 to vector<1024x128xi32>
    %add3A_688 = arith.addi %rem3A_674, %add3A_687 : vector<1024x128xi32>
    %select_n3A_689 = arith.select %and3A_686, %add3A_688, %rem3A_674 : vector<1024x128xi1>, vector<1024x128xi32>
    %eq3A_690 = arith.cmpi eq, %select_n3A_689, %iota3A_361 : vector<1024x128xi32>
    %jit3A_691 = arith.constant 0.000000e+00 : f32
    %broadcast_in_dim3A_692 = vector.broadcast %jit3A_691 : f32 to vector<1024x128xf32>
    %select_n3A_693 = arith.select %eq3A_690, %select_n3A_667, %broadcast_in_dim3A_692 : vector<1024x128xi1>, vector<1024x128xf32>
    %reduce_sum3A_694 = arith.constant dense<0.000000e+00> : vector<1024xf32>
    %reduce_sum3A_695 = vector.multi_reduction <add>, %select_n3A_693, %reduce_sum3A_694 [1] : vector<1024x128xf32> to vector<1024xf32>
    %broadcast_in_dim3A_696 = vector.shape_cast %reduce_sum3A_695 : vector<1024xf32> to vector<1024x1xf32>
    %get3A_697 = arith.constant 0 : index
    %get3A_698 = arith.constant 0 : index
    %get3A_699 = arith.constant 0 : index
    %get3A_700 = vector.load %arg3[%get3A_697, %get3A_698, %get3A_699] : memref<2x1024x128xf32, #tpu.memory_space<vmem>>, vector<1x1024x128xf32>
    %get3A_701 = vector.shape_cast %get3A_700 : vector<1x1024x128xf32> to vector<1024x128xf32>
    %get3A_702 = arith.constant 1 : index
    %get3A_703 = arith.constant 0 : index
    %get3A_704 = arith.constant 0 : index
    %get3A_705 = vector.load %arg3[%get3A_702, %get3A_703, %get3A_704] : memref<2x1024x128xf32, #tpu.memory_space<vmem>>, vector<1x1024x128xf32>
    %get3A_706 = vector.shape_cast %get3A_705 : vector<1x1024x128xf32> to vector<1024x128xf32>
    %add3A_707 = arith.addf %get3A_701, %get3A_706 : vector<1024x128xf32>
    %mul3A = vector.broadcast %broadcast_in_dim3A_696 : vector<1024x1xf32> to vector<1024x128xf32>
    %mul3A_708 = arith.mulf %add3A_707, %mul3A : vector<1024x128xf32>
    %get3A_709 = arith.constant 0 : index
    %get3A_710 = arith.constant 0 : index
    %get3A_711 = vector.load %arg4[%get3A_709, %get3A_710] : memref<128x128xf32, #tpu.memory_space<vmem>>, vector<128x128xf32>
    %dot_general3A = arith.constant dense<0.000000e+00> : vector<1024x128xf32>
    %dot_general3A_712 = tpu.matmul %mul3A_708, %get3A_711, %dot_general3A {dimension_numbers = #tpu.dot_dimension_numbers<[1], [0], [0], [1], [0, 0, 1, 1], [], []>, precision = #tpu.contract_precision<fp32>, transpose_lhs_hint = false} : vector<1024x128xf32>, vector<128x128xf32>, vector<1024x128xf32> -> vector<1024x128xf32>
    %get3A_713 = arith.constant 0 : index
    %get3A_714 = arith.constant 0 : index
    %get3A_715 = vector.load %arg5[%get3A_713, %get3A_714] : memref<1x128xf32, #tpu.memory_space<vmem>>, vector<1x128xf32>
    %add3A_716 = vector.broadcast %get3A_715 : vector<1x128xf32> to vector<1024x128xf32>
    %add3A_717 = arith.addf %dot_general3A_712, %add3A_716 : vector<1024x128xf32>
    %get3A_718 = arith.constant 0 : index
    %get3A_719 = arith.constant 0 : index
    %get3A_720 = vector.load %arg6[%get3A_718, %get3A_719] : memref<1x128xf32, #tpu.memory_space<vmem>>, vector<1x128xf32>
    %get3A_721 = arith.constant 0 : index
    %get3A_722 = arith.constant 0 : index
    %get3A_723 = vector.load %arg7[%get3A_721, %get3A_722] : memref<1x128xf32, #tpu.memory_space<vmem>>, vector<1x128xf32>
    %reduce_sum3A_724 = arith.constant dense<0.000000e+00> : vector<1024xf32>
    %reduce_sum3A_725 = vector.multi_reduction <add>, %add3A_717, %reduce_sum3A_724 [1] : vector<1024x128xf32> to vector<1024xf32>
    %broadcast_in_dim3A_726 = vector.shape_cast %reduce_sum3A_725 : vector<1024xf32> to vector<1024x1xf32>
    %div3A_727 = arith.constant 1.280000e+02 : f32
    %div3A_728 = vector.broadcast %div3A_727 : f32 to vector<1024x1xf32>
    %div3A_729 = arith.divf %broadcast_in_dim3A_726, %div3A_728 : vector<1024x1xf32>
    %sub3A_730 = vector.broadcast %div3A_729 : vector<1024x1xf32> to vector<1024x128xf32>
    %sub3A_731 = arith.subf %add3A_717, %sub3A_730 : vector<1024x128xf32>
    %integer_pow3A = arith.mulf %sub3A_731, %sub3A_731 : vector<1024x128xf32>
    %reduce_sum3A_732 = arith.constant dense<0.000000e+00> : vector<1024xf32>
    %reduce_sum3A_733 = vector.multi_reduction <add>, %integer_pow3A, %reduce_sum3A_732 [1] : vector<1024x128xf32> to vector<1024xf32>
    %broadcast_in_dim3A_734 = vector.shape_cast %reduce_sum3A_733 : vector<1024xf32> to vector<1024x1xf32>
    %div3A_735 = arith.constant 1.280000e+02 : f32
    %div3A_736 = vector.broadcast %div3A_735 : f32 to vector<1024x1xf32>
    %div3A_737 = arith.divf %broadcast_in_dim3A_734, %div3A_736 : vector<1024x1xf32>
    %sub3A_738 = vector.broadcast %div3A_729 : vector<1024x1xf32> to vector<1024x128xf32>
    %sub3A_739 = arith.subf %add3A_717, %sub3A_738 : vector<1024x128xf32>
    %add3A_740 = arith.constant 9.99999974E-6 : f32
    %add3A_741 = vector.broadcast %add3A_740 : f32 to vector<1024x1xf32>
    %add3A_742 = arith.addf %div3A_737, %add3A_741 : vector<1024x1xf32>
    %sqrt3A = math.sqrt %add3A_742 : vector<1024x1xf32>
    %div3A_743 = vector.broadcast %sqrt3A : vector<1024x1xf32> to vector<1024x128xf32>
    %div3A_744 = arith.divf %sub3A_739, %div3A_743 : vector<1024x128xf32>
    %mul3A_745 = vector.broadcast %get3A_720 : vector<1x128xf32> to vector<1024x128xf32>
    %mul3A_746 = arith.mulf %div3A_744, %mul3A_745 : vector<1024x128xf32>
    %add3A_747 = vector.broadcast %get3A_723 : vector<1x128xf32> to vector<1024x128xf32>
    %add3A_748 = arith.addf %mul3A_746, %add3A_747 : vector<1024x128xf32>
    %max3A_749 = arith.constant 0.000000e+00 : f32
    %max3A_750 = vector.broadcast %max3A_749 : f32 to vector<1024x128xf32>
    %max3A_751 = arith.maximumf %add3A_748, %max3A_750 : vector<1024x128xf32>
    %mul3A_752 = vector.broadcast %broadcast_in_dim3A_338 : vector<1024x1xf32> to vector<1024x128xf32>
    %mul3A_753 = arith.mulf %max3A_751, %mul3A_752 : vector<1024x128xf32>
    %swap3A = arith.constant 0 : index
    %swap3A_754 = arith.constant 0 : index
    %swap3A_755 = vector.load %arg8[%swap3A, %swap3A_754] : memref<1024x128xf32, #tpu.memory_space<vmem>>, vector<1024x128xf32>
    tpu.vector_store %arg8[%swap3A, %swap3A_754], %mul3A_753 {strides = array<i32>} : memref<1024x128xf32, #tpu.memory_space<vmem>>, vector<1024x128xf32>,
    return
  }
  func.func @transform_0(%arg0: i32) -> (i32, i32, i32) {
    %c0_i32 = arith.constant 0 : i32
    %c0_i32_0 = arith.constant 0 : i32
    %c0_i32_1 = arith.constant 0 : i32
    return %c0_i32, %arg0, %c0_i32_0 : i32, i32, i32
  }
  func.func @transform_1(%arg0: i32) -> (i32, i32, i32) {
    %c0_i32 = arith.constant 0 : i32
    %c0_i32_0 = arith.constant 0 : i32
    %c0_i32_1 = arith.constant 0 : i32
    return %c0_i32, %arg0, %c0_i32_0 : i32, i32, i32
  }
  func.func @transform_2(%arg0: i32) -> (i32, i32, i32) {
    %c0_i32 = arith.constant 0 : i32
    %c0_i32_0 = arith.constant 0 : i32
    %c0_i32_1 = arith.constant 0 : i32
    return %c0_i32, %arg0, %c0_i32_0 : i32, i32, i32
  }
  func.func @transform_3(%arg0: i32) -> (i32, i32) {
    %c0_i32 = arith.constant 0 : i32
    %c0_i32_0 = arith.constant 0 : i32
    %c0_i32_1 = arith.constant 0 : i32
    return %c0_i32, %c0_i32_0 : i32, i32
  }
  func.func @transform_4(%arg0: i32) -> (i32, i32) {
    %c0_i32 = arith.constant 0 : i32
    %c0_i32_0 = arith.constant 0 : i32
    %c0_i32_1 = arith.constant 0 : i32
    return %c0_i32, %c0_i32_0 : i32, i32
  }
  func.func @transform_5(%arg0: i32) -> (i32, i32) {
    %c0_i32 = arith.constant 0 : i32
    %c0_i32_0 = arith.constant 0 : i32
    %c0_i32_1 = arith.constant 0 : i32
    return %c0_i32, %c0_i32_0 : i32, i32
  }
  func.func @transform_6(%arg0: i32) -> (i32, i32) {
    %c0_i32 = arith.constant 0 : i32
    %c0_i32_0 = arith.constant 0 : i32
    %c0_i32_1 = arith.constant 0 : i32
    return %c0_i32, %c0_i32_0 : i32, i32
  }
  func.func @transform_7(%arg0: i32) -> (i32, i32) {
    %c0_i32 = arith.constant 0 : i32
    %c0_i32_0 = arith.constant 0 : i32
    return %arg0, %c0_i32 : i32, i32
  }
}

</mosaic_0001>

<sc_bundles>
// kernel: kernel.11.cloned.1.call-start
scs
__scs_entry_jumppad:
0x0: {  	(pc) =	sbr.rel $0x88, $3  }
0x1: {  	(tag) =	ssettag $0x0;
	lr =	simm.s32 $0x1  }
0x2: {  	[smem:$0x3F8A] =	sst lr;
	_ =	strace $0xD0000000  }
0x3: {  	_ = 	snop  }
0x4: {  	_ = 	snop  }
0x5: {  	_ = 	snop  }
0x6: {  	_ = 	snop  }
0x7: {  	_ = 	snop  }
__scs_overlays_trampoline_lowered:
0x8: {  	[smem:$0x3F99] =	sst s0  }
0x9: {  	[smem:$0x3F9A] =	sst s1  }
0xa: {  	[smem:$0x3F9B] =	sst s2  }
0xb: {  	[smem:$0x3F9C] =	sst s3  }
0xc: {  	[smem:$0x3F9D] =	sst s4  }
0xd: {  	[smem:$0x3F9E] =	sst s5  }
0xe: {  	[smem:$0x3F9F] =	sst s6  }
0xf: {  	[smem:$0x3FA0] =	sst s7  }
0x10: {  	[smem:$0x3FA1] =	sst s8  }
0x11: {  	[smem:$0x3FA2] =	sst s9;
	s0 =	simm.s32 @!p0 $0x0  }
0x12: {  	s1 =	sld [smem:$0x3F88];
	s0 =	simm.s32 @p0 $0x1  }
0x13: {  	[smem:$0x3FA3] =	sst s0;
	s0 =	simm.s32 @!p1 $0x0  }
0x14: {  	s2 =	sld [smem:$0x3F87];
	s0 =	simm.s32 @p1 $0x1  }
0x15: {  	[smem:$0x3FA4] =	sst s0;
	s0 =	simm.s32 @!p2 $0x0  }
0x16: {  	s3 =	sld [smem:$0x3FDB];
	s0 =	simm.s32 @p2 $0x1  }
0x17: {  	s4 =	simm.s32 $0x1BF5;
	[smem:$0x3FA6] =	sst s0  }
0x18: {  	s0 =	sld [smem:$0x3F89];
	_ =	swait.ge [sflag:s4], $0x0  }
0x19: {  	s7 =	sld [smem:$0x3F8A]  }
0x1a: {  	s8 =	sadd.s32 $0xFFFFE003, lr  }
0x1b: {  	s9 =	sadd.s32 $0xFFFFFEF7, lr;
	s5 =	simm.s32 $0xFFFFFFFF;
	p2 =	slt.u32 s8, $0xFFFFF086  }
0x1c: {  	p1 =	slt.u32 s9, $0xF7A;
	s5 =	simm.s32 @!p2 $0x0  }
0x1d: {  	s5 =	simm.s32 @p1 $0x1;
	p0 =	seq.s32 s7, s2  }
0x1e: {  	s7 =	smul.u32 @!p0 $0xF7A, s2;
	p2 =	seq.s32 @!p0 s5, $0x0  }
0x1f: {  	s9 =	smul.u32 $0xF7A, s1;
	s8 =	simm.s32 @!p0 $0x1BF5;
	p2 =	por !p2, p0  }
0x20: {  	[sflag:s8] =	ssyncset.s32 @!p0 $0xFFFFF086;
	s6 =	sadd.s32 @!p0 s3, s7;
	s7 =	simm.s32 @!p0 $0x108  }
0x21: {  	s3 =	sadd.s32 s3, s9;
	s6 =	sadd.s32 @!p0 $0x88, s6;
	s7 =	simm.s32 @p2 $0x1082  }
0x22: {  	[simem:s7], [sflag:s8] =	dma.local @!p0 [hbm:s6], $0xF7A  }
0x23: {  	s9 =	sor.u32 $0xD0000000, s2;
	s6 =	simm.s32 $0x108;
	_ =	swait.ge @!p0 [sflag:s8], $0x0  }
0x24: {  	s3 =	sadd.s32 $0x88, s3;
	s6 =	simm.s32 @!p1 $0x1082;
	[sflag:s4] =	ssyncset.s32 $0xFFFFF086  }
0x25: {  	[simem:s6], [sflag:s4] =	dma.local [hbm:s3], $0xF7A  }
0x26: {  	[smem:$0x3F8A] =	sst s1;
	(tag) =	ssettag s2;
	_ =	strace s9  }
0x27: {  	s1 =	sld [smem:$0x3F9A]  }
0x28: {  	s2 =	sld [smem:$0x3F9B]  }
0x29: {  	s4 =	sld [smem:$0x3F9D]  }
0x2a: {  	p0 =	seq.s32 s5, $0x0;
	s5 =	sld [smem:$0x3F9E]  }
0x2b: {  	s6 =	sld [smem:$0x3F9F]  }
0x2c: {  	s7 =	sld [smem:$0x3FA0]  }
0x2d: {  	s3 =	simm.s32 $0x108;
	s8 =	sld [smem:$0x3FA1]  }
0x2e: {  	s3 =	simm.s32 @!p0 $0x1082;
	s9 =	sld [smem:$0x3FA2]  }
0x2f: {  	lr =	sadd.s32 s0, s3;
	s0 =	sld [smem:$0x3F99]  }
0x30: {  	s3 =	sld [smem:$0x3F9C]  }
0x31: {  	[smem:$0x3FA5] =	sst s10  }
0x32: {  	s10 =	sld [smem:$0x3FA3];
	_ =	sdelay $0x3  }
0x33: {  	p0 =	seq.s32 s10, $0x1;
	s10 =	sld [smem:$0x3FA5];
	_ =	sdelay $0x3  }
0x34: {  	[smem:$0x3FA5] =	sst s10  }
0x35: {  	s10 =	sld [smem:$0x3FA4];
	_ =	sdelay $0x3  }
0x36: {  	p1 =	seq.s32 s10, $0x1;
	s10 =	sld [smem:$0x3FA5];
	_ =	sdelay $0x3  }
0x37: {  	[smem:$0x3FA5] =	sst s10  }
0x38: {  	s10 =	sld [smem:$0x3FA6]  }
0x39: {  	_ = 	snop;
	(pc) =	sbr.ind lr, $3  }
0x3a: {  	_ = 	snop  }
0x3b: {  	_ = 	snop  }
0x3c: {  	p2 =	seq.s32 s10, $0x1;
	s10 =	sld [smem:$0x3FA5]  }
0x3d: {  	_ =	shalt  }
0x3e: {  	_ =	shalt  }
0x3f: {  	_ =	shalt  }
0x40: {  	_ =	shalt  }
0x41: {  	_ =	shalt  }
0x42: {  	_ =	shalt  }
0x43: {  	_ =	shalt  }
0x44: {  	_ =	shalt  }
0x45: {  	_ =	shalt  }
0x46: {  	_ =	shalt  }
0x47: {  	_ =	shalt  }
0x48: {  	_ =	shalt  }
0x49: {  	_ =	shalt  }
0x4a: {  	_ =	shalt  }
0x4b: {  	_ =	shalt  }
0x4c: {  	_ =	shalt  }
0x4d: {  	_ =	shalt  }
0x4e: {  	_ =	shalt  }
0x4f: {  	_ =	shalt  }
0x50: {  	_ =	shalt  }
0x51: {  	_ =	shalt  }
0x52: {  	_ =	shalt  }
0x53: {  	_ =	shalt  }
0x54: {  	_ =	shalt  }
0x55: {  	_ =	shalt  }
0x56: {  	_ =	shalt  }
0x57: {  	_ =	shalt  }
0x58: {  	_ =	shalt  }
0x59: {  	_ =	shalt  }
0x5a: {  	_ =	shalt  }
0x5b: {  	_ =	shalt  }
0x5c: {  	_ =	shalt  }
0x5d: {  	_ =	shalt  }
0x5e: {  	_ =	shalt  }
0x5f: {  	_ =	shalt  }
0x60: {  	_ =	shalt  }
0x61: {  	_ =	shalt  }
0x62: {  	_ =	shalt  }
0x63: {  	_ =	shalt  }
0x64: {  	_ =	shalt  }
0x65: {  	_ =	shalt  }
0x66: {  	_ =	shalt  }
0x67: {  	_ =	shalt  }
0x68: {  	_ =	shalt  }
0x69: {  	_ =	shalt  }
0x6a: {  	_ =	shalt  }
0x6b: {  	_ =	shalt  }
0x6c: {  	_ =	shalt  }
0x6d: {  	_ =	shalt  }
0x6e: {  	_ =	shalt  }
0x6f: {  	_ =	shalt  }
0x70: {  	_ =	shalt  }
0x71: {  	_ =	shalt  }
0x72: {  	_ =	shalt  }
0x73: {  	_ =	shalt  }
0x74: {  	_ =	shalt  }
0x75: {  	_ =	shalt  }
0x76: {  	_ =	shalt  }
0x77: {  	_ =	shalt  }
0x78: {  	_ =	shalt  }
0x79: {  	_ =	shalt  }
0x7a: {  	_ =	shalt  }
0x7b: {  	_ =	shalt  }
0x7c: {  	_ =	shalt  }
0x7d: {  	_ =	shalt  }
0x7e: {  	_ =	shalt  }
0x7f: {  	_ =	shalt  }
0x80: {  	_ =	shalt  }
0x81: {  	_ =	shalt  }
0x82: {  	_ =	shalt  }
0x83: {  	_ =	shalt  }
0x84: {  	_ =	shalt  }
0x85: {  	_ =	shalt  }
0x86: {  	_ =	shalt  }
0x87: {  	_ =	shalt  }
.Lfunc_end0:
.L_simem_size_0:
called_computation.1_lowered:
.L_overlay_start_0:
0x88: {  	s2 =	sld [smem:$0x3FD9]  }
0x89: {  	s3 =	sld [smem:$0x3FFE];
	_ =	sdelay $0x1  }
0x8a: {  	s1 =	srdreg.scid  }
0x8b: {  	s0 =	sand.u32 $0x1, s1  }
0x8c: {  	s16 =	sshll.u32 s0, $0xA;
	s2 =	sadd.s32 s3, s2  }
0x8d: {  	s2 =	sadd.s32 s2, s16  }
0x8e: {  	[smem:$0x3FB1] =	sst s2  }
0x8f: {  	_ = 	snop  }
0x90: {  	(tm) =	ssettm $0x1  }
0x91: {  	s17 =	sld [smem:$0x3FFB];
	_ =	sdelay $0x3  }
0x92: {  	_ =	strace s17  }
0x93: {  	s2 =	sld [smem:$0x3FFC];
	_ =	sdelay $0x3  }
0x94: {  	_ =	strace s2  }
0x95: {  	s2 =	sld [smem:$0x3FFD];
	_ =	sdelay $0x3  }
0x96: {  	_ =	strace s2  }
0x97: {  	_ =	strace $0x8FFFFFFF  }
0x98: {  	s18 =	sld [smem:$0x3FDB];
	_ =	sdelay $0x1  }
0x99: {  	s19 =	simm.s32 $_scs_section_size  }
0x9a: {  	s4 =	simm.s32 $_size__tile_overlayer_lowered;
	s5 =	simm.s32 $_tile_overlayer_lowered  }
0x9b: {  	s22 =	simm.s32 $0x1BFF;
	s21 =	sshll.u32 s5, $0x1;
	s2 =	sadd.s32 s19, s18  }
0x9c: {  	s6 =	simm.s32 $0x0;
	s20 =	sshll.u32 s4, $0x1;
	s4 =	sadd.s32 s21, s2  }
0x9d: {  	[timem:s6], [sflag:s22] =	dma.local [hbm:s4], s20  }
0x9e: {  	_ =	swait.ge [sflag:s22], s20  }
0x9f: {  	s3 =	ssub.s32 $0x0, s20;
	[sflag:s22] =	ssyncset.done $0x0  }
0xa0: {  	[sflag:s22] =	ssyncadd.s32 s3;
	_ =	sdelay $0x1  }
0xa1: {  	s23 =	simm.s32 $0x1B8B  }
0xa2: {  	_ =	swait.ge [sflag:s23], $0x1  }
0xa3: {  	[sflag:s23] =	ssyncset.done $0x0  }
0xa4: {  	s25 =	simm.s32 $0x1B8E;
	s24 =	sld [smem:$0x3FFE];
	[sflag:s23] =	ssyncadd.s32 $0xFFFFFFFF  }
0xa5: {  	s26 =	simm.s32 $execute0_lowered;
	[smem:$0x3FD2] =	sst s25  }
0xa6: {  	s4 =	sshll.u32 s26, $0x1;
	_ =	strace $0x80000049;
	[dreg:$0x1] =	wrdreg $0xFFFFFFFF  }
0xa7: {  	s28 =	simm.s32 $_size_execute0_lowered;
	s2 =	sadd.s32 s2, s4;
	[dreg:$0x0] =	wrdreg $0x0  }
0xa8: {  	s4 =	sshll.u32 s28, $0x1;
	[dreg:$0x2] =	wrdreg s2  }
0xa9: {  	[dreg:$0x3] =	wrdreg s4  }
0xaa: {  	[dreg:$0x4] =	wrdreg $0xC0  }
0xab: {  	_ =	task [dreg:s6], $0x5FFFF  }
0xac: {  	[dreg:$0x1] =	wrdreg $0xFFFFFFFF  }
0xad: {  	[dreg:$0x0] =	wrdreg $0x60  }
0xae: {  	[dreg:$0x2] =	wrdreg s24  }
0xaf: {  	[dreg:$0x3] =	wrdreg $0xA8000  }
0xb0: {  	[dreg:$0x4] =	wrdreg $0x9  }
0xb1: {  	_ =	task.clear_ibuf [dreg:s6], $0x5FFFF;
	_ =	strace $0x90000049  }
0xb2: {  	s29 =	simm.s32 $0x9;
	_ =	strace $0x8000004B  }
0xb3: {  	_ =	swait.ge [sflag:s29], $0x1  }
0xb4: {  	[sflag:s29] =	ssyncadd.s32 $0xFFFFFFFF  }
0xb5: {  	_ =	strace $0x9000004B  }
0xb6: {  	_ =	sfence  }
0xb7: {  	s30 =	sld [smem:$0x0];
	_ =	sdelay $0x2  }
0xb8: {  	s31 =	sshll.u32 s1, $0xD;
	s1 =	sshrl.u32 s1, $0x2  }
0xb9: {  	s3 =	sand.u32 $0x4000, s31;
	s1 =	sadd.s32 s1, s30  }
0xba: {  	s0 =	sor.u32 s3, s0;
	s1 =	sshll.u32 s1, $0x11  }
0xbb: {  	s0 =	sor.u32 s1, s0  }
0xbc: {  	s0 =	sadd.s32 $0x8F2B, s0  }
0xbd: {  	[sflag:s0] =	ssyncadd.remote.s32 $0x1  }
0xbe: {  	_ =	sfence.sel $0xFFFF  }
0xbf: {  	[dreg:$0x0] =	wrdreg $0xFFFFFFFF;
	(pc) =	sbr.abs _section_cstart, $3  }
0xc0: {  	[dreg:$0x1] =	wrdreg $0xFFFFFFFF  }
0xc1: {  	_ =	task.clear_ibuf [dreg:s6], $0x2FFFF;
	_ =	strace $0x9FFFFFFF  }
0xc2: {  	(tm) =	ssettm $0x7FFFFFFF  }
0xc3: {  	_ =	shalt  }
tec
execute0_lowered:
.L_overlay_start_1:
0x0: {  	(tag) =	ssettag $0x1  }
0x1: {  	s0 =	rddreg [dreg:$0x0]  }
0x2: {  	s1 =	rddreg [dreg:$0x1]  }
0x3: {  	s2 =	srdreg.scid;
	s3 =	simm.s32 $0x0;
	s9 =	stileid.u32  }
0x4: {  	s17 =	simm.s32 $0x2800;
	s18 =	simm.s32 $0x3;
	s19 =	simm.s32 $0x1400  }
0x5: {  	s20 =	simm.s32 $0x40;
	s28 =	simm.s32 $0x1380;
	s29 =	simm.s32 $0x13C0  }
0x6: {  	s30 =	simm.s32 $0x2700;
	s31 =	simm.s32 $0x2780;
	s2 =	sand.u32 $0x1, s2  }
0x7: {  	[smem:$0x7FF] =	sst s3;
	s6 =	smul.u32 $0x14000, s9;
	s4 =	sadd.s32 $0x18600, s0  }
0x8: {  	s13 =	sadd.s32 $0xE600, s0;
	s14 =	sadd.s32 $0x4600, s0;
	s7 =	smul.u32 $0x50000, s9  }
0x9: {  	s21 =	sadd.s32 $0x40600, s0;
	s22 =	sshll.u32 s9, $0x1;
	s5 =	smul.u32 $0x140000, s2  }
0xa: {  	_ =	strace $0x8000004A;
	[dreg:$0x3] =	wrdreg s21;
	s23 =	ssub.s32 $0x2, s2  }
0xb: {  	s2 =	sor.u32 s2, s22;
	s21 =	simm.s32 $0x4800;
	s22 =	simm.s32 $0x1  }
0xc: {  	s24 =	sshrl.u32 s7, $0x2;
	s25 =	sshrl.u32 s23, $0x1;
	s10 =	smul.u32 $0x2800, s2  }
0xd: {  	s2 =	smul.u32 $0x500, s2;
	s6 =	sadd.s32 s6, s5;
	s16 =	ssub.s32 s23, s25  }
0xe: {  	s23 =	simm.s32 $0x6800;
	s25 =	simm.s32 $0x80;
	s8 =	sshrl.u32 s6, $0x3  }
0xf: {  	s6 =	sadd.s32 s24, s1;
	s11 =	sshrl.u32 s10, $0x3;
	s12 =	sadd.s32 s14, s2  }
0x10: {  	s16 =	smax.u32 s16, $0x1;
	s24 =	simm.s32 $0x8800;
	s0 =	sadd.s32 s8, s0  }
0x11: {  	s26 =	sadd.s32 $0x4000, s6;
	s8 =	sadd.s32 $0x8000, s6;
	s9 =	sadd.s32 $0xC000, s6  }
0x12: {  	s10 =	sadd.s32 $0x10000, s6;
	s15 =	sadd.s32 $0x280, s11;
	s11 =	sadd.s32 s13, s2  }
0x13: {  	[dreg:$0x4] =	wrdreg s26;
	s13 =	sadd.s32 s13, s15;
	s14 =	sadd.s32 s14, s15  }
0x14: {  	s15 =	sadd.s32 $0x40E00, s0;
	s26 =	simm.s32 $0x2;
	s0 =	simm.s32 $0x0  }
.LBB2_1:
0x15: {  	s2 =	rddreg [dreg:$0x3]  }
0x16: {  	[tilespmem:s17], [sflag:$0x3] =	stream.linear.gather [hbm4b:s2+s3], $0x4000, $0x38;
	[tilespmem:$0x1E800] =	vst v63  }
0x17: {  	_ =	swait.ge [sflag:s18], $0x4000  }
0x18: {  	[sflag:s18] =	ssyncset.done $0x0  }
0x19: {  	[sflag:s18] =	ssyncadd.s32 $0xFFFFC000  }
0x1a: {  	[spmem:s6] =	stream.linear.scatter [tilespmem:s17], [sflag:$0x3], $0x4000, $0x38;
	[tilespmem:$0x1E800] =	vst v63  }
0x1b: {  	_ =	swait.ge [sflag:s18], $0x4000  }
0x1c: {  	[sflag:s18] =	ssyncset.done $0x0  }
0x1d: {  	s7 =	rddreg [dreg:$0x4];
	[sflag:s18] =	ssyncadd.s32 $0xFFFFC000  }
0x1e: {  	[spmem:s7] =	stream.linear.scatter [tilespmem:s17], [sflag:$0x3], $0x4000, $0x38;
	[tilespmem:$0x1E800] =	vst v63  }
0x1f: {  	_ =	swait.ge [sflag:s18], $0x4000  }
0x20: {  	[sflag:s18] =	ssyncset.done $0x0  }
0x21: {  	[sflag:s18] =	ssyncadd.s32 $0xFFFFC000  }
0x22: {  	[spmem:s8] =	stream.linear.scatter [tilespmem:s17], [sflag:$0x3], $0x4000, $0x38;
	[tilespmem:$0x1E800] =	vst v63  }
0x23: {  	_ =	swait.ge [sflag:s18], $0x4000  }
0x24: {  	[sflag:s18] =	ssyncset.done $0x0  }
0x25: {  	[sflag:s18] =	ssyncadd.s32 $0xFFFFC000  }
0x26: {  	[spmem:s9] =	stream.linear.scatter [tilespmem:s17], [sflag:$0x3], $0x4000, $0x38;
	[tilespmem:$0x1E800] =	vst v63  }
0x27: {  	_ =	swait.ge [sflag:s18], $0x4000  }
0x28: {  	[sflag:s18] =	ssyncset.done $0x0  }
0x29: {  	[sflag:s18] =	ssyncadd.s32 $0xFFFFC000  }
0x2a: {  	[spmem:s10] =	stream.linear.scatter [tilespmem:s17], [sflag:$0x3], $0x4000, $0x38;
	[tilespmem:$0x1E800] =	vst v63  }
0x2b: {  	_ =	swait.ge [sflag:s18], $0x4000  }
0x2c: {  	[sflag:s18] =	ssyncset.done $0x0  }
0x2d: {  	[sflag:s18] =	ssyncadd.s32 $0xFFFFC000  }
0x2e: {  	[bflag:$0x0] =	sbarrier.arrive $0xFFFF  }
0x2f: {  	[tilespmem:s3], [sflag:$0x3] =	stream.linear.gather [hbm4b:s11+s3], $0x1400, $0x38;
	[tilespmem:$0x1E800] =	vst v63  }
0x30: {  	_ =	swait.ge [sflag:s18], $0x1400  }
0x31: {  	[sflag:s18] =	ssyncset.done $0x0  }
0x32: {  	[sflag:s18] =	ssyncadd.s32 $0xFFFFEC00  }
0x33: {  	[tilespmem:s19], [sflag:$0x3] =	stream.linear.gather [hbm4b:s12+s3], $0x1400, $0x38;
	[tilespmem:$0x1E800] =	vst v63  }
0x34: {  	_ =	swait.ge [sflag:s18], $0x1400  }
0x35: {  	[sflag:s18] =	ssyncset.done $0x0  }
0x36: {  	[sflag:s18] =	ssyncadd.s32 $0xFFFFEC00  }
0x37: {  	[tilespmem:s17], [sflag:$0x1] =	stream.indirect.gather [hbm4b:s4+s20], $0x80, s3, s20, $0xb8;
	[tilespmem:$0x1E800] =	vst v63  }
0x38: {  	_ = 	snop  }
0x39: {  	[tilespmem:s21], [sflag:$0x1] =	stream.indirect.gather [hbm4b:s4+s20], $0x80, s20, s20, $0xb8;
	[tilespmem:$0x1E800] =	vst v63  }
0x3a: {  	_ =	swait.ge [sflag:s22], $0x2000  }
0x3b: {  	[sflag:s22] =	ssyncset.done $0x0  }
0x3c: {  	[sflag:s22] =	ssyncadd.s32 $0xFFFFE000  }
0x3d: {  	_ =	swait.ge [sflag:s22], $0x2000  }
0x3e: {  	[sflag:s22] =	ssyncset.done $0x0  }
0x3f: {  	s5 =	simm.s32 $0x80;
	[sflag:s22] =	ssyncadd.s32 $0xFFFFE000  }
0x40: {  	[tilespmem:s23], [sflag:$0x2] =	stream.indirect.gather [hbm4b:s4+s20], $0x80, s5, s20, $0xb8;
	[tilespmem:$0x1E800] =	vst v63  }
0x41: {  	s7 =	simm.s32 $0xC0  }
0x42: {  	[tilespmem:s24], [sflag:$0x2] =	stream.indirect.gather [hbm4b:s4+s20], $0x80, s7, s20, $0xb8;
	[tilespmem:$0x1E800] =	vst v63  }
0x43: {  	s5 =	simm.s32 $0x1400  }
0x44: {  	[spmem:s1] =	stream.indirect.scatter.add.f32 [tilespmem:s17], [sflag:$0x3], $0x80, s5, s25, $0xb8;
	[tilespmem:$0x1E800] =	vst v63  }
0x45: {  	_ =	swait.ge [sflag:s18], $0x4000  }
0x46: {  	[sflag:s18] =	ssyncset.done $0x0  }
0x47: {  	[sflag:s18] =	ssyncadd.s32 $0xFFFFC000  }
0x48: {  	_ =	swait.ge [sflag:s26], $0x2000  }
0x49: {  	[sflag:s26] =	ssyncset.done $0x0  }
0x4a: {  	[sflag:s26] =	ssyncadd.s32 $0xFFFFE000  }
0x4b: {  	_ =	swait.ge [sflag:s26], $0x2000  }
0x4c: {  	[sflag:s26] =	ssyncset.done $0x0  }
0x4d: {  	s7 =	simm.s32 $0x100;
	[sflag:s26] =	ssyncadd.s32 $0xFFFFE000  }
0x4e: {  	[tilespmem:s17], [sflag:$0x1] =	stream.indirect.gather [hbm4b:s4+s20], $0x80, s7, s20, $0xb8;
	[tilespmem:$0x1E800] =	vst v63  }
0x4f: {  	s5 =	simm.s32 $0x140  }
0x50: {  	[tilespmem:s21], [sflag:$0x1] =	stream.indirect.gather [hbm4b:s4+s20], $0x80, s5, s20, $0xb8;
	[tilespmem:$0x1E800] =	vst v63  }
0x51: {  	s7 =	simm.s32 $0x1480  }
0x52: {  	[spmem:s1] =	stream.indirect.scatter.add.f32 [tilespmem:s23], [sflag:$0x3], $0x80, s7, s25, $0xb8;
	[tilespmem:$0x1E800] =	vst v63  }
0x53: {  	_ =	swait.ge [sflag:s18], $0x4000  }
0x54: {  	s2 =	simm.s32 $0x400;
	[sflag:s18] =	ssyncset.done $0x0  }
.LBB2_2:
0x55: {  	p0 =	sne.s32 s2, $0x4800  }
0x56: {  	[sflag:s18] =	ssyncadd.s32 $0xFFFFC000;
	s5 =	smov.u32 s2;
	s2 =	sadd.s32 $0x400, s2  }
0x57: {  	_ = 	snop  }
0x58: {  	_ =	swait.ge [sflag:s22], $0x2000  }
0x59: {  	[sflag:s22] =	ssyncset.done $0x0  }
0x5a: {  	[sflag:s22] =	ssyncadd.s32 $0xFFFFE000  }
0x5b: {  	_ =	swait.ge [sflag:s22], $0x2000  }
0x5c: {  	s5 =	sshra.s32 s5, $0x2;
	[sflag:s22] =	ssyncset.done $0x0  }
0x5d: {  	s7 =	sadd.s32 $0x80, s5;
	[sflag:s22] =	ssyncadd.s32 $0xFFFFE000  }
0x5e: {  	[tilespmem:s23], [sflag:$0x2] =	stream.indirect.gather [hbm4b:s4+s20], $0x80, s7, s20, $0xb8;
	[tilespmem:$0x1E800] =	vst v63  }
0x5f: {  	s7 =	sadd.s32 $0xC0, s5  }
0x60: {  	[tilespmem:s24], [sflag:$0x2] =	stream.indirect.gather [hbm4b:s4+s20], $0x80, s7, s20, $0xb8;
	[tilespmem:$0x1E800] =	vst v63  }
0x61: {  	s7 =	sadd.s32 $0x1400, s5  }
0x62: {  	[spmem:s1] =	stream.indirect.scatter.add.f32 [tilespmem:s17], [sflag:$0x3], $0x80, s7, s25, $0xb8;
	[tilespmem:$0x1E800] =	vst v63  }
0x63: {  	_ =	swait.ge [sflag:s18], $0x4000  }
0x64: {  	[sflag:s18] =	ssyncset.done $0x0  }
0x65: {  	[sflag:s18] =	ssyncadd.s32 $0xFFFFC000  }
0x66: {  	_ =	swait.ge [sflag:s26], $0x2000  }
0x67: {  	[sflag:s26] =	ssyncset.done $0x0  }
0x68: {  	[sflag:s26] =	ssyncadd.s32 $0xFFFFE000  }
0x69: {  	_ =	swait.ge [sflag:s26], $0x2000  }
0x6a: {  	[sflag:s26] =	ssyncset.done $0x0  }
0x6b: {  	s7 =	sadd.s32 $0x100, s5;
	[sflag:s26] =	ssyncadd.s32 $0xFFFFE000  }
0x6c: {  	[tilespmem:s17], [sflag:$0x1] =	stream.indirect.gather [hbm4b:s4+s20], $0x80, s7, s20, $0xb8;
	[tilespmem:$0x1E800] =	vst v63  }
0x6d: {  	s7 =	sadd.s32 $0x140, s5  }
0x6e: {  	[tilespmem:s21], [sflag:$0x1] =	stream.indirect.gather [hbm4b:s4+s20], $0x80, s7, s20, $0xb8;
	[tilespmem:$0x1E800] =	vst v63  }
.Ltmp0:
0x6f: {  	_ = 	snop;
	(pc) =	sbr.rel @p0 .LBB2_2-.Ltmp0, $4  }
0x70: {  	s5 =	sadd.s32 $0x1480, s5  }
0x71: {  	[spmem:s1] =	stream.indirect.scatter.add.f32 [tilespmem:s23], [sflag:$0x3], $0x80, s5, s25, $0xb8;
	[tilespmem:$0x1E800] =	vst v63  }
0x72: {  	_ =	swait.ge [sflag:s18], $0x4000  }
0x73: {  	[sflag:s18] =	ssyncset.done $0x0  }
0x74: {  	[sflag:s18] =	ssyncadd.s32 $0xFFFFC000  }
0x75: {  	_ =	swait.ge [sflag:s22], $0x2000  }
0x76: {  	[sflag:s22] =	ssyncset.done $0x0  }
0x77: {  	[sflag:s22] =	ssyncadd.s32 $0xFFFFE000  }
0x78: {  	_ =	swait.ge [sflag:s22], $0x2000  }
0x79: {  	[sflag:s22] =	ssyncset.done $0x0  }
0x7a: {  	[sflag:s22] =	ssyncadd.s32 $0xFFFFE000  }
0x7b: {  	[tilespmem:s23], [sflag:$0x2] =	stream.indirect.gather [hbm4b:s4+s20], $0x80, s28, s20, $0xb8;
	[tilespmem:$0x1E800] =	vst v63  }
0x7c: {  	_ = 	snop  }
0x7d: {  	[tilespmem:s24], [sflag:$0x2] =	stream.indirect.gather [hbm4b:s4+s20], $0x80, s29, s20, $0xb8;
	[tilespmem:$0x1E800] =	vst v63  }
0x7e: {  	_ = 	snop  }
0x7f: {  	[spmem:s1] =	stream.indirect.scatter.add.f32 [tilespmem:s17], [sflag:$0x3], $0x80, s30, s25, $0xb8;
	[tilespmem:$0x1E800] =	vst v63  }
0x80: {  	_ =	swait.ge [sflag:s18], $0x4000  }
0x81: {  	[sflag:s18] =	ssyncset.done $0x0  }
0x82: {  	[sflag:s18] =	ssyncadd.s32 $0xFFFFC000  }
0x83: {  	_ =	swait.ge [sflag:s26], $0x2000  }
0x84: {  	[sflag:s26] =	ssyncset.done $0x0  }
0x85: {  	[sflag:s26] =	ssyncadd.s32 $0xFFFFE000  }
0x86: {  	_ =	swait.ge [sflag:s26], $0x2000  }
0x87: {  	[sflag:s26] =	ssyncset.done $0x0  }
0x88: {  	[sflag:s26] =	ssyncadd.s32 $0xFFFFE000  }
0x89: {  	[spmem:s1] =	stream.indirect.scatter.add.f32 [tilespmem:s23], [sflag:$0x3], $0x80, s31, s25, $0xb8;
	[tilespmem:$0x1E800] =	vst v63  }
0x8a: {  	_ =	swait.ge [sflag:s18], $0x4000  }
0x8b: {  	[sflag:s18] =	ssyncset.done $0x0  }
0x8c: {  	s2 =	simm.s32 $0x0;
	[sflag:s18] =	ssyncadd.s32 $0xFFFFC000  }
0x8d: {  	[tilespmem:s2], [sflag:$0x3] =	stream.linear.gather [hbm4b:s13+s2], $0x1400, $0x38;
	[tilespmem:$0x1E800] =	vst v63  }
0x8e: {  	_ =	swait.ge [sflag:s18], $0x1400  }
0x8f: {  	[sflag:s18] =	ssyncset.done $0x0  }
0x90: {  	[sflag:s18] =	ssyncadd.s32 $0xFFFFEC00  }
0x91: {  	[tilespmem:s19], [sflag:$0x3] =	stream.linear.gather [hbm4b:s14+s2], $0x1400, $0x38;
	[tilespmem:$0x1E800] =	vst v63  }
0x92: {  	_ =	swait.ge [sflag:s18], $0x1400  }
0x93: {  	[sflag:s18] =	ssyncset.done $0x0  }
0x94: {  	[sflag:s18] =	ssyncadd.s32 $0xFFFFEC00  }
0x95: {  	[tilespmem:s17], [sflag:$0x1] =	stream.indirect.gather [hbm4b:s4+s20], $0x80, s2, s20, $0xb8;
	[tilespmem:$0x1E800] =	vst v63  }
0x96: {  	_ = 	snop  }
0x97: {  	[tilespmem:s21], [sflag:$0x1] =	stream.indirect.gather [hbm4b:s4+s20], $0x80, s20, s20, $0xb8;
	[tilespmem:$0x1E800] =	vst v63  }
0x98: {  	_ =	swait.ge [sflag:s22], $0x2000  }
0x99: {  	[sflag:s22] =	ssyncset.done $0x0  }
0x9a: {  	[sflag:s22] =	ssyncadd.s32 $0xFFFFE000  }
0x9b: {  	_ =	swait.ge [sflag:s22], $0x2000  }
0x9c: {  	[sflag:s22] =	ssyncset.done $0x0  }
0x9d: {  	s5 =	simm.s32 $0x80;
	[sflag:s22] =	ssyncadd.s32 $0xFFFFE000  }
0x9e: {  	[tilespmem:s23], [sflag:$0x2] =	stream.indirect.gather [hbm4b:s4+s20], $0x80, s5, s20, $0xb8;
	[tilespmem:$0x1E800] =	vst v63  }
0x9f: {  	s7 =	simm.s32 $0xC0  }
0xa0: {  	[tilespmem:s24], [sflag:$0x2] =	stream.indirect.gather [hbm4b:s4+s20], $0x80, s7, s20, $0xb8;
	[tilespmem:$0x1E800] =	vst v63  }
0xa1: {  	s5 =	simm.s32 $0x1400  }
0xa2: {  	[spmem:s1] =	stream.indirect.scatter.add.f32 [tilespmem:s17], [sflag:$0x3], $0x80, s5, s25, $0xb8;
	[tilespmem:$0x1E800] =	vst v63  }
0xa3: {  	_ =	swait.ge [sflag:s18], $0x4000  }
0xa4: {  	[sflag:s18] =	ssyncset.done $0x0  }
0xa5: {  	[sflag:s18] =	ssyncadd.s32 $0xFFFFC000  }
0xa6: {  	_ =	swait.ge [sflag:s26], $0x2000  }
0xa7: {  	[sflag:s26] =	ssyncset.done $0x0  }
0xa8: {  	[sflag:s26] =	ssyncadd.s32 $0xFFFFE000  }
0xa9: {  	_ =	swait.ge [sflag:s26], $0x2000  }
0xaa: {  	[sflag:s26] =	ssyncset.done $0x0  }
0xab: {  	s7 =	simm.s32 $0x100;
	[sflag:s26] =	ssyncadd.s32 $0xFFFFE000  }
0xac: {  	[tilespmem:s17], [sflag:$0x1] =	stream.indirect.gather [hbm4b:s4+s20], $0x80, s7, s20, $0xb8;
	[tilespmem:$0x1E800] =	vst v63  }
0xad: {  	s5 =	simm.s32 $0x140  }
0xae: {  	[tilespmem:s21], [sflag:$0x1] =	stream.indirect.gather [hbm4b:s4+s20], $0x80, s5, s20, $0xb8;
	[tilespmem:$0x1E800] =	vst v63  }
0xaf: {  	s7 =	simm.s32 $0x1480  }
0xb0: {  	[spmem:s1] =	stream.indirect.scatter.add.f32 [tilespmem:s23], [sflag:$0x3], $0x80, s7, s25, $0xb8;
	[tilespmem:$0x1E800] =	vst v63  }
0xb1: {  	_ =	swait.ge [sflag:s18], $0x4000  }
0xb2: {  	s2 =	simm.s32 $0x400;
	[sflag:s18] =	ssyncset.done $0x0  }
.LBB2_4:
0xb3: {  	p0 =	sne.s32 s2, $0x4800  }
0xb4: {  	[sflag:s18] =	ssyncadd.s32 $0xFFFFC000;
	s5 =	smov.u32 s2;
	s2 =	sadd.s32 $0x400, s2  }
0xb5: {  	_ = 	snop  }
0xb6: {  	_ =	swait.ge [sflag:s22], $0x2000  }
0xb7: {  	[sflag:s22] =	ssyncset.done $0x0  }
0xb8: {  	[sflag:s22] =	ssyncadd.s32 $0xFFFFE000  }
0xb9: {  	_ =	swait.ge [sflag:s22], $0x2000  }
0xba: {  	s5 =	sshra.s32 s5, $0x2;
	[sflag:s22] =	ssyncset.done $0x0  }
0xbb: {  	s7 =	sadd.s32 $0x80, s5;
	[sflag:s22] =	ssyncadd.s32 $0xFFFFE000  }
0xbc: {  	[tilespmem:s23], [sflag:$0x2] =	stream.indirect.gather [hbm4b:s4+s20], $0x80, s7, s20, $0xb8;
	[tilespmem:$0x1E800] =	vst v63  }
0xbd: {  	s7 =	sadd.s32 $0xC0, s5  }
0xbe: {  	[tilespmem:s24], [sflag:$0x2] =	stream.indirect.gather [hbm4b:s4+s20], $0x80, s7, s20, $0xb8;
	[tilespmem:$0x1E800] =	vst v63  }
0xbf: {  	s7 =	sadd.s32 $0x1400, s5  }
0xc0: {  	[spmem:s1] =	stream.indirect.scatter.add.f32 [tilespmem:s17], [sflag:$0x3], $0x80, s7, s25, $0xb8;
	[tilespmem:$0x1E800] =	vst v63  }
0xc1: {  	_ =	swait.ge [sflag:s18], $0x4000  }
0xc2: {  	[sflag:s18] =	ssyncset.done $0x0  }
0xc3: {  	[sflag:s18] =	ssyncadd.s32 $0xFFFFC000  }
0xc4: {  	_ =	swait.ge [sflag:s26], $0x2000  }
0xc5: {  	[sflag:s26] =	ssyncset.done $0x0  }
0xc6: {  	[sflag:s26] =	ssyncadd.s32 $0xFFFFE000  }
0xc7: {  	_ =	swait.ge [sflag:s26], $0x2000  }
0xc8: {  	[sflag:s26] =	ssyncset.done $0x0  }
0xc9: {  	s7 =	sadd.s32 $0x100, s5;
	[sflag:s26] =	ssyncadd.s32 $0xFFFFE000  }
0xca: {  	[tilespmem:s17], [sflag:$0x1] =	stream.indirect.gather [hbm4b:s4+s20], $0x80, s7, s20, $0xb8;
	[tilespmem:$0x1E800] =	vst v63  }
0xcb: {  	s7 =	sadd.s32 $0x140, s5  }
0xcc: {  	[tilespmem:s21], [sflag:$0x1] =	stream.indirect.gather [hbm4b:s4+s20], $0x80, s7, s20, $0xb8;
	[tilespmem:$0x1E800] =	vst v63  }
.Ltmp1:
0xcd: {  	_ = 	snop;
	(pc) =	sbr.rel @p0 .LBB2_4-.Ltmp1, $4  }
0xce: {  	s5 =	sadd.s32 $0x1480, s5  }
0xcf: {  	[spmem:s1] =	stream.indirect.scatter.add.f32 [tilespmem:s23], [sflag:$0x3], $0x80, s5, s25, $0xb8;
	[tilespmem:$0x1E800] =	vst v63  }
0xd0: {  	_ =	swait.ge [sflag:s18], $0x4000  }
0xd1: {  	[sflag:s18] =	ssyncset.done $0x0  }
0xd2: {  	[sflag:s18] =	ssyncadd.s32 $0xFFFFC000  }
0xd3: {  	_ =	swait.ge [sflag:s22], $0x2000  }
0xd4: {  	[sflag:s22] =	ssyncset.done $0x0  }
0xd5: {  	[sflag:s22] =	ssyncadd.s32 $0xFFFFE000  }
0xd6: {  	_ =	swait.ge [sflag:s22], $0x2000  }
0xd7: {  	[sflag:s22] =	ssyncset.done $0x0  }
0xd8: {  	[sflag:s22] =	ssyncadd.s32 $0xFFFFE000  }
0xd9: {  	[tilespmem:s23], [sflag:$0x2] =	stream.indirect.gather [hbm4b:s4+s20], $0x80, s28, s20, $0xb8;
	[tilespmem:$0x1E800] =	vst v63  }
0xda: {  	_ = 	snop  }
0xdb: {  	[tilespmem:s24], [sflag:$0x2] =	stream.indirect.gather [hbm4b:s4+s20], $0x80, s29, s20, $0xb8;
	[tilespmem:$0x1E800] =	vst v63  }
0xdc: {  	_ = 	snop  }
0xdd: {  	[spmem:s1] =	stream.indirect.scatter.add.f32 [tilespmem:s17], [sflag:$0x3], $0x80, s30, s25, $0xb8;
	[tilespmem:$0x1E800] =	vst v63  }
0xde: {  	_ =	swait.ge [sflag:s18], $0x4000  }
0xdf: {  	[sflag:s18] =	ssyncset.done $0x0  }
0xe0: {  	[sflag:s18] =	ssyncadd.s32 $0xFFFFC000  }
0xe1: {  	_ =	swait.ge [sflag:s26], $0x2000  }
0xe2: {  	[sflag:s26] =	ssyncset.done $0x0  }
0xe3: {  	[sflag:s26] =	ssyncadd.s32 $0xFFFFE000  }
0xe4: {  	_ =	swait.ge [sflag:s26], $0x2000  }
0xe5: {  	[sflag:s26] =	ssyncset.done $0x0  }
0xe6: {  	[sflag:s26] =	ssyncadd.s32 $0xFFFFE000  }
0xe7: {  	[spmem:s1] =	stream.indirect.scatter.add.f32 [tilespmem:s23], [sflag:$0x3], $0x80, s31, s25, $0xb8;
	[tilespmem:$0x1E800] =	vst v63  }
0xe8: {  	s2 =	stileid.u32;
	_ =	swait.ge [sflag:s18], $0x4000  }
0xe9: {  	s5 =	sshrl.u32 s6, $0x3;
	s0 =	sadd.s32 $0x1, s0;
	[sflag:s18] =	ssyncset.done $0x0  }
0xea: {  	s2 =	sshll.u32 s2, $0x6;
	p0 =	sne.s32 s0, s16;
	[sflag:s18] =	ssyncadd.s32 $0xFFFFC000  }
.Ltmp2:
0xeb: {  	s2 =	sor.u32 $0x1C03, s2;
	[bflag:$0x0] =	sbarrier.arrive $0xFFFF;
	(pc) =	sbr.rel @p0 .LBB2_1-.Ltmp2, $4  }
0xec: {  	[hbm:s15], [sflag:s2] =	dma.local [spmem:s5], $0x2800  }
0xed: {  	_ =	swait.ge [sflag:s18], $0x2800  }
0xee: {  	[sflag:s18] =	ssyncset.done $0x0  }
0xef: {  	[sflag:s18] =	ssyncadd.s32 $0xFFFFD800  }
0xf0: {  	_ =	sfence.sel $0x180000  }
0xf1: {  	[bflag:$0x0] =	sbarrier.arrive $0xFFFF  }
0xf2: {  	_ =	strace $0x9000004A  }
0xf3: {  	s0 =	stileid.u32;
	[bflag:$0x2] =	sbarrier.arrive $0xFFFF  }
0xf4: {  	p0 =	sne.s32 s0, $0x0;
	s0 =	rddreg [dreg:$0x2]  }
0xf5: {  	s0 =	sadd.s32 @!p0 $0x100000, s0  }
0xf6: {  	[sflag:s0] =	ssyncadd.tile.s32 @!p0 $0x1;
	_ =	shalt  }
.Lfunc_end2:
_tile_overlayer_lowered:
.L_overlay_start_2:
0xf7: {  	(tag) =	ssettag $0x2  }
0xf8: {  	s0 =	rddreg [dreg:$0x0];
	s2 =	stileid.u32  }
0xf9: {  	s1 =	rddreg [dreg:$0x1];
	p0 =	sne.s32 s2, $0x0  }
0xfa: {  	s3 =	rddreg [dreg:$0x2];
	[bflag:$0x3] =	sbarrier.arrive $0xFFFF;
	s2 =	simm.s32 @!p0 $0x1C03  }
0xfb: {  	[timem:s3], [sflag:s2] =	dma.local @!p0 [hbm:s0], s1  }
0xfc: {  	s0 =	simm.s32 @!p0 $0x3  }
0xfd: {  	_ =	swait.ge @!p0 [sflag:s0], s1  }
0xfe: {  	s1 =	ssub.s32 @!p0 $0x0, s1;
	[sflag:s0] =	ssyncset.done @!p0 $0x0  }
0xff: {  	[sflag:s0] =	ssyncadd.s32 @!p0 s1  }
0x100: {  	[bflag:$0x3] =	sbarrier.arrive $0xFFFF  }
0x101: {  	_ =	shalt  }

// kernel: kernel.14.cloned.1.call-start
scs
__scs_entry_jumppad:
0x0: {  	(pc) =	sbr.rel $0x88, $3  }
0x1: {  	(tag) =	ssettag $0x0;
	lr =	simm.s32 $0x1  }
0x2: {  	[smem:$0x3F8A] =	sst lr;
	_ =	strace $0xD0000000  }
0x3: {  	_ = 	snop  }
0x4: {  	_ = 	snop  }
0x5: {  	_ = 	snop  }
0x6: {  	_ = 	snop  }
0x7: {  	_ = 	snop  }
__scs_overlays_trampoline_lowered:
0x8: {  	[smem:$0x3F99] =	sst s0  }
0x9: {  	[smem:$0x3F9A] =	sst s1  }
0xa: {  	[smem:$0x3F9B] =	sst s2  }
0xb: {  	[smem:$0x3F9C] =	sst s3  }
0xc: {  	[smem:$0x3F9D] =	sst s4  }
0xd: {  	[smem:$0x3F9E] =	sst s5  }
0xe: {  	[smem:$0x3F9F] =	sst s6  }
0xf: {  	[smem:$0x3FA0] =	sst s7  }
0x10: {  	[smem:$0x3FA1] =	sst s8  }
0x11: {  	[smem:$0x3FA2] =	sst s9;
	s0 =	simm.s32 @!p0 $0x0  }
0x12: {  	s1 =	sld [smem:$0x3F88];
	s0 =	simm.s32 @p0 $0x1  }
0x13: {  	[smem:$0x3FA3] =	sst s0;
	s0 =	simm.s32 @!p1 $0x0  }
0x14: {  	s2 =	sld [smem:$0x3F87];
	s0 =	simm.s32 @p1 $0x1  }
0x15: {  	[smem:$0x3FA4] =	sst s0;
	s0 =	simm.s32 @!p2 $0x0  }
0x16: {  	s3 =	sld [smem:$0x3FDB];
	s0 =	simm.s32 @p2 $0x1  }
0x17: {  	s4 =	simm.s32 $0x1BF5;
	[smem:$0x3FA6] =	sst s0  }
0x18: {  	s0 =	sld [smem:$0x3F89];
	_ =	swait.ge [sflag:s4], $0x0  }
0x19: {  	s7 =	sld [smem:$0x3F8A]  }
0x1a: {  	s8 =	sadd.s32 $0xFFFFE003, lr  }
0x1b: {  	s9 =	sadd.s32 $0xFFFFFEF7, lr;
	s5 =	simm.s32 $0xFFFFFFFF;
	p2 =	slt.u32 s8, $0xFFFFF086  }
0x1c: {  	p1 =	slt.u32 s9, $0xF7A;
	s5 =	simm.s32 @!p2 $0x0  }
0x1d: {  	s5 =	simm.s32 @p1 $0x1;
	p0 =	seq.s32 s7, s2  }
0x1e: {  	s7 =	smul.u32 @!p0 $0xF7A, s2;
	p2 =	seq.s32 @!p0 s5, $0x0  }
0x1f: {  	s9 =	smul.u32 $0xF7A, s1;
	s8 =	simm.s32 @!p0 $0x1BF5;
	p2 =	por !p2, p0  }
0x20: {  	[sflag:s8] =	ssyncset.s32 @!p0 $0xFFFFF086;
	s6 =	sadd.s32 @!p0 s3, s7;
	s7 =	simm.s32 @!p0 $0x108  }
0x21: {  	s3 =	sadd.s32 s3, s9;
	s6 =	sadd.s32 @!p0 $0x88, s6;
	s7 =	simm.s32 @p2 $0x1082  }
0x22: {  	[simem:s7], [sflag:s8] =	dma.local @!p0 [hbm:s6], $0xF7A  }
0x23: {  	s9 =	sor.u32 $0xD0000000, s2;
	s6 =	simm.s32 $0x108;
	_ =	swait.ge @!p0 [sflag:s8], $0x0  }
0x24: {  	s3 =	sadd.s32 $0x88, s3;
	s6 =	simm.s32 @!p1 $0x1082;
	[sflag:s4] =	ssyncset.s32 $0xFFFFF086  }
0x25: {  	[simem:s6], [sflag:s4] =	dma.local [hbm:s3], $0xF7A  }
0x26: {  	[smem:$0x3F8A] =	sst s1;
	(tag) =	ssettag s2;
	_ =	strace s9  }
0x27: {  	s1 =	sld [smem:$0x3F9A]  }
0x28: {  	s2 =	sld [smem:$0x3F9B]  }
0x29: {  	s4 =	sld [smem:$0x3F9D]  }
0x2a: {  	p0 =	seq.s32 s5, $0x0;
	s5 =	sld [smem:$0x3F9E]  }
0x2b: {  	s6 =	sld [smem:$0x3F9F]  }
0x2c: {  	s7 =	sld [smem:$0x3FA0]  }
0x2d: {  	s3 =	simm.s32 $0x108;
	s8 =	sld [smem:$0x3FA1]  }
0x2e: {  	s3 =	simm.s32 @!p0 $0x1082;
	s9 =	sld [smem:$0x3FA2]  }
0x2f: {  	lr =	sadd.s32 s0, s3;
	s0 =	sld [smem:$0x3F99]  }
0x30: {  	s3 =	sld [smem:$0x3F9C]  }
0x31: {  	[smem:$0x3FA5] =	sst s10  }
0x32: {  	s10 =	sld [smem:$0x3FA3];
	_ =	sdelay $0x3  }
0x33: {  	p0 =	seq.s32 s10, $0x1;
	s10 =	sld [smem:$0x3FA5];
	_ =	sdelay $0x3  }
0x34: {  	[smem:$0x3FA5] =	sst s10  }
0x35: {  	s10 =	sld [smem:$0x3FA4];
	_ =	sdelay $0x3  }
0x36: {  	p1 =	seq.s32 s10, $0x1;
	s10 =	sld [smem:$0x3FA5];
	_ =	sdelay $0x3  }
0x37: {  	[smem:$0x3FA5] =	sst s10  }
0x38: {  	s10 =	sld [smem:$0x3FA6]  }
0x39: {  	_ = 	snop;
	(pc) =	sbr.ind lr, $3  }
0x3a: {  	_ = 	snop  }
0x3b: {  	_ = 	snop  }
0x3c: {  	p2 =	seq.s32 s10, $0x1;
	s10 =	sld [smem:$0x3FA5]  }
0x3d: {  	_ =	shalt  }
0x3e: {  	_ =	shalt  }
0x3f: {  	_ =	shalt  }
0x40: {  	_ =	shalt  }
0x41: {  	_ =	shalt  }
0x42: {  	_ =	shalt  }
0x43: {  	_ =	shalt  }
0x44: {  	_ =	shalt  }
0x45: {  	_ =	shalt  }
0x46: {  	_ =	shalt  }
0x47: {  	_ =	shalt  }
0x48: {  	_ =	shalt  }
0x49: {  	_ =	shalt  }
0x4a: {  	_ =	shalt  }
0x4b: {  	_ =	shalt  }
0x4c: {  	_ =	shalt  }
0x4d: {  	_ =	shalt  }
0x4e: {  	_ =	shalt  }
0x4f: {  	_ =	shalt  }
0x50: {  	_ =	shalt  }
0x51: {  	_ =	shalt  }
0x52: {  	_ =	shalt  }
0x53: {  	_ =	shalt  }
0x54: {  	_ =	shalt  }
0x55: {  	_ =	shalt  }
0x56: {  	_ =	shalt  }
0x57: {  	_ =	shalt  }
0x58: {  	_ =	shalt  }
0x59: {  	_ =	shalt  }
0x5a: {  	_ =	shalt  }
0x5b: {  	_ =	shalt  }
0x5c: {  	_ =	shalt  }
0x5d: {  	_ =	shalt  }
0x5e: {  	_ =	shalt  }
0x5f: {  	_ =	shalt  }
0x60: {  	_ =	shalt  }
0x61: {  	_ =	shalt  }
0x62: {  	_ =	shalt  }
0x63: {  	_ =	shalt  }
0x64: {  	_ =	shalt  }
0x65: {  	_ =	shalt  }
0x66: {  	_ =	shalt  }
0x67: {  	_ =	shalt  }
0x68: {  	_ =	shalt  }
0x69: {  	_ =	shalt  }
0x6a: {  	_ =	shalt  }
0x6b: {  	_ =	shalt  }
0x6c: {  	_ =	shalt  }
0x6d: {  	_ =	shalt  }
0x6e: {  	_ =	shalt  }
0x6f: {  	_ =	shalt  }
0x70: {  	_ =	shalt  }
0x71: {  	_ =	shalt  }
0x72: {  	_ =	shalt  }
0x73: {  	_ =	shalt  }
0x74: {  	_ =	shalt  }
0x75: {  	_ =	shalt  }
0x76: {  	_ =	shalt  }
0x77: {  	_ =	shalt  }
0x78: {  	_ =	shalt  }
0x79: {  	_ =	shalt  }
0x7a: {  	_ =	shalt  }
0x7b: {  	_ =	shalt  }
0x7c: {  	_ =	shalt  }
0x7d: {  	_ =	shalt  }
0x7e: {  	_ =	shalt  }
0x7f: {  	_ =	shalt  }
0x80: {  	_ =	shalt  }
0x81: {  	_ =	shalt  }
0x82: {  	_ =	shalt  }
0x83: {  	_ =	shalt  }
0x84: {  	_ =	shalt  }
0x85: {  	_ =	shalt  }
0x86: {  	_ =	shalt  }
0x87: {  	_ =	shalt  }
.Lfunc_end0:
.L_simem_size_0:
called_computation.2_lowered:
.L_overlay_start_0:
0x88: {  	s2 =	sld [smem:$0x3FD9]  }
0x89: {  	s3 =	sld [smem:$0x3FFE];
	_ =	sdelay $0x1  }
0x8a: {  	s1 =	srdreg.scid  }
0x8b: {  	s0 =	sand.u32 $0x1, s1  }
0x8c: {  	s16 =	sshll.u32 s0, $0xA;
	s2 =	sadd.s32 s3, s2  }
0x8d: {  	s2 =	sadd.s32 s2, s16  }
0x8e: {  	[smem:$0x3FB1] =	sst s2  }
0x8f: {  	_ = 	snop  }
0x90: {  	(tm) =	ssettm $0x1  }
0x91: {  	s17 =	sld [smem:$0x3FFB];
	_ =	sdelay $0x3  }
0x92: {  	_ =	strace s17  }
0x93: {  	s2 =	sld [smem:$0x3FFC];
	_ =	sdelay $0x3  }
0x94: {  	_ =	strace s2  }
0x95: {  	s2 =	sld [smem:$0x3FFD];
	_ =	sdelay $0x3  }
0x96: {  	_ =	strace s2  }
0x97: {  	_ =	strace $0x8FFFFFFF  }
0x98: {  	s18 =	sld [smem:$0x3FDB];
	_ =	sdelay $0x1  }
0x99: {  	s19 =	simm.s32 $_scs_section_size  }
0x9a: {  	s4 =	simm.s32 $_size__tile_overlayer_lowered;
	s5 =	simm.s32 $_tile_overlayer_lowered  }
0x9b: {  	s22 =	simm.s32 $0x1BFF;
	s21 =	sshll.u32 s5, $0x1;
	s2 =	sadd.s32 s19, s18  }
0x9c: {  	s6 =	simm.s32 $0x0;
	s20 =	sshll.u32 s4, $0x1;
	s4 =	sadd.s32 s21, s2  }
0x9d: {  	[timem:s6], [sflag:s22] =	dma.local [hbm:s4], s20  }
0x9e: {  	_ =	swait.ge [sflag:s22], s20  }
0x9f: {  	s3 =	ssub.s32 $0x0, s20;
	[sflag:s22] =	ssyncset.done $0x0  }
0xa0: {  	[sflag:s22] =	ssyncadd.s32 s3;
	_ =	sdelay $0x1  }
0xa1: {  	s23 =	simm.s32 $0x1B8B  }
0xa2: {  	_ =	swait.ge [sflag:s23], $0x1  }
0xa3: {  	[sflag:s23] =	ssyncset.done $0x0  }
0xa4: {  	s25 =	simm.s32 $0x1B8E;
	s24 =	sld [smem:$0x3FFE];
	[sflag:s23] =	ssyncadd.s32 $0xFFFFFFFF  }
0xa5: {  	s26 =	simm.s32 $execute0_lowered;
	[smem:$0x3FD2] =	sst s25  }
0xa6: {  	s4 =	sshll.u32 s26, $0x1;
	_ =	strace $0x8000004C;
	[dreg:$0x1] =	wrdreg $0xFFFFFFFF  }
0xa7: {  	s28 =	simm.s32 $_size_execute0_lowered;
	s2 =	sadd.s32 s2, s4;
	[dreg:$0x0] =	wrdreg $0x0  }
0xa8: {  	s4 =	sshll.u32 s28, $0x1;
	[dreg:$0x2] =	wrdreg s2  }
0xa9: {  	[dreg:$0x3] =	wrdreg s4  }
0xaa: {  	[dreg:$0x4] =	wrdreg $0xC0  }
0xab: {  	_ =	task [dreg:s6], $0x5FFFF  }
0xac: {  	[dreg:$0x1] =	wrdreg $0xFFFFFFFF  }
0xad: {  	[dreg:$0x0] =	wrdreg $0x60  }
0xae: {  	[dreg:$0x2] =	wrdreg s24  }
0xaf: {  	[dreg:$0x3] =	wrdreg $0xA8000  }
0xb0: {  	[dreg:$0x4] =	wrdreg $0x9  }
0xb1: {  	_ =	task.clear_ibuf [dreg:s6], $0x5FFFF;
	_ =	strace $0x9000004C  }
0xb2: {  	s29 =	simm.s32 $0x9;
	_ =	strace $0x8000004E  }
0xb3: {  	_ =	swait.ge [sflag:s29], $0x1  }
0xb4: {  	[sflag:s29] =	ssyncadd.s32 $0xFFFFFFFF  }
0xb5: {  	_ =	strace $0x9000004E  }
0xb6: {  	_ =	sfence  }
0xb7: {  	s30 =	sld [smem:$0x0];
	_ =	sdelay $0x2  }
0xb8: {  	s31 =	sshll.u32 s1, $0xD;
	s1 =	sshrl.u32 s1, $0x2  }
0xb9: {  	s3 =	sand.u32 $0x4000, s31;
	s1 =	sadd.s32 s1, s30  }
0xba: {  	s0 =	sor.u32 s3, s0;
	s1 =	sshll.u32 s1, $0x11  }
0xbb: {  	s0 =	sor.u32 s1, s0  }
0xbc: {  	s0 =	sadd.s32 $0x8F2B, s0  }
0xbd: {  	[sflag:s0] =	ssyncadd.remote.s32 $0x1  }
0xbe: {  	_ =	sfence.sel $0xFFFF  }
0xbf: {  	[dreg:$0x0] =	wrdreg $0xFFFFFFFF;
	(pc) =	sbr.abs _section_cstart, $3  }
0xc0: {  	[dreg:$0x1] =	wrdreg $0xFFFFFFFF  }
0xc1: {  	_ =	task.clear_ibuf [dreg:s6], $0x2FFFF;
	_ =	strace $0x9FFFFFFF  }
0xc2: {  	(tm) =	ssettm $0x7FFFFFFF  }
0xc3: {  	_ =	shalt  }
tec
execute0_lowered:
.L_overlay_start_1:
0x0: {  	(tag) =	ssettag $0x1  }
0x1: {  	s0 =	rddreg [dreg:$0x0]  }
0x2: {  	s1 =	rddreg [dreg:$0x1]  }
0x3: {  	s2 =	srdreg.scid;
	s3 =	simm.s32 $0x0;
	s9 =	stileid.u32  }
0x4: {  	s17 =	simm.s32 $0x2800;
	s18 =	simm.s32 $0x3;
	s19 =	simm.s32 $0x1400  }
0x5: {  	s20 =	simm.s32 $0x40;
	s28 =	simm.s32 $0x1380;
	s29 =	simm.s32 $0x13C0  }
0x6: {  	s30 =	simm.s32 $0x2700;
	s31 =	simm.s32 $0x2780;
	s2 =	sand.u32 $0x1, s2  }
0x7: {  	[smem:$0x7FF] =	sst s3;
	s6 =	smul.u32 $0x14000, s9;
	s4 =	sadd.s32 $0x18600, s0  }
0x8: {  	s13 =	sadd.s32 $0xE600, s0;
	s14 =	sadd.s32 $0x4600, s0;
	s7 =	smul.u32 $0x50000, s9  }
0x9: {  	s21 =	sadd.s32 $0x40600, s0;
	s22 =	sshll.u32 s9, $0x1;
	s5 =	smul.u32 $0x140000, s2  }
0xa: {  	_ =	strace $0x8000004D;
	[dreg:$0x3] =	wrdreg s21;
	s23 =	ssub.s32 $0x2, s2  }
0xb: {  	s2 =	sor.u32 s2, s22;
	s21 =	simm.s32 $0x4800;
	s22 =	simm.s32 $0x1  }
0xc: {  	s24 =	sshrl.u32 s7, $0x2;
	s25 =	sshrl.u32 s23, $0x1;
	s10 =	smul.u32 $0x2800, s2  }
0xd: {  	s2 =	smul.u32 $0x500, s2;
	s6 =	sadd.s32 s6, s5;
	s16 =	ssub.s32 s23, s25  }
0xe: {  	s23 =	simm.s32 $0x6800;
	s25 =	simm.s32 $0x80;
	s8 =	sshrl.u32 s6, $0x3  }
0xf: {  	s6 =	sadd.s32 s24, s1;
	s11 =	sshrl.u32 s10, $0x3;
	s12 =	sadd.s32 s14, s2  }
0x10: {  	s16 =	smax.u32 s16, $0x1;
	s24 =	simm.s32 $0x8800;
	s0 =	sadd.s32 s8, s0  }
0x11: {  	s26 =	sadd.s32 $0x4000, s6;
	s8 =	sadd.s32 $0x8000, s6;
	s9 =	sadd.s32 $0xC000, s6  }
0x12: {  	s10 =	sadd.s32 $0x10000, s6;
	s15 =	sadd.s32 $0x280, s11;
	s11 =	sadd.s32 s13, s2  }
0x13: {  	[dreg:$0x4] =	wrdreg s26;
	s13 =	sadd.s32 s13, s15;
	s14 =	sadd.s32 s14, s15  }
0x14: {  	s15 =	sadd.s32 $0x40E00, s0;
	s26 =	simm.s32 $0x2;
	s0 =	simm.s32 $0x0  }
.LBB2_1:
0x15: {  	s2 =	rddreg [dreg:$0x3]  }
0x16: {  	[tilespmem:s17], [sflag:$0x3] =	stream.linear.gather [hbm4b:s2+s3], $0x4000, $0x38;
	[tilespmem:$0x1E800] =	vst v63  }
0x17: {  	_ =	swait.ge [sflag:s18], $0x4000  }
0x18: {  	[sflag:s18] =	ssyncset.done $0x0  }
0x19: {  	[sflag:s18] =	ssyncadd.s32 $0xFFFFC000  }
0x1a: {  	[spmem:s6] =	stream.linear.scatter [tilespmem:s17], [sflag:$0x3], $0x4000, $0x38;
	[tilespmem:$0x1E800] =	vst v63  }
0x1b: {  	_ =	swait.ge [sflag:s18], $0x4000  }
0x1c: {  	[sflag:s18] =	ssyncset.done $0x0  }
0x1d: {  	s7 =	rddreg [dreg:$0x4];
	[sflag:s18] =	ssyncadd.s32 $0xFFFFC000  }
0x1e: {  	[spmem:s7] =	stream.linear.scatter [tilespmem:s17], [sflag:$0x3], $0x4000, $0x38;
	[tilespmem:$0x1E800] =	vst v63  }
0x1f: {  	_ =	swait.ge [sflag:s18], $0x4000  }
0x20: {  	[sflag:s18] =	ssyncset.done $0x0  }
0x21: {  	[sflag:s18] =	ssyncadd.s32 $0xFFFFC000  }
0x22: {  	[spmem:s8] =	stream.linear.scatter [tilespmem:s17], [sflag:$0x3], $0x4000, $0x38;
	[tilespmem:$0x1E800] =	vst v63  }
0x23: {  	_ =	swait.ge [sflag:s18], $0x4000  }
0x24: {  	[sflag:s18] =	ssyncset.done $0x0  }
0x25: {  	[sflag:s18] =	ssyncadd.s32 $0xFFFFC000  }
0x26: {  	[spmem:s9] =	stream.linear.scatter [tilespmem:s17], [sflag:$0x3], $0x4000, $0x38;
	[tilespmem:$0x1E800] =	vst v63  }
0x27: {  	_ =	swait.ge [sflag:s18], $0x4000  }
0x28: {  	[sflag:s18] =	ssyncset.done $0x0  }
0x29: {  	[sflag:s18] =	ssyncadd.s32 $0xFFFFC000  }
0x2a: {  	[spmem:s10] =	stream.linear.scatter [tilespmem:s17], [sflag:$0x3], $0x4000, $0x38;
	[tilespmem:$0x1E800] =	vst v63  }
0x2b: {  	_ =	swait.ge [sflag:s18], $0x4000  }
0x2c: {  	[sflag:s18] =	ssyncset.done $0x0  }
0x2d: {  	[sflag:s18] =	ssyncadd.s32 $0xFFFFC000  }
0x2e: {  	[bflag:$0x0] =	sbarrier.arrive $0xFFFF  }
0x2f: {  	[tilespmem:s3], [sflag:$0x3] =	stream.linear.gather [hbm4b:s11+s3], $0x1400, $0x38;
	[tilespmem:$0x1E800] =	vst v63  }
0x30: {  	_ =	swait.ge [sflag:s18], $0x1400  }
0x31: {  	[sflag:s18] =	ssyncset.done $0x0  }
0x32: {  	[sflag:s18] =	ssyncadd.s32 $0xFFFFEC00  }
0x33: {  	[tilespmem:s19], [sflag:$0x3] =	stream.linear.gather [hbm4b:s12+s3], $0x1400, $0x38;
	[tilespmem:$0x1E800] =	vst v63  }
0x34: {  	_ =	swait.ge [sflag:s18], $0x1400  }
0x35: {  	[sflag:s18] =	ssyncset.done $0x0  }
0x36: {  	[sflag:s18] =	ssyncadd.s32 $0xFFFFEC00  }
0x37: {  	[tilespmem:s17], [sflag:$0x1] =	stream.indirect.gather [hbm4b:s4+s20], $0x80, s3, s20, $0xb8;
	[tilespmem:$0x1E800] =	vst v63  }
0x38: {  	_ = 	snop  }
0x39: {  	[tilespmem:s21], [sflag:$0x1] =	stream.indirect.gather [hbm4b:s4+s20], $0x80, s20, s20, $0xb8;
	[tilespmem:$0x1E800] =	vst v63  }
0x3a: {  	_ =	swait.ge [sflag:s22], $0x2000  }
0x3b: {  	[sflag:s22] =	ssyncset.done $0x0  }
0x3c: {  	[sflag:s22] =	ssyncadd.s32 $0xFFFFE000  }
0x3d: {  	_ =	swait.ge [sflag:s22], $0x2000  }
0x3e: {  	[sflag:s22] =	ssyncset.done $0x0  }
0x3f: {  	s5 =	simm.s32 $0x80;
	[sflag:s22] =	ssyncadd.s32 $0xFFFFE000  }
0x40: {  	[tilespmem:s23], [sflag:$0x2] =	stream.indirect.gather [hbm4b:s4+s20], $0x80, s5, s20, $0xb8;
	[tilespmem:$0x1E800] =	vst v63  }
0x41: {  	s7 =	simm.s32 $0xC0  }
0x42: {  	[tilespmem:s24], [sflag:$0x2] =	stream.indirect.gather [hbm4b:s4+s20], $0x80, s7, s20, $0xb8;
	[tilespmem:$0x1E800] =	vst v63  }
0x43: {  	s5 =	simm.s32 $0x1400  }
0x44: {  	[spmem:s1] =	stream.indirect.scatter.add.f32 [tilespmem:s17], [sflag:$0x3], $0x80, s5, s25, $0xb8;
	[tilespmem:$0x1E800] =	vst v63  }
0x45: {  	_ =	swait.ge [sflag:s18], $0x4000  }
0x46: {  	[sflag:s18] =	ssyncset.done $0x0  }
0x47: {  	[sflag:s18] =	ssyncadd.s32 $0xFFFFC000  }
0x48: {  	_ =	swait.ge [sflag:s26], $0x2000  }
0x49: {  	[sflag:s26] =	ssyncset.done $0x0  }
0x4a: {  	[sflag:s26] =	ssyncadd.s32 $0xFFFFE000  }
0x4b: {  	_ =	swait.ge [sflag:s26], $0x2000  }
0x4c: {  	[sflag:s26] =	ssyncset.done $0x0  }
0x4d: {  	s7 =	simm.s32 $0x100;
	[sflag:s26] =	ssyncadd.s32 $0xFFFFE000  }
0x4e: {  	[tilespmem:s17], [sflag:$0x1] =	stream.indirect.gather [hbm4b:s4+s20], $0x80, s7, s20, $0xb8;
	[tilespmem:$0x1E800] =	vst v63  }
0x4f: {  	s5 =	simm.s32 $0x140  }
0x50: {  	[tilespmem:s21], [sflag:$0x1] =	stream.indirect.gather [hbm4b:s4+s20], $0x80, s5, s20, $0xb8;
	[tilespmem:$0x1E800] =	vst v63  }
0x51: {  	s7 =	simm.s32 $0x1480  }
0x52: {  	[spmem:s1] =	stream.indirect.scatter.add.f32 [tilespmem:s23], [sflag:$0x3], $0x80, s7, s25, $0xb8;
	[tilespmem:$0x1E800] =	vst v63  }
0x53: {  	_ =	swait.ge [sflag:s18], $0x4000  }
0x54: {  	s2 =	simm.s32 $0x400;
	[sflag:s18] =	ssyncset.done $0x0  }
.LBB2_2:
0x55: {  	p0 =	sne.s32 s2, $0x4800  }
0x56: {  	[sflag:s18] =	ssyncadd.s32 $0xFFFFC000;
	s5 =	smov.u32 s2;
	s2 =	sadd.s32 $0x400, s2  }
0x57: {  	_ = 	snop  }
0x58: {  	_ =	swait.ge [sflag:s22], $0x2000  }
0x59: {  	[sflag:s22] =	ssyncset.done $0x0  }
0x5a: {  	[sflag:s22] =	ssyncadd.s32 $0xFFFFE000  }
0x5b: {  	_ =	swait.ge [sflag:s22], $0x2000  }
0x5c: {  	s5 =	sshra.s32 s5, $0x2;
	[sflag:s22] =	ssyncset.done $0x0  }
0x5d: {  	s7 =	sadd.s32 $0x80, s5;
	[sflag:s22] =	ssyncadd.s32 $0xFFFFE000  }
0x5e: {  	[tilespmem:s23], [sflag:$0x2] =	stream.indirect.gather [hbm4b:s4+s20], $0x80, s7, s20, $0xb8;
	[tilespmem:$0x1E800] =	vst v63  }
0x5f: {  	s7 =	sadd.s32 $0xC0, s5  }
0x60: {  	[tilespmem:s24], [sflag:$0x2] =	stream.indirect.gather [hbm4b:s4+s20], $0x80, s7, s20, $0xb8;
	[tilespmem:$0x1E800] =	vst v63  }
0x61: {  	s7 =	sadd.s32 $0x1400, s5  }
0x62: {  	[spmem:s1] =	stream.indirect.scatter.add.f32 [tilespmem:s17], [sflag:$0x3], $0x80, s7, s25, $0xb8;
	[tilespmem:$0x1E800] =	vst v63  }
0x63: {  	_ =	swait.ge [sflag:s18], $0x4000  }
0x64: {  	[sflag:s18] =	ssyncset.done $0x0  }
0x65: {  	[sflag:s18] =	ssyncadd.s32 $0xFFFFC000  }
0x66: {  	_ =	swait.ge [sflag:s26], $0x2000  }
0x67: {  	[sflag:s26] =	ssyncset.done $0x0  }
0x68: {  	[sflag:s26] =	ssyncadd.s32 $0xFFFFE000  }
0x69: {  	_ =	swait.ge [sflag:s26], $0x2000  }
0x6a: {  	[sflag:s26] =	ssyncset.done $0x0  }
0x6b: {  	s7 =	sadd.s32 $0x100, s5;
	[sflag:s26] =	ssyncadd.s32 $0xFFFFE000  }
0x6c: {  	[tilespmem:s17], [sflag:$0x1] =	stream.indirect.gather [hbm4b:s4+s20], $0x80, s7, s20, $0xb8;
	[tilespmem:$0x1E800] =	vst v63  }
0x6d: {  	s7 =	sadd.s32 $0x140, s5  }
0x6e: {  	[tilespmem:s21], [sflag:$0x1] =	stream.indirect.gather [hbm4b:s4+s20], $0x80, s7, s20, $0xb8;
	[tilespmem:$0x1E800] =	vst v63  }
.Ltmp0:
0x6f: {  	_ = 	snop;
	(pc) =	sbr.rel @p0 .LBB2_2-.Ltmp0, $4  }
0x70: {  	s5 =	sadd.s32 $0x1480, s5  }
0x71: {  	[spmem:s1] =	stream.indirect.scatter.add.f32 [tilespmem:s23], [sflag:$0x3], $0x80, s5, s25, $0xb8;
	[tilespmem:$0x1E800] =	vst v63  }
0x72: {  	_ =	swait.ge [sflag:s18], $0x4000  }
0x73: {  	[sflag:s18] =	ssyncset.done $0x0  }
0x74: {  	[sflag:s18] =	ssyncadd.s32 $0xFFFFC000  }
0x75: {  	_ =	swait.ge [sflag:s22], $0x2000  }
0x76: {  	[sflag:s22] =	ssyncset.done $0x0  }
0x77: {  	[sflag:s22] =	ssyncadd.s32 $0xFFFFE000  }
0x78: {  	_ =	swait.ge [sflag:s22], $0x2000  }
0x79: {  	[sflag:s22] =	ssyncset.done $0x0  }
0x7a: {  	[sflag:s22] =	ssyncadd.s32 $0xFFFFE000  }
0x7b: {  	[tilespmem:s23], [sflag:$0x2] =	stream.indirect.gather [hbm4b:s4+s20], $0x80, s28, s20, $0xb8;
	[tilespmem:$0x1E800] =	vst v63  }
0x7c: {  	_ = 	snop  }
0x7d: {  	[tilespmem:s24], [sflag:$0x2] =	stream.indirect.gather [hbm4b:s4+s20], $0x80, s29, s20, $0xb8;
	[tilespmem:$0x1E800] =	vst v63  }
0x7e: {  	_ = 	snop  }
0x7f: {  	[spmem:s1] =	stream.indirect.scatter.add.f32 [tilespmem:s17], [sflag:$0x3], $0x80, s30, s25, $0xb8;
	[tilespmem:$0x1E800] =	vst v63  }
0x80: {  	_ =	swait.ge [sflag:s18], $0x4000  }
0x81: {  	[sflag:s18] =	ssyncset.done $0x0  }
0x82: {  	[sflag:s18] =	ssyncadd.s32 $0xFFFFC000  }
0x83: {  	_ =	swait.ge [sflag:s26], $0x2000  }
0x84: {  	[sflag:s26] =	ssyncset.done $0x0  }
0x85: {  	[sflag:s26] =	ssyncadd.s32 $0xFFFFE000  }
0x86: {  	_ =	swait.ge [sflag:s26], $0x2000  }
0x87: {  	[sflag:s26] =	ssyncset.done $0x0  }
0x88: {  	[sflag:s26] =	ssyncadd.s32 $0xFFFFE000  }
0x89: {  	[spmem:s1] =	stream.indirect.scatter.add.f32 [tilespmem:s23], [sflag:$0x3], $0x80, s31, s25, $0xb8;
	[tilespmem:$0x1E800] =	vst v63  }
0x8a: {  	_ =	swait.ge [sflag:s18], $0x4000  }
0x8b: {  	[sflag:s18] =	ssyncset.done $0x0  }
0x8c: {  	s2 =	simm.s32 $0x0;
	[sflag:s18] =	ssyncadd.s32 $0xFFFFC000  }
0x8d: {  	[tilespmem:s2], [sflag:$0x3] =	stream.linear.gather [hbm4b:s13+s2], $0x1400, $0x38;
	[tilespmem:$0x1E800] =	vst v63  }
0x8e: {  	_ =	swait.ge [sflag:s18], $0x1400  }
0x8f: {  	[sflag:s18] =	ssyncset.done $0x0  }
0x90: {  	[sflag:s18] =	ssyncadd.s32 $0xFFFFEC00  }
0x91: {  	[tilespmem:s19], [sflag:$0x3] =	stream.linear.gather [hbm4b:s14+s2], $0x1400, $0x38;
	[tilespmem:$0x1E800] =	vst v63  }
0x92: {  	_ =	swait.ge [sflag:s18], $0x1400  }
0x93: {  	[sflag:s18] =	ssyncset.done $0x0  }
0x94: {  	[sflag:s18] =	ssyncadd.s32 $0xFFFFEC00  }
0x95: {  	[tilespmem:s17], [sflag:$0x1] =	stream.indirect.gather [hbm4b:s4+s20], $0x80, s2, s20, $0xb8;
	[tilespmem:$0x1E800] =	vst v63  }
0x96: {  	_ = 	snop  }
0x97: {  	[tilespmem:s21], [sflag:$0x1] =	stream.indirect.gather [hbm4b:s4+s20], $0x80, s20, s20, $0xb8;
	[tilespmem:$0x1E800] =	vst v63  }
0x98: {  	_ =	swait.ge [sflag:s22], $0x2000  }
0x99: {  	[sflag:s22] =	ssyncset.done $0x0  }
0x9a: {  	[sflag:s22] =	ssyncadd.s32 $0xFFFFE000  }
0x9b: {  	_ =	swait.ge [sflag:s22], $0x2000  }
0x9c: {  	[sflag:s22] =	ssyncset.done $0x0  }
0x9d: {  	s5 =	simm.s32 $0x80;
	[sflag:s22] =	ssyncadd.s32 $0xFFFFE000  }
0x9e: {  	[tilespmem:s23], [sflag:$0x2] =	stream.indirect.gather [hbm4b:s4+s20], $0x80, s5, s20, $0xb8;
	[tilespmem:$0x1E800] =	vst v63  }
0x9f: {  	s7 =	simm.s32 $0xC0  }
0xa0: {  	[tilespmem:s24], [sflag:$0x2] =	stream.indirect.gather [hbm4b:s4+s20], $0x80, s7, s20, $0xb8;
	[tilespmem:$0x1E800] =	vst v63  }
0xa1: {  	s5 =	simm.s32 $0x1400  }
0xa2: {  	[spmem:s1] =	stream.indirect.scatter.add.f32 [tilespmem:s17], [sflag:$0x3], $0x80, s5, s25, $0xb8;
	[tilespmem:$0x1E800] =	vst v63  }
0xa3: {  	_ =	swait.ge [sflag:s18], $0x4000  }
0xa4: {  	[sflag:s18] =	ssyncset.done $0x0  }
0xa5: {  	[sflag:s18] =	ssyncadd.s32 $0xFFFFC000  }
0xa6: {  	_ =	swait.ge [sflag:s26], $0x2000  }
0xa7: {  	[sflag:s26] =	ssyncset.done $0x0  }
0xa8: {  	[sflag:s26] =	ssyncadd.s32 $0xFFFFE000  }
0xa9: {  	_ =	swait.ge [sflag:s26], $0x2000  }
0xaa: {  	[sflag:s26] =	ssyncset.done $0x0  }
0xab: {  	s7 =	simm.s32 $0x100;
	[sflag:s26] =	ssyncadd.s32 $0xFFFFE000  }
0xac: {  	[tilespmem:s17], [sflag:$0x1] =	stream.indirect.gather [hbm4b:s4+s20], $0x80, s7, s20, $0xb8;
	[tilespmem:$0x1E800] =	vst v63  }
0xad: {  	s5 =	simm.s32 $0x140  }
0xae: {  	[tilespmem:s21], [sflag:$0x1] =	stream.indirect.gather [hbm4b:s4+s20], $0x80, s5, s20, $0xb8;
	[tilespmem:$0x1E800] =	vst v63  }
0xaf: {  	s7 =	simm.s32 $0x1480  }
0xb0: {  	[spmem:s1] =	stream.indirect.scatter.add.f32 [tilespmem:s23], [sflag:$0x3], $0x80, s7, s25, $0xb8;
	[tilespmem:$0x1E800] =	vst v63  }
0xb1: {  	_ =	swait.ge [sflag:s18], $0x4000  }
0xb2: {  	s2 =	simm.s32 $0x400;
	[sflag:s18] =	ssyncset.done $0x0  }
.LBB2_4:
0xb3: {  	p0 =	sne.s32 s2, $0x4800  }
0xb4: {  	[sflag:s18] =	ssyncadd.s32 $0xFFFFC000;
	s5 =	smov.u32 s2;
	s2 =	sadd.s32 $0x400, s2  }
0xb5: {  	_ = 	snop  }
0xb6: {  	_ =	swait.ge [sflag:s22], $0x2000  }
0xb7: {  	[sflag:s22] =	ssyncset.done $0x0  }
0xb8: {  	[sflag:s22] =	ssyncadd.s32 $0xFFFFE000  }
0xb9: {  	_ =	swait.ge [sflag:s22], $0x2000  }
0xba: {  	s5 =	sshra.s32 s5, $0x2;
	[sflag:s22] =	ssyncset.done $0x0  }
0xbb: {  	s7 =	sadd.s32 $0x80, s5;
	[sflag:s22] =	ssyncadd.s32 $0xFFFFE000  }
0xbc: {  	[tilespmem:s23], [sflag:$0x2] =	stream.indirect.gather [hbm4b:s4+s20], $0x80, s7, s20, $0xb8;
	[tilespmem:$0x1E800] =	vst v63  }
0xbd: {  	s7 =	sadd.s32 $0xC0, s5  }
0xbe: {  	[tilespmem:s24], [sflag:$0x2] =	stream.indirect.gather [hbm4b:s4+s20], $0x80, s7, s20, $0xb8;
	[tilespmem:$0x1E800] =	vst v63  }
0xbf: {  	s7 =	sadd.s32 $0x1400, s5  }
0xc0: {  	[spmem:s1] =	stream.indirect.scatter.add.f32 [tilespmem:s17], [sflag:$0x3], $0x80, s7, s25, $0xb8;
	[tilespmem:$0x1E800] =	vst v63  }
0xc1: {  	_ =	swait.ge [sflag:s18], $0x4000  }
0xc2: {  	[sflag:s18] =	ssyncset.done $0x0  }
0xc3: {  	[sflag:s18] =	ssyncadd.s32 $0xFFFFC000  }
0xc4: {  	_ =	swait.ge [sflag:s26], $0x2000  }
0xc5: {  	[sflag:s26] =	ssyncset.done $0x0  }
0xc6: {  	[sflag:s26] =	ssyncadd.s32 $0xFFFFE000  }
0xc7: {  	_ =	swait.ge [sflag:s26], $0x2000  }
0xc8: {  	[sflag:s26] =	ssyncset.done $0x0  }
0xc9: {  	s7 =	sadd.s32 $0x100, s5;
	[sflag:s26] =	ssyncadd.s32 $0xFFFFE000  }
0xca: {  	[tilespmem:s17], [sflag:$0x1] =	stream.indirect.gather [hbm4b:s4+s20], $0x80, s7, s20, $0xb8;
	[tilespmem:$0x1E800] =	vst v63  }
0xcb: {  	s7 =	sadd.s32 $0x140, s5  }
0xcc: {  	[tilespmem:s21], [sflag:$0x1] =	stream.indirect.gather [hbm4b:s4+s20], $0x80, s7, s20, $0xb8;
	[tilespmem:$0x1E800] =	vst v63  }
.Ltmp1:
0xcd: {  	_ = 	snop;
	(pc) =	sbr.rel @p0 .LBB2_4-.Ltmp1, $4  }
0xce: {  	s5 =	sadd.s32 $0x1480, s5  }
0xcf: {  	[spmem:s1] =	stream.indirect.scatter.add.f32 [tilespmem:s23], [sflag:$0x3], $0x80, s5, s25, $0xb8;
	[tilespmem:$0x1E800] =	vst v63  }
0xd0: {  	_ =	swait.ge [sflag:s18], $0x4000  }
0xd1: {  	[sflag:s18] =	ssyncset.done $0x0  }
0xd2: {  	[sflag:s18] =	ssyncadd.s32 $0xFFFFC000  }
0xd3: {  	_ =	swait.ge [sflag:s22], $0x2000  }
0xd4: {  	[sflag:s22] =	ssyncset.done $0x0  }
0xd5: {  	[sflag:s22] =	ssyncadd.s32 $0xFFFFE000  }
0xd6: {  	_ =	swait.ge [sflag:s22], $0x2000  }
0xd7: {  	[sflag:s22] =	ssyncset.done $0x0  }
0xd8: {  	[sflag:s22] =	ssyncadd.s32 $0xFFFFE000  }
0xd9: {  	[tilespmem:s23], [sflag:$0x2] =	stream.indirect.gather [hbm4b:s4+s20], $0x80, s28, s20, $0xb8;
	[tilespmem:$0x1E800] =	vst v63  }
0xda: {  	_ = 	snop  }
0xdb: {  	[tilespmem:s24], [sflag:$0x2] =	stream.indirect.gather [hbm4b:s4+s20], $0x80, s29, s20, $0xb8;
	[tilespmem:$0x1E800] =	vst v63  }
0xdc: {  	_ = 	snop  }
0xdd: {  	[spmem:s1] =	stream.indirect.scatter.add.f32 [tilespmem:s17], [sflag:$0x3], $0x80, s30, s25, $0xb8;
	[tilespmem:$0x1E800] =	vst v63  }
0xde: {  	_ =	swait.ge [sflag:s18], $0x4000  }
0xdf: {  	[sflag:s18] =	ssyncset.done $0x0  }
0xe0: {  	[sflag:s18] =	ssyncadd.s32 $0xFFFFC000  }
0xe1: {  	_ =	swait.ge [sflag:s26], $0x2000  }
0xe2: {  	[sflag:s26] =	ssyncset.done $0x0  }
0xe3: {  	[sflag:s26] =	ssyncadd.s32 $0xFFFFE000  }
0xe4: {  	_ =	swait.ge [sflag:s26], $0x2000  }
0xe5: {  	[sflag:s26] =	ssyncset.done $0x0  }
0xe6: {  	[sflag:s26] =	ssyncadd.s32 $0xFFFFE000  }
0xe7: {  	[spmem:s1] =	stream.indirect.scatter.add.f32 [tilespmem:s23], [sflag:$0x3], $0x80, s31, s25, $0xb8;
	[tilespmem:$0x1E800] =	vst v63  }
0xe8: {  	s2 =	stileid.u32;
	_ =	swait.ge [sflag:s18], $0x4000  }
0xe9: {  	s5 =	sshrl.u32 s6, $0x3;
	s0 =	sadd.s32 $0x1, s0;
	[sflag:s18] =	ssyncset.done $0x0  }
0xea: {  	s2 =	sshll.u32 s2, $0x6;
	p0 =	sne.s32 s0, s16;
	[sflag:s18] =	ssyncadd.s32 $0xFFFFC000  }
.Ltmp2:
0xeb: {  	s2 =	sor.u32 $0x1C03, s2;
	[bflag:$0x0] =	sbarrier.arrive $0xFFFF;
	(pc) =	sbr.rel @p0 .LBB2_1-.Ltmp2, $4  }
0xec: {  	[hbm:s15], [sflag:s2] =	dma.local [spmem:s5], $0x2800  }
0xed: {  	_ =	swait.ge [sflag:s18], $0x2800  }
0xee: {  	[sflag:s18] =	ssyncset.done $0x0  }
0xef: {  	[sflag:s18] =	ssyncadd.s32 $0xFFFFD800  }
0xf0: {  	_ =	sfence.sel $0x180000  }
0xf1: {  	[bflag:$0x0] =	sbarrier.arrive $0xFFFF  }
0xf2: {  	_ =	strace $0x9000004D  }
0xf3: {  	s0 =	stileid.u32;
	[bflag:$0x2] =	sbarrier.arrive $0xFFFF  }
0xf4: {  	p0 =	sne.s32 s0, $0x0;
	s0 =	rddreg [dreg:$0x2]  }
0xf5: {  	s0 =	sadd.s32 @!p0 $0x100000, s0  }
0xf6: {  	[sflag:s0] =	ssyncadd.tile.s32 @!p0 $0x1;
	_ =	shalt  }
.Lfunc_end2:
_tile_overlayer_lowered:
.L_overlay_start_2:
0xf7: {  	(tag) =	ssettag $0x2  }
0xf8: {  	s0 =	rddreg [dreg:$0x0];
	s2 =	stileid.u32  }
0xf9: {  	s1 =	rddreg [dreg:$0x1];
	p0 =	sne.s32 s2, $0x0  }
0xfa: {  	s3 =	rddreg [dreg:$0x2];
	[bflag:$0x3] =	sbarrier.arrive $0xFFFF;
	s2 =	simm.s32 @!p0 $0x1C03  }
0xfb: {  	[timem:s3], [sflag:s2] =	dma.local @!p0 [hbm:s0], s1  }
0xfc: {  	s0 =	simm.s32 @!p0 $0x3  }
0xfd: {  	_ =	swait.ge @!p0 [sflag:s0], s1  }
0xfe: {  	s1 =	ssub.s32 @!p0 $0x0, s1;
	[sflag:s0] =	ssyncset.done @!p0 $0x0  }
0xff: {  	[sflag:s0] =	ssyncadd.s32 @!p0 s1  }
0x100: {  	[bflag:$0x3] =	sbarrier.arrive $0xFFFF  }
0x101: {  	_ =	shalt  }

// kernel: kernel.8.cloned.1.call-start
scs
__scs_entry_jumppad:
0x0: {  	(pc) =	sbr.rel $0x88, $3  }
0x1: {  	(tag) =	ssettag $0x0;
	lr =	simm.s32 $0x1  }
0x2: {  	[smem:$0x3F8A] =	sst lr;
	_ =	strace $0xD0000000  }
0x3: {  	_ = 	snop  }
0x4: {  	_ = 	snop  }
0x5: {  	_ = 	snop  }
0x6: {  	_ = 	snop  }
0x7: {  	_ = 	snop  }
__scs_overlays_trampoline_lowered:
0x8: {  	[smem:$0x3F99] =	sst s0  }
0x9: {  	[smem:$0x3F9A] =	sst s1  }
0xa: {  	[smem:$0x3F9B] =	sst s2  }
0xb: {  	[smem:$0x3F9C] =	sst s3  }
0xc: {  	[smem:$0x3F9D] =	sst s4  }
0xd: {  	[smem:$0x3F9E] =	sst s5  }
0xe: {  	[smem:$0x3F9F] =	sst s6  }
0xf: {  	[smem:$0x3FA0] =	sst s7  }
0x10: {  	[smem:$0x3FA1] =	sst s8  }
0x11: {  	[smem:$0x3FA2] =	sst s9;
	s0 =	simm.s32 @!p0 $0x0  }
0x12: {  	s1 =	sld [smem:$0x3F88];
	s0 =	simm.s32 @p0 $0x1  }
0x13: {  	[smem:$0x3FA3] =	sst s0;
	s0 =	simm.s32 @!p1 $0x0  }
0x14: {  	s2 =	sld [smem:$0x3F87];
	s0 =	simm.s32 @p1 $0x1  }
0x15: {  	[smem:$0x3FA4] =	sst s0;
	s0 =	simm.s32 @!p2 $0x0  }
0x16: {  	s3 =	sld [smem:$0x3FDB];
	s0 =	simm.s32 @p2 $0x1  }
0x17: {  	s4 =	simm.s32 $0x1BF5;
	[smem:$0x3FA6] =	sst s0  }
0x18: {  	s0 =	sld [smem:$0x3F89];
	_ =	swait.ge [sflag:s4], $0x0  }
0x19: {  	s7 =	sld [smem:$0x3F8A]  }
0x1a: {  	s8 =	sadd.s32 $0xFFFFE003, lr  }
0x1b: {  	s9 =	sadd.s32 $0xFFFFFEF7, lr;
	s5 =	simm.s32 $0xFFFFFFFF;
	p2 =	slt.u32 s8, $0xFFFFF086  }
0x1c: {  	p1 =	slt.u32 s9, $0xF7A;
	s5 =	simm.s32 @!p2 $0x0  }
0x1d: {  	s5 =	simm.s32 @p1 $0x1;
	p0 =	seq.s32 s7, s2  }
0x1e: {  	s7 =	smul.u32 @!p0 $0xF7A, s2;
	p2 =	seq.s32 @!p0 s5, $0x0  }
0x1f: {  	s9 =	smul.u32 $0xF7A, s1;
	s8 =	simm.s32 @!p0 $0x1BF5;
	p2 =	por !p2, p0  }
0x20: {  	[sflag:s8] =	ssyncset.s32 @!p0 $0xFFFFF086;
	s6 =	sadd.s32 @!p0 s3, s7;
	s7 =	simm.s32 @!p0 $0x108  }
0x21: {  	s3 =	sadd.s32 s3, s9;
	s6 =	sadd.s32 @!p0 $0x88, s6;
	s7 =	simm.s32 @p2 $0x1082  }
0x22: {  	[simem:s7], [sflag:s8] =	dma.local @!p0 [hbm:s6], $0xF7A  }
0x23: {  	s9 =	sor.u32 $0xD0000000, s2;
	s6 =	simm.s32 $0x108;
	_ =	swait.ge @!p0 [sflag:s8], $0x0  }
0x24: {  	s3 =	sadd.s32 $0x88, s3;
	s6 =	simm.s32 @!p1 $0x1082;
	[sflag:s4] =	ssyncset.s32 $0xFFFFF086  }
0x25: {  	[simem:s6], [sflag:s4] =	dma.local [hbm:s3], $0xF7A  }
0x26: {  	[smem:$0x3F8A] =	sst s1;
	(tag) =	ssettag s2;
	_ =	strace s9  }
0x27: {  	s1 =	sld [smem:$0x3F9A]  }
0x28: {  	s2 =	sld [smem:$0x3F9B]  }
0x29: {  	s4 =	sld [smem:$0x3F9D]  }
0x2a: {  	p0 =	seq.s32 s5, $0x0;
	s5 =	sld [smem:$0x3F9E]  }
0x2b: {  	s6 =	sld [smem:$0x3F9F]  }
0x2c: {  	s7 =	sld [smem:$0x3FA0]  }
0x2d: {  	s3 =	simm.s32 $0x108;
	s8 =	sld [smem:$0x3FA1]  }
0x2e: {  	s3 =	simm.s32 @!p0 $0x1082;
	s9 =	sld [smem:$0x3FA2]  }
0x2f: {  	lr =	sadd.s32 s0, s3;
	s0 =	sld [smem:$0x3F99]  }
0x30: {  	s3 =	sld [smem:$0x3F9C]  }
0x31: {  	[smem:$0x3FA5] =	sst s10  }
0x32: {  	s10 =	sld [smem:$0x3FA3];
	_ =	sdelay $0x3  }
0x33: {  	p0 =	seq.s32 s10, $0x1;
	s10 =	sld [smem:$0x3FA5];
	_ =	sdelay $0x3  }
0x34: {  	[smem:$0x3FA5] =	sst s10  }
0x35: {  	s10 =	sld [smem:$0x3FA4];
	_ =	sdelay $0x3  }
0x36: {  	p1 =	seq.s32 s10, $0x1;
	s10 =	sld [smem:$0x3FA5];
	_ =	sdelay $0x3  }
0x37: {  	[smem:$0x3FA5] =	sst s10  }
0x38: {  	s10 =	sld [smem:$0x3FA6]  }
0x39: {  	_ = 	snop;
	(pc) =	sbr.ind lr, $3  }
0x3a: {  	_ = 	snop  }
0x3b: {  	_ = 	snop  }
0x3c: {  	p2 =	seq.s32 s10, $0x1;
	s10 =	sld [smem:$0x3FA5]  }
0x3d: {  	_ =	shalt  }
0x3e: {  	_ =	shalt  }
0x3f: {  	_ =	shalt  }
0x40: {  	_ =	shalt  }
0x41: {  	_ =	shalt  }
0x42: {  	_ =	shalt  }
0x43: {  	_ =	shalt  }
0x44: {  	_ =	shalt  }
0x45: {  	_ =	shalt  }
0x46: {  	_ =	shalt  }
0x47: {  	_ =	shalt  }
0x48: {  	_ =	shalt  }
0x49: {  	_ =	shalt  }
0x4a: {  	_ =	shalt  }
0x4b: {  	_ =	shalt  }
0x4c: {  	_ =	shalt  }
0x4d: {  	_ =	shalt  }
0x4e: {  	_ =	shalt  }
0x4f: {  	_ =	shalt  }
0x50: {  	_ =	shalt  }
0x51: {  	_ =	shalt  }
0x52: {  	_ =	shalt  }
0x53: {  	_ =	shalt  }
0x54: {  	_ =	shalt  }
0x55: {  	_ =	shalt  }
0x56: {  	_ =	shalt  }
0x57: {  	_ =	shalt  }
0x58: {  	_ =	shalt  }
0x59: {  	_ =	shalt  }
0x5a: {  	_ =	shalt  }
0x5b: {  	_ =	shalt  }
0x5c: {  	_ =	shalt  }
0x5d: {  	_ =	shalt  }
0x5e: {  	_ =	shalt  }
0x5f: {  	_ =	shalt  }
0x60: {  	_ =	shalt  }
0x61: {  	_ =	shalt  }
0x62: {  	_ =	shalt  }
0x63: {  	_ =	shalt  }
0x64: {  	_ =	shalt  }
0x65: {  	_ =	shalt  }
0x66: {  	_ =	shalt  }
0x67: {  	_ =	shalt  }
0x68: {  	_ =	shalt  }
0x69: {  	_ =	shalt  }
0x6a: {  	_ =	shalt  }
0x6b: {  	_ =	shalt  }
0x6c: {  	_ =	shalt  }
0x6d: {  	_ =	shalt  }
0x6e: {  	_ =	shalt  }
0x6f: {  	_ =	shalt  }
0x70: {  	_ =	shalt  }
0x71: {  	_ =	shalt  }
0x72: {  	_ =	shalt  }
0x73: {  	_ =	shalt  }
0x74: {  	_ =	shalt  }
0x75: {  	_ =	shalt  }
0x76: {  	_ =	shalt  }
0x77: {  	_ =	shalt  }
0x78: {  	_ =	shalt  }
0x79: {  	_ =	shalt  }
0x7a: {  	_ =	shalt  }
0x7b: {  	_ =	shalt  }
0x7c: {  	_ =	shalt  }
0x7d: {  	_ =	shalt  }
0x7e: {  	_ =	shalt  }
0x7f: {  	_ =	shalt  }
0x80: {  	_ =	shalt  }
0x81: {  	_ =	shalt  }
0x82: {  	_ =	shalt  }
0x83: {  	_ =	shalt  }
0x84: {  	_ =	shalt  }
0x85: {  	_ =	shalt  }
0x86: {  	_ =	shalt  }
0x87: {  	_ =	shalt  }
.Lfunc_end0:
.L_simem_size_0:
called_computation_lowered:
.L_overlay_start_0:
0x88: {  	s2 =	sld [smem:$0x3FD9]  }
0x89: {  	s3 =	sld [smem:$0x3FFE];
	_ =	sdelay $0x1  }
0x8a: {  	s1 =	srdreg.scid  }
0x8b: {  	s0 =	sand.u32 $0x1, s1  }
0x8c: {  	s17 =	sshll.u32 s0, $0xA;
	s2 =	sadd.s32 s3, s2  }
0x8d: {  	s2 =	sadd.s32 s2, s17  }
0x8e: {  	[smem:$0x3FB1] =	sst s2  }
0x8f: {  	_ = 	snop  }
0x90: {  	s2 =	sld [smem:$0x3FD0];
	(tm) =	ssettm $0x1  }
0x91: {  	s18 =	sld [smem:$0x3FFB];
	_ =	sdelay $0x3  }
0x92: {  	_ =	strace s18  }
0x93: {  	s3 =	sld [smem:$0x3FFC];
	_ =	sdelay $0x3  }
0x94: {  	_ =	strace s3  }
0x95: {  	s3 =	sld [smem:$0x3FFD];
	_ =	sdelay $0x3  }
0x96: {  	_ =	strace s3  }
0x97: {  	_ =	strace $0x8FFFFFFF  }
0x98: {  	s19 =	sld [smem:$0x3FDB];
	_ =	sdelay $0x1  }
0x99: {  	s4 =	simm.s32 $_scs_section_size  }
0x9a: {  	s5 =	simm.s32 $_size__tile_overlayer_lowered;
	s6 =	simm.s32 $_tile_overlayer_lowered  }
0x9b: {  	s22 =	simm.s32 $0x1BFF;
	s21 =	sshll.u32 s6, $0x1;
	s3 =	sadd.s32 s4, s19  }
0x9c: {  	s7 =	simm.s32 $0x0;
	s20 =	sshll.u32 s5, $0x1;
	s5 =	sadd.s32 s21, s3  }
0x9d: {  	[timem:s7], [sflag:s22] =	dma.local [hbm:s5], s20  }
0x9e: {  	_ =	swait.ge [sflag:s22], s20  }
0x9f: {  	s4 =	ssub.s32 $0x0, s20;
	[sflag:s22] =	ssyncset.done $0x0  }
0xa0: {  	[sflag:s22] =	ssyncadd.s32 s4;
	_ =	sdelay $0x1  }
0xa1: {  	s23 =	simm.s32 $0x1B8B  }
0xa2: {  	_ =	swait.ge [sflag:s23], $0x1  }
0xa3: {  	[sflag:s23] =	ssyncset.done $0x0  }
0xa4: {  	s25 =	simm.s32 $0x1B8E;
	s24 =	sld [smem:$0x3FFE];
	[sflag:s23] =	ssyncadd.s32 $0xFFFFFFFF  }
0xa5: {  	s26 =	simm.s32 $execute0_lowered;
	[smem:$0x3FD2] =	sst s25  }
0xa6: {  	s5 =	sshll.u32 s26, $0x1;
	_ =	strace $0x80000046;
	[dreg:$0x1] =	wrdreg $0xFFFFFFFF  }
0xa7: {  	s28 =	simm.s32 $_size_execute0_lowered;
	s3 =	sadd.s32 s3, s5;
	[dreg:$0x0] =	wrdreg $0x0  }
0xa8: {  	s5 =	sshll.u32 s28, $0x1;
	[dreg:$0x2] =	wrdreg s3  }
0xa9: {  	[dreg:$0x3] =	wrdreg s5  }
0xaa: {  	[dreg:$0x4] =	wrdreg $0xC0  }
0xab: {  	_ =	task [dreg:s7], $0x5FFFF  }
0xac: {  	[dreg:$0x1] =	wrdreg $0xFFFFFFFF  }
0xad: {  	[dreg:$0x0] =	wrdreg $0x60  }
0xae: {  	[dreg:$0x2] =	wrdreg s24  }
0xaf: {  	[dreg:$0x3] =	wrdreg s2  }
0xb0: {  	[dreg:$0x4] =	wrdreg $0x50800  }
0xb1: {  	[dreg:$0x5] =	wrdreg $0x53000  }
0xb2: {  	[dreg:$0x6] =	wrdreg $0x9  }
0xb3: {  	_ =	task.clear_ibuf [dreg:s7], $0x7FFFF;
	_ =	strace $0x90000046  }
0xb4: {  	s29 =	simm.s32 $0x9;
	_ =	strace $0x80000048  }
0xb5: {  	_ =	swait.ge [sflag:s29], $0x1  }
0xb6: {  	[sflag:s29] =	ssyncadd.s32 $0xFFFFFFFF  }
0xb7: {  	_ =	strace $0x90000048  }
0xb8: {  	_ =	sfence  }
0xb9: {  	s30 =	sld [smem:$0x0];
	_ =	sdelay $0x2  }
0xba: {  	s31 =	sshll.u32 s1, $0xD;
	s1 =	sshrl.u32 s1, $0x2  }
0xbb: {  	s3 =	sand.u32 $0x4000, s31;
	s1 =	sadd.s32 s1, s30  }
0xbc: {  	s0 =	sor.u32 s3, s0;
	s1 =	sshll.u32 s1, $0x11  }
0xbd: {  	s0 =	sor.u32 s1, s0  }
0xbe: {  	s0 =	sadd.s32 $0x8F2B, s0  }
0xbf: {  	[sflag:s0] =	ssyncadd.remote.s32 $0x1  }
0xc0: {  	_ =	sfence.sel $0xFFFF  }
0xc1: {  	[dreg:$0x0] =	wrdreg $0xFFFFFFFF;
	(pc) =	sbr.abs _section_cstart, $3  }
0xc2: {  	[dreg:$0x1] =	wrdreg $0xFFFFFFFF  }
0xc3: {  	_ =	task.clear_ibuf [dreg:s7], $0x2FFFF;
	_ =	strace $0x9FFFFFFF  }
0xc4: {  	(tm) =	ssettm $0x7FFFFFFF  }
0xc5: {  	_ =	shalt  }
tec
execute0_lowered:
.L_overlay_start_1:
0x0: {  	(tag) =	ssettag $0x1  }
0x1: {  	s7 =	rddreg [dreg:$0x0]  }
0x2: {  	s1 =	rddreg [dreg:$0x1]  }
0x3: {  	s2 =	srdreg.scid;
	s3 =	rddreg [dreg:$0x2]  }
0x4: {  	s0 =	stileid.u32;
	s4 =	rddreg [dreg:$0x3];
	s5 =	simm.s32 $0x0  }
0x5: {  	s16 =	simm.s32 $0x5000;
	s17 =	simm.s32 $0x80;
	s18 =	simm.s32 $0x1  }
0x6: {  	s19 =	simm.s32 $0x20;
	s20 =	simm.s32 $0x10;
	s21 =	simm.s32 $0x0  }
0x7: {  	s8 =	sand.u32 $0x1, s2;
	s2 =	rddreg [dreg:$0x4];
	s9 =	smul.u32 $0x500, s0  }
0x8: {  	s28 =	sshll.u32 s0, $0x1;
	[smem:$0x7FF] =	sst s5;
	s29 =	smul.u32 $0x280, s0  }
0x9: {  	s31 =	sshll.u32 s0, $0x6;
	s6 =	sor.u32 s8, s28;
	_ =	strace $0x80000047  }
0xa: {  	s10 =	sshll.u32 s8, $0x7;
	s8 =	ssub.s32 $0x2, s8;
	s6 =	smul.u32 $0x500, s6  }
0xb: {  	s9 =	sor.u32 s10, s9;
	s30 =	sshrl.u32 s8, $0x1;
	s14 =	sadd.s32 s29, s3  }
0xc: {  	s15 =	sadd.s32 s29, s4;
	s9 =	sshrl.u32 s9, $0x3;
	s13 =	ssub.s32 s8, s30  }
0xd: {  	s15 =	sshrl.u32 s15, $0x3;
	s11 =	sadd.s32 s6, s7;
	s6 =	sadd.s32 $0x18600, s7  }
0xe: {  	s12 =	sadd.s32 s9, s7;
	s7 =	sor.u32 $0x1C02, s31;
	s8 =	sadd.s32 $0xE600, s11  }
0xf: {  	s9 =	sadd.s32 $0x4600, s11;
	s10 =	sadd.s32 $0x18800, s12;
	s11 =	sadd.s32 $0x19200, s12  }
0x10: {  	s12 =	smax.u32 s13, $0x1;
	s13 =	sshrl.u32 s14, $0x3;
	s14 =	simm.s32 $0x2  }
.LBB2_1:
0x11: {  	[spmem:s13], [sflag:s7] =	dma.local [hbm:s1], $0x50  }
0x12: {  	_ =	swait.ge [sflag:s14], $0x50  }
0x13: {  	[sflag:s14] =	ssyncset.done $0x0  }
0x14: {  	[sflag:s14] =	ssyncadd.s32 $0xFFFFFFB0  }
0x15: {  	[spmem:s15], [sflag:s7] =	dma.local [hbm:s1], $0x50  }
0x16: {  	_ =	swait.ge [sflag:s14], $0x50  }
0x17: {  	[sflag:s14] =	ssyncset.done $0x0  }
0x18: {  	[sflag:s14] =	ssyncadd.s32 $0xFFFFFFB0  }
0x19: {  	[tilespmem:s16], [sflag:$0x2] =	stream.linear.gather [hbm4b:s6+s5], $0x80, $0x38;
	[tilespmem:$0x5580] =	vst v63  }
0x1a: {  	_ =	swait.ge [sflag:s14], $0x80  }
0x1b: {  	[sflag:s14] =	ssyncset.done $0x0  }
0x1c: {  	[sflag:s14] =	ssyncadd.s32 $0xFFFFFF80  }
0x1d: {  	[tilespmem:s5], [sflag:$0x2] =	stream.linear.gather [hbm4b:s8+s5], $0x2800, $0x38;
	[tilespmem:$0x5580] =	vst v63  }
0x1e: {  	_ =	swait.ge [sflag:s14], $0x2800  }
0x1f: {  	[sflag:s14] =	ssyncset.done $0x0  }
0x20: {  	s22 =	simm.s32 $0x2800;
	[sflag:s14] =	ssyncadd.s32 $0xFFFFD800  }
0x21: {  	[tilespmem:s22], [sflag:$0x2] =	stream.linear.gather [hbm4b:s9+s5], $0x2800, $0x38;
	[tilespmem:$0x5580] =	vst v63  }
0x22: {  	_ =	swait.ge [sflag:s14], $0x2800  }
0x23: {  	[sflag:s14] =	ssyncset.done $0x0  }
0x24: {  	[sflag:s14] =	ssyncadd.s32 $0xFFFFD800  }
0x25: {  	p0 =	por $0x1, $0x1;
	[bflag:$0x0] =	sbarrier.arrive $0xFFFF  }
0x26: {  	[spmem:s3] =	stream.indirect.scatter.add.f32 [tilespmem:s16], [sflag:$0x1], $0x1, s5, s17, $0xb8;
	[tilespmem:$0x5580] =	vst v63  }
0x27: {  	s23 =	simm.s32 @!p0 $0x1  }
0x28: {  	[spmem:s4] =	stream.indirect.scatter.add.f32 [tilespmem:s16], [sflag:$0x1], $0x1, s22, s17, $0xb8;
	[tilespmem:$0x5580] =	vst v63  }
0x29: {  	_ =	swait.ge @!p0 [sflag:s23], $0x80  }
0x2a: {  	[sflag:s23] =	ssyncset.done @!p0 $0x0  }
0x2b: {  	s24 =	simm.s32 $0x2880;
	[sflag:s23] =	ssyncadd.s32 @!p0 $0xFFFFFF80  }
0x2c: {  	s25 =	simm.s32 $0x0;
	s22 =	simm.s32 $0x1;
	_ =	swait.ge @!p0 [sflag:s23], $0x80  }
.LBB2_2:
0x2d: {  	[sflag:s23] =	ssyncset.done @!p0 $0x0  }
0x2e: {  	s25 =	sadd.s32 $0x80, s25;
	s26 =	smov.u32 s22;
	s22 =	sadd.s32 $0x1, s22  }
0x2f: {  	p1 =	sne.s32 s22, $0x50;
	[sflag:s23] =	ssyncadd.s32 @!p0 $0xFFFFFF80  }
0x30: {  	[spmem:s3] =	stream.indirect.scatter.add.f32 [tilespmem:s16], [sflag:$0x1], $0x1, s25, s17, $0xb8;
	[tilespmem:$0x5580] =	vst v63  }
0x31: {  	p0 =	slt.u32 s26, $0x8  }
0x32: {  	[spmem:s4] =	stream.indirect.scatter.add.f32 [tilespmem:s16], [sflag:$0x1], $0x1, s24, s17, $0xb8;
	[tilespmem:$0x5580] =	vst v63  }
.Ltmp0:
0x33: {  	s23 =	simm.s32 @!p0 $0x1;
	(pc) =	sbr.rel @p1 .LBB2_2-.Ltmp0, $4  }
0x34: {  	_ =	swait.ge @!p0 [sflag:s23], $0x80  }
0x35: {  	[sflag:s23] =	ssyncset.done @!p0 $0x0  }
0x36: {  	[sflag:s23] =	ssyncadd.s32 @!p0 $0xFFFFFF80  }
0x37: {  	s24 =	sadd.s32 $0x80, s24;
	_ =	swait.ge @!p0 [sflag:s23], $0x80  }
0x38: {  	[sflag:s23] =	ssyncset.done @!p0 $0x0  }
0x39: {  	[sflag:s23] =	ssyncadd.s32 @!p0 $0xFFFFFF80  }
0x3a: {  	_ =	swait.ge [sflag:s18], $0x80  }
0x3b: {  	[sflag:s18] =	ssyncset.done $0x0  }
0x3c: {  	[sflag:s18] =	ssyncadd.s32 $0xFFFFFF80  }
0x3d: {  	_ =	swait.ge [sflag:s18], $0x80  }
0x3e: {  	[sflag:s18] =	ssyncset.done $0x0  }
0x3f: {  	[sflag:s18] =	ssyncadd.s32 $0xFFFFFF80  }
0x40: {  	_ =	swait.ge [sflag:s18], $0x80  }
0x41: {  	[sflag:s18] =	ssyncset.done $0x0  }
0x42: {  	[sflag:s18] =	ssyncadd.s32 $0xFFFFFF80  }
0x43: {  	_ =	swait.ge [sflag:s18], $0x80  }
0x44: {  	[sflag:s18] =	ssyncset.done $0x0  }
0x45: {  	[sflag:s18] =	ssyncadd.s32 $0xFFFFFF80  }
0x46: {  	_ =	swait.ge [sflag:s18], $0x80  }
0x47: {  	[sflag:s18] =	ssyncset.done $0x0  }
0x48: {  	[sflag:s18] =	ssyncadd.s32 $0xFFFFFF80  }
0x49: {  	_ =	swait.ge [sflag:s18], $0x80  }
0x4a: {  	[sflag:s18] =	ssyncset.done $0x0  }
0x4b: {  	[sflag:s18] =	ssyncadd.s32 $0xFFFFFF80  }
0x4c: {  	_ =	swait.ge [sflag:s18], $0x80  }
0x4d: {  	[sflag:s18] =	ssyncset.done $0x0  }
0x4e: {  	[sflag:s18] =	ssyncadd.s32 $0xFFFFFF80  }
0x4f: {  	_ =	swait.ge [sflag:s18], $0x80  }
0x50: {  	[sflag:s18] =	ssyncset.done $0x0  }
0x51: {  	[sflag:s18] =	ssyncadd.s32 $0xFFFFFF80  }
0x52: {  	_ =	swait.ge [sflag:s18], $0x80  }
0x53: {  	[sflag:s18] =	ssyncset.done $0x0  }
0x54: {  	[sflag:s18] =	ssyncadd.s32 $0xFFFFFF80  }
0x55: {  	_ =	swait.ge [sflag:s18], $0x80  }
0x56: {  	[sflag:s18] =	ssyncset.done $0x0  }
0x57: {  	[sflag:s18] =	ssyncadd.s32 $0xFFFFFF80  }
0x58: {  	_ =	swait.ge [sflag:s18], $0x80  }
0x59: {  	[sflag:s18] =	ssyncset.done $0x0  }
0x5a: {  	[sflag:s18] =	ssyncadd.s32 $0xFFFFFF80  }
0x5b: {  	_ =	swait.ge [sflag:s18], $0x80  }
0x5c: {  	[sflag:s18] =	ssyncset.done $0x0  }
0x5d: {  	[sflag:s18] =	ssyncadd.s32 $0xFFFFFF80  }
0x5e: {  	_ =	swait.ge [sflag:s18], $0x80  }
0x5f: {  	[sflag:s18] =	ssyncset.done $0x0  }
0x60: {  	[sflag:s18] =	ssyncadd.s32 $0xFFFFFF80  }
0x61: {  	_ =	swait.ge [sflag:s18], $0x80  }
0x62: {  	[sflag:s18] =	ssyncset.done $0x0  }
0x63: {  	[sflag:s18] =	ssyncadd.s32 $0xFFFFFF80  }
0x64: {  	_ =	swait.ge [sflag:s18], $0x80  }
0x65: {  	[sflag:s18] =	ssyncset.done $0x0  }
0x66: {  	[sflag:s18] =	ssyncadd.s32 $0xFFFFFF80  }
0x67: {  	_ =	swait.ge [sflag:s18], $0x80  }
0x68: {  	[sflag:s18] =	ssyncset.done $0x0  }
0x69: {  	[sflag:s18] =	ssyncadd.s32 $0xFFFFFF80  }
0x6a: {  	[bflag:$0x0] =	sbarrier.arrive $0xFFFF  }
0x6b: {  	[hbm:s10@s19], [sflag:s7] =	dma.strided [spmem:s13@s20], $0x50, s18, $0x10   }
0x6c: {  	s21 =	sadd.s32 $0x1, s21;
	_ =	swait.ge [sflag:s14], $0x50  }
0x6d: {  	p0 =	sne.s32 s21, s12;
	[sflag:s14] =	ssyncset.done $0x0  }
.Ltmp1:
0x6e: {  	[sflag:s14] =	ssyncadd.s32 $0xFFFFFFB0;
	(pc) =	sbr.rel @p0 .LBB2_1-.Ltmp1, $4  }
0x6f: {  	[hbm:s11@s19], [sflag:s7] =	dma.strided [spmem:s15@s20], $0x50, s18, $0x10   }
0x70: {  	_ =	swait.ge [sflag:s14], $0x50  }
0x71: {  	[sflag:s14] =	ssyncset.done $0x0  }
0x72: {  	[sflag:s14] =	ssyncadd.s32 $0xFFFFFFB0  }
0x73: {  	_ =	sfence.sel $0x180000  }
0x74: {  	[bflag:$0x0] =	sbarrier.arrive $0xFFFF  }
0x75: {  	p0 =	sne.s32 s0, $0x0;
	_ =	strace $0x90000047  }
0x76: {  	s0 =	sadd.s32 @!p0 $0x100000, s2;
	[bflag:$0x2] =	sbarrier.arrive $0xFFFF  }
0x77: {  	[sflag:s0] =	ssyncadd.tile.s32 @!p0 $0x1;
	_ =	shalt  }
.Lfunc_end2:
_tile_overlayer_lowered:
.L_overlay_start_2:
0x78: {  	(tag) =	ssettag $0x2  }
0x79: {  	s0 =	rddreg [dreg:$0x0];
	s2 =	stileid.u32  }
0x7a: {  	s1 =	rddreg [dreg:$0x1];
	p0 =	sne.s32 s2, $0x0  }
0x7b: {  	s3 =	rddreg [dreg:$0x2];
	[bflag:$0x3] =	sbarrier.arrive $0xFFFF;
	s2 =	simm.s32 @!p0 $0x1C02  }
0x7c: {  	[timem:s3], [sflag:s2] =	dma.local @!p0 [hbm:s0], s1  }
0x7d: {  	s0 =	simm.s32 @!p0 $0x2  }
0x7e: {  	_ =	swait.ge @!p0 [sflag:s0], s1  }
0x7f: {  	s1 =	ssub.s32 @!p0 $0x0, s1;
	[sflag:s0] =	ssyncset.done @!p0 $0x0  }
0x80: {  	[sflag:s0] =	ssyncadd.s32 @!p0 s1  }
0x81: {  	[bflag:$0x3] =	sbarrier.arrive $0xFFFF  }
0x82: {  	_ =	shalt  }

</sc_bundles>
